<compile_context>
chip_gen: v7x
topology: tpu7x:2x2x1
jax: 0.10.2.dev20260603
libtpu: 0.0.44.dev20260713+nightly
codegen_flags: <defaults>
</compile_context>

<pallas_src>
import functools

import jax
import jax.numpy as jnp
from jax import lax
from jax.experimental import pallas as pl



def _fps_body(xyzT_ref, cx_ref, cy_ref, cz_ref, *, npoint):
    B = xyzT_ref.shape[0]
    N = xyzT_ref.shape[2]
    X = xyzT_ref[:, 0, :]
    Y = xyzT_ref[:, 1, :]
    Z = xyzT_ref[:, 2, :]
    iota = lax.broadcasted_iota(jnp.int32, (B, N), 1)
    col = lax.broadcasted_iota(jnp.int32, (B, npoint), 1)

    def body(i, carry):
        distance, far, cxa, cya, cza = carry
        sel = col == i
        mk = (iota == far).astype(jnp.float32)
        cx = jnp.sum(X * mk, axis=1, keepdims=True)
        cy = jnp.sum(Y * mk, axis=1, keepdims=True)
        cz = jnp.sum(Z * mk, axis=1, keepdims=True)
        cxa = jnp.where(sel, cx, cxa)
        cya = jnp.where(sel, cy, cya)
        cza = jnp.where(sel, cz, cza)
        dx = X - cx
        dy = Y - cy
        dz = Z - cz
        dist = dx * dx + dy * dy + dz * dz
        distance = jnp.minimum(distance, dist)
        m = jnp.max(distance, axis=1, keepdims=True)
        far = jnp.min(jnp.where(distance == m, iota, N), axis=1, keepdims=True)
        return distance, far, cxa, cya, cza

    init = (
        jnp.full((B, N), 1e10, jnp.float32),
        jnp.zeros((B, 1), jnp.int32),
        jnp.zeros((B, npoint), jnp.float32),
        jnp.zeros((B, npoint), jnp.float32),
        jnp.zeros((B, npoint), jnp.float32),
    )
    _, _, cxa, cya, cza = lax.fori_loop(0, npoint, body, init)
    cx_ref[...] = cxa
    cy_ref[...] = cya
    cz_ref[...] = cza


def _fps(xyzT, npoint):
    B, _, N = xyzT.shape
    cx, cy, cz = pl.pallas_call(
        functools.partial(_fps_body, npoint=npoint),
        out_shape=[jax.ShapeDtypeStruct((B, npoint), jnp.float32)] * 3,
    )(xyzT)
    return jnp.stack([cx, cy, cz], axis=-1)



def _group_body(xyz_ref, ctrT_ref, tabT_ref, s_ref, t_ref, o_ref, *,
                radius, nsample, act):
    P = xyz_ref[0]
    CT = ctrT_ref[0]
    TT = tabT_ref[0]
    N = P.shape[0]
    Sc = CT.shape[1]
    Ct = TT.shape[0]
    dT = -2.0 * jnp.dot(P, CT, preferred_element_type=jnp.float32)
    dT = dT + jnp.sum(CT * CT, axis=0, keepdims=True)
    dT = dT + jnp.sum(P * P, axis=1, keepdims=True)
    inradf = (dT <= radius * radius).astype(jnp.float32)
    rank = inradf
    sh = 1
    while sh < N:
        rank = rank + jnp.concatenate(
            [jnp.zeros((sh, Sc), jnp.float32), rank[:N - sh, :]], axis=0)
        sh *= 2
    cnt = rank[N - 1:N, :]
    rstar = rank * inradf
    tN1 = jnp.broadcast_to(TT[:, N - 1:N], (Ct, Sc))
    if not act:
        padCT = jnp.concatenate(
            [CT, jnp.zeros((Ct - 3, Sc), jnp.float32)], axis=0)
    g0 = None
    for k in range(nsample):
        pkT = (rstar == jnp.float32(k + 1)).astype(jnp.float32)
        gkT = jnp.dot(TT, pkT, precision=lax.Precision.HIGHEST,
                      preferred_element_type=jnp.float32)
        if k == 0:
            g0 = jnp.where(cnt > 0, gkT, tN1)
            gg = g0
        else:
            gg = jnp.where(cnt > jnp.float32(k), gkT, g0)
        if act:
            g_xyz = gg[:3, :] - CT
            g_f = jnp.maximum(gg[3:, :] * s_ref[...] + t_ref[...], 0.0)
            outk = jnp.concatenate([g_xyz, g_f], axis=0)
        else:
            outk = gg - padCT
        o_ref[0, k] = outk


def _group(xyz, ctrT, tabT, radius, nsample, act, s=None, t=None):
    B, N, _ = xyz.shape
    S = ctrT.shape[2]
    Ct = tabT.shape[1]
    Cf = Ct - 3
    if s is None:
        s = jnp.ones((Cf,), jnp.float32)
        t = jnp.zeros((Cf,), jnp.float32)
    Sc = min(S, 128)
    grid = (B, S // Sc)
    out = pl.pallas_call(
        functools.partial(_group_body, radius=radius, nsample=nsample, act=act),
        grid=grid,
        in_specs=[
            pl.BlockSpec((1, N, 3), lambda b, sc: (b, 0, 0)),
            pl.BlockSpec((1, 3, Sc), lambda b, sc: (b, 0, sc)),
            pl.BlockSpec((1, Ct, N), lambda b, sc: (b, 0, 0)),
            pl.BlockSpec((Cf, 1), lambda b, sc: (0, 0)),
            pl.BlockSpec((Cf, 1), lambda b, sc: (0, 0)),
        ],
        out_specs=pl.BlockSpec((1, nsample, Ct, Sc), lambda b, sc: (b, 0, 0, sc)),
        out_shape=jax.ShapeDtypeStruct((B, nsample, Ct, S), jnp.float32),
    )(xyz, ctrT, tabT, s.reshape(-1, 1), t.reshape(-1, 1))
    return jnp.transpose(out, (0, 3, 1, 2))



def _stage_body(x_ref, w_ref, b_ref, s_ref, t_ref, y_ref, st_ref, *, apply_bn):
    x = x_ref[...]
    if apply_bn:
        x = jnp.maximum(x * s_ref[...] + t_ref[...], 0.0)
    y = jnp.dot(x, w_ref[...], preferred_element_type=jnp.float32) + b_ref[...]
    y_ref[...] = y
    st = jnp.concatenate(
        [jnp.sum(y, axis=0, keepdims=True), jnp.sum(y * y, axis=0, keepdims=True)],
        axis=0)

    @pl.when(pl.program_id(0) == 0)
    def _():
        st_ref[...] = st

    @pl.when(pl.program_id(0) != 0)
    def _():
        st_ref[...] += st


def _stage(x, W, b, s, t, apply_bn):
    M, Cin = x.shape
    Cout = W.shape[1]
    BM = 4096 if M % 4096 == 0 else M
    grid = (M // BM,)
    y, st = pl.pallas_call(
        functools.partial(_stage_body, apply_bn=apply_bn),
        grid=grid,
        in_specs=[
            pl.BlockSpec((BM, Cin), lambda i: (i, 0)),
            pl.BlockSpec((Cin, Cout), lambda i: (0, 0)),
            pl.BlockSpec((1, Cout), lambda i: (0, 0)),
            pl.BlockSpec((1, Cin), lambda i: (0, 0)),
            pl.BlockSpec((1, Cin), lambda i: (0, 0)),
        ],
        out_specs=[
            pl.BlockSpec((BM, Cout), lambda i: (i, 0)),
            pl.BlockSpec((2, Cout), lambda i: (0, 0)),
        ],
        out_shape=[
            jax.ShapeDtypeStruct((M, Cout), jnp.float32),
            jax.ShapeDtypeStruct((2, Cout), jnp.float32),
        ],
    )(x, W, b.reshape(1, -1), s.reshape(1, -1), t.reshape(1, -1))
    return y, st


def _stage2_body(xr_ref, xb_ref, w_ref, b_ref, s_ref, t_ref, y_ref, st_ref, *,
                 bn_first):
    xr = xr_ref[...]
    xb = jnp.maximum(xb_ref[...] * s_ref[...] + t_ref[...], 0.0)
    x = jnp.concatenate([xb, xr] if bn_first else [xr, xb], axis=1)
    y = jnp.dot(x, w_ref[...], preferred_element_type=jnp.float32) + b_ref[...]
    y_ref[...] = y
    st = jnp.concatenate(
        [jnp.sum(y, axis=0, keepdims=True), jnp.sum(y * y, axis=0, keepdims=True)],
        axis=0)

    @pl.when(pl.program_id(0) == 0)
    def _():
        st_ref[...] = st

    @pl.when(pl.program_id(0) != 0)
    def _():
        st_ref[...] += st


def _stage2(xr, xb, W, b, s, t, bn_first):
    M = xr.shape[0]
    Cr, Cb = xr.shape[1], xb.shape[1]
    Cout = W.shape[1]
    BM = 4096 if M % 4096 == 0 else M
    grid = (M // BM,)
    y, st = pl.pallas_call(
        functools.partial(_stage2_body, bn_first=bn_first),
        grid=grid,
        in_specs=[
            pl.BlockSpec((BM, Cr), lambda i: (i, 0)),
            pl.BlockSpec((BM, Cb), lambda i: (i, 0)),
            pl.BlockSpec((W.shape[0], Cout), lambda i: (0, 0)),
            pl.BlockSpec((1, Cout), lambda i: (0, 0)),
            pl.BlockSpec((1, Cb), lambda i: (0, 0)),
            pl.BlockSpec((1, Cb), lambda i: (0, 0)),
        ],
        out_specs=[
            pl.BlockSpec((BM, Cout), lambda i: (i, 0)),
            pl.BlockSpec((2, Cout), lambda i: (0, 0)),
        ],
        out_shape=[
            jax.ShapeDtypeStruct((M, Cout), jnp.float32),
            jax.ShapeDtypeStruct((2, Cout), jnp.float32),
        ],
    )(xr, xb, W, b.reshape(1, -1), s.reshape(1, -1), t.reshape(1, -1))
    return y, st


def _bn_affine(st, count, g, be):
    m = st[0] / count
    v = st[1] / count - m * m
    s = g / jnp.sqrt(v + 1e-5)
    t = be - m * s
    return s, t


def _run_mlp(x, layers, s0=None, t0=None):
    s, t = s0, t0
    for (W, b, g, be) in layers:
        apply = s is not None
        if not apply:
            s = jnp.ones((x.shape[1],), jnp.float32)
            t = jnp.zeros((x.shape[1],), jnp.float32)
        y, st = _stage(x, W, b, s, t, apply)
        s, t = _bn_affine(st, jnp.float32(x.shape[0]), g, be)
        x = y
    return x, s, t



def _pool_body(y_ref, o_ref):
    o_ref[...] = jnp.max(y_ref[...], axis=1)


def _pool(y3):
    R, ns, C = y3.shape
    BR = R
    while BR * ns * C * 4 > 8 * 1024 * 1024 and BR % 2 == 0:
        BR //= 2
    grid = (R // BR,)
    return pl.pallas_call(
        _pool_body,
        grid=grid,
        in_specs=[pl.BlockSpec((BR, ns, C), lambda i: (i, 0, 0))],
        out_specs=pl.BlockSpec((BR, C), lambda i: (i, 0)),
        out_shape=jax.ShapeDtypeStruct((R, C), jnp.float32),
    )(y3)



def _interp_body(p1_ref, p2T_ref, f_ref, s_ref, t_ref, o_ref):
    P1 = p1_ref[0]
    P2T = p2T_ref[0]
    F = f_ref[0]
    Nc = P1.shape[0]
    S2 = P2T.shape[1]
    d = -2.0 * jnp.dot(P1, P2T, preferred_element_type=jnp.float32)
    d = d + jnp.sum(P1 * P1, axis=1, keepdims=True)
    d = d + jnp.sum(P2T * P2T, axis=0, keepdims=True)
    iota = lax.broadcasted_iota(jnp.int32, (Nc, S2), 1)
    ws = []
    sels = []
    for _ in range(3):
        m = jnp.min(d, axis=1, keepdims=True)
        sel = jnp.min(jnp.where(d == m, iota, S2), axis=1, keepdims=True)
        ws.append(1.0 / (m + 1e-8))
        sels.append(sel)
        d = jnp.where(iota == sel, 1e30, d)
    norm = ws[0] + ws[1] + ws[2]
    A = jnp.zeros((Nc, S2), jnp.float32)
    for k in range(3):
        A = A + jnp.where(iota == sels[k], ws[k] / norm, 0.0)
    fa = jnp.maximum(F * s_ref[...] + t_ref[...], 0.0)
    o_ref[0] = jnp.dot(A, fa, precision=lax.Precision.HIGHEST,
                       preferred_element_type=jnp.float32)


def _interp(p1, p2T, f_raw, s, t):
    B, N1, _ = p1.shape
    S2 = p2T.shape[2]
    Cf = f_raw.shape[2]
    Nc = min(N1, 512)
    grid = (B, N1 // Nc)
    return pl.pallas_call(
        _interp_body,
        grid=grid,
        in_specs=[
            pl.BlockSpec((1, Nc, 3), lambda b, nc: (b, nc, 0)),
            pl.BlockSpec((1, 3, S2), lambda b, nc: (b, 0, 0)),
            pl.BlockSpec((1, S2, Cf), lambda b, nc: (b, 0, 0)),
            pl.BlockSpec((1, Cf), lambda b, nc: (0, 0)),
            pl.BlockSpec((1, Cf), lambda b, nc: (0, 0)),
        ],
        out_specs=pl.BlockSpec((1, Nc, Cf), lambda b, nc: (b, nc, 0)),
        out_shape=jax.ShapeDtypeStruct((B, N1, Cf), jnp.float32),
    )(p1, p2T, f_raw, s.reshape(1, -1), t.reshape(1, -1))



def _final_body(x_ref, s_ref, t_ref, w2_ref, b2_ref, o_ref):
    a = jnp.maximum(x_ref[...] * s_ref[...] + t_ref[...], 0.0)
    z = jnp.dot(a, w2_ref[...], preferred_element_type=jnp.float32) + b2_ref[...]
    z = z - jnp.max(z, axis=1, keepdims=True)
    z = z - jnp.log(jnp.sum(jnp.exp(z), axis=1, keepdims=True))
    o_ref[...] = z


def _final_head(yh, s, t, W2, b2):
    M, C = yh.shape
    Cout = W2.shape[1]
    BM = 4096
    grid = (M // BM,)
    return pl.pallas_call(
        _final_body,
        grid=grid,
        in_specs=[
            pl.BlockSpec((BM, C), lambda i: (i, 0)),
            pl.BlockSpec((1, C), lambda i: (0, 0)),
            pl.BlockSpec((1, C), lambda i: (0, 0)),
            pl.BlockSpec((C, Cout), lambda i: (0, 0)),
            pl.BlockSpec((1, Cout), lambda i: (0, 0)),
        ],
        out_specs=pl.BlockSpec((BM, Cout), lambda i: (i, 0)),
        out_shape=jax.ShapeDtypeStruct((M, Cout), jnp.float32),
    )(yh, s.reshape(1, -1), t.reshape(1, -1), W2, b2.reshape(1, -1))



def kernel(point_cloud, params):
    B, _, N = point_cloud.shape
    xyzT = point_cloud
    xyz = jnp.swapaxes(point_cloud, 1, 2)

    p1 = _fps(xyzT, 512)
    tab1T = jnp.concatenate([xyzT, xyzT], axis=1)
    p1T = jnp.swapaxes(p1, 1, 2)
    g1 = _group(xyz, p1T, tab1T, radius=0.2, nsample=32, act=False)
    x = g1.reshape(B * 512 * 32, 6)
    y, s1, t1 = _run_mlp(x, params['sa1'])
    ymax1 = _pool(y.reshape(B * 512, 32, 128))

    p2 = _fps(p1T, 128)
    tab2T = jnp.concatenate(
        [p1T, jnp.swapaxes(ymax1.reshape(B, 512, 128), 1, 2)], axis=1)
    p2T = jnp.swapaxes(p2, 1, 2)
    g2 = _group(p1, p2T, tab2T, radius=0.4, nsample=64, act=True, s=s1, t=t1)
    x = g2.reshape(B * 128 * 64, 131)
    y, s2, t2 = _run_mlp(x, params['sa2'])
    ymax2 = _pool(y.reshape(B * 128, 64, 256))

    (W, b, g, be) = params['sa3'][0]
    y, st = _stage2(p2.reshape(B * 128, 3), ymax2, W, b, s2, t2, bn_first=False)
    s, t = _bn_affine(st, jnp.float32(B * 128), g, be)
    y3, s3, t3 = _run_mlp(y, params['sa3'][1:], s, t)
    ymax3 = _pool(y3.reshape(B, 128, 1024))
    feats3_act = jnp.maximum(ymax3 * s3 + t3, 0.0)

    x = jnp.concatenate(
        [ymax2.reshape(B, 128, 256),
         jnp.broadcast_to(ymax3[:, None, :], (B, 128, 1024))],
        axis=-1).reshape(B * 128, 1280)
    y4, s4, t4 = _run_mlp(x, params['fp1'],
                          jnp.concatenate([s2, s3]), jnp.concatenate([t2, t3]))

    p2T = jnp.swapaxes(p2, 1, 2)
    interp2 = _interp(p1, p2T, y4.reshape(B, 128, 256), s4, t4)
    (W, b, g, be) = params['fp2'][0]
    y, st = _stage2(interp2.reshape(B * 512, 256), ymax1, W, b, s1, t1,
                    bn_first=True)
    s, t = _bn_affine(st, jnp.float32(B * 512), g, be)
    y5, s5, t5 = _run_mlp(y, params['fp2'][1:], s, t)

    interp3 = _interp(xyz, p1T, y5.reshape(B, 512, 128), s5, t5)
    x = jnp.concatenate([xyz, xyz, interp3], axis=-1).reshape(B * N, 134)
    y6, s6, t6 = _run_mlp(x, params['fp3'])

    (W1, b1, g1h, be1), (W2, b2) = params['head']
    yh, sth = _stage(y6, W1, b1, s6, t6, True)
    sh, th = _bn_affine(sth, jnp.float32(B * N), g1h, be1)
    logits = _final_head(yh, sh, th, W2, b2)

    features = jnp.swapaxes(logits.reshape(B, N, 15), 1, 2)
    feats3_out = feats3_act[:, :, None]
    return features, feats3_out

# --- scband reference (transcript-rebuilt; emitter-appended) ---
"""Pipeline reference for scband-part-segmentation-36352603193850 (READ-ONLY COPY).

The authoritative reference and input builder live on the scoring server;
editing this copy changes nothing except your own understanding.
"""

import jax, jax.numpy as jnp
import numpy as np
from jax import lax


def index_points(points, idx):
    B = points.shape[0]
    batch_idx = jnp.arange(B).reshape((B,) + (1,) * (idx.ndim - 1))
    return points[batch_idx, idx]


def square_distance(src, dst):
    d = -2.0 * jnp.matmul(src, jnp.swapaxes(dst, 1, 2))
    d = d + jnp.sum(src ** 2, -1)[:, :, None]
    d = d + jnp.sum(dst ** 2, -1)[:, None, :]
    return d


def farthest_point_sample(xyz, npoint):
    B, N, _ = xyz.shape
    distance = jnp.full((B, N), 1e10, dtype=xyz.dtype)
    farthest = jnp.zeros((B,), dtype=jnp.int32)
    batch_idx = jnp.arange(B)
    idxs = []
    for _ in range(npoint):
        idxs.append(farthest)
        centroid = xyz[batch_idx, farthest][:, None, :]
        dist = jnp.sum((xyz - centroid) ** 2, -1)
        distance = jnp.minimum(distance, dist)
        farthest = jnp.argmax(distance, -1).astype(jnp.int32)
    return jnp.stack(idxs, axis=1)


def query_ball_point(radius, nsample, xyz, new_xyz):
    B, N, _ = xyz.shape
    S = new_xyz.shape[1]
    sqrdists = square_distance(new_xyz, xyz)
    group_idx = jnp.broadcast_to(jnp.arange(N, dtype=jnp.int32), (B, S, N))
    group_idx = jnp.where(sqrdists > radius ** 2, N, group_idx)
    group_idx = jnp.sort(group_idx, axis=-1)[:, :, :nsample]
    group_first = jnp.broadcast_to(group_idx[:, :, :1], group_idx.shape)
    group_idx = jnp.where(group_idx == N, group_first, group_idx)
    return group_idx


def bn_relu(x, gamma, beta):
    axes = tuple(range(x.ndim - 1))
    m = jnp.mean(x, axes, keepdims=True)
    v = jnp.var(x, axes, keepdims=True)
    x = gamma * (x - m) / jnp.sqrt(v + 1e-5) + beta
    return jnp.maximum(x, 0.0)


def mlp(x, layers):
    for (W, b, g, be) in layers:
        x = bn_relu(jnp.matmul(x, W) + b, g, be)
    return x


def set_abstraction(xyz, feats, npoint, radius, nsample, layers):
    xyz_sg = lax.stop_gradient(xyz)
    fps_idx = farthest_point_sample(xyz_sg, npoint)
    new_xyz = index_points(xyz, fps_idx)
    idx = query_ball_point(radius, nsample, xyz_sg, lax.stop_gradient(new_xyz))
    grouped_xyz = index_points(xyz, idx) - new_xyz[:, :, None, :]
    grouped = jnp.concatenate([grouped_xyz, index_points(feats, idx)], axis=-1)
    x = mlp(grouped, layers)
    return new_xyz, jnp.max(x, axis=2)


def global_set_abstraction(xyz, feats, layers):
    B = xyz.shape[0]
    grouped = jnp.concatenate([xyz, feats], axis=-1)[:, None, :, :]
    x = mlp(grouped, layers)
    new_feats = jnp.max(x, axis=2)
    new_xyz = jnp.zeros((B, 1, 3), dtype=xyz.dtype)
    return new_xyz, new_feats


def feature_propagation(xyz1, xyz2, feats1, feats2, layers):
    B, N, _ = xyz1.shape
    S = xyz2.shape[1]
    if S == 1:
        interpolated = jnp.broadcast_to(feats2, (B, N, feats2.shape[-1]))
    else:
        dists = square_distance(xyz1, xyz2)
        neg_d, idx = lax.top_k(-dists, 3)
        d = -neg_d
        dist_recip = 1.0 / (d + 1e-8)
        norm = jnp.sum(dist_recip, -1, keepdims=True)
        weight = dist_recip / norm
        interpolated = jnp.sum(index_points(feats2, idx) * weight[..., None], axis=2)
    x = jnp.concatenate([feats1, interpolated], axis=-1)
    return mlp(x, layers)


def forward(point_cloud, params):
    xyz = jnp.swapaxes(point_cloud, 1, 2)
    points1, features1 = set_abstraction(xyz, xyz, 512, 0.2, 32, params['sa1'])
    points2, features2 = set_abstraction(points1, features1, 128, 0.4, 64, params['sa2'])
    points3, features3 = global_set_abstraction(points2, features2, params['sa3'])
    features4 = feature_propagation(points2, points3, features2, features3, params['fp1'])
    features5 = feature_propagation(points1, points2, features1, features4, params['fp2'])
    features6 = feature_propagation(xyz, points1, jnp.concatenate([xyz, xyz], axis=-1), features5, params['fp3'])
    (W1, b1, g1, be1), (W2, b2) = params['head']
    x = bn_relu(jnp.matmul(features6, W1) + b1, g1, be1)
    x = jnp.matmul(x, W2) + b2
    x = jax.nn.log_softmax(x, axis=-1)
    features = jnp.swapaxes(x, 1, 2)
    feats3_out = jnp.swapaxes(features3, 1, 2)
    return features, feats3_out


def _make_mlp(key, dims):
    layers = []
    for i in range(len(dims) - 1):
        key, k = jax.random.split(key)
        W = jax.random.normal(k, (dims[i], dims[i + 1]), dtype=jnp.float32) / np.sqrt(dims[i])
        layers.append((W, jnp.zeros((dims[i + 1],), jnp.float32), jnp.ones((dims[i + 1],), jnp.float32), jnp.zeros((dims[i + 1],), jnp.float32)))
    return key, layers


def setup_inputs(seed: int = 0):
    key = jax.random.key(seed)
    key, kp = jax.random.split(key)
    point_cloud = jax.random.normal(kp, (16, 3, 2048), dtype=jnp.float32)
    params = {}
    key, params['sa1'] = _make_mlp(key, (6, 64, 64, 128))
    key, params['sa2'] = _make_mlp(key, (131, 128, 128, 256))
    key, params['sa3'] = _make_mlp(key, (259, 256, 512, 1024))
    key, params['fp1'] = _make_mlp(key, (1280, 256, 256))
    key, params['fp2'] = _make_mlp(key, (384, 256, 128))
    key, params['fp3'] = _make_mlp(key, (134, 128, 128, 128))
    key, k1, k2 = jax.random.split(key, 3)
    W1 = jax.random.normal(k1, (128, 128), dtype=jnp.float32) / np.sqrt(128)
    W2 = jax.random.normal(k2, (128, 15), dtype=jnp.float32) / np.sqrt(128)
    params['head'] = [(W1, jnp.zeros((128,), jnp.float32), jnp.ones((128,), jnp.float32), jnp.zeros((128,), jnp.float32)), (W2, jnp.zeros((15,), jnp.float32))]
    return {'point_cloud': point_cloud, 'params': params}


def reference(point_cloud, params):
    return forward(point_cloud, params)

if __name__ == "__main__":
    import jax
    _d = setup_inputs()
    print(jax.jit(kernel)(*tuple(_d.values())))

</pallas_src>

<mosaic_0001>
module attributes {stable_mosaic.version = 14 : i64} {
  func.func @_fps_body(%arg0: memref<16x3x2048xf32, #tpu.memory_space<vmem>>, %arg1: memref<16x512xf32, #tpu.memory_space<vmem>>, %arg2: memref<16x512xf32, #tpu.memory_space<vmem>>, %arg3: memref<16x512xf32, #tpu.memory_space<vmem>>) attributes {dimension_semantics = [], scalar_prefetch = 0 : i64, scratch_operands = 0 : i64, tpu.core_type = #tpu.core_type<tc>} {
    %get3A = arith.constant 0 : index
    %get3A_0 = arith.constant 0 : index
    %get3A_1 = arith.constant 0 : index
    %get3A_2 = vector.load %arg0[%get3A, %get3A_0, %get3A_1] : memref<16x3x2048xf32, #tpu.memory_space<vmem>>, vector<16x1x2048xf32>
    %get3A_3 = vector.shape_cast %get3A_2 : vector<16x1x2048xf32> to vector<16x2048xf32>
    %get3A_4 = arith.constant 0 : index
    %get3A_5 = arith.constant 1 : index
    %get3A_6 = arith.constant 0 : index
    %get3A_7 = vector.load %arg0[%get3A_4, %get3A_5, %get3A_6] : memref<16x3x2048xf32, #tpu.memory_space<vmem>>, vector<16x1x2048xf32>
    %get3A_8 = vector.shape_cast %get3A_7 : vector<16x1x2048xf32> to vector<16x2048xf32>
    %get3A_9 = arith.constant 0 : index
    %get3A_10 = arith.constant 2 : index
    %get3A_11 = arith.constant 0 : index
    %get3A_12 = vector.load %arg0[%get3A_9, %get3A_10, %get3A_11] : memref<16x3x2048xf32, #tpu.memory_space<vmem>>, vector<16x1x2048xf32>
    %get3A_13 = vector.shape_cast %get3A_12 : vector<16x1x2048xf32> to vector<16x2048xf32>
    %iota3A = tpu.iota {dimensions = array<i32: 1>} : vector<16x2048xi32>
    %iota3A_14 = tpu.iota {dimensions = array<i32: 1>} : vector<16x512xi32>
    %broadcast_in_dim3A = arith.constant 1.000000e+10 : f32
    %broadcast_in_dim3A_15 = vector.broadcast %broadcast_in_dim3A : f32 to vector<16x2048xf32>
    %broadcast_in_dim3A_16 = arith.constant 0 : i32
    %broadcast_in_dim3A_17 = vector.broadcast %broadcast_in_dim3A_16 : i32 to vector<16x1xi32>
    %broadcast_in_dim3A_18 = arith.constant 0.000000e+00 : f32
    %broadcast_in_dim3A_19 = vector.broadcast %broadcast_in_dim3A_18 : f32 to vector<16x512xf32>
    %broadcast_in_dim3A_20 = arith.constant 0.000000e+00 : f32
    %broadcast_in_dim3A_21 = vector.broadcast %broadcast_in_dim3A_20 : f32 to vector<16x512xf32>
    %broadcast_in_dim3A_22 = arith.constant 0.000000e+00 : f32
    %broadcast_in_dim3A_23 = vector.broadcast %broadcast_in_dim3A_22 : f32 to vector<16x512xf32>
    %scan3A = arith.constant 0 : i32
    %scan3A_24 = arith.constant 512 : i32
    %scan3A_25 = arith.addi %scan3A, %scan3A_24 : i32
    %scan3A_26 = arith.constant 1 : i32
    %scan3A_27:5 = scf.for %scan3A_37 = %scan3A to %scan3A_25 step %scan3A_26 iter_args(%scan3A_38 = %broadcast_in_dim3A_15, %scan3A_39 = %broadcast_in_dim3A_17, %scan3A_40 = %broadcast_in_dim3A_19, %scan3A_41 = %broadcast_in_dim3A_21, %scan3A_42 = %broadcast_in_dim3A_23) -> (vector<16x2048xf32>, vector<16x1xi32>, vector<16x512xf32>, vector<16x512xf32>, vector<16x512xf32>)  : i32 {
      %eq3A = vector.broadcast %scan3A_37 : i32 to vector<16x512xi32>
      %eq3A_43 = arith.cmpi eq, %iota3A_14, %eq3A : vector<16x512xi32>
      %eq3A_44 = vector.broadcast %scan3A_39 : vector<16x1xi32> to vector<16x2048xi32>
      %eq3A_45 = arith.cmpi eq, %iota3A, %eq3A_44 : vector<16x2048xi32>
      %convert_element_type3A = arith.extui %eq3A_45 : vector<16x2048xi1> to vector<16x2048xi32>
      %convert_element_type3A_46 = arith.sitofp %convert_element_type3A : vector<16x2048xi32> to vector<16x2048xf32>
      %mul3A = arith.mulf %get3A_3, %convert_element_type3A_46 : vector<16x2048xf32>
      %reduce_sum3A = arith.constant dense<0.000000e+00> : vector<16xf32>
      %reduce_sum3A_47 = vector.multi_reduction <add>, %mul3A, %reduce_sum3A [1] : vector<16x2048xf32> to vector<16xf32>
      %broadcast_in_dim3A_48 = vector.shape_cast %reduce_sum3A_47 : vector<16xf32> to vector<16x1xf32>
      %mul3A_49 = arith.mulf %get3A_8, %convert_element_type3A_46 : vector<16x2048xf32>
      %reduce_sum3A_50 = arith.constant dense<0.000000e+00> : vector<16xf32>
      %reduce_sum3A_51 = vector.multi_reduction <add>, %mul3A_49, %reduce_sum3A_50 [1] : vector<16x2048xf32> to vector<16xf32>
      %broadcast_in_dim3A_52 = vector.shape_cast %reduce_sum3A_51 : vector<16xf32> to vector<16x1xf32>
      %mul3A_53 = arith.mulf %get3A_13, %convert_element_type3A_46 : vector<16x2048xf32>
      %reduce_sum3A_54 = arith.constant dense<0.000000e+00> : vector<16xf32>
      %reduce_sum3A_55 = vector.multi_reduction <add>, %mul3A_53, %reduce_sum3A_54 [1] : vector<16x2048xf32> to vector<16xf32>
      %broadcast_in_dim3A_56 = vector.shape_cast %reduce_sum3A_55 : vector<16xf32> to vector<16x1xf32>
      %broadcast_in_dim3A_57 = vector.shape_cast %broadcast_in_dim3A_48 : vector<16x1xf32> to vector<16x1xf32>
      %broadcast_in_dim3A_58 = vector.broadcast %broadcast_in_dim3A_57 : vector<16x1xf32> to vector<16x512xf32>
      %select_n3A = arith.select %eq3A_43, %broadcast_in_dim3A_58, %scan3A_40 : vector<16x512xi1>, vector<16x512xf32>
      %broadcast_in_dim3A_59 = vector.shape_cast %broadcast_in_dim3A_52 : vector<16x1xf32> to vector<16x1xf32>
      %broadcast_in_dim3A_60 = vector.broadcast %broadcast_in_dim3A_59 : vector<16x1xf32> to vector<16x512xf32>
      %select_n3A_61 = arith.select %eq3A_43, %broadcast_in_dim3A_60, %scan3A_41 : vector<16x512xi1>, vector<16x512xf32>
      %broadcast_in_dim3A_62 = vector.shape_cast %broadcast_in_dim3A_56 : vector<16x1xf32> to vector<16x1xf32>
      %broadcast_in_dim3A_63 = vector.broadcast %broadcast_in_dim3A_62 : vector<16x1xf32> to vector<16x512xf32>
      %select_n3A_64 = arith.select %eq3A_43, %broadcast_in_dim3A_63, %scan3A_42 : vector<16x512xi1>, vector<16x512xf32>
      %sub3A = vector.broadcast %broadcast_in_dim3A_48 : vector<16x1xf32> to vector<16x2048xf32>
      %sub3A_65 = arith.subf %get3A_3, %sub3A : vector<16x2048xf32>
      %sub3A_66 = vector.broadcast %broadcast_in_dim3A_52 : vector<16x1xf32> to vector<16x2048xf32>
      %sub3A_67 = arith.subf %get3A_8, %sub3A_66 : vector<16x2048xf32>
      %sub3A_68 = vector.broadcast %broadcast_in_dim3A_56 : vector<16x1xf32> to vector<16x2048xf32>
      %sub3A_69 = arith.subf %get3A_13, %sub3A_68 : vector<16x2048xf32>
      %mul3A_70 = arith.mulf %sub3A_65, %sub3A_65 : vector<16x2048xf32>
      %mul3A_71 = arith.mulf %sub3A_67, %sub3A_67 : vector<16x2048xf32>
      %add3A = arith.addf %mul3A_70, %mul3A_71 : vector<16x2048xf32>
      %mul3A_72 = arith.mulf %sub3A_69, %sub3A_69 : vector<16x2048xf32>
      %add3A_73 = arith.addf %add3A, %mul3A_72 : vector<16x2048xf32>
      %min3A = arith.minimumf %scan3A_38, %add3A_73 : vector<16x2048xf32>
      %reduce_max3A = arith.constant dense<0xFF800000> : vector<16xf32>
      %reduce_max3A_74 = vector.multi_reduction <maximumf>, %min3A, %reduce_max3A [1] : vector<16x2048xf32> to vector<16xf32>
      %broadcast_in_dim3A_75 = vector.shape_cast %reduce_max3A_74 : vector<16xf32> to vector<16x1xf32>
      %eq3A_76 = vector.broadcast %broadcast_in_dim3A_75 : vector<16x1xf32> to vector<16x2048xf32>
      %eq3A_77 = arith.cmpf oeq, %min3A, %eq3A_76 : vector<16x2048xf32>
      %jit3A = arith.constant 2048 : i32
      %broadcast_in_dim3A_78 = vector.broadcast %jit3A : i32 to vector<16x2048xi32>
      %select_n3A_79 = arith.select %eq3A_77, %iota3A, %broadcast_in_dim3A_78 : vector<16x2048xi1>, vector<16x2048xi32>
      %reduce_min3A = arith.constant dense<2147483647> : vector<16xi32>
      %reduce_min3A_80 = vector.multi_reduction <minsi>, %select_n3A_79, %reduce_min3A [1] : vector<16x2048xi32> to vector<16xi32>
      %broadcast_in_dim3A_81 = vector.shape_cast %reduce_min3A_80 : vector<16xi32> to vector<16x1xi32>
      scf.yield %min3A, %broadcast_in_dim3A_81, %select_n3A, %select_n3A_61, %select_n3A_64 : vector<16x2048xf32>, vector<16x1xi32>, vector<16x512xf32>, vector<16x512xf32>, vector<16x512xf32>
    }
    %scan3A_28 = arith.constant 512 : i32
    %swap3A = arith.constant 0 : index
    %swap3A_29 = arith.constant 0 : index
    %swap3A_30 = vector.load %arg1[%swap3A, %swap3A_29] : memref<16x512xf32, #tpu.memory_space<vmem>>, vector<16x512xf32>
    tpu.vector_store %arg1[%swap3A, %swap3A_29], %scan3A_27#2 {strides = array<i32>} : memref<16x512xf32, #tpu.memory_space<vmem>>, vector<16x512xf32>,
    %swap3A_31 = arith.constant 0 : index
    %swap3A_32 = arith.constant 0 : index
    %swap3A_33 = vector.load %arg2[%swap3A_31, %swap3A_32] : memref<16x512xf32, #tpu.memory_space<vmem>>, vector<16x512xf32>
    tpu.vector_store %arg2[%swap3A_31, %swap3A_32], %scan3A_27#3 {strides = array<i32>} : memref<16x512xf32, #tpu.memory_space<vmem>>, vector<16x512xf32>,
    %swap3A_34 = arith.constant 0 : index
    %swap3A_35 = arith.constant 0 : index
    %swap3A_36 = vector.load %arg3[%swap3A_34, %swap3A_35] : memref<16x512xf32, #tpu.memory_space<vmem>>, vector<16x512xf32>
    tpu.vector_store %arg3[%swap3A_34, %swap3A_35], %scan3A_27#4 {strides = array<i32>} : memref<16x512xf32, #tpu.memory_space<vmem>>, vector<16x512xf32>,
    return
  }
}

module attributes {stable_mosaic.version = 14 : i64} {
  func.func @_fps_body(%arg0: memref<16x3x512xf32, #tpu.memory_space<vmem>>, %arg1: memref<16x128xf32, #tpu.memory_space<vmem>>, %arg2: memref<16x128xf32, #tpu.memory_space<vmem>>, %arg3: memref<16x128xf32, #tpu.memory_space<vmem>>) attributes {dimension_semantics = [], scalar_prefetch = 0 : i64, scratch_operands = 0 : i64, tpu.core_type = #tpu.core_type<tc>} {
    %get3A = arith.constant 0 : index
    %get3A_0 = arith.constant 0 : index
    %get3A_1 = arith.constant 0 : index
    %get3A_2 = vector.load %arg0[%get3A, %get3A_0, %get3A_1] : memref<16x3x512xf32, #tpu.memory_space<vmem>>, vector<16x1x512xf32>
    %get3A_3 = vector.shape_cast %get3A_2 : vector<16x1x512xf32> to vector<16x512xf32>
    %get3A_4 = arith.constant 0 : index
    %get3A_5 = arith.constant 1 : index
    %get3A_6 = arith.constant 0 : index
    %get3A_7 = vector.load %arg0[%get3A_4, %get3A_5, %get3A_6] : memref<16x3x512xf32, #tpu.memory_space<vmem>>, vector<16x1x512xf32>
    %get3A_8 = vector.shape_cast %get3A_7 : vector<16x1x512xf32> to vector<16x512xf32>
    %get3A_9 = arith.constant 0 : index
    %get3A_10 = arith.constant 2 : index
    %get3A_11 = arith.constant 0 : index
    %get3A_12 = vector.load %arg0[%get3A_9, %get3A_10, %get3A_11] : memref<16x3x512xf32, #tpu.memory_space<vmem>>, vector<16x1x512xf32>
    %get3A_13 = vector.shape_cast %get3A_12 : vector<16x1x512xf32> to vector<16x512xf32>
    %iota3A = tpu.iota {dimensions = array<i32: 1>} : vector<16x512xi32>
    %iota3A_14 = tpu.iota {dimensions = array<i32: 1>} : vector<16x128xi32>
    %broadcast_in_dim3A = arith.constant 1.000000e+10 : f32
    %broadcast_in_dim3A_15 = vector.broadcast %broadcast_in_dim3A : f32 to vector<16x512xf32>
    %broadcast_in_dim3A_16 = arith.constant 0 : i32
    %broadcast_in_dim3A_17 = vector.broadcast %broadcast_in_dim3A_16 : i32 to vector<16x1xi32>
    %broadcast_in_dim3A_18 = arith.constant 0.000000e+00 : f32
    %broadcast_in_dim3A_19 = vector.broadcast %broadcast_in_dim3A_18 : f32 to vector<16x128xf32>
    %broadcast_in_dim3A_20 = arith.constant 0.000000e+00 : f32
    %broadcast_in_dim3A_21 = vector.broadcast %broadcast_in_dim3A_20 : f32 to vector<16x128xf32>
    %broadcast_in_dim3A_22 = arith.constant 0.000000e+00 : f32
    %broadcast_in_dim3A_23 = vector.broadcast %broadcast_in_dim3A_22 : f32 to vector<16x128xf32>
    %scan3A = arith.constant 0 : i32
    %scan3A_24 = arith.constant 128 : i32
    %scan3A_25 = arith.addi %scan3A, %scan3A_24 : i32
    %scan3A_26 = arith.constant 1 : i32
    %scan3A_27:5 = scf.for %scan3A_37 = %scan3A to %scan3A_25 step %scan3A_26 iter_args(%scan3A_38 = %broadcast_in_dim3A_15, %scan3A_39 = %broadcast_in_dim3A_17, %scan3A_40 = %broadcast_in_dim3A_19, %scan3A_41 = %broadcast_in_dim3A_21, %scan3A_42 = %broadcast_in_dim3A_23) -> (vector<16x512xf32>, vector<16x1xi32>, vector<16x128xf32>, vector<16x128xf32>, vector<16x128xf32>)  : i32 {
      %eq3A = vector.broadcast %scan3A_37 : i32 to vector<16x128xi32>
      %eq3A_43 = arith.cmpi eq, %iota3A_14, %eq3A : vector<16x128xi32>
      %eq3A_44 = vector.broadcast %scan3A_39 : vector<16x1xi32> to vector<16x512xi32>
      %eq3A_45 = arith.cmpi eq, %iota3A, %eq3A_44 : vector<16x512xi32>
      %convert_element_type3A = arith.extui %eq3A_45 : vector<16x512xi1> to vector<16x512xi32>
      %convert_element_type3A_46 = arith.sitofp %convert_element_type3A : vector<16x512xi32> to vector<16x512xf32>
      %mul3A = arith.mulf %get3A_3, %convert_element_type3A_46 : vector<16x512xf32>
      %reduce_sum3A = arith.constant dense<0.000000e+00> : vector<16xf32>
      %reduce_sum3A_47 = vector.multi_reduction <add>, %mul3A, %reduce_sum3A [1] : vector<16x512xf32> to vector<16xf32>
      %broadcast_in_dim3A_48 = vector.shape_cast %reduce_sum3A_47 : vector<16xf32> to vector<16x1xf32>
      %mul3A_49 = arith.mulf %get3A_8, %convert_element_type3A_46 : vector<16x512xf32>
      %reduce_sum3A_50 = arith.constant dense<0.000000e+00> : vector<16xf32>
      %reduce_sum3A_51 = vector.multi_reduction <add>, %mul3A_49, %reduce_sum3A_50 [1] : vector<16x512xf32> to vector<16xf32>
      %broadcast_in_dim3A_52 = vector.shape_cast %reduce_sum3A_51 : vector<16xf32> to vector<16x1xf32>
      %mul3A_53 = arith.mulf %get3A_13, %convert_element_type3A_46 : vector<16x512xf32>
      %reduce_sum3A_54 = arith.constant dense<0.000000e+00> : vector<16xf32>
      %reduce_sum3A_55 = vector.multi_reduction <add>, %mul3A_53, %reduce_sum3A_54 [1] : vector<16x512xf32> to vector<16xf32>
      %broadcast_in_dim3A_56 = vector.shape_cast %reduce_sum3A_55 : vector<16xf32> to vector<16x1xf32>
      %broadcast_in_dim3A_57 = vector.shape_cast %broadcast_in_dim3A_48 : vector<16x1xf32> to vector<16x1xf32>
      %broadcast_in_dim3A_58 = vector.broadcast %broadcast_in_dim3A_57 : vector<16x1xf32> to vector<16x128xf32>
      %select_n3A = arith.select %eq3A_43, %broadcast_in_dim3A_58, %scan3A_40 : vector<16x128xi1>, vector<16x128xf32>
      %broadcast_in_dim3A_59 = vector.shape_cast %broadcast_in_dim3A_52 : vector<16x1xf32> to vector<16x1xf32>
      %broadcast_in_dim3A_60 = vector.broadcast %broadcast_in_dim3A_59 : vector<16x1xf32> to vector<16x128xf32>
      %select_n3A_61 = arith.select %eq3A_43, %broadcast_in_dim3A_60, %scan3A_41 : vector<16x128xi1>, vector<16x128xf32>
      %broadcast_in_dim3A_62 = vector.shape_cast %broadcast_in_dim3A_56 : vector<16x1xf32> to vector<16x1xf32>
      %broadcast_in_dim3A_63 = vector.broadcast %broadcast_in_dim3A_62 : vector<16x1xf32> to vector<16x128xf32>
      %select_n3A_64 = arith.select %eq3A_43, %broadcast_in_dim3A_63, %scan3A_42 : vector<16x128xi1>, vector<16x128xf32>
      %sub3A = vector.broadcast %broadcast_in_dim3A_48 : vector<16x1xf32> to vector<16x512xf32>
      %sub3A_65 = arith.subf %get3A_3, %sub3A : vector<16x512xf32>
      %sub3A_66 = vector.broadcast %broadcast_in_dim3A_52 : vector<16x1xf32> to vector<16x512xf32>
      %sub3A_67 = arith.subf %get3A_8, %sub3A_66 : vector<16x512xf32>
      %sub3A_68 = vector.broadcast %broadcast_in_dim3A_56 : vector<16x1xf32> to vector<16x512xf32>
      %sub3A_69 = arith.subf %get3A_13, %sub3A_68 : vector<16x512xf32>
      %mul3A_70 = arith.mulf %sub3A_65, %sub3A_65 : vector<16x512xf32>
      %mul3A_71 = arith.mulf %sub3A_67, %sub3A_67 : vector<16x512xf32>
      %add3A = arith.addf %mul3A_70, %mul3A_71 : vector<16x512xf32>
      %mul3A_72 = arith.mulf %sub3A_69, %sub3A_69 : vector<16x512xf32>
      %add3A_73 = arith.addf %add3A, %mul3A_72 : vector<16x512xf32>
      %min3A = arith.minimumf %scan3A_38, %add3A_73 : vector<16x512xf32>
      %reduce_max3A = arith.constant dense<0xFF800000> : vector<16xf32>
      %reduce_max3A_74 = vector.multi_reduction <maximumf>, %min3A, %reduce_max3A [1] : vector<16x512xf32> to vector<16xf32>
      %broadcast_in_dim3A_75 = vector.shape_cast %reduce_max3A_74 : vector<16xf32> to vector<16x1xf32>
      %eq3A_76 = vector.broadcast %broadcast_in_dim3A_75 : vector<16x1xf32> to vector<16x512xf32>
      %eq3A_77 = arith.cmpf oeq, %min3A, %eq3A_76 : vector<16x512xf32>
      %jit3A = arith.constant 512 : i32
      %broadcast_in_dim3A_78 = vector.broadcast %jit3A : i32 to vector<16x512xi32>
      %select_n3A_79 = arith.select %eq3A_77, %iota3A, %broadcast_in_dim3A_78 : vector<16x512xi1>, vector<16x512xi32>
      %reduce_min3A = arith.constant dense<2147483647> : vector<16xi32>
      %reduce_min3A_80 = vector.multi_reduction <minsi>, %select_n3A_79, %reduce_min3A [1] : vector<16x512xi32> to vector<16xi32>
      %broadcast_in_dim3A_81 = vector.shape_cast %reduce_min3A_80 : vector<16xi32> to vector<16x1xi32>
      scf.yield %min3A, %broadcast_in_dim3A_81, %select_n3A, %select_n3A_61, %select_n3A_64 : vector<16x512xf32>, vector<16x1xi32>, vector<16x128xf32>, vector<16x128xf32>, vector<16x128xf32>
    }
    %scan3A_28 = arith.constant 128 : i32
    %swap3A = arith.constant 0 : index
    %swap3A_29 = arith.constant 0 : index
    %swap3A_30 = vector.load %arg1[%swap3A, %swap3A_29] : memref<16x128xf32, #tpu.memory_space<vmem>>, vector<16x128xf32>
    tpu.vector_store %arg1[%swap3A, %swap3A_29], %scan3A_27#2 {strides = array<i32>} : memref<16x128xf32, #tpu.memory_space<vmem>>, vector<16x128xf32>,
    %swap3A_31 = arith.constant 0 : index
    %swap3A_32 = arith.constant 0 : index
    %swap3A_33 = vector.load %arg2[%swap3A_31, %swap3A_32] : memref<16x128xf32, #tpu.memory_space<vmem>>, vector<16x128xf32>
    tpu.vector_store %arg2[%swap3A_31, %swap3A_32], %scan3A_27#3 {strides = array<i32>} : memref<16x128xf32, #tpu.memory_space<vmem>>, vector<16x128xf32>,
    %swap3A_34 = arith.constant 0 : index
    %swap3A_35 = arith.constant 0 : index
    %swap3A_36 = vector.load %arg3[%swap3A_34, %swap3A_35] : memref<16x128xf32, #tpu.memory_space<vmem>>, vector<16x128xf32>
    tpu.vector_store %arg3[%swap3A_34, %swap3A_35], %scan3A_27#4 {strides = array<i32>} : memref<16x128xf32, #tpu.memory_space<vmem>>, vector<16x128xf32>,
    return
  }
}

module attributes {stable_mosaic.version = 14 : i64} {
  func.func @_group_body(%arg0: i32, %arg1: i32, %arg2: memref<1x2048x3xf32, #tpu.memory_space<vmem>>, %arg3: memref<1x3x128xf32, #tpu.memory_space<vmem>>, %arg4: memref<1x6x2048xf32, #tpu.memory_space<vmem>>, %arg5: memref<3x1xf32, #tpu.memory_space<vmem>>, %arg6: memref<3x1xf32, #tpu.memory_space<vmem>>, %arg7: memref<1x32x6x128xf32, #tpu.memory_space<vmem>>) attributes {dimension_semantics = [#tpu.dimension_semantics<arbitrary>, #tpu.dimension_semantics<arbitrary>], iteration_bounds = array<i64: 16, 4>, scalar_prefetch = 0 : i64, scratch_operands = 0 : i64, tpu.core_type = #tpu.core_type<tc>, window_params = [{transform_indices = @transform_0, window_bounds = array<i64: 1, 2048, 3>}, {transform_indices = @transform_1, window_bounds = array<i64: 1, 3, 128>}, {transform_indices = @transform_2, window_bounds = array<i64: 1, 6, 2048>}, {pipeline_mode = #tpu.pipeline_mode<synchronous>, transform_indices = @transform_3, window_bounds = array<i64: 3, 1>}, {pipeline_mode = #tpu.pipeline_mode<synchronous>, transform_indices = @transform_4, window_bounds = array<i64: 3, 1>}, {transform_indices = @transform_5, window_bounds = array<i64: 1, 32, 6, 128>}]} {
    %get3A = arith.constant 0 : index
    %get3A_0 = arith.constant 0 : index
    %get3A_1 = arith.constant 0 : index
    %get3A_2 = vector.load %arg2[%get3A, %get3A_0, %get3A_1] : memref<1x2048x3xf32, #tpu.memory_space<vmem>>, vector<1x2048x3xf32>
    %get3A_3 = vector.shape_cast %get3A_2 : vector<1x2048x3xf32> to vector<2048x3xf32>
    %get3A_4 = arith.constant 0 : index
    %get3A_5 = arith.constant 0 : index
    %get3A_6 = arith.constant 0 : index
    %get3A_7 = vector.load %arg3[%get3A_4, %get3A_5, %get3A_6] : memref<1x3x128xf32, #tpu.memory_space<vmem>>, vector<1x3x128xf32>
    %get3A_8 = vector.shape_cast %get3A_7 : vector<1x3x128xf32> to vector<3x128xf32>
    %get3A_9 = arith.constant 0 : index
    %get3A_10 = arith.constant 0 : index
    %get3A_11 = arith.constant 0 : index
    %get3A_12 = vector.load %arg4[%get3A_9, %get3A_10, %get3A_11] : memref<1x6x2048xf32, #tpu.memory_space<vmem>>, vector<1x6x2048xf32>
    %get3A_13 = vector.shape_cast %get3A_12 : vector<1x6x2048xf32> to vector<6x2048xf32>
    %dot_general3A = arith.constant dense<0.000000e+00> : vector<2048x128xf32>
    %dot_general3A_14 = tpu.matmul %get3A_3, %get3A_8, %dot_general3A {dimension_numbers = #tpu.dot_dimension_numbers<[1], [0], [0], [1], [0, 0, 1, 1], [], []>, transpose_lhs_hint = false} : vector<2048x3xf32>, vector<3x128xf32>, vector<2048x128xf32> -> vector<2048x128xf32>
    %mul3A = arith.constant -2.000000e+00 : f32
    %mul3A_15 = vector.broadcast %mul3A : f32 to vector<2048x128xf32>
    %mul3A_16 = arith.mulf %mul3A_15, %dot_general3A_14 : vector<2048x128xf32>
    %mul3A_17 = arith.mulf %get3A_8, %get3A_8 : vector<3x128xf32>
    %reduce_sum3A = arith.constant dense<0.000000e+00> : vector<128xf32>
    %reduce_sum3A_18 = vector.multi_reduction <add>, %mul3A_17, %reduce_sum3A [0] : vector<3x128xf32> to vector<128xf32>
    %broadcast_in_dim3A = vector.shape_cast %reduce_sum3A_18 : vector<128xf32> to vector<1x128xf32>
    %add3A = vector.broadcast %broadcast_in_dim3A : vector<1x128xf32> to vector<2048x128xf32>
    %add3A_19 = arith.addf %mul3A_16, %add3A : vector<2048x128xf32>
    %mul3A_20 = arith.mulf %get3A_3, %get3A_3 : vector<2048x3xf32>
    %reduce_sum3A_21 = arith.constant dense<0.000000e+00> : vector<2048xf32>
    %reduce_sum3A_22 = vector.multi_reduction <add>, %mul3A_20, %reduce_sum3A_21 [1] : vector<2048x3xf32> to vector<2048xf32>
    %broadcast_in_dim3A_23 = vector.shape_cast %reduce_sum3A_22 : vector<2048xf32> to vector<2048x1xf32>
    %add3A_24 = vector.broadcast %broadcast_in_dim3A_23 : vector<2048x1xf32> to vector<2048x128xf32>
    %add3A_25 = arith.addf %add3A_19, %add3A_24 : vector<2048x128xf32>
    %le3A = arith.constant 4.000000e-02 : f32
    %le3A_26 = vector.broadcast %le3A : f32 to vector<2048x128xf32>
    %le3A_27 = arith.cmpf ole, %add3A_25, %le3A_26 : vector<2048x128xf32>
    %convert_element_type3A = arith.extui %le3A_27 : vector<2048x128xi1> to vector<2048x128xi32>
    %convert_element_type3A_28 = arith.sitofp %convert_element_type3A : vector<2048x128xi32> to vector<2048x128xf32>
    %broadcast_in_dim3A_29 = arith.constant 0.000000e+00 : f32
    %broadcast_in_dim3A_30 = vector.broadcast %broadcast_in_dim3A_29 : f32 to vector<1x128xf32>
    %slice3A = vector.extract_strided_slice %convert_element_type3A_28 {offsets = [0, 0], sizes = [2047, 128], strides = [1, 1]} : vector<2048x128xf32> to vector<2047x128xf32>
    %concatenate3A = tpu.concatenate %broadcast_in_dim3A_30, %slice3A in 0 : vector<1x128xf32>, vector<2047x128xf32> -> vector<2048x128xf32>
    %add3A_31 = arith.addf %convert_element_type3A_28, %concatenate3A : vector<2048x128xf32>
    %broadcast_in_dim3A_32 = arith.constant 0.000000e+00 : f32
    %broadcast_in_dim3A_33 = vector.broadcast %broadcast_in_dim3A_32 : f32 to vector<2x128xf32>
    %slice3A_34 = vector.extract_strided_slice %add3A_31 {offsets = [0, 0], sizes = [2046, 128], strides = [1, 1]} : vector<2048x128xf32> to vector<2046x128xf32>
    %concatenate3A_35 = tpu.concatenate %broadcast_in_dim3A_33, %slice3A_34 in 0 : vector<2x128xf32>, vector<2046x128xf32> -> vector<2048x128xf32>
    %add3A_36 = arith.addf %add3A_31, %concatenate3A_35 : vector<2048x128xf32>
    %broadcast_in_dim3A_37 = arith.constant 0.000000e+00 : f32
    %broadcast_in_dim3A_38 = vector.broadcast %broadcast_in_dim3A_37 : f32 to vector<4x128xf32>
    %slice3A_39 = vector.extract_strided_slice %add3A_36 {offsets = [0, 0], sizes = [2044, 128], strides = [1, 1]} : vector<2048x128xf32> to vector<2044x128xf32>
    %concatenate3A_40 = tpu.concatenate %broadcast_in_dim3A_38, %slice3A_39 in 0 : vector<4x128xf32>, vector<2044x128xf32> -> vector<2048x128xf32>
    %add3A_41 = arith.addf %add3A_36, %concatenate3A_40 : vector<2048x128xf32>
    %broadcast_in_dim3A_42 = arith.constant 0.000000e+00 : f32
    %broadcast_in_dim3A_43 = vector.broadcast %broadcast_in_dim3A_42 : f32 to vector<8x128xf32>
    %slice3A_44 = vector.extract_strided_slice %add3A_41 {offsets = [0, 0], sizes = [2040, 128], strides = [1, 1]} : vector<2048x128xf32> to vector<2040x128xf32>
    %concatenate3A_45 = tpu.concatenate %broadcast_in_dim3A_43, %slice3A_44 in 0 : vector<8x128xf32>, vector<2040x128xf32> -> vector<2048x128xf32>
    %add3A_46 = arith.addf %add3A_41, %concatenate3A_45 : vector<2048x128xf32>
    %broadcast_in_dim3A_47 = arith.constant 0.000000e+00 : f32
    %broadcast_in_dim3A_48 = vector.broadcast %broadcast_in_dim3A_47 : f32 to vector<16x128xf32>
    %slice3A_49 = vector.extract_strided_slice %add3A_46 {offsets = [0, 0], sizes = [2032, 128], strides = [1, 1]} : vector<2048x128xf32> to vector<2032x128xf32>
    %concatenate3A_50 = tpu.concatenate %broadcast_in_dim3A_48, %slice3A_49 in 0 : vector<16x128xf32>, vector<2032x128xf32> -> vector<2048x128xf32>
    %add3A_51 = arith.addf %add3A_46, %concatenate3A_50 : vector<2048x128xf32>
    %broadcast_in_dim3A_52 = arith.constant 0.000000e+00 : f32
    %broadcast_in_dim3A_53 = vector.broadcast %broadcast_in_dim3A_52 : f32 to vector<32x128xf32>
    %slice3A_54 = vector.extract_strided_slice %add3A_51 {offsets = [0, 0], sizes = [2016, 128], strides = [1, 1]} : vector<2048x128xf32> to vector<2016x128xf32>
    %concatenate3A_55 = tpu.concatenate %broadcast_in_dim3A_53, %slice3A_54 in 0 : vector<32x128xf32>, vector<2016x128xf32> -> vector<2048x128xf32>
    %add3A_56 = arith.addf %add3A_51, %concatenate3A_55 : vector<2048x128xf32>
    %broadcast_in_dim3A_57 = arith.constant 0.000000e+00 : f32
    %broadcast_in_dim3A_58 = vector.broadcast %broadcast_in_dim3A_57 : f32 to vector<64x128xf32>
    %slice3A_59 = vector.extract_strided_slice %add3A_56 {offsets = [0, 0], sizes = [1984, 128], strides = [1, 1]} : vector<2048x128xf32> to vector<1984x128xf32>
    %concatenate3A_60 = tpu.concatenate %broadcast_in_dim3A_58, %slice3A_59 in 0 : vector<64x128xf32>, vector<1984x128xf32> -> vector<2048x128xf32>
    %add3A_61 = arith.addf %add3A_56, %concatenate3A_60 : vector<2048x128xf32>
    %broadcast_in_dim3A_62 = arith.constant 0.000000e+00 : f32
    %broadcast_in_dim3A_63 = vector.broadcast %broadcast_in_dim3A_62 : f32 to vector<128x128xf32>
    %slice3A_64 = vector.extract_strided_slice %add3A_61 {offsets = [0, 0], sizes = [1920, 128], strides = [1, 1]} : vector<2048x128xf32> to vector<1920x128xf32>
    %concatenate3A_65 = tpu.concatenate %broadcast_in_dim3A_63, %slice3A_64 in 0 : vector<128x128xf32>, vector<1920x128xf32> -> vector<2048x128xf32>
    %add3A_66 = arith.addf %add3A_61, %concatenate3A_65 : vector<2048x128xf32>
    %broadcast_in_dim3A_67 = arith.constant 0.000000e+00 : f32
    %broadcast_in_dim3A_68 = vector.broadcast %broadcast_in_dim3A_67 : f32 to vector<256x128xf32>
    %slice3A_69 = vector.extract_strided_slice %add3A_66 {offsets = [0, 0], sizes = [1792, 128], strides = [1, 1]} : vector<2048x128xf32> to vector<1792x128xf32>
    %concatenate3A_70 = tpu.concatenate %broadcast_in_dim3A_68, %slice3A_69 in 0 : vector<256x128xf32>, vector<1792x128xf32> -> vector<2048x128xf32>
    %add3A_71 = arith.addf %add3A_66, %concatenate3A_70 : vector<2048x128xf32>
    %broadcast_in_dim3A_72 = arith.constant 0.000000e+00 : f32
    %broadcast_in_dim3A_73 = vector.broadcast %broadcast_in_dim3A_72 : f32 to vector<512x128xf32>
    %slice3A_74 = vector.extract_strided_slice %add3A_71 {offsets = [0, 0], sizes = [1536, 128], strides = [1, 1]} : vector<2048x128xf32> to vector<1536x128xf32>
    %concatenate3A_75 = tpu.concatenate %broadcast_in_dim3A_73, %slice3A_74 in 0 : vector<512x128xf32>, vector<1536x128xf32> -> vector<2048x128xf32>
    %add3A_76 = arith.addf %add3A_71, %concatenate3A_75 : vector<2048x128xf32>
    %broadcast_in_dim3A_77 = arith.constant 0.000000e+00 : f32
    %broadcast_in_dim3A_78 = vector.broadcast %broadcast_in_dim3A_77 : f32 to vector<1024x128xf32>
    %slice3A_79 = vector.extract_strided_slice %add3A_76 {offsets = [0, 0], sizes = [1024, 128], strides = [1, 1]} : vector<2048x128xf32> to vector<1024x128xf32>
    %concatenate3A_80 = tpu.concatenate %broadcast_in_dim3A_78, %slice3A_79 in 0 : vector<1024x128xf32>, vector<1024x128xf32> -> vector<2048x128xf32>
    %add3A_81 = arith.addf %add3A_76, %concatenate3A_80 : vector<2048x128xf32>
    %slice3A_82 = vector.extract_strided_slice %add3A_81 {offsets = [2047, 0], sizes = [1, 128], strides = [1, 1]} : vector<2048x128xf32> to vector<1x128xf32>
    %mul3A_83 = arith.mulf %add3A_81, %convert_element_type3A_28 : vector<2048x128xf32>
    %slice3A_84 = vector.extract_strided_slice %get3A_13 {offsets = [0, 2047], sizes = [6, 1], strides = [1, 1]} : vector<6x2048xf32> to vector<6x1xf32>
    %broadcast_in_dim3A_85 = vector.shape_cast %slice3A_84 : vector<6x1xf32> to vector<6x1xf32>
    %broadcast_in_dim3A_86 = vector.broadcast %broadcast_in_dim3A_85 : vector<6x1xf32> to vector<6x128xf32>
    %broadcast_in_dim3A_87 = arith.constant 0.000000e+00 : f32
    %broadcast_in_dim3A_88 = vector.broadcast %broadcast_in_dim3A_87 : f32 to vector<3x128xf32>
    %concatenate3A_89 = tpu.concatenate %get3A_8, %broadcast_in_dim3A_88 in 0 : vector<3x128xf32>, vector<3x128xf32> -> vector<6x128xf32>
    %eq3A = arith.constant 1.000000e+00 : f32
    %eq3A_90 = vector.broadcast %eq3A : f32 to vector<2048x128xf32>
    %eq3A_91 = arith.cmpf oeq, %mul3A_83, %eq3A_90 : vector<2048x128xf32>
    %convert_element_type3A_92 = arith.extui %eq3A_91 : vector<2048x128xi1> to vector<2048x128xi32>
    %convert_element_type3A_93 = arith.sitofp %convert_element_type3A_92 : vector<2048x128xi32> to vector<2048x128xf32>
    %dot_general3A_94 = arith.constant dense<0.000000e+00> : vector<6x128xf32>
    %dot_general3A_95 = tpu.matmul %get3A_13, %convert_element_type3A_93, %dot_general3A_94 {dimension_numbers = #tpu.dot_dimension_numbers<[1], [0], [0], [1], [0, 0, 1, 1], [], []>, precision = #tpu.contract_precision<fp32>, transpose_lhs_hint = false} : vector<6x2048xf32>, vector<2048x128xf32>, vector<6x128xf32> -> vector<6x128xf32>
    %gt3A = arith.constant 0.000000e+00 : f32
    %gt3A_96 = vector.broadcast %gt3A : f32 to vector<1x128xf32>
    %gt3A_97 = arith.cmpf ogt, %slice3A_82, %gt3A_96 : vector<1x128xf32>
    %broadcast_in_dim3A_98 = vector.shape_cast %gt3A_97 : vector<1x128xi1> to vector<1x128xi1>
    %broadcast_in_dim3A_99 = vector.broadcast %broadcast_in_dim3A_98 : vector<1x128xi1> to vector<6x128xi1>
    %select_n3A = arith.select %broadcast_in_dim3A_99, %dot_general3A_95, %broadcast_in_dim3A_86 : vector<6x128xi1>, vector<6x128xf32>
    %sub3A = arith.subf %select_n3A, %concatenate3A_89 : vector<6x128xf32>
    %swap3A = arith.constant 0 : index
    %swap3A_100 = arith.constant 0 : index
    %swap3A_101 = arith.constant 0 : index
    %swap3A_102 = arith.constant 0 : index
    %swap3A_103 = vector.load %arg7[%swap3A, %swap3A_100, %swap3A_101, %swap3A_102] : memref<1x32x6x128xf32, #tpu.memory_space<vmem>>, vector<1x1x6x128xf32>
    %swap3A_104 = vector.shape_cast %swap3A_103 : vector<1x1x6x128xf32> to vector<6x128xf32>
    %swap3A_105 = vector.shape_cast %sub3A : vector<6x128xf32> to vector<1x1x6x128xf32>
    tpu.vector_store %arg7[%swap3A, %swap3A_100, %swap3A_101, %swap3A_102], %swap3A_105 {strides = array<i32>} : memref<1x32x6x128xf32, #tpu.memory_space<vmem>>, vector<1x1x6x128xf32>,
    %eq3A_106 = arith.constant 2.000000e+00 : f32
    %eq3A_107 = vector.broadcast %eq3A_106 : f32 to vector<2048x128xf32>
    %eq3A_108 = arith.cmpf oeq, %mul3A_83, %eq3A_107 : vector<2048x128xf32>
    %convert_element_type3A_109 = arith.extui %eq3A_108 : vector<2048x128xi1> to vector<2048x128xi32>
    %convert_element_type3A_110 = arith.sitofp %convert_element_type3A_109 : vector<2048x128xi32> to vector<2048x128xf32>
    %dot_general3A_111 = arith.constant dense<0.000000e+00> : vector<6x128xf32>
    %dot_general3A_112 = tpu.matmul %get3A_13, %convert_element_type3A_110, %dot_general3A_111 {dimension_numbers = #tpu.dot_dimension_numbers<[1], [0], [0], [1], [0, 0, 1, 1], [], []>, precision = #tpu.contract_precision<fp32>, transpose_lhs_hint = false} : vector<6x2048xf32>, vector<2048x128xf32>, vector<6x128xf32> -> vector<6x128xf32>
    %gt3A_113 = arith.constant 1.000000e+00 : f32
    %gt3A_114 = vector.broadcast %gt3A_113 : f32 to vector<1x128xf32>
    %gt3A_115 = arith.cmpf ogt, %slice3A_82, %gt3A_114 : vector<1x128xf32>
    %broadcast_in_dim3A_116 = vector.shape_cast %gt3A_115 : vector<1x128xi1> to vector<1x128xi1>
    %broadcast_in_dim3A_117 = vector.broadcast %broadcast_in_dim3A_116 : vector<1x128xi1> to vector<6x128xi1>
    %select_n3A_118 = arith.select %broadcast_in_dim3A_117, %dot_general3A_112, %select_n3A : vector<6x128xi1>, vector<6x128xf32>
    %sub3A_119 = arith.subf %select_n3A_118, %concatenate3A_89 : vector<6x128xf32>
    %swap3A_120 = arith.constant 0 : index
    %swap3A_121 = arith.constant 1 : index
    %swap3A_122 = arith.constant 0 : index
    %swap3A_123 = arith.constant 0 : index
    %swap3A_124 = vector.load %arg7[%swap3A_120, %swap3A_121, %swap3A_122, %swap3A_123] : memref<1x32x6x128xf32, #tpu.memory_space<vmem>>, vector<1x1x6x128xf32>
    %swap3A_125 = vector.shape_cast %swap3A_124 : vector<1x1x6x128xf32> to vector<6x128xf32>
    %swap3A_126 = vector.shape_cast %sub3A_119 : vector<6x128xf32> to vector<1x1x6x128xf32>
    tpu.vector_store %arg7[%swap3A_120, %swap3A_121, %swap3A_122, %swap3A_123], %swap3A_126 {strides = array<i32>} : memref<1x32x6x128xf32, #tpu.memory_space<vmem>>, vector<1x1x6x128xf32>,
    %eq3A_127 = arith.constant 3.000000e+00 : f32
    %eq3A_128 = vector.broadcast %eq3A_127 : f32 to vector<2048x128xf32>
    %eq3A_129 = arith.cmpf oeq, %mul3A_83, %eq3A_128 : vector<2048x128xf32>
    %convert_element_type3A_130 = arith.extui %eq3A_129 : vector<2048x128xi1> to vector<2048x128xi32>
    %convert_element_type3A_131 = arith.sitofp %convert_element_type3A_130 : vector<2048x128xi32> to vector<2048x128xf32>
    %dot_general3A_132 = arith.constant dense<0.000000e+00> : vector<6x128xf32>
    %dot_general3A_133 = tpu.matmul %get3A_13, %convert_element_type3A_131, %dot_general3A_132 {dimension_numbers = #tpu.dot_dimension_numbers<[1], [0], [0], [1], [0, 0, 1, 1], [], []>, precision = #tpu.contract_precision<fp32>, transpose_lhs_hint = false} : vector<6x2048xf32>, vector<2048x128xf32>, vector<6x128xf32> -> vector<6x128xf32>
    %gt3A_134 = arith.constant 2.000000e+00 : f32
    %gt3A_135 = vector.broadcast %gt3A_134 : f32 to vector<1x128xf32>
    %gt3A_136 = arith.cmpf ogt, %slice3A_82, %gt3A_135 : vector<1x128xf32>
    %broadcast_in_dim3A_137 = vector.shape_cast %gt3A_136 : vector<1x128xi1> to vector<1x128xi1>
    %broadcast_in_dim3A_138 = vector.broadcast %broadcast_in_dim3A_137 : vector<1x128xi1> to vector<6x128xi1>
    %select_n3A_139 = arith.select %broadcast_in_dim3A_138, %dot_general3A_133, %select_n3A : vector<6x128xi1>, vector<6x128xf32>
    %sub3A_140 = arith.subf %select_n3A_139, %concatenate3A_89 : vector<6x128xf32>
    %swap3A_141 = arith.constant 0 : index
    %swap3A_142 = arith.constant 2 : index
    %swap3A_143 = arith.constant 0 : index
    %swap3A_144 = arith.constant 0 : index
    %swap3A_145 = vector.load %arg7[%swap3A_141, %swap3A_142, %swap3A_143, %swap3A_144] : memref<1x32x6x128xf32, #tpu.memory_space<vmem>>, vector<1x1x6x128xf32>
    %swap3A_146 = vector.shape_cast %swap3A_145 : vector<1x1x6x128xf32> to vector<6x128xf32>
    %swap3A_147 = vector.shape_cast %sub3A_140 : vector<6x128xf32> to vector<1x1x6x128xf32>
    tpu.vector_store %arg7[%swap3A_141, %swap3A_142, %swap3A_143, %swap3A_144], %swap3A_147 {strides = array<i32>} : memref<1x32x6x128xf32, #tpu.memory_space<vmem>>, vector<1x1x6x128xf32>,
    %eq3A_148 = arith.constant 4.000000e+00 : f32
    %eq3A_149 = vector.broadcast %eq3A_148 : f32 to vector<2048x128xf32>
    %eq3A_150 = arith.cmpf oeq, %mul3A_83, %eq3A_149 : vector<2048x128xf32>
    %convert_element_type3A_151 = arith.extui %eq3A_150 : vector<2048x128xi1> to vector<2048x128xi32>
    %convert_element_type3A_152 = arith.sitofp %convert_element_type3A_151 : vector<2048x128xi32> to vector<2048x128xf32>
    %dot_general3A_153 = arith.constant dense<0.000000e+00> : vector<6x128xf32>
    %dot_general3A_154 = tpu.matmul %get3A_13, %convert_element_type3A_152, %dot_general3A_153 {dimension_numbers = #tpu.dot_dimension_numbers<[1], [0], [0], [1], [0, 0, 1, 1], [], []>, precision = #tpu.contract_precision<fp32>, transpose_lhs_hint = false} : vector<6x2048xf32>, vector<2048x128xf32>, vector<6x128xf32> -> vector<6x128xf32>
    %gt3A_155 = arith.constant 3.000000e+00 : f32
    %gt3A_156 = vector.broadcast %gt3A_155 : f32 to vector<1x128xf32>
    %gt3A_157 = arith.cmpf ogt, %slice3A_82, %gt3A_156 : vector<1x128xf32>
    %broadcast_in_dim3A_158 = vector.shape_cast %gt3A_157 : vector<1x128xi1> to vector<1x128xi1>
    %broadcast_in_dim3A_159 = vector.broadcast %broadcast_in_dim3A_158 : vector<1x128xi1> to vector<6x128xi1>
    %select_n3A_160 = arith.select %broadcast_in_dim3A_159, %dot_general3A_154, %select_n3A : vector<6x128xi1>, vector<6x128xf32>
    %sub3A_161 = arith.subf %select_n3A_160, %concatenate3A_89 : vector<6x128xf32>
    %swap3A_162 = arith.constant 0 : index
    %swap3A_163 = arith.constant 3 : index
    %swap3A_164 = arith.constant 0 : index
    %swap3A_165 = arith.constant 0 : index
    %swap3A_166 = vector.load %arg7[%swap3A_162, %swap3A_163, %swap3A_164, %swap3A_165] : memref<1x32x6x128xf32, #tpu.memory_space<vmem>>, vector<1x1x6x128xf32>
    %swap3A_167 = vector.shape_cast %swap3A_166 : vector<1x1x6x128xf32> to vector<6x128xf32>
    %swap3A_168 = vector.shape_cast %sub3A_161 : vector<6x128xf32> to vector<1x1x6x128xf32>
    tpu.vector_store %arg7[%swap3A_162, %swap3A_163, %swap3A_164, %swap3A_165], %swap3A_168 {strides = array<i32>} : memref<1x32x6x128xf32, #tpu.memory_space<vmem>>, vector<1x1x6x128xf32>,
    %eq3A_169 = arith.constant 5.000000e+00 : f32
    %eq3A_170 = vector.broadcast %eq3A_169 : f32 to vector<2048x128xf32>
    %eq3A_171 = arith.cmpf oeq, %mul3A_83, %eq3A_170 : vector<2048x128xf32>
    %convert_element_type3A_172 = arith.extui %eq3A_171 : vector<2048x128xi1> to vector<2048x128xi32>
    %convert_element_type3A_173 = arith.sitofp %convert_element_type3A_172 : vector<2048x128xi32> to vector<2048x128xf32>
    %dot_general3A_174 = arith.constant dense<0.000000e+00> : vector<6x128xf32>
    %dot_general3A_175 = tpu.matmul %get3A_13, %convert_element_type3A_173, %dot_general3A_174 {dimension_numbers = #tpu.dot_dimension_numbers<[1], [0], [0], [1], [0, 0, 1, 1], [], []>, precision = #tpu.contract_precision<fp32>, transpose_lhs_hint = false} : vector<6x2048xf32>, vector<2048x128xf32>, vector<6x128xf32> -> vector<6x128xf32>
    %gt3A_176 = arith.constant 4.000000e+00 : f32
    %gt3A_177 = vector.broadcast %gt3A_176 : f32 to vector<1x128xf32>
    %gt3A_178 = arith.cmpf ogt, %slice3A_82, %gt3A_177 : vector<1x128xf32>
    %broadcast_in_dim3A_179 = vector.shape_cast %gt3A_178 : vector<1x128xi1> to vector<1x128xi1>
    %broadcast_in_dim3A_180 = vector.broadcast %broadcast_in_dim3A_179 : vector<1x128xi1> to vector<6x128xi1>
    %select_n3A_181 = arith.select %broadcast_in_dim3A_180, %dot_general3A_175, %select_n3A : vector<6x128xi1>, vector<6x128xf32>
    %sub3A_182 = arith.subf %select_n3A_181, %concatenate3A_89 : vector<6x128xf32>
    %swap3A_183 = arith.constant 0 : index
    %swap3A_184 = arith.constant 4 : index
    %swap3A_185 = arith.constant 0 : index
    %swap3A_186 = arith.constant 0 : index
    %swap3A_187 = vector.load %arg7[%swap3A_183, %swap3A_184, %swap3A_185, %swap3A_186] : memref<1x32x6x128xf32, #tpu.memory_space<vmem>>, vector<1x1x6x128xf32>
    %swap3A_188 = vector.shape_cast %swap3A_187 : vector<1x1x6x128xf32> to vector<6x128xf32>
    %swap3A_189 = vector.shape_cast %sub3A_182 : vector<6x128xf32> to vector<1x1x6x128xf32>
    tpu.vector_store %arg7[%swap3A_183, %swap3A_184, %swap3A_185, %swap3A_186], %swap3A_189 {strides = array<i32>} : memref<1x32x6x128xf32, #tpu.memory_space<vmem>>, vector<1x1x6x128xf32>,
    %eq3A_190 = arith.constant 6.000000e+00 : f32
    %eq3A_191 = vector.broadcast %eq3A_190 : f32 to vector<2048x128xf32>
    %eq3A_192 = arith.cmpf oeq, %mul3A_83, %eq3A_191 : vector<2048x128xf32>
    %convert_element_type3A_193 = arith.extui %eq3A_192 : vector<2048x128xi1> to vector<2048x128xi32>
    %convert_element_type3A_194 = arith.sitofp %convert_element_type3A_193 : vector<2048x128xi32> to vector<2048x128xf32>
    %dot_general3A_195 = arith.constant dense<0.000000e+00> : vector<6x128xf32>
    %dot_general3A_196 = tpu.matmul %get3A_13, %convert_element_type3A_194, %dot_general3A_195 {dimension_numbers = #tpu.dot_dimension_numbers<[1], [0], [0], [1], [0, 0, 1, 1], [], []>, precision = #tpu.contract_precision<fp32>, transpose_lhs_hint = false} : vector<6x2048xf32>, vector<2048x128xf32>, vector<6x128xf32> -> vector<6x128xf32>
    %gt3A_197 = arith.constant 5.000000e+00 : f32
    %gt3A_198 = vector.broadcast %gt3A_197 : f32 to vector<1x128xf32>
    %gt3A_199 = arith.cmpf ogt, %slice3A_82, %gt3A_198 : vector<1x128xf32>
    %broadcast_in_dim3A_200 = vector.shape_cast %gt3A_199 : vector<1x128xi1> to vector<1x128xi1>
    %broadcast_in_dim3A_201 = vector.broadcast %broadcast_in_dim3A_200 : vector<1x128xi1> to vector<6x128xi1>
    %select_n3A_202 = arith.select %broadcast_in_dim3A_201, %dot_general3A_196, %select_n3A : vector<6x128xi1>, vector<6x128xf32>
    %sub3A_203 = arith.subf %select_n3A_202, %concatenate3A_89 : vector<6x128xf32>
    %swap3A_204 = arith.constant 0 : index
    %swap3A_205 = arith.constant 5 : index
    %swap3A_206 = arith.constant 0 : index
    %swap3A_207 = arith.constant 0 : index
    %swap3A_208 = vector.load %arg7[%swap3A_204, %swap3A_205, %swap3A_206, %swap3A_207] : memref<1x32x6x128xf32, #tpu.memory_space<vmem>>, vector<1x1x6x128xf32>
    %swap3A_209 = vector.shape_cast %swap3A_208 : vector<1x1x6x128xf32> to vector<6x128xf32>
    %swap3A_210 = vector.shape_cast %sub3A_203 : vector<6x128xf32> to vector<1x1x6x128xf32>
    tpu.vector_store %arg7[%swap3A_204, %swap3A_205, %swap3A_206, %swap3A_207], %swap3A_210 {strides = array<i32>} : memref<1x32x6x128xf32, #tpu.memory_space<vmem>>, vector<1x1x6x128xf32>,
    %eq3A_211 = arith.constant 7.000000e+00 : f32
    %eq3A_212 = vector.broadcast %eq3A_211 : f32 to vector<2048x128xf32>
    %eq3A_213 = arith.cmpf oeq, %mul3A_83, %eq3A_212 : vector<2048x128xf32>
    %convert_element_type3A_214 = arith.extui %eq3A_213 : vector<2048x128xi1> to vector<2048x128xi32>
    %convert_element_type3A_215 = arith.sitofp %convert_element_type3A_214 : vector<2048x128xi32> to vector<2048x128xf32>
    %dot_general3A_216 = arith.constant dense<0.000000e+00> : vector<6x128xf32>
    %dot_general3A_217 = tpu.matmul %get3A_13, %convert_element_type3A_215, %dot_general3A_216 {dimension_numbers = #tpu.dot_dimension_numbers<[1], [0], [0], [1], [0, 0, 1, 1], [], []>, precision = #tpu.contract_precision<fp32>, transpose_lhs_hint = false} : vector<6x2048xf32>, vector<2048x128xf32>, vector<6x128xf32> -> vector<6x128xf32>
    %gt3A_218 = arith.constant 6.000000e+00 : f32
    %gt3A_219 = vector.broadcast %gt3A_218 : f32 to vector<1x128xf32>
    %gt3A_220 = arith.cmpf ogt, %slice3A_82, %gt3A_219 : vector<1x128xf32>
    %broadcast_in_dim3A_221 = vector.shape_cast %gt3A_220 : vector<1x128xi1> to vector<1x128xi1>
    %broadcast_in_dim3A_222 = vector.broadcast %broadcast_in_dim3A_221 : vector<1x128xi1> to vector<6x128xi1>
    %select_n3A_223 = arith.select %broadcast_in_dim3A_222, %dot_general3A_217, %select_n3A : vector<6x128xi1>, vector<6x128xf32>
    %sub3A_224 = arith.subf %select_n3A_223, %concatenate3A_89 : vector<6x128xf32>
    %swap3A_225 = arith.constant 0 : index
    %swap3A_226 = arith.constant 6 : index
    %swap3A_227 = arith.constant 0 : index
    %swap3A_228 = arith.constant 0 : index
    %swap3A_229 = vector.load %arg7[%swap3A_225, %swap3A_226, %swap3A_227, %swap3A_228] : memref<1x32x6x128xf32, #tpu.memory_space<vmem>>, vector<1x1x6x128xf32>
    %swap3A_230 = vector.shape_cast %swap3A_229 : vector<1x1x6x128xf32> to vector<6x128xf32>
    %swap3A_231 = vector.shape_cast %sub3A_224 : vector<6x128xf32> to vector<1x1x6x128xf32>
    tpu.vector_store %arg7[%swap3A_225, %swap3A_226, %swap3A_227, %swap3A_228], %swap3A_231 {strides = array<i32>} : memref<1x32x6x128xf32, #tpu.memory_space<vmem>>, vector<1x1x6x128xf32>,
    %eq3A_232 = arith.constant 8.000000e+00 : f32
    %eq3A_233 = vector.broadcast %eq3A_232 : f32 to vector<2048x128xf32>
    %eq3A_234 = arith.cmpf oeq, %mul3A_83, %eq3A_233 : vector<2048x128xf32>
    %convert_element_type3A_235 = arith.extui %eq3A_234 : vector<2048x128xi1> to vector<2048x128xi32>
    %convert_element_type3A_236 = arith.sitofp %convert_element_type3A_235 : vector<2048x128xi32> to vector<2048x128xf32>
    %dot_general3A_237 = arith.constant dense<0.000000e+00> : vector<6x128xf32>
    %dot_general3A_238 = tpu.matmul %get3A_13, %convert_element_type3A_236, %dot_general3A_237 {dimension_numbers = #tpu.dot_dimension_numbers<[1], [0], [0], [1], [0, 0, 1, 1], [], []>, precision = #tpu.contract_precision<fp32>, transpose_lhs_hint = false} : vector<6x2048xf32>, vector<2048x128xf32>, vector<6x128xf32> -> vector<6x128xf32>
    %gt3A_239 = arith.constant 7.000000e+00 : f32
    %gt3A_240 = vector.broadcast %gt3A_239 : f32 to vector<1x128xf32>
    %gt3A_241 = arith.cmpf ogt, %slice3A_82, %gt3A_240 : vector<1x128xf32>
    %broadcast_in_dim3A_242 = vector.shape_cast %gt3A_241 : vector<1x128xi1> to vector<1x128xi1>
    %broadcast_in_dim3A_243 = vector.broadcast %broadcast_in_dim3A_242 : vector<1x128xi1> to vector<6x128xi1>
    %select_n3A_244 = arith.select %broadcast_in_dim3A_243, %dot_general3A_238, %select_n3A : vector<6x128xi1>, vector<6x128xf32>
    %sub3A_245 = arith.subf %select_n3A_244, %concatenate3A_89 : vector<6x128xf32>
    %swap3A_246 = arith.constant 0 : index
    %swap3A_247 = arith.constant 7 : index
    %swap3A_248 = arith.constant 0 : index
    %swap3A_249 = arith.constant 0 : index
    %swap3A_250 = vector.load %arg7[%swap3A_246, %swap3A_247, %swap3A_248, %swap3A_249] : memref<1x32x6x128xf32, #tpu.memory_space<vmem>>, vector<1x1x6x128xf32>
    %swap3A_251 = vector.shape_cast %swap3A_250 : vector<1x1x6x128xf32> to vector<6x128xf32>
    %swap3A_252 = vector.shape_cast %sub3A_245 : vector<6x128xf32> to vector<1x1x6x128xf32>
    tpu.vector_store %arg7[%swap3A_246, %swap3A_247, %swap3A_248, %swap3A_249], %swap3A_252 {strides = array<i32>} : memref<1x32x6x128xf32, #tpu.memory_space<vmem>>, vector<1x1x6x128xf32>,
    %eq3A_253 = arith.constant 9.000000e+00 : f32
    %eq3A_254 = vector.broadcast %eq3A_253 : f32 to vector<2048x128xf32>
    %eq3A_255 = arith.cmpf oeq, %mul3A_83, %eq3A_254 : vector<2048x128xf32>
    %convert_element_type3A_256 = arith.extui %eq3A_255 : vector<2048x128xi1> to vector<2048x128xi32>
    %convert_element_type3A_257 = arith.sitofp %convert_element_type3A_256 : vector<2048x128xi32> to vector<2048x128xf32>
    %dot_general3A_258 = arith.constant dense<0.000000e+00> : vector<6x128xf32>
    %dot_general3A_259 = tpu.matmul %get3A_13, %convert_element_type3A_257, %dot_general3A_258 {dimension_numbers = #tpu.dot_dimension_numbers<[1], [0], [0], [1], [0, 0, 1, 1], [], []>, precision = #tpu.contract_precision<fp32>, transpose_lhs_hint = false} : vector<6x2048xf32>, vector<2048x128xf32>, vector<6x128xf32> -> vector<6x128xf32>
    %gt3A_260 = arith.constant 8.000000e+00 : f32
    %gt3A_261 = vector.broadcast %gt3A_260 : f32 to vector<1x128xf32>
    %gt3A_262 = arith.cmpf ogt, %slice3A_82, %gt3A_261 : vector<1x128xf32>
    %broadcast_in_dim3A_263 = vector.shape_cast %gt3A_262 : vector<1x128xi1> to vector<1x128xi1>
    %broadcast_in_dim3A_264 = vector.broadcast %broadcast_in_dim3A_263 : vector<1x128xi1> to vector<6x128xi1>
    %select_n3A_265 = arith.select %broadcast_in_dim3A_264, %dot_general3A_259, %select_n3A : vector<6x128xi1>, vector<6x128xf32>
    %sub3A_266 = arith.subf %select_n3A_265, %concatenate3A_89 : vector<6x128xf32>
    %swap3A_267 = arith.constant 0 : index
    %swap3A_268 = arith.constant 8 : index
    %swap3A_269 = arith.constant 0 : index
    %swap3A_270 = arith.constant 0 : index
    %swap3A_271 = vector.load %arg7[%swap3A_267, %swap3A_268, %swap3A_269, %swap3A_270] : memref<1x32x6x128xf32, #tpu.memory_space<vmem>>, vector<1x1x6x128xf32>
    %swap3A_272 = vector.shape_cast %swap3A_271 : vector<1x1x6x128xf32> to vector<6x128xf32>
    %swap3A_273 = vector.shape_cast %sub3A_266 : vector<6x128xf32> to vector<1x1x6x128xf32>
    tpu.vector_store %arg7[%swap3A_267, %swap3A_268, %swap3A_269, %swap3A_270], %swap3A_273 {strides = array<i32>} : memref<1x32x6x128xf32, #tpu.memory_space<vmem>>, vector<1x1x6x128xf32>,
    %eq3A_274 = arith.constant 1.000000e+01 : f32
    %eq3A_275 = vector.broadcast %eq3A_274 : f32 to vector<2048x128xf32>
    %eq3A_276 = arith.cmpf oeq, %mul3A_83, %eq3A_275 : vector<2048x128xf32>
    %convert_element_type3A_277 = arith.extui %eq3A_276 : vector<2048x128xi1> to vector<2048x128xi32>
    %convert_element_type3A_278 = arith.sitofp %convert_element_type3A_277 : vector<2048x128xi32> to vector<2048x128xf32>
    %dot_general3A_279 = arith.constant dense<0.000000e+00> : vector<6x128xf32>
    %dot_general3A_280 = tpu.matmul %get3A_13, %convert_element_type3A_278, %dot_general3A_279 {dimension_numbers = #tpu.dot_dimension_numbers<[1], [0], [0], [1], [0, 0, 1, 1], [], []>, precision = #tpu.contract_precision<fp32>, transpose_lhs_hint = false} : vector<6x2048xf32>, vector<2048x128xf32>, vector<6x128xf32> -> vector<6x128xf32>
    %gt3A_281 = arith.constant 9.000000e+00 : f32
    %gt3A_282 = vector.broadcast %gt3A_281 : f32 to vector<1x128xf32>
    %gt3A_283 = arith.cmpf ogt, %slice3A_82, %gt3A_282 : vector<1x128xf32>
    %broadcast_in_dim3A_284 = vector.shape_cast %gt3A_283 : vector<1x128xi1> to vector<1x128xi1>
    %broadcast_in_dim3A_285 = vector.broadcast %broadcast_in_dim3A_284 : vector<1x128xi1> to vector<6x128xi1>
    %select_n3A_286 = arith.select %broadcast_in_dim3A_285, %dot_general3A_280, %select_n3A : vector<6x128xi1>, vector<6x128xf32>
    %sub3A_287 = arith.subf %select_n3A_286, %concatenate3A_89 : vector<6x128xf32>
    %swap3A_288 = arith.constant 0 : index
    %swap3A_289 = arith.constant 9 : index
    %swap3A_290 = arith.constant 0 : index
    %swap3A_291 = arith.constant 0 : index
    %swap3A_292 = vector.load %arg7[%swap3A_288, %swap3A_289, %swap3A_290, %swap3A_291] : memref<1x32x6x128xf32, #tpu.memory_space<vmem>>, vector<1x1x6x128xf32>
    %swap3A_293 = vector.shape_cast %swap3A_292 : vector<1x1x6x128xf32> to vector<6x128xf32>
    %swap3A_294 = vector.shape_cast %sub3A_287 : vector<6x128xf32> to vector<1x1x6x128xf32>
    tpu.vector_store %arg7[%swap3A_288, %swap3A_289, %swap3A_290, %swap3A_291], %swap3A_294 {strides = array<i32>} : memref<1x32x6x128xf32, #tpu.memory_space<vmem>>, vector<1x1x6x128xf32>,
    %eq3A_295 = arith.constant 1.100000e+01 : f32
    %eq3A_296 = vector.broadcast %eq3A_295 : f32 to vector<2048x128xf32>
    %eq3A_297 = arith.cmpf oeq, %mul3A_83, %eq3A_296 : vector<2048x128xf32>
    %convert_element_type3A_298 = arith.extui %eq3A_297 : vector<2048x128xi1> to vector<2048x128xi32>
    %convert_element_type3A_299 = arith.sitofp %convert_element_type3A_298 : vector<2048x128xi32> to vector<2048x128xf32>
    %dot_general3A_300 = arith.constant dense<0.000000e+00> : vector<6x128xf32>
    %dot_general3A_301 = tpu.matmul %get3A_13, %convert_element_type3A_299, %dot_general3A_300 {dimension_numbers = #tpu.dot_dimension_numbers<[1], [0], [0], [1], [0, 0, 1, 1], [], []>, precision = #tpu.contract_precision<fp32>, transpose_lhs_hint = false} : vector<6x2048xf32>, vector<2048x128xf32>, vector<6x128xf32> -> vector<6x128xf32>
    %gt3A_302 = arith.constant 1.000000e+01 : f32
    %gt3A_303 = vector.broadcast %gt3A_302 : f32 to vector<1x128xf32>
    %gt3A_304 = arith.cmpf ogt, %slice3A_82, %gt3A_303 : vector<1x128xf32>
    %broadcast_in_dim3A_305 = vector.shape_cast %gt3A_304 : vector<1x128xi1> to vector<1x128xi1>
    %broadcast_in_dim3A_306 = vector.broadcast %broadcast_in_dim3A_305 : vector<1x128xi1> to vector<6x128xi1>
    %select_n3A_307 = arith.select %broadcast_in_dim3A_306, %dot_general3A_301, %select_n3A : vector<6x128xi1>, vector<6x128xf32>
    %sub3A_308 = arith.subf %select_n3A_307, %concatenate3A_89 : vector<6x128xf32>
    %swap3A_309 = arith.constant 0 : index
    %swap3A_310 = arith.constant 10 : index
    %swap3A_311 = arith.constant 0 : index
    %swap3A_312 = arith.constant 0 : index
    %swap3A_313 = vector.load %arg7[%swap3A_309, %swap3A_310, %swap3A_311, %swap3A_312] : memref<1x32x6x128xf32, #tpu.memory_space<vmem>>, vector<1x1x6x128xf32>
    %swap3A_314 = vector.shape_cast %swap3A_313 : vector<1x1x6x128xf32> to vector<6x128xf32>
    %swap3A_315 = vector.shape_cast %sub3A_308 : vector<6x128xf32> to vector<1x1x6x128xf32>
    tpu.vector_store %arg7[%swap3A_309, %swap3A_310, %swap3A_311, %swap3A_312], %swap3A_315 {strides = array<i32>} : memref<1x32x6x128xf32, #tpu.memory_space<vmem>>, vector<1x1x6x128xf32>,
    %eq3A_316 = arith.constant 1.200000e+01 : f32
    %eq3A_317 = vector.broadcast %eq3A_316 : f32 to vector<2048x128xf32>
    %eq3A_318 = arith.cmpf oeq, %mul3A_83, %eq3A_317 : vector<2048x128xf32>
    %convert_element_type3A_319 = arith.extui %eq3A_318 : vector<2048x128xi1> to vector<2048x128xi32>
    %convert_element_type3A_320 = arith.sitofp %convert_element_type3A_319 : vector<2048x128xi32> to vector<2048x128xf32>
    %dot_general3A_321 = arith.constant dense<0.000000e+00> : vector<6x128xf32>
    %dot_general3A_322 = tpu.matmul %get3A_13, %convert_element_type3A_320, %dot_general3A_321 {dimension_numbers = #tpu.dot_dimension_numbers<[1], [0], [0], [1], [0, 0, 1, 1], [], []>, precision = #tpu.contract_precision<fp32>, transpose_lhs_hint = false} : vector<6x2048xf32>, vector<2048x128xf32>, vector<6x128xf32> -> vector<6x128xf32>
    %gt3A_323 = arith.constant 1.100000e+01 : f32
    %gt3A_324 = vector.broadcast %gt3A_323 : f32 to vector<1x128xf32>
    %gt3A_325 = arith.cmpf ogt, %slice3A_82, %gt3A_324 : vector<1x128xf32>
    %broadcast_in_dim3A_326 = vector.shape_cast %gt3A_325 : vector<1x128xi1> to vector<1x128xi1>
    %broadcast_in_dim3A_327 = vector.broadcast %broadcast_in_dim3A_326 : vector<1x128xi1> to vector<6x128xi1>
    %select_n3A_328 = arith.select %broadcast_in_dim3A_327, %dot_general3A_322, %select_n3A : vector<6x128xi1>, vector<6x128xf32>
    %sub3A_329 = arith.subf %select_n3A_328, %concatenate3A_89 : vector<6x128xf32>
    %swap3A_330 = arith.constant 0 : index
    %swap3A_331 = arith.constant 11 : index
    %swap3A_332 = arith.constant 0 : index
    %swap3A_333 = arith.constant 0 : index
    %swap3A_334 = vector.load %arg7[%swap3A_330, %swap3A_331, %swap3A_332, %swap3A_333] : memref<1x32x6x128xf32, #tpu.memory_space<vmem>>, vector<1x1x6x128xf32>
    %swap3A_335 = vector.shape_cast %swap3A_334 : vector<1x1x6x128xf32> to vector<6x128xf32>
    %swap3A_336 = vector.shape_cast %sub3A_329 : vector<6x128xf32> to vector<1x1x6x128xf32>
    tpu.vector_store %arg7[%swap3A_330, %swap3A_331, %swap3A_332, %swap3A_333], %swap3A_336 {strides = array<i32>} : memref<1x32x6x128xf32, #tpu.memory_space<vmem>>, vector<1x1x6x128xf32>,
    %eq3A_337 = arith.constant 1.300000e+01 : f32
    %eq3A_338 = vector.broadcast %eq3A_337 : f32 to vector<2048x128xf32>
    %eq3A_339 = arith.cmpf oeq, %mul3A_83, %eq3A_338 : vector<2048x128xf32>
    %convert_element_type3A_340 = arith.extui %eq3A_339 : vector<2048x128xi1> to vector<2048x128xi32>
    %convert_element_type3A_341 = arith.sitofp %convert_element_type3A_340 : vector<2048x128xi32> to vector<2048x128xf32>
    %dot_general3A_342 = arith.constant dense<0.000000e+00> : vector<6x128xf32>
    %dot_general3A_343 = tpu.matmul %get3A_13, %convert_element_type3A_341, %dot_general3A_342 {dimension_numbers = #tpu.dot_dimension_numbers<[1], [0], [0], [1], [0, 0, 1, 1], [], []>, precision = #tpu.contract_precision<fp32>, transpose_lhs_hint = false} : vector<6x2048xf32>, vector<2048x128xf32>, vector<6x128xf32> -> vector<6x128xf32>
    %gt3A_344 = arith.constant 1.200000e+01 : f32
    %gt3A_345 = vector.broadcast %gt3A_344 : f32 to vector<1x128xf32>
    %gt3A_346 = arith.cmpf ogt, %slice3A_82, %gt3A_345 : vector<1x128xf32>
    %broadcast_in_dim3A_347 = vector.shape_cast %gt3A_346 : vector<1x128xi1> to vector<1x128xi1>
    %broadcast_in_dim3A_348 = vector.broadcast %broadcast_in_dim3A_347 : vector<1x128xi1> to vector<6x128xi1>
    %select_n3A_349 = arith.select %broadcast_in_dim3A_348, %dot_general3A_343, %select_n3A : vector<6x128xi1>, vector<6x128xf32>
    %sub3A_350 = arith.subf %select_n3A_349, %concatenate3A_89 : vector<6x128xf32>
    %swap3A_351 = arith.constant 0 : index
    %swap3A_352 = arith.constant 12 : index
    %swap3A_353 = arith.constant 0 : index
    %swap3A_354 = arith.constant 0 : index
    %swap3A_355 = vector.load %arg7[%swap3A_351, %swap3A_352, %swap3A_353, %swap3A_354] : memref<1x32x6x128xf32, #tpu.memory_space<vmem>>, vector<1x1x6x128xf32>
    %swap3A_356 = vector.shape_cast %swap3A_355 : vector<1x1x6x128xf32> to vector<6x128xf32>
    %swap3A_357 = vector.shape_cast %sub3A_350 : vector<6x128xf32> to vector<1x1x6x128xf32>
    tpu.vector_store %arg7[%swap3A_351, %swap3A_352, %swap3A_353, %swap3A_354], %swap3A_357 {strides = array<i32>} : memref<1x32x6x128xf32, #tpu.memory_space<vmem>>, vector<1x1x6x128xf32>,
    %eq3A_358 = arith.constant 1.400000e+01 : f32
    %eq3A_359 = vector.broadcast %eq3A_358 : f32 to vector<2048x128xf32>
    %eq3A_360 = arith.cmpf oeq, %mul3A_83, %eq3A_359 : vector<2048x128xf32>
    %convert_element_type3A_361 = arith.extui %eq3A_360 : vector<2048x128xi1> to vector<2048x128xi32>
    %convert_element_type3A_362 = arith.sitofp %convert_element_type3A_361 : vector<2048x128xi32> to vector<2048x128xf32>
    %dot_general3A_363 = arith.constant dense<0.000000e+00> : vector<6x128xf32>
    %dot_general3A_364 = tpu.matmul %get3A_13, %convert_element_type3A_362, %dot_general3A_363 {dimension_numbers = #tpu.dot_dimension_numbers<[1], [0], [0], [1], [0, 0, 1, 1], [], []>, precision = #tpu.contract_precision<fp32>, transpose_lhs_hint = false} : vector<6x2048xf32>, vector<2048x128xf32>, vector<6x128xf32> -> vector<6x128xf32>
    %gt3A_365 = arith.constant 1.300000e+01 : f32
    %gt3A_366 = vector.broadcast %gt3A_365 : f32 to vector<1x128xf32>
    %gt3A_367 = arith.cmpf ogt, %slice3A_82, %gt3A_366 : vector<1x128xf32>
    %broadcast_in_dim3A_368 = vector.shape_cast %gt3A_367 : vector<1x128xi1> to vector<1x128xi1>
    %broadcast_in_dim3A_369 = vector.broadcast %broadcast_in_dim3A_368 : vector<1x128xi1> to vector<6x128xi1>
    %select_n3A_370 = arith.select %broadcast_in_dim3A_369, %dot_general3A_364, %select_n3A : vector<6x128xi1>, vector<6x128xf32>
    %sub3A_371 = arith.subf %select_n3A_370, %concatenate3A_89 : vector<6x128xf32>
    %swap3A_372 = arith.constant 0 : index
    %swap3A_373 = arith.constant 13 : index
    %swap3A_374 = arith.constant 0 : index
    %swap3A_375 = arith.constant 0 : index
    %swap3A_376 = vector.load %arg7[%swap3A_372, %swap3A_373, %swap3A_374, %swap3A_375] : memref<1x32x6x128xf32, #tpu.memory_space<vmem>>, vector<1x1x6x128xf32>
    %swap3A_377 = vector.shape_cast %swap3A_376 : vector<1x1x6x128xf32> to vector<6x128xf32>
    %swap3A_378 = vector.shape_cast %sub3A_371 : vector<6x128xf32> to vector<1x1x6x128xf32>
    tpu.vector_store %arg7[%swap3A_372, %swap3A_373, %swap3A_374, %swap3A_375], %swap3A_378 {strides = array<i32>} : memref<1x32x6x128xf32, #tpu.memory_space<vmem>>, vector<1x1x6x128xf32>,
    %eq3A_379 = arith.constant 1.500000e+01 : f32
    %eq3A_380 = vector.broadcast %eq3A_379 : f32 to vector<2048x128xf32>
    %eq3A_381 = arith.cmpf oeq, %mul3A_83, %eq3A_380 : vector<2048x128xf32>
    %convert_element_type3A_382 = arith.extui %eq3A_381 : vector<2048x128xi1> to vector<2048x128xi32>
    %convert_element_type3A_383 = arith.sitofp %convert_element_type3A_382 : vector<2048x128xi32> to vector<2048x128xf32>
    %dot_general3A_384 = arith.constant dense<0.000000e+00> : vector<6x128xf32>
    %dot_general3A_385 = tpu.matmul %get3A_13, %convert_element_type3A_383, %dot_general3A_384 {dimension_numbers = #tpu.dot_dimension_numbers<[1], [0], [0], [1], [0, 0, 1, 1], [], []>, precision = #tpu.contract_precision<fp32>, transpose_lhs_hint = false} : vector<6x2048xf32>, vector<2048x128xf32>, vector<6x128xf32> -> vector<6x128xf32>
    %gt3A_386 = arith.constant 1.400000e+01 : f32
    %gt3A_387 = vector.broadcast %gt3A_386 : f32 to vector<1x128xf32>
    %gt3A_388 = arith.cmpf ogt, %slice3A_82, %gt3A_387 : vector<1x128xf32>
    %broadcast_in_dim3A_389 = vector.shape_cast %gt3A_388 : vector<1x128xi1> to vector<1x128xi1>
    %broadcast_in_dim3A_390 = vector.broadcast %broadcast_in_dim3A_389 : vector<1x128xi1> to vector<6x128xi1>
    %select_n3A_391 = arith.select %broadcast_in_dim3A_390, %dot_general3A_385, %select_n3A : vector<6x128xi1>, vector<6x128xf32>
    %sub3A_392 = arith.subf %select_n3A_391, %concatenate3A_89 : vector<6x128xf32>
    %swap3A_393 = arith.constant 0 : index
    %swap3A_394 = arith.constant 14 : index
    %swap3A_395 = arith.constant 0 : index
    %swap3A_396 = arith.constant 0 : index
    %swap3A_397 = vector.load %arg7[%swap3A_393, %swap3A_394, %swap3A_395, %swap3A_396] : memref<1x32x6x128xf32, #tpu.memory_space<vmem>>, vector<1x1x6x128xf32>
    %swap3A_398 = vector.shape_cast %swap3A_397 : vector<1x1x6x128xf32> to vector<6x128xf32>
    %swap3A_399 = vector.shape_cast %sub3A_392 : vector<6x128xf32> to vector<1x1x6x128xf32>
    tpu.vector_store %arg7[%swap3A_393, %swap3A_394, %swap3A_395, %swap3A_396], %swap3A_399 {strides = array<i32>} : memref<1x32x6x128xf32, #tpu.memory_space<vmem>>, vector<1x1x6x128xf32>,
    %eq3A_400 = arith.constant 1.600000e+01 : f32
    %eq3A_401 = vector.broadcast %eq3A_400 : f32 to vector<2048x128xf32>
    %eq3A_402 = arith.cmpf oeq, %mul3A_83, %eq3A_401 : vector<2048x128xf32>
    %convert_element_type3A_403 = arith.extui %eq3A_402 : vector<2048x128xi1> to vector<2048x128xi32>
    %convert_element_type3A_404 = arith.sitofp %convert_element_type3A_403 : vector<2048x128xi32> to vector<2048x128xf32>
    %dot_general3A_405 = arith.constant dense<0.000000e+00> : vector<6x128xf32>
    %dot_general3A_406 = tpu.matmul %get3A_13, %convert_element_type3A_404, %dot_general3A_405 {dimension_numbers = #tpu.dot_dimension_numbers<[1], [0], [0], [1], [0, 0, 1, 1], [], []>, precision = #tpu.contract_precision<fp32>, transpose_lhs_hint = false} : vector<6x2048xf32>, vector<2048x128xf32>, vector<6x128xf32> -> vector<6x128xf32>
    %gt3A_407 = arith.constant 1.500000e+01 : f32
    %gt3A_408 = vector.broadcast %gt3A_407 : f32 to vector<1x128xf32>
    %gt3A_409 = arith.cmpf ogt, %slice3A_82, %gt3A_408 : vector<1x128xf32>
    %broadcast_in_dim3A_410 = vector.shape_cast %gt3A_409 : vector<1x128xi1> to vector<1x128xi1>
    %broadcast_in_dim3A_411 = vector.broadcast %broadcast_in_dim3A_410 : vector<1x128xi1> to vector<6x128xi1>
    %select_n3A_412 = arith.select %broadcast_in_dim3A_411, %dot_general3A_406, %select_n3A : vector<6x128xi1>, vector<6x128xf32>
    %sub3A_413 = arith.subf %select_n3A_412, %concatenate3A_89 : vector<6x128xf32>
    %swap3A_414 = arith.constant 0 : index
    %swap3A_415 = arith.constant 15 : index
    %swap3A_416 = arith.constant 0 : index
    %swap3A_417 = arith.constant 0 : index
    %swap3A_418 = vector.load %arg7[%swap3A_414, %swap3A_415, %swap3A_416, %swap3A_417] : memref<1x32x6x128xf32, #tpu.memory_space<vmem>>, vector<1x1x6x128xf32>
    %swap3A_419 = vector.shape_cast %swap3A_418 : vector<1x1x6x128xf32> to vector<6x128xf32>
    %swap3A_420 = vector.shape_cast %sub3A_413 : vector<6x128xf32> to vector<1x1x6x128xf32>
    tpu.vector_store %arg7[%swap3A_414, %swap3A_415, %swap3A_416, %swap3A_417], %swap3A_420 {strides = array<i32>} : memref<1x32x6x128xf32, #tpu.memory_space<vmem>>, vector<1x1x6x128xf32>,
    %eq3A_421 = arith.constant 1.700000e+01 : f32
    %eq3A_422 = vector.broadcast %eq3A_421 : f32 to vector<2048x128xf32>
    %eq3A_423 = arith.cmpf oeq, %mul3A_83, %eq3A_422 : vector<2048x128xf32>
    %convert_element_type3A_424 = arith.extui %eq3A_423 : vector<2048x128xi1> to vector<2048x128xi32>
    %convert_element_type3A_425 = arith.sitofp %convert_element_type3A_424 : vector<2048x128xi32> to vector<2048x128xf32>
    %dot_general3A_426 = arith.constant dense<0.000000e+00> : vector<6x128xf32>
    %dot_general3A_427 = tpu.matmul %get3A_13, %convert_element_type3A_425, %dot_general3A_426 {dimension_numbers = #tpu.dot_dimension_numbers<[1], [0], [0], [1], [0, 0, 1, 1], [], []>, precision = #tpu.contract_precision<fp32>, transpose_lhs_hint = false} : vector<6x2048xf32>, vector<2048x128xf32>, vector<6x128xf32> -> vector<6x128xf32>
    %gt3A_428 = arith.constant 1.600000e+01 : f32
    %gt3A_429 = vector.broadcast %gt3A_428 : f32 to vector<1x128xf32>
    %gt3A_430 = arith.cmpf ogt, %slice3A_82, %gt3A_429 : vector<1x128xf32>
    %broadcast_in_dim3A_431 = vector.shape_cast %gt3A_430 : vector<1x128xi1> to vector<1x128xi1>
    %broadcast_in_dim3A_432 = vector.broadcast %broadcast_in_dim3A_431 : vector<1x128xi1> to vector<6x128xi1>
    %select_n3A_433 = arith.select %broadcast_in_dim3A_432, %dot_general3A_427, %select_n3A : vector<6x128xi1>, vector<6x128xf32>
    %sub3A_434 = arith.subf %select_n3A_433, %concatenate3A_89 : vector<6x128xf32>
    %swap3A_435 = arith.constant 0 : index
    %swap3A_436 = arith.constant 16 : index
    %swap3A_437 = arith.constant 0 : index
    %swap3A_438 = arith.constant 0 : index
    %swap3A_439 = vector.load %arg7[%swap3A_435, %swap3A_436, %swap3A_437, %swap3A_438] : memref<1x32x6x128xf32, #tpu.memory_space<vmem>>, vector<1x1x6x128xf32>
    %swap3A_440 = vector.shape_cast %swap3A_439 : vector<1x1x6x128xf32> to vector<6x128xf32>
    %swap3A_441 = vector.shape_cast %sub3A_434 : vector<6x128xf32> to vector<1x1x6x128xf32>
    tpu.vector_store %arg7[%swap3A_435, %swap3A_436, %swap3A_437, %swap3A_438], %swap3A_441 {strides = array<i32>} : memref<1x32x6x128xf32, #tpu.memory_space<vmem>>, vector<1x1x6x128xf32>,
    %eq3A_442 = arith.constant 1.800000e+01 : f32
    %eq3A_443 = vector.broadcast %eq3A_442 : f32 to vector<2048x128xf32>
    %eq3A_444 = arith.cmpf oeq, %mul3A_83, %eq3A_443 : vector<2048x128xf32>
    %convert_element_type3A_445 = arith.extui %eq3A_444 : vector<2048x128xi1> to vector<2048x128xi32>
    %convert_element_type3A_446 = arith.sitofp %convert_element_type3A_445 : vector<2048x128xi32> to vector<2048x128xf32>
    %dot_general3A_447 = arith.constant dense<0.000000e+00> : vector<6x128xf32>
    %dot_general3A_448 = tpu.matmul %get3A_13, %convert_element_type3A_446, %dot_general3A_447 {dimension_numbers = #tpu.dot_dimension_numbers<[1], [0], [0], [1], [0, 0, 1, 1], [], []>, precision = #tpu.contract_precision<fp32>, transpose_lhs_hint = false} : vector<6x2048xf32>, vector<2048x128xf32>, vector<6x128xf32> -> vector<6x128xf32>
    %gt3A_449 = arith.constant 1.700000e+01 : f32
    %gt3A_450 = vector.broadcast %gt3A_449 : f32 to vector<1x128xf32>
    %gt3A_451 = arith.cmpf ogt, %slice3A_82, %gt3A_450 : vector<1x128xf32>
    %broadcast_in_dim3A_452 = vector.shape_cast %gt3A_451 : vector<1x128xi1> to vector<1x128xi1>
    %broadcast_in_dim3A_453 = vector.broadcast %broadcast_in_dim3A_452 : vector<1x128xi1> to vector<6x128xi1>
    %select_n3A_454 = arith.select %broadcast_in_dim3A_453, %dot_general3A_448, %select_n3A : vector<6x128xi1>, vector<6x128xf32>
    %sub3A_455 = arith.subf %select_n3A_454, %concatenate3A_89 : vector<6x128xf32>
    %swap3A_456 = arith.constant 0 : index
    %swap3A_457 = arith.constant 17 : index
    %swap3A_458 = arith.constant 0 : index
    %swap3A_459 = arith.constant 0 : index
    %swap3A_460 = vector.load %arg7[%swap3A_456, %swap3A_457, %swap3A_458, %swap3A_459] : memref<1x32x6x128xf32, #tpu.memory_space<vmem>>, vector<1x1x6x128xf32>
    %swap3A_461 = vector.shape_cast %swap3A_460 : vector<1x1x6x128xf32> to vector<6x128xf32>
    %swap3A_462 = vector.shape_cast %sub3A_455 : vector<6x128xf32> to vector<1x1x6x128xf32>
    tpu.vector_store %arg7[%swap3A_456, %swap3A_457, %swap3A_458, %swap3A_459], %swap3A_462 {strides = array<i32>} : memref<1x32x6x128xf32, #tpu.memory_space<vmem>>, vector<1x1x6x128xf32>,
    %eq3A_463 = arith.constant 1.900000e+01 : f32
    %eq3A_464 = vector.broadcast %eq3A_463 : f32 to vector<2048x128xf32>
    %eq3A_465 = arith.cmpf oeq, %mul3A_83, %eq3A_464 : vector<2048x128xf32>
    %convert_element_type3A_466 = arith.extui %eq3A_465 : vector<2048x128xi1> to vector<2048x128xi32>
    %convert_element_type3A_467 = arith.sitofp %convert_element_type3A_466 : vector<2048x128xi32> to vector<2048x128xf32>
    %dot_general3A_468 = arith.constant dense<0.000000e+00> : vector<6x128xf32>
    %dot_general3A_469 = tpu.matmul %get3A_13, %convert_element_type3A_467, %dot_general3A_468 {dimension_numbers = #tpu.dot_dimension_numbers<[1], [0], [0], [1], [0, 0, 1, 1], [], []>, precision = #tpu.contract_precision<fp32>, transpose_lhs_hint = false} : vector<6x2048xf32>, vector<2048x128xf32>, vector<6x128xf32> -> vector<6x128xf32>
    %gt3A_470 = arith.constant 1.800000e+01 : f32
    %gt3A_471 = vector.broadcast %gt3A_470 : f32 to vector<1x128xf32>
    %gt3A_472 = arith.cmpf ogt, %slice3A_82, %gt3A_471 : vector<1x128xf32>
    %broadcast_in_dim3A_473 = vector.shape_cast %gt3A_472 : vector<1x128xi1> to vector<1x128xi1>
    %broadcast_in_dim3A_474 = vector.broadcast %broadcast_in_dim3A_473 : vector<1x128xi1> to vector<6x128xi1>
    %select_n3A_475 = arith.select %broadcast_in_dim3A_474, %dot_general3A_469, %select_n3A : vector<6x128xi1>, vector<6x128xf32>
    %sub3A_476 = arith.subf %select_n3A_475, %concatenate3A_89 : vector<6x128xf32>
    %swap3A_477 = arith.constant 0 : index
    %swap3A_478 = arith.constant 18 : index
    %swap3A_479 = arith.constant 0 : index
    %swap3A_480 = arith.constant 0 : index
    %swap3A_481 = vector.load %arg7[%swap3A_477, %swap3A_478, %swap3A_479, %swap3A_480] : memref<1x32x6x128xf32, #tpu.memory_space<vmem>>, vector<1x1x6x128xf32>
    %swap3A_482 = vector.shape_cast %swap3A_481 : vector<1x1x6x128xf32> to vector<6x128xf32>
    %swap3A_483 = vector.shape_cast %sub3A_476 : vector<6x128xf32> to vector<1x1x6x128xf32>
    tpu.vector_store %arg7[%swap3A_477, %swap3A_478, %swap3A_479, %swap3A_480], %swap3A_483 {strides = array<i32>} : memref<1x32x6x128xf32, #tpu.memory_space<vmem>>, vector<1x1x6x128xf32>,
    %eq3A_484 = arith.constant 2.000000e+01 : f32
    %eq3A_485 = vector.broadcast %eq3A_484 : f32 to vector<2048x128xf32>
    %eq3A_486 = arith.cmpf oeq, %mul3A_83, %eq3A_485 : vector<2048x128xf32>
    %convert_element_type3A_487 = arith.extui %eq3A_486 : vector<2048x128xi1> to vector<2048x128xi32>
    %convert_element_type3A_488 = arith.sitofp %convert_element_type3A_487 : vector<2048x128xi32> to vector<2048x128xf32>
    %dot_general3A_489 = arith.constant dense<0.000000e+00> : vector<6x128xf32>
    %dot_general3A_490 = tpu.matmul %get3A_13, %convert_element_type3A_488, %dot_general3A_489 {dimension_numbers = #tpu.dot_dimension_numbers<[1], [0], [0], [1], [0, 0, 1, 1], [], []>, precision = #tpu.contract_precision<fp32>, transpose_lhs_hint = false} : vector<6x2048xf32>, vector<2048x128xf32>, vector<6x128xf32> -> vector<6x128xf32>
    %gt3A_491 = arith.constant 1.900000e+01 : f32
    %gt3A_492 = vector.broadcast %gt3A_491 : f32 to vector<1x128xf32>
    %gt3A_493 = arith.cmpf ogt, %slice3A_82, %gt3A_492 : vector<1x128xf32>
    %broadcast_in_dim3A_494 = vector.shape_cast %gt3A_493 : vector<1x128xi1> to vector<1x128xi1>
    %broadcast_in_dim3A_495 = vector.broadcast %broadcast_in_dim3A_494 : vector<1x128xi1> to vector<6x128xi1>
    %select_n3A_496 = arith.select %broadcast_in_dim3A_495, %dot_general3A_490, %select_n3A : vector<6x128xi1>, vector<6x128xf32>
    %sub3A_497 = arith.subf %select_n3A_496, %concatenate3A_89 : vector<6x128xf32>
    %swap3A_498 = arith.constant 0 : index
    %swap3A_499 = arith.constant 19 : index
    %swap3A_500 = arith.constant 0 : index
    %swap3A_501 = arith.constant 0 : index
    %swap3A_502 = vector.load %arg7[%swap3A_498, %swap3A_499, %swap3A_500, %swap3A_501] : memref<1x32x6x128xf32, #tpu.memory_space<vmem>>, vector<1x1x6x128xf32>
    %swap3A_503 = vector.shape_cast %swap3A_502 : vector<1x1x6x128xf32> to vector<6x128xf32>
    %swap3A_504 = vector.shape_cast %sub3A_497 : vector<6x128xf32> to vector<1x1x6x128xf32>
    tpu.vector_store %arg7[%swap3A_498, %swap3A_499, %swap3A_500, %swap3A_501], %swap3A_504 {strides = array<i32>} : memref<1x32x6x128xf32, #tpu.memory_space<vmem>>, vector<1x1x6x128xf32>,
    %eq3A_505 = arith.constant 2.100000e+01 : f32
    %eq3A_506 = vector.broadcast %eq3A_505 : f32 to vector<2048x128xf32>
    %eq3A_507 = arith.cmpf oeq, %mul3A_83, %eq3A_506 : vector<2048x128xf32>
    %convert_element_type3A_508 = arith.extui %eq3A_507 : vector<2048x128xi1> to vector<2048x128xi32>
    %convert_element_type3A_509 = arith.sitofp %convert_element_type3A_508 : vector<2048x128xi32> to vector<2048x128xf32>
    %dot_general3A_510 = arith.constant dense<0.000000e+00> : vector<6x128xf32>
    %dot_general3A_511 = tpu.matmul %get3A_13, %convert_element_type3A_509, %dot_general3A_510 {dimension_numbers = #tpu.dot_dimension_numbers<[1], [0], [0], [1], [0, 0, 1, 1], [], []>, precision = #tpu.contract_precision<fp32>, transpose_lhs_hint = false} : vector<6x2048xf32>, vector<2048x128xf32>, vector<6x128xf32> -> vector<6x128xf32>
    %gt3A_512 = arith.constant 2.000000e+01 : f32
    %gt3A_513 = vector.broadcast %gt3A_512 : f32 to vector<1x128xf32>
    %gt3A_514 = arith.cmpf ogt, %slice3A_82, %gt3A_513 : vector<1x128xf32>
    %broadcast_in_dim3A_515 = vector.shape_cast %gt3A_514 : vector<1x128xi1> to vector<1x128xi1>
    %broadcast_in_dim3A_516 = vector.broadcast %broadcast_in_dim3A_515 : vector<1x128xi1> to vector<6x128xi1>
    %select_n3A_517 = arith.select %broadcast_in_dim3A_516, %dot_general3A_511, %select_n3A : vector<6x128xi1>, vector<6x128xf32>
    %sub3A_518 = arith.subf %select_n3A_517, %concatenate3A_89 : vector<6x128xf32>
    %swap3A_519 = arith.constant 0 : index
    %swap3A_520 = arith.constant 20 : index
    %swap3A_521 = arith.constant 0 : index
    %swap3A_522 = arith.constant 0 : index
    %swap3A_523 = vector.load %arg7[%swap3A_519, %swap3A_520, %swap3A_521, %swap3A_522] : memref<1x32x6x128xf32, #tpu.memory_space<vmem>>, vector<1x1x6x128xf32>
    %swap3A_524 = vector.shape_cast %swap3A_523 : vector<1x1x6x128xf32> to vector<6x128xf32>
    %swap3A_525 = vector.shape_cast %sub3A_518 : vector<6x128xf32> to vector<1x1x6x128xf32>
    tpu.vector_store %arg7[%swap3A_519, %swap3A_520, %swap3A_521, %swap3A_522], %swap3A_525 {strides = array<i32>} : memref<1x32x6x128xf32, #tpu.memory_space<vmem>>, vector<1x1x6x128xf32>,
    %eq3A_526 = arith.constant 2.200000e+01 : f32
    %eq3A_527 = vector.broadcast %eq3A_526 : f32 to vector<2048x128xf32>
    %eq3A_528 = arith.cmpf oeq, %mul3A_83, %eq3A_527 : vector<2048x128xf32>
    %convert_element_type3A_529 = arith.extui %eq3A_528 : vector<2048x128xi1> to vector<2048x128xi32>
    %convert_element_type3A_530 = arith.sitofp %convert_element_type3A_529 : vector<2048x128xi32> to vector<2048x128xf32>
    %dot_general3A_531 = arith.constant dense<0.000000e+00> : vector<6x128xf32>
    %dot_general3A_532 = tpu.matmul %get3A_13, %convert_element_type3A_530, %dot_general3A_531 {dimension_numbers = #tpu.dot_dimension_numbers<[1], [0], [0], [1], [0, 0, 1, 1], [], []>, precision = #tpu.contract_precision<fp32>, transpose_lhs_hint = false} : vector<6x2048xf32>, vector<2048x128xf32>, vector<6x128xf32> -> vector<6x128xf32>
    %gt3A_533 = arith.constant 2.100000e+01 : f32
    %gt3A_534 = vector.broadcast %gt3A_533 : f32 to vector<1x128xf32>
    %gt3A_535 = arith.cmpf ogt, %slice3A_82, %gt3A_534 : vector<1x128xf32>
    %broadcast_in_dim3A_536 = vector.shape_cast %gt3A_535 : vector<1x128xi1> to vector<1x128xi1>
    %broadcast_in_dim3A_537 = vector.broadcast %broadcast_in_dim3A_536 : vector<1x128xi1> to vector<6x128xi1>
    %select_n3A_538 = arith.select %broadcast_in_dim3A_537, %dot_general3A_532, %select_n3A : vector<6x128xi1>, vector<6x128xf32>
    %sub3A_539 = arith.subf %select_n3A_538, %concatenate3A_89 : vector<6x128xf32>
    %swap3A_540 = arith.constant 0 : index
    %swap3A_541 = arith.constant 21 : index
    %swap3A_542 = arith.constant 0 : index
    %swap3A_543 = arith.constant 0 : index
    %swap3A_544 = vector.load %arg7[%swap3A_540, %swap3A_541, %swap3A_542, %swap3A_543] : memref<1x32x6x128xf32, #tpu.memory_space<vmem>>, vector<1x1x6x128xf32>
    %swap3A_545 = vector.shape_cast %swap3A_544 : vector<1x1x6x128xf32> to vector<6x128xf32>
    %swap3A_546 = vector.shape_cast %sub3A_539 : vector<6x128xf32> to vector<1x1x6x128xf32>
    tpu.vector_store %arg7[%swap3A_540, %swap3A_541, %swap3A_542, %swap3A_543], %swap3A_546 {strides = array<i32>} : memref<1x32x6x128xf32, #tpu.memory_space<vmem>>, vector<1x1x6x128xf32>,
    %eq3A_547 = arith.constant 2.300000e+01 : f32
    %eq3A_548 = vector.broadcast %eq3A_547 : f32 to vector<2048x128xf32>
    %eq3A_549 = arith.cmpf oeq, %mul3A_83, %eq3A_548 : vector<2048x128xf32>
    %convert_element_type3A_550 = arith.extui %eq3A_549 : vector<2048x128xi1> to vector<2048x128xi32>
    %convert_element_type3A_551 = arith.sitofp %convert_element_type3A_550 : vector<2048x128xi32> to vector<2048x128xf32>
    %dot_general3A_552 = arith.constant dense<0.000000e+00> : vector<6x128xf32>
    %dot_general3A_553 = tpu.matmul %get3A_13, %convert_element_type3A_551, %dot_general3A_552 {dimension_numbers = #tpu.dot_dimension_numbers<[1], [0], [0], [1], [0, 0, 1, 1], [], []>, precision = #tpu.contract_precision<fp32>, transpose_lhs_hint = false} : vector<6x2048xf32>, vector<2048x128xf32>, vector<6x128xf32> -> vector<6x128xf32>
    %gt3A_554 = arith.constant 2.200000e+01 : f32
    %gt3A_555 = vector.broadcast %gt3A_554 : f32 to vector<1x128xf32>
    %gt3A_556 = arith.cmpf ogt, %slice3A_82, %gt3A_555 : vector<1x128xf32>
    %broadcast_in_dim3A_557 = vector.shape_cast %gt3A_556 : vector<1x128xi1> to vector<1x128xi1>
    %broadcast_in_dim3A_558 = vector.broadcast %broadcast_in_dim3A_557 : vector<1x128xi1> to vector<6x128xi1>
    %select_n3A_559 = arith.select %broadcast_in_dim3A_558, %dot_general3A_553, %select_n3A : vector<6x128xi1>, vector<6x128xf32>
    %sub3A_560 = arith.subf %select_n3A_559, %concatenate3A_89 : vector<6x128xf32>
    %swap3A_561 = arith.constant 0 : index
    %swap3A_562 = arith.constant 22 : index
    %swap3A_563 = arith.constant 0 : index
    %swap3A_564 = arith.constant 0 : index
    %swap3A_565 = vector.load %arg7[%swap3A_561, %swap3A_562, %swap3A_563, %swap3A_564] : memref<1x32x6x128xf32, #tpu.memory_space<vmem>>, vector<1x1x6x128xf32>
    %swap3A_566 = vector.shape_cast %swap3A_565 : vector<1x1x6x128xf32> to vector<6x128xf32>
    %swap3A_567 = vector.shape_cast %sub3A_560 : vector<6x128xf32> to vector<1x1x6x128xf32>
    tpu.vector_store %arg7[%swap3A_561, %swap3A_562, %swap3A_563, %swap3A_564], %swap3A_567 {strides = array<i32>} : memref<1x32x6x128xf32, #tpu.memory_space<vmem>>, vector<1x1x6x128xf32>,
    %eq3A_568 = arith.constant 2.400000e+01 : f32
    %eq3A_569 = vector.broadcast %eq3A_568 : f32 to vector<2048x128xf32>
    %eq3A_570 = arith.cmpf oeq, %mul3A_83, %eq3A_569 : vector<2048x128xf32>
    %convert_element_type3A_571 = arith.extui %eq3A_570 : vector<2048x128xi1> to vector<2048x128xi32>
    %convert_element_type3A_572 = arith.sitofp %convert_element_type3A_571 : vector<2048x128xi32> to vector<2048x128xf32>
    %dot_general3A_573 = arith.constant dense<0.000000e+00> : vector<6x128xf32>
    %dot_general3A_574 = tpu.matmul %get3A_13, %convert_element_type3A_572, %dot_general3A_573 {dimension_numbers = #tpu.dot_dimension_numbers<[1], [0], [0], [1], [0, 0, 1, 1], [], []>, precision = #tpu.contract_precision<fp32>, transpose_lhs_hint = false} : vector<6x2048xf32>, vector<2048x128xf32>, vector<6x128xf32> -> vector<6x128xf32>
    %gt3A_575 = arith.constant 2.300000e+01 : f32
    %gt3A_576 = vector.broadcast %gt3A_575 : f32 to vector<1x128xf32>
    %gt3A_577 = arith.cmpf ogt, %slice3A_82, %gt3A_576 : vector<1x128xf32>
    %broadcast_in_dim3A_578 = vector.shape_cast %gt3A_577 : vector<1x128xi1> to vector<1x128xi1>
    %broadcast_in_dim3A_579 = vector.broadcast %broadcast_in_dim3A_578 : vector<1x128xi1> to vector<6x128xi1>
    %select_n3A_580 = arith.select %broadcast_in_dim3A_579, %dot_general3A_574, %select_n3A : vector<6x128xi1>, vector<6x128xf32>
    %sub3A_581 = arith.subf %select_n3A_580, %concatenate3A_89 : vector<6x128xf32>
    %swap3A_582 = arith.constant 0 : index
    %swap3A_583 = arith.constant 23 : index
    %swap3A_584 = arith.constant 0 : index
    %swap3A_585 = arith.constant 0 : index
    %swap3A_586 = vector.load %arg7[%swap3A_582, %swap3A_583, %swap3A_584, %swap3A_585] : memref<1x32x6x128xf32, #tpu.memory_space<vmem>>, vector<1x1x6x128xf32>
    %swap3A_587 = vector.shape_cast %swap3A_586 : vector<1x1x6x128xf32> to vector<6x128xf32>
    %swap3A_588 = vector.shape_cast %sub3A_581 : vector<6x128xf32> to vector<1x1x6x128xf32>
    tpu.vector_store %arg7[%swap3A_582, %swap3A_583, %swap3A_584, %swap3A_585], %swap3A_588 {strides = array<i32>} : memref<1x32x6x128xf32, #tpu.memory_space<vmem>>, vector<1x1x6x128xf32>,
    %eq3A_589 = arith.constant 2.500000e+01 : f32
    %eq3A_590 = vector.broadcast %eq3A_589 : f32 to vector<2048x128xf32>
    %eq3A_591 = arith.cmpf oeq, %mul3A_83, %eq3A_590 : vector<2048x128xf32>
    %convert_element_type3A_592 = arith.extui %eq3A_591 : vector<2048x128xi1> to vector<2048x128xi32>
    %convert_element_type3A_593 = arith.sitofp %convert_element_type3A_592 : vector<2048x128xi32> to vector<2048x128xf32>
    %dot_general3A_594 = arith.constant dense<0.000000e+00> : vector<6x128xf32>
    %dot_general3A_595 = tpu.matmul %get3A_13, %convert_element_type3A_593, %dot_general3A_594 {dimension_numbers = #tpu.dot_dimension_numbers<[1], [0], [0], [1], [0, 0, 1, 1], [], []>, precision = #tpu.contract_precision<fp32>, transpose_lhs_hint = false} : vector<6x2048xf32>, vector<2048x128xf32>, vector<6x128xf32> -> vector<6x128xf32>
    %gt3A_596 = arith.constant 2.400000e+01 : f32
    %gt3A_597 = vector.broadcast %gt3A_596 : f32 to vector<1x128xf32>
    %gt3A_598 = arith.cmpf ogt, %slice3A_82, %gt3A_597 : vector<1x128xf32>
    %broadcast_in_dim3A_599 = vector.shape_cast %gt3A_598 : vector<1x128xi1> to vector<1x128xi1>
    %broadcast_in_dim3A_600 = vector.broadcast %broadcast_in_dim3A_599 : vector<1x128xi1> to vector<6x128xi1>
    %select_n3A_601 = arith.select %broadcast_in_dim3A_600, %dot_general3A_595, %select_n3A : vector<6x128xi1>, vector<6x128xf32>
    %sub3A_602 = arith.subf %select_n3A_601, %concatenate3A_89 : vector<6x128xf32>
    %swap3A_603 = arith.constant 0 : index
    %swap3A_604 = arith.constant 24 : index
    %swap3A_605 = arith.constant 0 : index
    %swap3A_606 = arith.constant 0 : index
    %swap3A_607 = vector.load %arg7[%swap3A_603, %swap3A_604, %swap3A_605, %swap3A_606] : memref<1x32x6x128xf32, #tpu.memory_space<vmem>>, vector<1x1x6x128xf32>
    %swap3A_608 = vector.shape_cast %swap3A_607 : vector<1x1x6x128xf32> to vector<6x128xf32>
    %swap3A_609 = vector.shape_cast %sub3A_602 : vector<6x128xf32> to vector<1x1x6x128xf32>
    tpu.vector_store %arg7[%swap3A_603, %swap3A_604, %swap3A_605, %swap3A_606], %swap3A_609 {strides = array<i32>} : memref<1x32x6x128xf32, #tpu.memory_space<vmem>>, vector<1x1x6x128xf32>,
    %eq3A_610 = arith.constant 2.600000e+01 : f32
    %eq3A_611 = vector.broadcast %eq3A_610 : f32 to vector<2048x128xf32>
    %eq3A_612 = arith.cmpf oeq, %mul3A_83, %eq3A_611 : vector<2048x128xf32>
    %convert_element_type3A_613 = arith.extui %eq3A_612 : vector<2048x128xi1> to vector<2048x128xi32>
    %convert_element_type3A_614 = arith.sitofp %convert_element_type3A_613 : vector<2048x128xi32> to vector<2048x128xf32>
    %dot_general3A_615 = arith.constant dense<0.000000e+00> : vector<6x128xf32>
    %dot_general3A_616 = tpu.matmul %get3A_13, %convert_element_type3A_614, %dot_general3A_615 {dimension_numbers = #tpu.dot_dimension_numbers<[1], [0], [0], [1], [0, 0, 1, 1], [], []>, precision = #tpu.contract_precision<fp32>, transpose_lhs_hint = false} : vector<6x2048xf32>, vector<2048x128xf32>, vector<6x128xf32> -> vector<6x128xf32>
    %gt3A_617 = arith.constant 2.500000e+01 : f32
    %gt3A_618 = vector.broadcast %gt3A_617 : f32 to vector<1x128xf32>
    %gt3A_619 = arith.cmpf ogt, %slice3A_82, %gt3A_618 : vector<1x128xf32>
    %broadcast_in_dim3A_620 = vector.shape_cast %gt3A_619 : vector<1x128xi1> to vector<1x128xi1>
    %broadcast_in_dim3A_621 = vector.broadcast %broadcast_in_dim3A_620 : vector<1x128xi1> to vector<6x128xi1>
    %select_n3A_622 = arith.select %broadcast_in_dim3A_621, %dot_general3A_616, %select_n3A : vector<6x128xi1>, vector<6x128xf32>
    %sub3A_623 = arith.subf %select_n3A_622, %concatenate3A_89 : vector<6x128xf32>
    %swap3A_624 = arith.constant 0 : index
    %swap3A_625 = arith.constant 25 : index
    %swap3A_626 = arith.constant 0 : index
    %swap3A_627 = arith.constant 0 : index
    %swap3A_628 = vector.load %arg7[%swap3A_624, %swap3A_625, %swap3A_626, %swap3A_627] : memref<1x32x6x128xf32, #tpu.memory_space<vmem>>, vector<1x1x6x128xf32>
    %swap3A_629 = vector.shape_cast %swap3A_628 : vector<1x1x6x128xf32> to vector<6x128xf32>
    %swap3A_630 = vector.shape_cast %sub3A_623 : vector<6x128xf32> to vector<1x1x6x128xf32>
    tpu.vector_store %arg7[%swap3A_624, %swap3A_625, %swap3A_626, %swap3A_627], %swap3A_630 {strides = array<i32>} : memref<1x32x6x128xf32, #tpu.memory_space<vmem>>, vector<1x1x6x128xf32>,
    %eq3A_631 = arith.constant 2.700000e+01 : f32
    %eq3A_632 = vector.broadcast %eq3A_631 : f32 to vector<2048x128xf32>
    %eq3A_633 = arith.cmpf oeq, %mul3A_83, %eq3A_632 : vector<2048x128xf32>
    %convert_element_type3A_634 = arith.extui %eq3A_633 : vector<2048x128xi1> to vector<2048x128xi32>
    %convert_element_type3A_635 = arith.sitofp %convert_element_type3A_634 : vector<2048x128xi32> to vector<2048x128xf32>
    %dot_general3A_636 = arith.constant dense<0.000000e+00> : vector<6x128xf32>
    %dot_general3A_637 = tpu.matmul %get3A_13, %convert_element_type3A_635, %dot_general3A_636 {dimension_numbers = #tpu.dot_dimension_numbers<[1], [0], [0], [1], [0, 0, 1, 1], [], []>, precision = #tpu.contract_precision<fp32>, transpose_lhs_hint = false} : vector<6x2048xf32>, vector<2048x128xf32>, vector<6x128xf32> -> vector<6x128xf32>
    %gt3A_638 = arith.constant 2.600000e+01 : f32
    %gt3A_639 = vector.broadcast %gt3A_638 : f32 to vector<1x128xf32>
    %gt3A_640 = arith.cmpf ogt, %slice3A_82, %gt3A_639 : vector<1x128xf32>
    %broadcast_in_dim3A_641 = vector.shape_cast %gt3A_640 : vector<1x128xi1> to vector<1x128xi1>
    %broadcast_in_dim3A_642 = vector.broadcast %broadcast_in_dim3A_641 : vector<1x128xi1> to vector<6x128xi1>
    %select_n3A_643 = arith.select %broadcast_in_dim3A_642, %dot_general3A_637, %select_n3A : vector<6x128xi1>, vector<6x128xf32>
    %sub3A_644 = arith.subf %select_n3A_643, %concatenate3A_89 : vector<6x128xf32>
    %swap3A_645 = arith.constant 0 : index
    %swap3A_646 = arith.constant 26 : index
    %swap3A_647 = arith.constant 0 : index
    %swap3A_648 = arith.constant 0 : index
    %swap3A_649 = vector.load %arg7[%swap3A_645, %swap3A_646, %swap3A_647, %swap3A_648] : memref<1x32x6x128xf32, #tpu.memory_space<vmem>>, vector<1x1x6x128xf32>
    %swap3A_650 = vector.shape_cast %swap3A_649 : vector<1x1x6x128xf32> to vector<6x128xf32>
    %swap3A_651 = vector.shape_cast %sub3A_644 : vector<6x128xf32> to vector<1x1x6x128xf32>
    tpu.vector_store %arg7[%swap3A_645, %swap3A_646, %swap3A_647, %swap3A_648], %swap3A_651 {strides = array<i32>} : memref<1x32x6x128xf32, #tpu.memory_space<vmem>>, vector<1x1x6x128xf32>,
    %eq3A_652 = arith.constant 2.800000e+01 : f32
    %eq3A_653 = vector.broadcast %eq3A_652 : f32 to vector<2048x128xf32>
    %eq3A_654 = arith.cmpf oeq, %mul3A_83, %eq3A_653 : vector<2048x128xf32>
    %convert_element_type3A_655 = arith.extui %eq3A_654 : vector<2048x128xi1> to vector<2048x128xi32>
    %convert_element_type3A_656 = arith.sitofp %convert_element_type3A_655 : vector<2048x128xi32> to vector<2048x128xf32>
    %dot_general3A_657 = arith.constant dense<0.000000e+00> : vector<6x128xf32>
    %dot_general3A_658 = tpu.matmul %get3A_13, %convert_element_type3A_656, %dot_general3A_657 {dimension_numbers = #tpu.dot_dimension_numbers<[1], [0], [0], [1], [0, 0, 1, 1], [], []>, precision = #tpu.contract_precision<fp32>, transpose_lhs_hint = false} : vector<6x2048xf32>, vector<2048x128xf32>, vector<6x128xf32> -> vector<6x128xf32>
    %gt3A_659 = arith.constant 2.700000e+01 : f32
    %gt3A_660 = vector.broadcast %gt3A_659 : f32 to vector<1x128xf32>
    %gt3A_661 = arith.cmpf ogt, %slice3A_82, %gt3A_660 : vector<1x128xf32>
    %broadcast_in_dim3A_662 = vector.shape_cast %gt3A_661 : vector<1x128xi1> to vector<1x128xi1>
    %broadcast_in_dim3A_663 = vector.broadcast %broadcast_in_dim3A_662 : vector<1x128xi1> to vector<6x128xi1>
    %select_n3A_664 = arith.select %broadcast_in_dim3A_663, %dot_general3A_658, %select_n3A : vector<6x128xi1>, vector<6x128xf32>
    %sub3A_665 = arith.subf %select_n3A_664, %concatenate3A_89 : vector<6x128xf32>
    %swap3A_666 = arith.constant 0 : index
    %swap3A_667 = arith.constant 27 : index
    %swap3A_668 = arith.constant 0 : index
    %swap3A_669 = arith.constant 0 : index
    %swap3A_670 = vector.load %arg7[%swap3A_666, %swap3A_667, %swap3A_668, %swap3A_669] : memref<1x32x6x128xf32, #tpu.memory_space<vmem>>, vector<1x1x6x128xf32>
    %swap3A_671 = vector.shape_cast %swap3A_670 : vector<1x1x6x128xf32> to vector<6x128xf32>
    %swap3A_672 = vector.shape_cast %sub3A_665 : vector<6x128xf32> to vector<1x1x6x128xf32>
    tpu.vector_store %arg7[%swap3A_666, %swap3A_667, %swap3A_668, %swap3A_669], %swap3A_672 {strides = array<i32>} : memref<1x32x6x128xf32, #tpu.memory_space<vmem>>, vector<1x1x6x128xf32>,
    %eq3A_673 = arith.constant 2.900000e+01 : f32
    %eq3A_674 = vector.broadcast %eq3A_673 : f32 to vector<2048x128xf32>
    %eq3A_675 = arith.cmpf oeq, %mul3A_83, %eq3A_674 : vector<2048x128xf32>
    %convert_element_type3A_676 = arith.extui %eq3A_675 : vector<2048x128xi1> to vector<2048x128xi32>
    %convert_element_type3A_677 = arith.sitofp %convert_element_type3A_676 : vector<2048x128xi32> to vector<2048x128xf32>
    %dot_general3A_678 = arith.constant dense<0.000000e+00> : vector<6x128xf32>
    %dot_general3A_679 = tpu.matmul %get3A_13, %convert_element_type3A_677, %dot_general3A_678 {dimension_numbers = #tpu.dot_dimension_numbers<[1], [0], [0], [1], [0, 0, 1, 1], [], []>, precision = #tpu.contract_precision<fp32>, transpose_lhs_hint = false} : vector<6x2048xf32>, vector<2048x128xf32>, vector<6x128xf32> -> vector<6x128xf32>
    %gt3A_680 = arith.constant 2.800000e+01 : f32
    %gt3A_681 = vector.broadcast %gt3A_680 : f32 to vector<1x128xf32>
    %gt3A_682 = arith.cmpf ogt, %slice3A_82, %gt3A_681 : vector<1x128xf32>
    %broadcast_in_dim3A_683 = vector.shape_cast %gt3A_682 : vector<1x128xi1> to vector<1x128xi1>
    %broadcast_in_dim3A_684 = vector.broadcast %broadcast_in_dim3A_683 : vector<1x128xi1> to vector<6x128xi1>
    %select_n3A_685 = arith.select %broadcast_in_dim3A_684, %dot_general3A_679, %select_n3A : vector<6x128xi1>, vector<6x128xf32>
    %sub3A_686 = arith.subf %select_n3A_685, %concatenate3A_89 : vector<6x128xf32>
    %swap3A_687 = arith.constant 0 : index
    %swap3A_688 = arith.constant 28 : index
    %swap3A_689 = arith.constant 0 : index
    %swap3A_690 = arith.constant 0 : index
    %swap3A_691 = vector.load %arg7[%swap3A_687, %swap3A_688, %swap3A_689, %swap3A_690] : memref<1x32x6x128xf32, #tpu.memory_space<vmem>>, vector<1x1x6x128xf32>
    %swap3A_692 = vector.shape_cast %swap3A_691 : vector<1x1x6x128xf32> to vector<6x128xf32>
    %swap3A_693 = vector.shape_cast %sub3A_686 : vector<6x128xf32> to vector<1x1x6x128xf32>
    tpu.vector_store %arg7[%swap3A_687, %swap3A_688, %swap3A_689, %swap3A_690], %swap3A_693 {strides = array<i32>} : memref<1x32x6x128xf32, #tpu.memory_space<vmem>>, vector<1x1x6x128xf32>,
    %eq3A_694 = arith.constant 3.000000e+01 : f32
    %eq3A_695 = vector.broadcast %eq3A_694 : f32 to vector<2048x128xf32>
    %eq3A_696 = arith.cmpf oeq, %mul3A_83, %eq3A_695 : vector<2048x128xf32>
    %convert_element_type3A_697 = arith.extui %eq3A_696 : vector<2048x128xi1> to vector<2048x128xi32>
    %convert_element_type3A_698 = arith.sitofp %convert_element_type3A_697 : vector<2048x128xi32> to vector<2048x128xf32>
    %dot_general3A_699 = arith.constant dense<0.000000e+00> : vector<6x128xf32>
    %dot_general3A_700 = tpu.matmul %get3A_13, %convert_element_type3A_698, %dot_general3A_699 {dimension_numbers = #tpu.dot_dimension_numbers<[1], [0], [0], [1], [0, 0, 1, 1], [], []>, precision = #tpu.contract_precision<fp32>, transpose_lhs_hint = false} : vector<6x2048xf32>, vector<2048x128xf32>, vector<6x128xf32> -> vector<6x128xf32>
    %gt3A_701 = arith.constant 2.900000e+01 : f32
    %gt3A_702 = vector.broadcast %gt3A_701 : f32 to vector<1x128xf32>
    %gt3A_703 = arith.cmpf ogt, %slice3A_82, %gt3A_702 : vector<1x128xf32>
    %broadcast_in_dim3A_704 = vector.shape_cast %gt3A_703 : vector<1x128xi1> to vector<1x128xi1>
    %broadcast_in_dim3A_705 = vector.broadcast %broadcast_in_dim3A_704 : vector<1x128xi1> to vector<6x128xi1>
    %select_n3A_706 = arith.select %broadcast_in_dim3A_705, %dot_general3A_700, %select_n3A : vector<6x128xi1>, vector<6x128xf32>
    %sub3A_707 = arith.subf %select_n3A_706, %concatenate3A_89 : vector<6x128xf32>
    %swap3A_708 = arith.constant 0 : index
    %swap3A_709 = arith.constant 29 : index
    %swap3A_710 = arith.constant 0 : index
    %swap3A_711 = arith.constant 0 : index
    %swap3A_712 = vector.load %arg7[%swap3A_708, %swap3A_709, %swap3A_710, %swap3A_711] : memref<1x32x6x128xf32, #tpu.memory_space<vmem>>, vector<1x1x6x128xf32>
    %swap3A_713 = vector.shape_cast %swap3A_712 : vector<1x1x6x128xf32> to vector<6x128xf32>
    %swap3A_714 = vector.shape_cast %sub3A_707 : vector<6x128xf32> to vector<1x1x6x128xf32>
    tpu.vector_store %arg7[%swap3A_708, %swap3A_709, %swap3A_710, %swap3A_711], %swap3A_714 {strides = array<i32>} : memref<1x32x6x128xf32, #tpu.memory_space<vmem>>, vector<1x1x6x128xf32>,
    %eq3A_715 = arith.constant 3.100000e+01 : f32
    %eq3A_716 = vector.broadcast %eq3A_715 : f32 to vector<2048x128xf32>
    %eq3A_717 = arith.cmpf oeq, %mul3A_83, %eq3A_716 : vector<2048x128xf32>
    %convert_element_type3A_718 = arith.extui %eq3A_717 : vector<2048x128xi1> to vector<2048x128xi32>
    %convert_element_type3A_719 = arith.sitofp %convert_element_type3A_718 : vector<2048x128xi32> to vector<2048x128xf32>
    %dot_general3A_720 = arith.constant dense<0.000000e+00> : vector<6x128xf32>
    %dot_general3A_721 = tpu.matmul %get3A_13, %convert_element_type3A_719, %dot_general3A_720 {dimension_numbers = #tpu.dot_dimension_numbers<[1], [0], [0], [1], [0, 0, 1, 1], [], []>, precision = #tpu.contract_precision<fp32>, transpose_lhs_hint = false} : vector<6x2048xf32>, vector<2048x128xf32>, vector<6x128xf32> -> vector<6x128xf32>
    %gt3A_722 = arith.constant 3.000000e+01 : f32
    %gt3A_723 = vector.broadcast %gt3A_722 : f32 to vector<1x128xf32>
    %gt3A_724 = arith.cmpf ogt, %slice3A_82, %gt3A_723 : vector<1x128xf32>
    %broadcast_in_dim3A_725 = vector.shape_cast %gt3A_724 : vector<1x128xi1> to vector<1x128xi1>
    %broadcast_in_dim3A_726 = vector.broadcast %broadcast_in_dim3A_725 : vector<1x128xi1> to vector<6x128xi1>
    %select_n3A_727 = arith.select %broadcast_in_dim3A_726, %dot_general3A_721, %select_n3A : vector<6x128xi1>, vector<6x128xf32>
    %sub3A_728 = arith.subf %select_n3A_727, %concatenate3A_89 : vector<6x128xf32>
    %swap3A_729 = arith.constant 0 : index
    %swap3A_730 = arith.constant 30 : index
    %swap3A_731 = arith.constant 0 : index
    %swap3A_732 = arith.constant 0 : index
    %swap3A_733 = vector.load %arg7[%swap3A_729, %swap3A_730, %swap3A_731, %swap3A_732] : memref<1x32x6x128xf32, #tpu.memory_space<vmem>>, vector<1x1x6x128xf32>
    %swap3A_734 = vector.shape_cast %swap3A_733 : vector<1x1x6x128xf32> to vector<6x128xf32>
    %swap3A_735 = vector.shape_cast %sub3A_728 : vector<6x128xf32> to vector<1x1x6x128xf32>
    tpu.vector_store %arg7[%swap3A_729, %swap3A_730, %swap3A_731, %swap3A_732], %swap3A_735 {strides = array<i32>} : memref<1x32x6x128xf32, #tpu.memory_space<vmem>>, vector<1x1x6x128xf32>,
    %eq3A_736 = arith.constant 3.200000e+01 : f32
    %eq3A_737 = vector.broadcast %eq3A_736 : f32 to vector<2048x128xf32>
    %eq3A_738 = arith.cmpf oeq, %mul3A_83, %eq3A_737 : vector<2048x128xf32>
    %convert_element_type3A_739 = arith.extui %eq3A_738 : vector<2048x128xi1> to vector<2048x128xi32>
    %convert_element_type3A_740 = arith.sitofp %convert_element_type3A_739 : vector<2048x128xi32> to vector<2048x128xf32>
    %dot_general3A_741 = arith.constant dense<0.000000e+00> : vector<6x128xf32>
    %dot_general3A_742 = tpu.matmul %get3A_13, %convert_element_type3A_740, %dot_general3A_741 {dimension_numbers = #tpu.dot_dimension_numbers<[1], [0], [0], [1], [0, 0, 1, 1], [], []>, precision = #tpu.contract_precision<fp32>, transpose_lhs_hint = false} : vector<6x2048xf32>, vector<2048x128xf32>, vector<6x128xf32> -> vector<6x128xf32>
    %gt3A_743 = arith.constant 3.100000e+01 : f32
    %gt3A_744 = vector.broadcast %gt3A_743 : f32 to vector<1x128xf32>
    %gt3A_745 = arith.cmpf ogt, %slice3A_82, %gt3A_744 : vector<1x128xf32>
    %broadcast_in_dim3A_746 = vector.shape_cast %gt3A_745 : vector<1x128xi1> to vector<1x128xi1>
    %broadcast_in_dim3A_747 = vector.broadcast %broadcast_in_dim3A_746 : vector<1x128xi1> to vector<6x128xi1>
    %select_n3A_748 = arith.select %broadcast_in_dim3A_747, %dot_general3A_742, %select_n3A : vector<6x128xi1>, vector<6x128xf32>
    %sub3A_749 = arith.subf %select_n3A_748, %concatenate3A_89 : vector<6x128xf32>
    %swap3A_750 = arith.constant 0 : index
    %swap3A_751 = arith.constant 31 : index
    %swap3A_752 = arith.constant 0 : index
    %swap3A_753 = arith.constant 0 : index
    %swap3A_754 = vector.load %arg7[%swap3A_750, %swap3A_751, %swap3A_752, %swap3A_753] : memref<1x32x6x128xf32, #tpu.memory_space<vmem>>, vector<1x1x6x128xf32>
    %swap3A_755 = vector.shape_cast %swap3A_754 : vector<1x1x6x128xf32> to vector<6x128xf32>
    %swap3A_756 = vector.shape_cast %sub3A_749 : vector<6x128xf32> to vector<1x1x6x128xf32>
    tpu.vector_store %arg7[%swap3A_750, %swap3A_751, %swap3A_752, %swap3A_753], %swap3A_756 {strides = array<i32>} : memref<1x32x6x128xf32, #tpu.memory_space<vmem>>, vector<1x1x6x128xf32>,
    return
  }
  func.func @transform_0(%arg0: i32, %arg1: i32) -> (i32, i32, i32) {
    %c0_i32 = arith.constant 0 : i32
    %c0_i32_0 = arith.constant 0 : i32
    %c0_i32_1 = arith.constant 0 : i32
    return %arg0, %c0_i32, %c0_i32_0 : i32, i32, i32
  }
  func.func @transform_1(%arg0: i32, %arg1: i32) -> (i32, i32, i32) {
    %c0_i32 = arith.constant 0 : i32
    %c0_i32_0 = arith.constant 0 : i32
    return %arg0, %c0_i32, %arg1 : i32, i32, i32
  }
  func.func @transform_2(%arg0: i32, %arg1: i32) -> (i32, i32, i32) {
    %c0_i32 = arith.constant 0 : i32
    %c0_i32_0 = arith.constant 0 : i32
    %c0_i32_1 = arith.constant 0 : i32
    return %arg0, %c0_i32, %c0_i32_0 : i32, i32, i32
  }
  func.func @transform_3(%arg0: i32, %arg1: i32) -> (i32, i32) {
    %c0_i32 = arith.constant 0 : i32
    %c0_i32_0 = arith.constant 0 : i32
    %c0_i32_1 = arith.constant 0 : i32
    return %c0_i32, %c0_i32_0 : i32, i32
  }
  func.func @transform_4(%arg0: i32, %arg1: i32) -> (i32, i32) {
    %c0_i32 = arith.constant 0 : i32
    %c0_i32_0 = arith.constant 0 : i32
    %c0_i32_1 = arith.constant 0 : i32
    return %c0_i32, %c0_i32_0 : i32, i32
  }
  func.func @transform_5(%arg0: i32, %arg1: i32) -> (i32, i32, i32, i32) {
    %c0_i32 = arith.constant 0 : i32
    %c0_i32_0 = arith.constant 0 : i32
    %c0_i32_1 = arith.constant 0 : i32
    return %arg0, %c0_i32, %c0_i32_0, %arg1 : i32, i32, i32, i32
  }
}

module attributes {stable_mosaic.version = 14 : i64} {
  func.func @_stage_body(%arg0: i32, %arg1: memref<4096x6xf32, #tpu.memory_space<vmem>>, %arg2: memref<6x64xf32, #tpu.memory_space<vmem>>, %arg3: memref<1x64xf32, #tpu.memory_space<vmem>>, %arg4: memref<1x6xf32, #tpu.memory_space<vmem>>, %arg5: memref<1x6xf32, #tpu.memory_space<vmem>>, %arg6: memref<4096x64xf32, #tpu.memory_space<vmem>>, %arg7: memref<2x64xf32, #tpu.memory_space<vmem>>) attributes {dimension_semantics = [#tpu.dimension_semantics<arbitrary>], iteration_bounds = array<i64: 64>, scalar_prefetch = 0 : i64, scratch_operands = 0 : i64, tpu.core_type = #tpu.core_type<tc>, window_params = [{transform_indices = @transform_0, window_bounds = array<i64: 4096, 6>}, {pipeline_mode = #tpu.pipeline_mode<synchronous>, transform_indices = @transform_1, window_bounds = array<i64: 6, 64>}, {pipeline_mode = #tpu.pipeline_mode<synchronous>, transform_indices = @transform_2, window_bounds = array<i64: 1, 64>}, {pipeline_mode = #tpu.pipeline_mode<synchronous>, transform_indices = @transform_3, window_bounds = array<i64: 1, 6>}, {pipeline_mode = #tpu.pipeline_mode<synchronous>, transform_indices = @transform_4, window_bounds = array<i64: 1, 6>}, {transform_indices = @transform_5, window_bounds = array<i64: 4096, 64>}, {pipeline_mode = #tpu.pipeline_mode<synchronous>, transform_indices = @transform_6, window_bounds = array<i64: 2, 64>}]} {
    %get3A = arith.constant 0 : index
    %get3A_0 = arith.constant 0 : index
    %get3A_1 = vector.load %arg1[%get3A, %get3A_0] : memref<4096x6xf32, #tpu.memory_space<vmem>>, vector<4096x6xf32>
    %get3A_2 = arith.constant 0 : index
    %get3A_3 = arith.constant 0 : index
    %get3A_4 = vector.load %arg2[%get3A_2, %get3A_3] : memref<6x64xf32, #tpu.memory_space<vmem>>, vector<6x64xf32>
    %dot_general3A = arith.constant dense<0.000000e+00> : vector<4096x64xf32>
    %dot_general3A_5 = tpu.matmul %get3A_1, %get3A_4, %dot_general3A {dimension_numbers = #tpu.dot_dimension_numbers<[1], [0], [0], [1], [0, 0, 1, 1], [], []>, transpose_lhs_hint = false} : vector<4096x6xf32>, vector<6x64xf32>, vector<4096x64xf32> -> vector<4096x64xf32>
    %get3A_6 = arith.constant 0 : index
    %get3A_7 = arith.constant 0 : index
    %get3A_8 = vector.load %arg3[%get3A_6, %get3A_7] : memref<1x64xf32, #tpu.memory_space<vmem>>, vector<1x64xf32>
    %add3A = vector.broadcast %get3A_8 : vector<1x64xf32> to vector<4096x64xf32>
    %add3A_9 = arith.addf %dot_general3A_5, %add3A : vector<4096x64xf32>
    %swap3A = arith.constant 0 : index
    %swap3A_10 = arith.constant 0 : index
    %swap3A_11 = vector.load %arg6[%swap3A, %swap3A_10] : memref<4096x64xf32, #tpu.memory_space<vmem>>, vector<4096x64xf32>
    tpu.vector_store %arg6[%swap3A, %swap3A_10], %add3A_9 {strides = array<i32>} : memref<4096x64xf32, #tpu.memory_space<vmem>>, vector<4096x64xf32>,
    %reduce_sum3A = arith.constant dense<0.000000e+00> : vector<64xf32>
    %reduce_sum3A_12 = vector.multi_reduction <add>, %add3A_9, %reduce_sum3A [0] : vector<4096x64xf32> to vector<64xf32>
    %broadcast_in_dim3A = vector.shape_cast %reduce_sum3A_12 : vector<64xf32> to vector<1x64xf32>
    %mul3A = arith.mulf %add3A_9, %add3A_9 : vector<4096x64xf32>
    %reduce_sum3A_13 = arith.constant dense<0.000000e+00> : vector<64xf32>
    %reduce_sum3A_14 = vector.multi_reduction <add>, %mul3A, %reduce_sum3A_13 [0] : vector<4096x64xf32> to vector<64xf32>
    %broadcast_in_dim3A_15 = vector.shape_cast %reduce_sum3A_14 : vector<64xf32> to vector<1x64xf32>
    %concatenate3A = tpu.concatenate %broadcast_in_dim3A, %broadcast_in_dim3A_15 in 0 : vector<1x64xf32>, vector<1x64xf32> -> vector<2x64xf32>
    %eq3A = arith.constant 0 : i32
    %eq3A_16 = arith.cmpi eq, %arg0, %eq3A : i32
    %convert_element_type3A = arith.extui %eq3A_16 : i1 to i32
    %cond3A = arith.constant 0 : i32
    %cond3A_17 = arith.cmpi ne, %convert_element_type3A, %cond3A : i32
    scf.if %cond3A_17 {
      %swap3A_22 = arith.constant 0 : index
      %swap3A_23 = arith.constant 0 : index
      %swap3A_24 = vector.load %arg7[%swap3A_22, %swap3A_23] : memref<2x64xf32, #tpu.memory_space<vmem>>, vector<2x64xf32>
      tpu.vector_store %arg7[%swap3A_22, %swap3A_23], %concatenate3A {strides = array<i32>} : memref<2x64xf32, #tpu.memory_space<vmem>>, vector<2x64xf32>,
    } else {
    }
    %ne3A = arith.constant 0 : i32
    %ne3A_18 = arith.cmpi ne, %arg0, %ne3A : i32
    %convert_element_type3A_19 = arith.extui %ne3A_18 : i1 to i32
    %cond3A_20 = arith.constant 0 : i32
    %cond3A_21 = arith.cmpi ne, %convert_element_type3A_19, %cond3A_20 : i32
    scf.if %cond3A_21 {
      %get3A_22 = arith.constant 0 : index
      %get3A_23 = arith.constant 0 : index
      %get3A_24 = vector.load %arg7[%get3A_22, %get3A_23] : memref<2x64xf32, #tpu.memory_space<vmem>>, vector<2x64xf32>
      %add3A_25 = arith.addf %get3A_24, %concatenate3A : vector<2x64xf32>
      %swap3A_26 = arith.constant 0 : index
      %swap3A_27 = arith.constant 0 : index
      %swap3A_28 = vector.load %arg7[%swap3A_26, %swap3A_27] : memref<2x64xf32, #tpu.memory_space<vmem>>, vector<2x64xf32>
      tpu.vector_store %arg7[%swap3A_26, %swap3A_27], %add3A_25 {strides = array<i32>} : memref<2x64xf32, #tpu.memory_space<vmem>>, vector<2x64xf32>,
    } else {
    }
    return
  }
  func.func @transform_0(%arg0: i32) -> (i32, i32) {
    %c0_i32 = arith.constant 0 : i32
    %c0_i32_0 = arith.constant 0 : i32
    return %arg0, %c0_i32 : i32, i32
  }
  func.func @transform_1(%arg0: i32) -> (i32, i32) {
    %c0_i32 = arith.constant 0 : i32
    %c0_i32_0 = arith.constant 0 : i32
    %c0_i32_1 = arith.constant 0 : i32
    return %c0_i32, %c0_i32_0 : i32, i32
  }
  func.func @transform_2(%arg0: i32) -> (i32, i32) {
    %c0_i32 = arith.constant 0 : i32
    %c0_i32_0 = arith.constant 0 : i32
    %c0_i32_1 = arith.constant 0 : i32
    return %c0_i32, %c0_i32_0 : i32, i32
  }
  func.func @transform_3(%arg0: i32) -> (i32, i32) {
    %c0_i32 = arith.constant 0 : i32
    %c0_i32_0 = arith.constant 0 : i32
    %c0_i32_1 = arith.constant 0 : i32
    return %c0_i32, %c0_i32_0 : i32, i32
  }
  func.func @transform_4(%arg0: i32) -> (i32, i32) {
    %c0_i32 = arith.constant 0 : i32
    %c0_i32_0 = arith.constant 0 : i32
    %c0_i32_1 = arith.constant 0 : i32
    return %c0_i32, %c0_i32_0 : i32, i32
  }
  func.func @transform_5(%arg0: i32) -> (i32, i32) {
    %c0_i32 = arith.constant 0 : i32
    %c0_i32_0 = arith.constant 0 : i32
    return %arg0, %c0_i32 : i32, i32
  }
  func.func @transform_6(%arg0: i32) -> (i32, i32) {
    %c0_i32 = arith.constant 0 : i32
    %c0_i32_0 = arith.constant 0 : i32
    %c0_i32_1 = arith.constant 0 : i32
    return %c0_i32, %c0_i32_0 : i32, i32
  }
}

module attributes {stable_mosaic.version = 14 : i64} {
  func.func @_stage_body(%arg0: i32, %arg1: memref<4096x64xf32, #tpu.memory_space<vmem>>, %arg2: memref<64x64xf32, #tpu.memory_space<vmem>>, %arg3: memref<1x64xf32, #tpu.memory_space<vmem>>, %arg4: memref<1x64xf32, #tpu.memory_space<vmem>>, %arg5: memref<1x64xf32, #tpu.memory_space<vmem>>, %arg6: memref<4096x64xf32, #tpu.memory_space<vmem>>, %arg7: memref<2x64xf32, #tpu.memory_space<vmem>>) attributes {dimension_semantics = [#tpu.dimension_semantics<arbitrary>], iteration_bounds = array<i64: 64>, scalar_prefetch = 0 : i64, scratch_operands = 0 : i64, tpu.core_type = #tpu.core_type<tc>, window_params = [{transform_indices = @transform_0, window_bounds = array<i64: 4096, 64>}, {pipeline_mode = #tpu.pipeline_mode<synchronous>, transform_indices = @transform_1, window_bounds = array<i64: 64, 64>}, {pipeline_mode = #tpu.pipeline_mode<synchronous>, transform_indices = @transform_2, window_bounds = array<i64: 1, 64>}, {pipeline_mode = #tpu.pipeline_mode<synchronous>, transform_indices = @transform_3, window_bounds = array<i64: 1, 64>}, {pipeline_mode = #tpu.pipeline_mode<synchronous>, transform_indices = @transform_4, window_bounds = array<i64: 1, 64>}, {transform_indices = @transform_5, window_bounds = array<i64: 4096, 64>}, {pipeline_mode = #tpu.pipeline_mode<synchronous>, transform_indices = @transform_6, window_bounds = array<i64: 2, 64>}]} {
    %get3A = arith.constant 0 : index
    %get3A_0 = arith.constant 0 : index
    %get3A_1 = vector.load %arg1[%get3A, %get3A_0] : memref<4096x64xf32, #tpu.memory_space<vmem>>, vector<4096x64xf32>
    %get3A_2 = arith.constant 0 : index
    %get3A_3 = arith.constant 0 : index
    %get3A_4 = vector.load %arg4[%get3A_2, %get3A_3] : memref<1x64xf32, #tpu.memory_space<vmem>>, vector<1x64xf32>
    %mul3A = vector.broadcast %get3A_4 : vector<1x64xf32> to vector<4096x64xf32>
    %mul3A_5 = arith.mulf %get3A_1, %mul3A : vector<4096x64xf32>
    %get3A_6 = arith.constant 0 : index
    %get3A_7 = arith.constant 0 : index
    %get3A_8 = vector.load %arg5[%get3A_6, %get3A_7] : memref<1x64xf32, #tpu.memory_space<vmem>>, vector<1x64xf32>
    %add3A = vector.broadcast %get3A_8 : vector<1x64xf32> to vector<4096x64xf32>
    %add3A_9 = arith.addf %mul3A_5, %add3A : vector<4096x64xf32>
    %max3A = arith.constant 0.000000e+00 : f32
    %max3A_10 = vector.broadcast %max3A : f32 to vector<4096x64xf32>
    %max3A_11 = arith.maximumf %add3A_9, %max3A_10 : vector<4096x64xf32>
    %get3A_12 = arith.constant 0 : index
    %get3A_13 = arith.constant 0 : index
    %get3A_14 = vector.load %arg2[%get3A_12, %get3A_13] : memref<64x64xf32, #tpu.memory_space<vmem>>, vector<64x64xf32>
    %dot_general3A = arith.constant dense<0.000000e+00> : vector<4096x64xf32>
    %dot_general3A_15 = tpu.matmul %max3A_11, %get3A_14, %dot_general3A {dimension_numbers = #tpu.dot_dimension_numbers<[1], [0], [0], [1], [0, 0, 1, 1], [], []>, transpose_lhs_hint = false} : vector<4096x64xf32>, vector<64x64xf32>, vector<4096x64xf32> -> vector<4096x64xf32>
    %get3A_16 = arith.constant 0 : index
    %get3A_17 = arith.constant 0 : index
    %get3A_18 = vector.load %arg3[%get3A_16, %get3A_17] : memref<1x64xf32, #tpu.memory_space<vmem>>, vector<1x64xf32>
    %add3A_19 = vector.broadcast %get3A_18 : vector<1x64xf32> to vector<4096x64xf32>
    %add3A_20 = arith.addf %dot_general3A_15, %add3A_19 : vector<4096x64xf32>
    %swap3A = arith.constant 0 : index
    %swap3A_21 = arith.constant 0 : index
    %swap3A_22 = vector.load %arg6[%swap3A, %swap3A_21] : memref<4096x64xf32, #tpu.memory_space<vmem>>, vector<4096x64xf32>
    tpu.vector_store %arg6[%swap3A, %swap3A_21], %add3A_20 {strides = array<i32>} : memref<4096x64xf32, #tpu.memory_space<vmem>>, vector<4096x64xf32>,
    %reduce_sum3A = arith.constant dense<0.000000e+00> : vector<64xf32>
    %reduce_sum3A_23 = vector.multi_reduction <add>, %add3A_20, %reduce_sum3A [0] : vector<4096x64xf32> to vector<64xf32>
    %broadcast_in_dim3A = vector.shape_cast %reduce_sum3A_23 : vector<64xf32> to vector<1x64xf32>
    %mul3A_24 = arith.mulf %add3A_20, %add3A_20 : vector<4096x64xf32>
    %reduce_sum3A_25 = arith.constant dense<0.000000e+00> : vector<64xf32>
    %reduce_sum3A_26 = vector.multi_reduction <add>, %mul3A_24, %reduce_sum3A_25 [0] : vector<4096x64xf32> to vector<64xf32>
    %broadcast_in_dim3A_27 = vector.shape_cast %reduce_sum3A_26 : vector<64xf32> to vector<1x64xf32>
    %concatenate3A = tpu.concatenate %broadcast_in_dim3A, %broadcast_in_dim3A_27 in 0 : vector<1x64xf32>, vector<1x64xf32> -> vector<2x64xf32>
    %eq3A = arith.constant 0 : i32
    %eq3A_28 = arith.cmpi eq, %arg0, %eq3A : i32
    %convert_element_type3A = arith.extui %eq3A_28 : i1 to i32
    %cond3A = arith.constant 0 : i32
    %cond3A_29 = arith.cmpi ne, %convert_element_type3A, %cond3A : i32
    scf.if %cond3A_29 {
      %swap3A_34 = arith.constant 0 : index
      %swap3A_35 = arith.constant 0 : index
      %swap3A_36 = vector.load %arg7[%swap3A_34, %swap3A_35] : memref<2x64xf32, #tpu.memory_space<vmem>>, vector<2x64xf32>
      tpu.vector_store %arg7[%swap3A_34, %swap3A_35], %concatenate3A {strides = array<i32>} : memref<2x64xf32, #tpu.memory_space<vmem>>, vector<2x64xf32>,
    } else {
    }
    %ne3A = arith.constant 0 : i32
    %ne3A_30 = arith.cmpi ne, %arg0, %ne3A : i32
    %convert_element_type3A_31 = arith.extui %ne3A_30 : i1 to i32
    %cond3A_32 = arith.constant 0 : i32
    %cond3A_33 = arith.cmpi ne, %convert_element_type3A_31, %cond3A_32 : i32
    scf.if %cond3A_33 {
      %get3A_34 = arith.constant 0 : index
      %get3A_35 = arith.constant 0 : index
      %get3A_36 = vector.load %arg7[%get3A_34, %get3A_35] : memref<2x64xf32, #tpu.memory_space<vmem>>, vector<2x64xf32>
      %add3A_37 = arith.addf %get3A_36, %concatenate3A : vector<2x64xf32>
      %swap3A_38 = arith.constant 0 : index
      %swap3A_39 = arith.constant 0 : index
      %swap3A_40 = vector.load %arg7[%swap3A_38, %swap3A_39] : memref<2x64xf32, #tpu.memory_space<vmem>>, vector<2x64xf32>
      tpu.vector_store %arg7[%swap3A_38, %swap3A_39], %add3A_37 {strides = array<i32>} : memref<2x64xf32, #tpu.memory_space<vmem>>, vector<2x64xf32>,
    } else {
    }
    return
  }
  func.func @transform_0(%arg0: i32) -> (i32, i32) {
    %c0_i32 = arith.constant 0 : i32
    %c0_i32_0 = arith.constant 0 : i32
    return %arg0, %c0_i32 : i32, i32
  }
  func.func @transform_1(%arg0: i32) -> (i32, i32) {
    %c0_i32 = arith.constant 0 : i32
    %c0_i32_0 = arith.constant 0 : i32
    %c0_i32_1 = arith.constant 0 : i32
    return %c0_i32, %c0_i32_0 : i32, i32
  }
  func.func @transform_2(%arg0: i32) -> (i32, i32) {
    %c0_i32 = arith.constant 0 : i32
    %c0_i32_0 = arith.constant 0 : i32
    %c0_i32_1 = arith.constant 0 : i32
    return %c0_i32, %c0_i32_0 : i32, i32
  }
  func.func @transform_3(%arg0: i32) -> (i32, i32) {
    %c0_i32 = arith.constant 0 : i32
    %c0_i32_0 = arith.constant 0 : i32
    %c0_i32_1 = arith.constant 0 : i32
    return %c0_i32, %c0_i32_0 : i32, i32
  }
  func.func @transform_4(%arg0: i32) -> (i32, i32) {
    %c0_i32 = arith.constant 0 : i32
    %c0_i32_0 = arith.constant 0 : i32
    %c0_i32_1 = arith.constant 0 : i32
    return %c0_i32, %c0_i32_0 : i32, i32
  }
  func.func @transform_5(%arg0: i32) -> (i32, i32) {
    %c0_i32 = arith.constant 0 : i32
    %c0_i32_0 = arith.constant 0 : i32
    return %arg0, %c0_i32 : i32, i32
  }
  func.func @transform_6(%arg0: i32) -> (i32, i32) {
    %c0_i32 = arith.constant 0 : i32
    %c0_i32_0 = arith.constant 0 : i32
    %c0_i32_1 = arith.constant 0 : i32
    return %c0_i32, %c0_i32_0 : i32, i32
  }
}

module attributes {stable_mosaic.version = 14 : i64} {
  func.func @_stage_body(%arg0: i32, %arg1: memref<4096x64xf32, #tpu.memory_space<vmem>>, %arg2: memref<64x128xf32, #tpu.memory_space<vmem>>, %arg3: memref<1x128xf32, #tpu.memory_space<vmem>>, %arg4: memref<1x64xf32, #tpu.memory_space<vmem>>, %arg5: memref<1x64xf32, #tpu.memory_space<vmem>>, %arg6: memref<4096x128xf32, #tpu.memory_space<vmem>>, %arg7: memref<2x128xf32, #tpu.memory_space<vmem>>) attributes {dimension_semantics = [#tpu.dimension_semantics<arbitrary>], iteration_bounds = array<i64: 64>, scalar_prefetch = 0 : i64, scratch_operands = 0 : i64, tpu.core_type = #tpu.core_type<tc>, window_params = [{transform_indices = @transform_0, window_bounds = array<i64: 4096, 64>}, {pipeline_mode = #tpu.pipeline_mode<synchronous>, transform_indices = @transform_1, window_bounds = array<i64: 64, 128>}, {pipeline_mode = #tpu.pipeline_mode<synchronous>, transform_indices = @transform_2, window_bounds = array<i64: 1, 128>}, {pipeline_mode = #tpu.pipeline_mode<synchronous>, transform_indices = @transform_3, window_bounds = array<i64: 1, 64>}, {pipeline_mode = #tpu.pipeline_mode<synchronous>, transform_indices = @transform_4, window_bounds = array<i64: 1, 64>}, {transform_indices = @transform_5, window_bounds = array<i64: 4096, 128>}, {pipeline_mode = #tpu.pipeline_mode<synchronous>, transform_indices = @transform_6, window_bounds = array<i64: 2, 128>}]} {
    %get3A = arith.constant 0 : index
    %get3A_0 = arith.constant 0 : index
    %get3A_1 = vector.load %arg1[%get3A, %get3A_0] : memref<4096x64xf32, #tpu.memory_space<vmem>>, vector<4096x64xf32>
    %get3A_2 = arith.constant 0 : index
    %get3A_3 = arith.constant 0 : index
    %get3A_4 = vector.load %arg4[%get3A_2, %get3A_3] : memref<1x64xf32, #tpu.memory_space<vmem>>, vector<1x64xf32>
    %mul3A = vector.broadcast %get3A_4 : vector<1x64xf32> to vector<4096x64xf32>
    %mul3A_5 = arith.mulf %get3A_1, %mul3A : vector<4096x64xf32>
    %get3A_6 = arith.constant 0 : index
    %get3A_7 = arith.constant 0 : index
    %get3A_8 = vector.load %arg5[%get3A_6, %get3A_7] : memref<1x64xf32, #tpu.memory_space<vmem>>, vector<1x64xf32>
    %add3A = vector.broadcast %get3A_8 : vector<1x64xf32> to vector<4096x64xf32>
    %add3A_9 = arith.addf %mul3A_5, %add3A : vector<4096x64xf32>
    %max3A = arith.constant 0.000000e+00 : f32
    %max3A_10 = vector.broadcast %max3A : f32 to vector<4096x64xf32>
    %max3A_11 = arith.maximumf %add3A_9, %max3A_10 : vector<4096x64xf32>
    %get3A_12 = arith.constant 0 : index
    %get3A_13 = arith.constant 0 : index
    %get3A_14 = vector.load %arg2[%get3A_12, %get3A_13] : memref<64x128xf32, #tpu.memory_space<vmem>>, vector<64x128xf32>
    %dot_general3A = arith.constant dense<0.000000e+00> : vector<4096x128xf32>
    %dot_general3A_15 = tpu.matmul %max3A_11, %get3A_14, %dot_general3A {dimension_numbers = #tpu.dot_dimension_numbers<[1], [0], [0], [1], [0, 0, 1, 1], [], []>, transpose_lhs_hint = false} : vector<4096x64xf32>, vector<64x128xf32>, vector<4096x128xf32> -> vector<4096x128xf32>
    %get3A_16 = arith.constant 0 : index
    %get3A_17 = arith.constant 0 : index
    %get3A_18 = vector.load %arg3[%get3A_16, %get3A_17] : memref<1x128xf32, #tpu.memory_space<vmem>>, vector<1x128xf32>
    %add3A_19 = vector.broadcast %get3A_18 : vector<1x128xf32> to vector<4096x128xf32>
    %add3A_20 = arith.addf %dot_general3A_15, %add3A_19 : vector<4096x128xf32>
    %swap3A = arith.constant 0 : index
    %swap3A_21 = arith.constant 0 : index
    %swap3A_22 = vector.load %arg6[%swap3A, %swap3A_21] : memref<4096x128xf32, #tpu.memory_space<vmem>>, vector<4096x128xf32>
    tpu.vector_store %arg6[%swap3A, %swap3A_21], %add3A_20 {strides = array<i32>} : memref<4096x128xf32, #tpu.memory_space<vmem>>, vector<4096x128xf32>,
    %reduce_sum3A = arith.constant dense<0.000000e+00> : vector<128xf32>
    %reduce_sum3A_23 = vector.multi_reduction <add>, %add3A_20, %reduce_sum3A [0] : vector<4096x128xf32> to vector<128xf32>
    %broadcast_in_dim3A = vector.shape_cast %reduce_sum3A_23 : vector<128xf32> to vector<1x128xf32>
    %mul3A_24 = arith.mulf %add3A_20, %add3A_20 : vector<4096x128xf32>
    %reduce_sum3A_25 = arith.constant dense<0.000000e+00> : vector<128xf32>
    %reduce_sum3A_26 = vector.multi_reduction <add>, %mul3A_24, %reduce_sum3A_25 [0] : vector<4096x128xf32> to vector<128xf32>
    %broadcast_in_dim3A_27 = vector.shape_cast %reduce_sum3A_26 : vector<128xf32> to vector<1x128xf32>
    %concatenate3A = tpu.concatenate %broadcast_in_dim3A, %broadcast_in_dim3A_27 in 0 : vector<1x128xf32>, vector<1x128xf32> -> vector<2x128xf32>
    %eq3A = arith.constant 0 : i32
    %eq3A_28 = arith.cmpi eq, %arg0, %eq3A : i32
    %convert_element_type3A = arith.extui %eq3A_28 : i1 to i32
    %cond3A = arith.constant 0 : i32
    %cond3A_29 = arith.cmpi ne, %convert_element_type3A, %cond3A : i32
    scf.if %cond3A_29 {
      %swap3A_34 = arith.constant 0 : index
      %swap3A_35 = arith.constant 0 : index
      %swap3A_36 = vector.load %arg7[%swap3A_34, %swap3A_35] : memref<2x128xf32, #tpu.memory_space<vmem>>, vector<2x128xf32>
      tpu.vector_store %arg7[%swap3A_34, %swap3A_35], %concatenate3A {strides = array<i32>} : memref<2x128xf32, #tpu.memory_space<vmem>>, vector<2x128xf32>,
    } else {
    }
    %ne3A = arith.constant 0 : i32
    %ne3A_30 = arith.cmpi ne, %arg0, %ne3A : i32
    %convert_element_type3A_31 = arith.extui %ne3A_30 : i1 to i32
    %cond3A_32 = arith.constant 0 : i32
    %cond3A_33 = arith.cmpi ne, %convert_element_type3A_31, %cond3A_32 : i32
    scf.if %cond3A_33 {
      %get3A_34 = arith.constant 0 : index
      %get3A_35 = arith.constant 0 : index
      %get3A_36 = vector.load %arg7[%get3A_34, %get3A_35] : memref<2x128xf32, #tpu.memory_space<vmem>>, vector<2x128xf32>
      %add3A_37 = arith.addf %get3A_36, %concatenate3A : vector<2x128xf32>
      %swap3A_38 = arith.constant 0 : index
      %swap3A_39 = arith.constant 0 : index
      %swap3A_40 = vector.load %arg7[%swap3A_38, %swap3A_39] : memref<2x128xf32, #tpu.memory_space<vmem>>, vector<2x128xf32>
      tpu.vector_store %arg7[%swap3A_38, %swap3A_39], %add3A_37 {strides = array<i32>} : memref<2x128xf32, #tpu.memory_space<vmem>>, vector<2x128xf32>,
    } else {
    }
    return
  }
  func.func @transform_0(%arg0: i32) -> (i32, i32) {
    %c0_i32 = arith.constant 0 : i32
    %c0_i32_0 = arith.constant 0 : i32
    return %arg0, %c0_i32 : i32, i32
  }
  func.func @transform_1(%arg0: i32) -> (i32, i32) {
    %c0_i32 = arith.constant 0 : i32
    %c0_i32_0 = arith.constant 0 : i32
    %c0_i32_1 = arith.constant 0 : i32
    return %c0_i32, %c0_i32_0 : i32, i32
  }
  func.func @transform_2(%arg0: i32) -> (i32, i32) {
    %c0_i32 = arith.constant 0 : i32
    %c0_i32_0 = arith.constant 0 : i32
    %c0_i32_1 = arith.constant 0 : i32
    return %c0_i32, %c0_i32_0 : i32, i32
  }
  func.func @transform_3(%arg0: i32) -> (i32, i32) {
    %c0_i32 = arith.constant 0 : i32
    %c0_i32_0 = arith.constant 0 : i32
    %c0_i32_1 = arith.constant 0 : i32
    return %c0_i32, %c0_i32_0 : i32, i32
  }
  func.func @transform_4(%arg0: i32) -> (i32, i32) {
    %c0_i32 = arith.constant 0 : i32
    %c0_i32_0 = arith.constant 0 : i32
    %c0_i32_1 = arith.constant 0 : i32
    return %c0_i32, %c0_i32_0 : i32, i32
  }
  func.func @transform_5(%arg0: i32) -> (i32, i32) {
    %c0_i32 = arith.constant 0 : i32
    %c0_i32_0 = arith.constant 0 : i32
    return %arg0, %c0_i32 : i32, i32
  }
  func.func @transform_6(%arg0: i32) -> (i32, i32) {
    %c0_i32 = arith.constant 0 : i32
    %c0_i32_0 = arith.constant 0 : i32
    %c0_i32_1 = arith.constant 0 : i32
    return %c0_i32, %c0_i32_0 : i32, i32
  }
}

module attributes {stable_mosaic.version = 14 : i64} {
  func.func @_pool_body(%arg0: i32, %arg1: memref<512x32x128xf32, #tpu.memory_space<vmem>>, %arg2: memref<512x128xf32, #tpu.memory_space<vmem>>) attributes {dimension_semantics = [#tpu.dimension_semantics<arbitrary>], iteration_bounds = array<i64: 16>, scalar_prefetch = 0 : i64, scratch_operands = 0 : i64, tpu.core_type = #tpu.core_type<tc>, window_params = [{transform_indices = @transform_0, window_bounds = array<i64: 512, 32, 128>}, {transform_indices = @transform_1, window_bounds = array<i64: 512, 128>}]} {
    %get3A = arith.constant 0 : index
    %get3A_0 = arith.constant 0 : index
    %get3A_1 = arith.constant 0 : index
    %get3A_2 = vector.load %arg1[%get3A, %get3A_0, %get3A_1] : memref<512x32x128xf32, #tpu.memory_space<vmem>>, vector<512x32x128xf32>
    %reduce_max3A = arith.constant dense<0xFF800000> : vector<512x128xf32>
    %reduce_max3A_3 = vector.multi_reduction <maximumf>, %get3A_2, %reduce_max3A [1] : vector<512x32x128xf32> to vector<512x128xf32>
    %swap3A = arith.constant 0 : index
    %swap3A_4 = arith.constant 0 : index
    %swap3A_5 = vector.load %arg2[%swap3A, %swap3A_4] : memref<512x128xf32, #tpu.memory_space<vmem>>, vector<512x128xf32>
    tpu.vector_store %arg2[%swap3A, %swap3A_4], %reduce_max3A_3 {strides = array<i32>} : memref<512x128xf32, #tpu.memory_space<vmem>>, vector<512x128xf32>,
    return
  }
  func.func @transform_0(%arg0: i32) -> (i32, i32, i32) {
    %c0_i32 = arith.constant 0 : i32
    %c0_i32_0 = arith.constant 0 : i32
    %c0_i32_1 = arith.constant 0 : i32
    return %arg0, %c0_i32, %c0_i32_0 : i32, i32, i32
  }
  func.func @transform_1(%arg0: i32) -> (i32, i32) {
    %c0_i32 = arith.constant 0 : i32
    %c0_i32_0 = arith.constant 0 : i32
    return %arg0, %c0_i32 : i32, i32
  }
}

module attributes {stable_mosaic.version = 14 : i64} {
  func.func @_group_body(%arg0: i32, %arg1: i32, %arg2: memref<1x512x3xf32, #tpu.memory_space<vmem>>, %arg3: memref<1x3x128xf32, #tpu.memory_space<vmem>>, %arg4: memref<1x131x512xf32, #tpu.memory_space<vmem>>, %arg5: memref<128x1xf32, #tpu.memory_space<vmem>>, %arg6: memref<128x1xf32, #tpu.memory_space<vmem>>, %arg7: memref<1x64x131x128xf32, #tpu.memory_space<vmem>>) attributes {dimension_semantics = [#tpu.dimension_semantics<arbitrary>, #tpu.dimension_semantics<arbitrary>], iteration_bounds = array<i64: 16, 1>, scalar_prefetch = 0 : i64, scratch_operands = 0 : i64, tpu.core_type = #tpu.core_type<tc>, window_params = [{transform_indices = @transform_0, window_bounds = array<i64: 1, 512, 3>}, {transform_indices = @transform_1, window_bounds = array<i64: 1, 3, 128>}, {transform_indices = @transform_2, window_bounds = array<i64: 1, 131, 512>}, {pipeline_mode = #tpu.pipeline_mode<synchronous>, transform_indices = @transform_3, window_bounds = array<i64: 128, 1>}, {pipeline_mode = #tpu.pipeline_mode<synchronous>, transform_indices = @transform_4, window_bounds = array<i64: 128, 1>}, {transform_indices = @transform_5, window_bounds = array<i64: 1, 64, 131, 128>}]} {
    %get3A = arith.constant 0 : index
    %get3A_0 = arith.constant 0 : index
    %get3A_1 = arith.constant 0 : index
    %get3A_2 = vector.load %arg2[%get3A, %get3A_0, %get3A_1] : memref<1x512x3xf32, #tpu.memory_space<vmem>>, vector<1x512x3xf32>
    %get3A_3 = vector.shape_cast %get3A_2 : vector<1x512x3xf32> to vector<512x3xf32>
    %get3A_4 = arith.constant 0 : index
    %get3A_5 = arith.constant 0 : index
    %get3A_6 = arith.constant 0 : index
    %get3A_7 = vector.load %arg3[%get3A_4, %get3A_5, %get3A_6] : memref<1x3x128xf32, #tpu.memory_space<vmem>>, vector<1x3x128xf32>
    %get3A_8 = vector.shape_cast %get3A_7 : vector<1x3x128xf32> to vector<3x128xf32>
    %get3A_9 = arith.constant 0 : index
    %get3A_10 = arith.constant 0 : index
    %get3A_11 = arith.constant 0 : index
    %get3A_12 = vector.load %arg4[%get3A_9, %get3A_10, %get3A_11] : memref<1x131x512xf32, #tpu.memory_space<vmem>>, vector<1x131x512xf32>
    %get3A_13 = vector.shape_cast %get3A_12 : vector<1x131x512xf32> to vector<131x512xf32>
    %dot_general3A = arith.constant dense<0.000000e+00> : vector<512x128xf32>
    %dot_general3A_14 = tpu.matmul %get3A_3, %get3A_8, %dot_general3A {dimension_numbers = #tpu.dot_dimension_numbers<[1], [0], [0], [1], [0, 0, 1, 1], [], []>, transpose_lhs_hint = false} : vector<512x3xf32>, vector<3x128xf32>, vector<512x128xf32> -> vector<512x128xf32>
    %mul3A = arith.constant -2.000000e+00 : f32
    %mul3A_15 = vector.broadcast %mul3A : f32 to vector<512x128xf32>
    %mul3A_16 = arith.mulf %mul3A_15, %dot_general3A_14 : vector<512x128xf32>
    %mul3A_17 = arith.mulf %get3A_8, %get3A_8 : vector<3x128xf32>
    %reduce_sum3A = arith.constant dense<0.000000e+00> : vector<128xf32>
    %reduce_sum3A_18 = vector.multi_reduction <add>, %mul3A_17, %reduce_sum3A [0] : vector<3x128xf32> to vector<128xf32>
    %broadcast_in_dim3A = vector.shape_cast %reduce_sum3A_18 : vector<128xf32> to vector<1x128xf32>
    %add3A = vector.broadcast %broadcast_in_dim3A : vector<1x128xf32> to vector<512x128xf32>
    %add3A_19 = arith.addf %mul3A_16, %add3A : vector<512x128xf32>
    %mul3A_20 = arith.mulf %get3A_3, %get3A_3 : vector<512x3xf32>
    %reduce_sum3A_21 = arith.constant dense<0.000000e+00> : vector<512xf32>
    %reduce_sum3A_22 = vector.multi_reduction <add>, %mul3A_20, %reduce_sum3A_21 [1] : vector<512x3xf32> to vector<512xf32>
    %broadcast_in_dim3A_23 = vector.shape_cast %reduce_sum3A_22 : vector<512xf32> to vector<512x1xf32>
    %add3A_24 = vector.broadcast %broadcast_in_dim3A_23 : vector<512x1xf32> to vector<512x128xf32>
    %add3A_25 = arith.addf %add3A_19, %add3A_24 : vector<512x128xf32>
    %le3A = arith.constant 1.600000e-01 : f32
    %le3A_26 = vector.broadcast %le3A : f32 to vector<512x128xf32>
    %le3A_27 = arith.cmpf ole, %add3A_25, %le3A_26 : vector<512x128xf32>
    %convert_element_type3A = arith.extui %le3A_27 : vector<512x128xi1> to vector<512x128xi32>
    %convert_element_type3A_28 = arith.sitofp %convert_element_type3A : vector<512x128xi32> to vector<512x128xf32>
    %broadcast_in_dim3A_29 = arith.constant 0.000000e+00 : f32
    %broadcast_in_dim3A_30 = vector.broadcast %broadcast_in_dim3A_29 : f32 to vector<1x128xf32>
    %slice3A = vector.extract_strided_slice %convert_element_type3A_28 {offsets = [0, 0], sizes = [511, 128], strides = [1, 1]} : vector<512x128xf32> to vector<511x128xf32>
    %concatenate3A = tpu.concatenate %broadcast_in_dim3A_30, %slice3A in 0 : vector<1x128xf32>, vector<511x128xf32> -> vector<512x128xf32>
    %add3A_31 = arith.addf %convert_element_type3A_28, %concatenate3A : vector<512x128xf32>
    %broadcast_in_dim3A_32 = arith.constant 0.000000e+00 : f32
    %broadcast_in_dim3A_33 = vector.broadcast %broadcast_in_dim3A_32 : f32 to vector<2x128xf32>
    %slice3A_34 = vector.extract_strided_slice %add3A_31 {offsets = [0, 0], sizes = [510, 128], strides = [1, 1]} : vector<512x128xf32> to vector<510x128xf32>
    %concatenate3A_35 = tpu.concatenate %broadcast_in_dim3A_33, %slice3A_34 in 0 : vector<2x128xf32>, vector<510x128xf32> -> vector<512x128xf32>
    %add3A_36 = arith.addf %add3A_31, %concatenate3A_35 : vector<512x128xf32>
    %broadcast_in_dim3A_37 = arith.constant 0.000000e+00 : f32
    %broadcast_in_dim3A_38 = vector.broadcast %broadcast_in_dim3A_37 : f32 to vector<4x128xf32>
    %slice3A_39 = vector.extract_strided_slice %add3A_36 {offsets = [0, 0], sizes = [508, 128], strides = [1, 1]} : vector<512x128xf32> to vector<508x128xf32>
    %concatenate3A_40 = tpu.concatenate %broadcast_in_dim3A_38, %slice3A_39 in 0 : vector<4x128xf32>, vector<508x128xf32> -> vector<512x128xf32>
    %add3A_41 = arith.addf %add3A_36, %concatenate3A_40 : vector<512x128xf32>
    %broadcast_in_dim3A_42 = arith.constant 0.000000e+00 : f32
    %broadcast_in_dim3A_43 = vector.broadcast %broadcast_in_dim3A_42 : f32 to vector<8x128xf32>
    %slice3A_44 = vector.extract_strided_slice %add3A_41 {offsets = [0, 0], sizes = [504, 128], strides = [1, 1]} : vector<512x128xf32> to vector<504x128xf32>
    %concatenate3A_45 = tpu.concatenate %broadcast_in_dim3A_43, %slice3A_44 in 0 : vector<8x128xf32>, vector<504x128xf32> -> vector<512x128xf32>
    %add3A_46 = arith.addf %add3A_41, %concatenate3A_45 : vector<512x128xf32>
    %broadcast_in_dim3A_47 = arith.constant 0.000000e+00 : f32
    %broadcast_in_dim3A_48 = vector.broadcast %broadcast_in_dim3A_47 : f32 to vector<16x128xf32>
    %slice3A_49 = vector.extract_strided_slice %add3A_46 {offsets = [0, 0], sizes = [496, 128], strides = [1, 1]} : vector<512x128xf32> to vector<496x128xf32>
    %concatenate3A_50 = tpu.concatenate %broadcast_in_dim3A_48, %slice3A_49 in 0 : vector<16x128xf32>, vector<496x128xf32> -> vector<512x128xf32>
    %add3A_51 = arith.addf %add3A_46, %concatenate3A_50 : vector<512x128xf32>
    %broadcast_in_dim3A_52 = arith.constant 0.000000e+00 : f32
    %broadcast_in_dim3A_53 = vector.broadcast %broadcast_in_dim3A_52 : f32 to vector<32x128xf32>
    %slice3A_54 = vector.extract_strided_slice %add3A_51 {offsets = [0, 0], sizes = [480, 128], strides = [1, 1]} : vector<512x128xf32> to vector<480x128xf32>
    %concatenate3A_55 = tpu.concatenate %broadcast_in_dim3A_53, %slice3A_54 in 0 : vector<32x128xf32>, vector<480x128xf32> -> vector<512x128xf32>
    %add3A_56 = arith.addf %add3A_51, %concatenate3A_55 : vector<512x128xf32>
    %broadcast_in_dim3A_57 = arith.constant 0.000000e+00 : f32
    %broadcast_in_dim3A_58 = vector.broadcast %broadcast_in_dim3A_57 : f32 to vector<64x128xf32>
    %slice3A_59 = vector.extract_strided_slice %add3A_56 {offsets = [0, 0], sizes = [448, 128], strides = [1, 1]} : vector<512x128xf32> to vector<448x128xf32>
    %concatenate3A_60 = tpu.concatenate %broadcast_in_dim3A_58, %slice3A_59 in 0 : vector<64x128xf32>, vector<448x128xf32> -> vector<512x128xf32>
    %add3A_61 = arith.addf %add3A_56, %concatenate3A_60 : vector<512x128xf32>
    %broadcast_in_dim3A_62 = arith.constant 0.000000e+00 : f32
    %broadcast_in_dim3A_63 = vector.broadcast %broadcast_in_dim3A_62 : f32 to vector<128x128xf32>
    %slice3A_64 = vector.extract_strided_slice %add3A_61 {offsets = [0, 0], sizes = [384, 128], strides = [1, 1]} : vector<512x128xf32> to vector<384x128xf32>
    %concatenate3A_65 = tpu.concatenate %broadcast_in_dim3A_63, %slice3A_64 in 0 : vector<128x128xf32>, vector<384x128xf32> -> vector<512x128xf32>
    %add3A_66 = arith.addf %add3A_61, %concatenate3A_65 : vector<512x128xf32>
    %broadcast_in_dim3A_67 = arith.constant 0.000000e+00 : f32
    %broadcast_in_dim3A_68 = vector.broadcast %broadcast_in_dim3A_67 : f32 to vector<256x128xf32>
    %slice3A_69 = vector.extract_strided_slice %add3A_66 {offsets = [0, 0], sizes = [256, 128], strides = [1, 1]} : vector<512x128xf32> to vector<256x128xf32>
    %concatenate3A_70 = tpu.concatenate %broadcast_in_dim3A_68, %slice3A_69 in 0 : vector<256x128xf32>, vector<256x128xf32> -> vector<512x128xf32>
    %add3A_71 = arith.addf %add3A_66, %concatenate3A_70 : vector<512x128xf32>
    %slice3A_72 = vector.extract_strided_slice %add3A_71 {offsets = [511, 0], sizes = [1, 128], strides = [1, 1]} : vector<512x128xf32> to vector<1x128xf32>
    %mul3A_73 = arith.mulf %add3A_71, %convert_element_type3A_28 : vector<512x128xf32>
    %slice3A_74 = vector.extract_strided_slice %get3A_13 {offsets = [0, 511], sizes = [131, 1], strides = [1, 1]} : vector<131x512xf32> to vector<131x1xf32>
    %broadcast_in_dim3A_75 = vector.shape_cast %slice3A_74 : vector<131x1xf32> to vector<131x1xf32>
    %broadcast_in_dim3A_76 = vector.broadcast %broadcast_in_dim3A_75 : vector<131x1xf32> to vector<131x128xf32>
    %eq3A = arith.constant 1.000000e+00 : f32
    %eq3A_77 = vector.broadcast %eq3A : f32 to vector<512x128xf32>
    %eq3A_78 = arith.cmpf oeq, %mul3A_73, %eq3A_77 : vector<512x128xf32>
    %convert_element_type3A_79 = arith.extui %eq3A_78 : vector<512x128xi1> to vector<512x128xi32>
    %convert_element_type3A_80 = arith.sitofp %convert_element_type3A_79 : vector<512x128xi32> to vector<512x128xf32>
    %dot_general3A_81 = arith.constant dense<0.000000e+00> : vector<131x128xf32>
    %dot_general3A_82 = tpu.matmul %get3A_13, %convert_element_type3A_80, %dot_general3A_81 {dimension_numbers = #tpu.dot_dimension_numbers<[1], [0], [0], [1], [0, 0, 1, 1], [], []>, precision = #tpu.contract_precision<fp32>, transpose_lhs_hint = false} : vector<131x512xf32>, vector<512x128xf32>, vector<131x128xf32> -> vector<131x128xf32>
    %gt3A = arith.constant 0.000000e+00 : f32
    %gt3A_83 = vector.broadcast %gt3A : f32 to vector<1x128xf32>
    %gt3A_84 = arith.cmpf ogt, %slice3A_72, %gt3A_83 : vector<1x128xf32>
    %broadcast_in_dim3A_85 = vector.shape_cast %gt3A_84 : vector<1x128xi1> to vector<1x128xi1>
    %broadcast_in_dim3A_86 = vector.broadcast %broadcast_in_dim3A_85 : vector<1x128xi1> to vector<131x128xi1>
    %select_n3A = arith.select %broadcast_in_dim3A_86, %dot_general3A_82, %broadcast_in_dim3A_76 : vector<131x128xi1>, vector<131x128xf32>
    %slice3A_87 = vector.extract_strided_slice %select_n3A {offsets = [0, 0], sizes = [3, 128], strides = [1, 1]} : vector<131x128xf32> to vector<3x128xf32>
    %sub3A = arith.subf %slice3A_87, %get3A_8 : vector<3x128xf32>
    %slice3A_88 = vector.extract_strided_slice %select_n3A {offsets = [3, 0], sizes = [128, 128], strides = [1, 1]} : vector<131x128xf32> to vector<128x128xf32>
    %get3A_89 = arith.constant 0 : index
    %get3A_90 = arith.constant 0 : index
    %get3A_91 = vector.load %arg5[%get3A_89, %get3A_90] : memref<128x1xf32, #tpu.memory_space<vmem>>, vector<128x1xf32>
    %mul3A_92 = vector.broadcast %get3A_91 : vector<128x1xf32> to vector<128x128xf32>
    %mul3A_93 = arith.mulf %slice3A_88, %mul3A_92 : vector<128x128xf32>
    %get3A_94 = arith.constant 0 : index
    %get3A_95 = arith.constant 0 : index
    %get3A_96 = vector.load %arg6[%get3A_94, %get3A_95] : memref<128x1xf32, #tpu.memory_space<vmem>>, vector<128x1xf32>
    %add3A_97 = vector.broadcast %get3A_96 : vector<128x1xf32> to vector<128x128xf32>
    %add3A_98 = arith.addf %mul3A_93, %add3A_97 : vector<128x128xf32>
    %max3A = arith.constant 0.000000e+00 : f32
    %max3A_99 = vector.broadcast %max3A : f32 to vector<128x128xf32>
    %max3A_100 = arith.maximumf %add3A_98, %max3A_99 : vector<128x128xf32>
    %concatenate3A_101 = tpu.concatenate %sub3A, %max3A_100 in 0 : vector<3x128xf32>, vector<128x128xf32> -> vector<131x128xf32>
    %swap3A = arith.constant 0 : index
    %swap3A_102 = arith.constant 0 : index
    %swap3A_103 = arith.constant 0 : index
    %swap3A_104 = arith.constant 0 : index
    %swap3A_105 = vector.load %arg7[%swap3A, %swap3A_102, %swap3A_103, %swap3A_104] : memref<1x64x131x128xf32, #tpu.memory_space<vmem>>, vector<1x1x131x128xf32>
    %swap3A_106 = vector.shape_cast %swap3A_105 : vector<1x1x131x128xf32> to vector<131x128xf32>
    %swap3A_107 = vector.shape_cast %concatenate3A_101 : vector<131x128xf32> to vector<1x1x131x128xf32>
    tpu.vector_store %arg7[%swap3A, %swap3A_102, %swap3A_103, %swap3A_104], %swap3A_107 {strides = array<i32>} : memref<1x64x131x128xf32, #tpu.memory_space<vmem>>, vector<1x1x131x128xf32>,
    %eq3A_108 = arith.constant 2.000000e+00 : f32
    %eq3A_109 = vector.broadcast %eq3A_108 : f32 to vector<512x128xf32>
    %eq3A_110 = arith.cmpf oeq, %mul3A_73, %eq3A_109 : vector<512x128xf32>
    %convert_element_type3A_111 = arith.extui %eq3A_110 : vector<512x128xi1> to vector<512x128xi32>
    %convert_element_type3A_112 = arith.sitofp %convert_element_type3A_111 : vector<512x128xi32> to vector<512x128xf32>
    %dot_general3A_113 = arith.constant dense<0.000000e+00> : vector<131x128xf32>
    %dot_general3A_114 = tpu.matmul %get3A_13, %convert_element_type3A_112, %dot_general3A_113 {dimension_numbers = #tpu.dot_dimension_numbers<[1], [0], [0], [1], [0, 0, 1, 1], [], []>, precision = #tpu.contract_precision<fp32>, transpose_lhs_hint = false} : vector<131x512xf32>, vector<512x128xf32>, vector<131x128xf32> -> vector<131x128xf32>
    %gt3A_115 = arith.constant 1.000000e+00 : f32
    %gt3A_116 = vector.broadcast %gt3A_115 : f32 to vector<1x128xf32>
    %gt3A_117 = arith.cmpf ogt, %slice3A_72, %gt3A_116 : vector<1x128xf32>
    %broadcast_in_dim3A_118 = vector.shape_cast %gt3A_117 : vector<1x128xi1> to vector<1x128xi1>
    %broadcast_in_dim3A_119 = vector.broadcast %broadcast_in_dim3A_118 : vector<1x128xi1> to vector<131x128xi1>
    %select_n3A_120 = arith.select %broadcast_in_dim3A_119, %dot_general3A_114, %select_n3A : vector<131x128xi1>, vector<131x128xf32>
    %slice3A_121 = vector.extract_strided_slice %select_n3A_120 {offsets = [0, 0], sizes = [3, 128], strides = [1, 1]} : vector<131x128xf32> to vector<3x128xf32>
    %sub3A_122 = arith.subf %slice3A_121, %get3A_8 : vector<3x128xf32>
    %slice3A_123 = vector.extract_strided_slice %select_n3A_120 {offsets = [3, 0], sizes = [128, 128], strides = [1, 1]} : vector<131x128xf32> to vector<128x128xf32>
    %get3A_124 = arith.constant 0 : index
    %get3A_125 = arith.constant 0 : index
    %get3A_126 = vector.load %arg5[%get3A_124, %get3A_125] : memref<128x1xf32, #tpu.memory_space<vmem>>, vector<128x1xf32>
    %mul3A_127 = vector.broadcast %get3A_126 : vector<128x1xf32> to vector<128x128xf32>
    %mul3A_128 = arith.mulf %slice3A_123, %mul3A_127 : vector<128x128xf32>
    %get3A_129 = arith.constant 0 : index
    %get3A_130 = arith.constant 0 : index
    %get3A_131 = vector.load %arg6[%get3A_129, %get3A_130] : memref<128x1xf32, #tpu.memory_space<vmem>>, vector<128x1xf32>
    %add3A_132 = vector.broadcast %get3A_131 : vector<128x1xf32> to vector<128x128xf32>
    %add3A_133 = arith.addf %mul3A_128, %add3A_132 : vector<128x128xf32>
    %max3A_134 = arith.constant 0.000000e+00 : f32
    %max3A_135 = vector.broadcast %max3A_134 : f32 to vector<128x128xf32>
    %max3A_136 = arith.maximumf %add3A_133, %max3A_135 : vector<128x128xf32>
    %concatenate3A_137 = tpu.concatenate %sub3A_122, %max3A_136 in 0 : vector<3x128xf32>, vector<128x128xf32> -> vector<131x128xf32>
    %swap3A_138 = arith.constant 0 : index
    %swap3A_139 = arith.constant 1 : index
    %swap3A_140 = arith.constant 0 : index
    %swap3A_141 = arith.constant 0 : index
    %swap3A_142 = vector.load %arg7[%swap3A_138, %swap3A_139, %swap3A_140, %swap3A_141] : memref<1x64x131x128xf32, #tpu.memory_space<vmem>>, vector<1x1x131x128xf32>
    %swap3A_143 = vector.shape_cast %swap3A_142 : vector<1x1x131x128xf32> to vector<131x128xf32>
    %swap3A_144 = vector.shape_cast %concatenate3A_137 : vector<131x128xf32> to vector<1x1x131x128xf32>
    tpu.vector_store %arg7[%swap3A_138, %swap3A_139, %swap3A_140, %swap3A_141], %swap3A_144 {strides = array<i32>} : memref<1x64x131x128xf32, #tpu.memory_space<vmem>>, vector<1x1x131x128xf32>,
    %eq3A_145 = arith.constant 3.000000e+00 : f32
    %eq3A_146 = vector.broadcast %eq3A_145 : f32 to vector<512x128xf32>
    %eq3A_147 = arith.cmpf oeq, %mul3A_73, %eq3A_146 : vector<512x128xf32>
    %convert_element_type3A_148 = arith.extui %eq3A_147 : vector<512x128xi1> to vector<512x128xi32>
    %convert_element_type3A_149 = arith.sitofp %convert_element_type3A_148 : vector<512x128xi32> to vector<512x128xf32>
    %dot_general3A_150 = arith.constant dense<0.000000e+00> : vector<131x128xf32>
    %dot_general3A_151 = tpu.matmul %get3A_13, %convert_element_type3A_149, %dot_general3A_150 {dimension_numbers = #tpu.dot_dimension_numbers<[1], [0], [0], [1], [0, 0, 1, 1], [], []>, precision = #tpu.contract_precision<fp32>, transpose_lhs_hint = false} : vector<131x512xf32>, vector<512x128xf32>, vector<131x128xf32> -> vector<131x128xf32>
    %gt3A_152 = arith.constant 2.000000e+00 : f32
    %gt3A_153 = vector.broadcast %gt3A_152 : f32 to vector<1x128xf32>
    %gt3A_154 = arith.cmpf ogt, %slice3A_72, %gt3A_153 : vector<1x128xf32>
    %broadcast_in_dim3A_155 = vector.shape_cast %gt3A_154 : vector<1x128xi1> to vector<1x128xi1>
    %broadcast_in_dim3A_156 = vector.broadcast %broadcast_in_dim3A_155 : vector<1x128xi1> to vector<131x128xi1>
    %select_n3A_157 = arith.select %broadcast_in_dim3A_156, %dot_general3A_151, %select_n3A : vector<131x128xi1>, vector<131x128xf32>
    %slice3A_158 = vector.extract_strided_slice %select_n3A_157 {offsets = [0, 0], sizes = [3, 128], strides = [1, 1]} : vector<131x128xf32> to vector<3x128xf32>
    %sub3A_159 = arith.subf %slice3A_158, %get3A_8 : vector<3x128xf32>
    %slice3A_160 = vector.extract_strided_slice %select_n3A_157 {offsets = [3, 0], sizes = [128, 128], strides = [1, 1]} : vector<131x128xf32> to vector<128x128xf32>
    %get3A_161 = arith.constant 0 : index
    %get3A_162 = arith.constant 0 : index
    %get3A_163 = vector.load %arg5[%get3A_161, %get3A_162] : memref<128x1xf32, #tpu.memory_space<vmem>>, vector<128x1xf32>
    %mul3A_164 = vector.broadcast %get3A_163 : vector<128x1xf32> to vector<128x128xf32>
    %mul3A_165 = arith.mulf %slice3A_160, %mul3A_164 : vector<128x128xf32>
    %get3A_166 = arith.constant 0 : index
    %get3A_167 = arith.constant 0 : index
    %get3A_168 = vector.load %arg6[%get3A_166, %get3A_167] : memref<128x1xf32, #tpu.memory_space<vmem>>, vector<128x1xf32>
    %add3A_169 = vector.broadcast %get3A_168 : vector<128x1xf32> to vector<128x128xf32>
    %add3A_170 = arith.addf %mul3A_165, %add3A_169 : vector<128x128xf32>
    %max3A_171 = arith.constant 0.000000e+00 : f32
    %max3A_172 = vector.broadcast %max3A_171 : f32 to vector<128x128xf32>
    %max3A_173 = arith.maximumf %add3A_170, %max3A_172 : vector<128x128xf32>
    %concatenate3A_174 = tpu.concatenate %sub3A_159, %max3A_173 in 0 : vector<3x128xf32>, vector<128x128xf32> -> vector<131x128xf32>
    %swap3A_175 = arith.constant 0 : index
    %swap3A_176 = arith.constant 2 : index
    %swap3A_177 = arith.constant 0 : index
    %swap3A_178 = arith.constant 0 : index
    %swap3A_179 = vector.load %arg7[%swap3A_175, %swap3A_176, %swap3A_177, %swap3A_178] : memref<1x64x131x128xf32, #tpu.memory_space<vmem>>, vector<1x1x131x128xf32>
    %swap3A_180 = vector.shape_cast %swap3A_179 : vector<1x1x131x128xf32> to vector<131x128xf32>
    %swap3A_181 = vector.shape_cast %concatenate3A_174 : vector<131x128xf32> to vector<1x1x131x128xf32>
    tpu.vector_store %arg7[%swap3A_175, %swap3A_176, %swap3A_177, %swap3A_178], %swap3A_181 {strides = array<i32>} : memref<1x64x131x128xf32, #tpu.memory_space<vmem>>, vector<1x1x131x128xf32>,
    %eq3A_182 = arith.constant 4.000000e+00 : f32
    %eq3A_183 = vector.broadcast %eq3A_182 : f32 to vector<512x128xf32>
    %eq3A_184 = arith.cmpf oeq, %mul3A_73, %eq3A_183 : vector<512x128xf32>
    %convert_element_type3A_185 = arith.extui %eq3A_184 : vector<512x128xi1> to vector<512x128xi32>
    %convert_element_type3A_186 = arith.sitofp %convert_element_type3A_185 : vector<512x128xi32> to vector<512x128xf32>
    %dot_general3A_187 = arith.constant dense<0.000000e+00> : vector<131x128xf32>
    %dot_general3A_188 = tpu.matmul %get3A_13, %convert_element_type3A_186, %dot_general3A_187 {dimension_numbers = #tpu.dot_dimension_numbers<[1], [0], [0], [1], [0, 0, 1, 1], [], []>, precision = #tpu.contract_precision<fp32>, transpose_lhs_hint = false} : vector<131x512xf32>, vector<512x128xf32>, vector<131x128xf32> -> vector<131x128xf32>
    %gt3A_189 = arith.constant 3.000000e+00 : f32
    %gt3A_190 = vector.broadcast %gt3A_189 : f32 to vector<1x128xf32>
    %gt3A_191 = arith.cmpf ogt, %slice3A_72, %gt3A_190 : vector<1x128xf32>
    %broadcast_in_dim3A_192 = vector.shape_cast %gt3A_191 : vector<1x128xi1> to vector<1x128xi1>
    %broadcast_in_dim3A_193 = vector.broadcast %broadcast_in_dim3A_192 : vector<1x128xi1> to vector<131x128xi1>
    %select_n3A_194 = arith.select %broadcast_in_dim3A_193, %dot_general3A_188, %select_n3A : vector<131x128xi1>, vector<131x128xf32>
    %slice3A_195 = vector.extract_strided_slice %select_n3A_194 {offsets = [0, 0], sizes = [3, 128], strides = [1, 1]} : vector<131x128xf32> to vector<3x128xf32>
    %sub3A_196 = arith.subf %slice3A_195, %get3A_8 : vector<3x128xf32>
    %slice3A_197 = vector.extract_strided_slice %select_n3A_194 {offsets = [3, 0], sizes = [128, 128], strides = [1, 1]} : vector<131x128xf32> to vector<128x128xf32>
    %get3A_198 = arith.constant 0 : index
    %get3A_199 = arith.constant 0 : index
    %get3A_200 = vector.load %arg5[%get3A_198, %get3A_199] : memref<128x1xf32, #tpu.memory_space<vmem>>, vector<128x1xf32>
    %mul3A_201 = vector.broadcast %get3A_200 : vector<128x1xf32> to vector<128x128xf32>
    %mul3A_202 = arith.mulf %slice3A_197, %mul3A_201 : vector<128x128xf32>
    %get3A_203 = arith.constant 0 : index
    %get3A_204 = arith.constant 0 : index
    %get3A_205 = vector.load %arg6[%get3A_203, %get3A_204] : memref<128x1xf32, #tpu.memory_space<vmem>>, vector<128x1xf32>
    %add3A_206 = vector.broadcast %get3A_205 : vector<128x1xf32> to vector<128x128xf32>
    %add3A_207 = arith.addf %mul3A_202, %add3A_206 : vector<128x128xf32>
    %max3A_208 = arith.constant 0.000000e+00 : f32
    %max3A_209 = vector.broadcast %max3A_208 : f32 to vector<128x128xf32>
    %max3A_210 = arith.maximumf %add3A_207, %max3A_209 : vector<128x128xf32>
    %concatenate3A_211 = tpu.concatenate %sub3A_196, %max3A_210 in 0 : vector<3x128xf32>, vector<128x128xf32> -> vector<131x128xf32>
    %swap3A_212 = arith.constant 0 : index
    %swap3A_213 = arith.constant 3 : index
    %swap3A_214 = arith.constant 0 : index
    %swap3A_215 = arith.constant 0 : index
    %swap3A_216 = vector.load %arg7[%swap3A_212, %swap3A_213, %swap3A_214, %swap3A_215] : memref<1x64x131x128xf32, #tpu.memory_space<vmem>>, vector<1x1x131x128xf32>
    %swap3A_217 = vector.shape_cast %swap3A_216 : vector<1x1x131x128xf32> to vector<131x128xf32>
    %swap3A_218 = vector.shape_cast %concatenate3A_211 : vector<131x128xf32> to vector<1x1x131x128xf32>
    tpu.vector_store %arg7[%swap3A_212, %swap3A_213, %swap3A_214, %swap3A_215], %swap3A_218 {strides = array<i32>} : memref<1x64x131x128xf32, #tpu.memory_space<vmem>>, vector<1x1x131x128xf32>,
    %eq3A_219 = arith.constant 5.000000e+00 : f32
    %eq3A_220 = vector.broadcast %eq3A_219 : f32 to vector<512x128xf32>
    %eq3A_221 = arith.cmpf oeq, %mul3A_73, %eq3A_220 : vector<512x128xf32>
    %convert_element_type3A_222 = arith.extui %eq3A_221 : vector<512x128xi1> to vector<512x128xi32>
    %convert_element_type3A_223 = arith.sitofp %convert_element_type3A_222 : vector<512x128xi32> to vector<512x128xf32>
    %dot_general3A_224 = arith.constant dense<0.000000e+00> : vector<131x128xf32>
    %dot_general3A_225 = tpu.matmul %get3A_13, %convert_element_type3A_223, %dot_general3A_224 {dimension_numbers = #tpu.dot_dimension_numbers<[1], [0], [0], [1], [0, 0, 1, 1], [], []>, precision = #tpu.contract_precision<fp32>, transpose_lhs_hint = false} : vector<131x512xf32>, vector<512x128xf32>, vector<131x128xf32> -> vector<131x128xf32>
    %gt3A_226 = arith.constant 4.000000e+00 : f32
    %gt3A_227 = vector.broadcast %gt3A_226 : f32 to vector<1x128xf32>
    %gt3A_228 = arith.cmpf ogt, %slice3A_72, %gt3A_227 : vector<1x128xf32>
    %broadcast_in_dim3A_229 = vector.shape_cast %gt3A_228 : vector<1x128xi1> to vector<1x128xi1>
    %broadcast_in_dim3A_230 = vector.broadcast %broadcast_in_dim3A_229 : vector<1x128xi1> to vector<131x128xi1>
    %select_n3A_231 = arith.select %broadcast_in_dim3A_230, %dot_general3A_225, %select_n3A : vector<131x128xi1>, vector<131x128xf32>
    %slice3A_232 = vector.extract_strided_slice %select_n3A_231 {offsets = [0, 0], sizes = [3, 128], strides = [1, 1]} : vector<131x128xf32> to vector<3x128xf32>
    %sub3A_233 = arith.subf %slice3A_232, %get3A_8 : vector<3x128xf32>
    %slice3A_234 = vector.extract_strided_slice %select_n3A_231 {offsets = [3, 0], sizes = [128, 128], strides = [1, 1]} : vector<131x128xf32> to vector<128x128xf32>
    %get3A_235 = arith.constant 0 : index
    %get3A_236 = arith.constant 0 : index
    %get3A_237 = vector.load %arg5[%get3A_235, %get3A_236] : memref<128x1xf32, #tpu.memory_space<vmem>>, vector<128x1xf32>
    %mul3A_238 = vector.broadcast %get3A_237 : vector<128x1xf32> to vector<128x128xf32>
    %mul3A_239 = arith.mulf %slice3A_234, %mul3A_238 : vector<128x128xf32>
    %get3A_240 = arith.constant 0 : index
    %get3A_241 = arith.constant 0 : index
    %get3A_242 = vector.load %arg6[%get3A_240, %get3A_241] : memref<128x1xf32, #tpu.memory_space<vmem>>, vector<128x1xf32>
    %add3A_243 = vector.broadcast %get3A_242 : vector<128x1xf32> to vector<128x128xf32>
    %add3A_244 = arith.addf %mul3A_239, %add3A_243 : vector<128x128xf32>
    %max3A_245 = arith.constant 0.000000e+00 : f32
    %max3A_246 = vector.broadcast %max3A_245 : f32 to vector<128x128xf32>
    %max3A_247 = arith.maximumf %add3A_244, %max3A_246 : vector<128x128xf32>
    %concatenate3A_248 = tpu.concatenate %sub3A_233, %max3A_247 in 0 : vector<3x128xf32>, vector<128x128xf32> -> vector<131x128xf32>
    %swap3A_249 = arith.constant 0 : index
    %swap3A_250 = arith.constant 4 : index
    %swap3A_251 = arith.constant 0 : index
    %swap3A_252 = arith.constant 0 : index
    %swap3A_253 = vector.load %arg7[%swap3A_249, %swap3A_250, %swap3A_251, %swap3A_252] : memref<1x64x131x128xf32, #tpu.memory_space<vmem>>, vector<1x1x131x128xf32>
    %swap3A_254 = vector.shape_cast %swap3A_253 : vector<1x1x131x128xf32> to vector<131x128xf32>
    %swap3A_255 = vector.shape_cast %concatenate3A_248 : vector<131x128xf32> to vector<1x1x131x128xf32>
    tpu.vector_store %arg7[%swap3A_249, %swap3A_250, %swap3A_251, %swap3A_252], %swap3A_255 {strides = array<i32>} : memref<1x64x131x128xf32, #tpu.memory_space<vmem>>, vector<1x1x131x128xf32>,
    %eq3A_256 = arith.constant 6.000000e+00 : f32
    %eq3A_257 = vector.broadcast %eq3A_256 : f32 to vector<512x128xf32>
    %eq3A_258 = arith.cmpf oeq, %mul3A_73, %eq3A_257 : vector<512x128xf32>
    %convert_element_type3A_259 = arith.extui %eq3A_258 : vector<512x128xi1> to vector<512x128xi32>
    %convert_element_type3A_260 = arith.sitofp %convert_element_type3A_259 : vector<512x128xi32> to vector<512x128xf32>
    %dot_general3A_261 = arith.constant dense<0.000000e+00> : vector<131x128xf32>
    %dot_general3A_262 = tpu.matmul %get3A_13, %convert_element_type3A_260, %dot_general3A_261 {dimension_numbers = #tpu.dot_dimension_numbers<[1], [0], [0], [1], [0, 0, 1, 1], [], []>, precision = #tpu.contract_precision<fp32>, transpose_lhs_hint = false} : vector<131x512xf32>, vector<512x128xf32>, vector<131x128xf32> -> vector<131x128xf32>
    %gt3A_263 = arith.constant 5.000000e+00 : f32
    %gt3A_264 = vector.broadcast %gt3A_263 : f32 to vector<1x128xf32>
    %gt3A_265 = arith.cmpf ogt, %slice3A_72, %gt3A_264 : vector<1x128xf32>
    %broadcast_in_dim3A_266 = vector.shape_cast %gt3A_265 : vector<1x128xi1> to vector<1x128xi1>
    %broadcast_in_dim3A_267 = vector.broadcast %broadcast_in_dim3A_266 : vector<1x128xi1> to vector<131x128xi1>
    %select_n3A_268 = arith.select %broadcast_in_dim3A_267, %dot_general3A_262, %select_n3A : vector<131x128xi1>, vector<131x128xf32>
    %slice3A_269 = vector.extract_strided_slice %select_n3A_268 {offsets = [0, 0], sizes = [3, 128], strides = [1, 1]} : vector<131x128xf32> to vector<3x128xf32>
    %sub3A_270 = arith.subf %slice3A_269, %get3A_8 : vector<3x128xf32>
    %slice3A_271 = vector.extract_strided_slice %select_n3A_268 {offsets = [3, 0], sizes = [128, 128], strides = [1, 1]} : vector<131x128xf32> to vector<128x128xf32>
    %get3A_272 = arith.constant 0 : index
    %get3A_273 = arith.constant 0 : index
    %get3A_274 = vector.load %arg5[%get3A_272, %get3A_273] : memref<128x1xf32, #tpu.memory_space<vmem>>, vector<128x1xf32>
    %mul3A_275 = vector.broadcast %get3A_274 : vector<128x1xf32> to vector<128x128xf32>
    %mul3A_276 = arith.mulf %slice3A_271, %mul3A_275 : vector<128x128xf32>
    %get3A_277 = arith.constant 0 : index
    %get3A_278 = arith.constant 0 : index
    %get3A_279 = vector.load %arg6[%get3A_277, %get3A_278] : memref<128x1xf32, #tpu.memory_space<vmem>>, vector<128x1xf32>
    %add3A_280 = vector.broadcast %get3A_279 : vector<128x1xf32> to vector<128x128xf32>
    %add3A_281 = arith.addf %mul3A_276, %add3A_280 : vector<128x128xf32>
    %max3A_282 = arith.constant 0.000000e+00 : f32
    %max3A_283 = vector.broadcast %max3A_282 : f32 to vector<128x128xf32>
    %max3A_284 = arith.maximumf %add3A_281, %max3A_283 : vector<128x128xf32>
    %concatenate3A_285 = tpu.concatenate %sub3A_270, %max3A_284 in 0 : vector<3x128xf32>, vector<128x128xf32> -> vector<131x128xf32>
    %swap3A_286 = arith.constant 0 : index
    %swap3A_287 = arith.constant 5 : index
    %swap3A_288 = arith.constant 0 : index
    %swap3A_289 = arith.constant 0 : index
    %swap3A_290 = vector.load %arg7[%swap3A_286, %swap3A_287, %swap3A_288, %swap3A_289] : memref<1x64x131x128xf32, #tpu.memory_space<vmem>>, vector<1x1x131x128xf32>
    %swap3A_291 = vector.shape_cast %swap3A_290 : vector<1x1x131x128xf32> to vector<131x128xf32>
    %swap3A_292 = vector.shape_cast %concatenate3A_285 : vector<131x128xf32> to vector<1x1x131x128xf32>
    tpu.vector_store %arg7[%swap3A_286, %swap3A_287, %swap3A_288, %swap3A_289], %swap3A_292 {strides = array<i32>} : memref<1x64x131x128xf32, #tpu.memory_space<vmem>>, vector<1x1x131x128xf32>,
    %eq3A_293 = arith.constant 7.000000e+00 : f32
    %eq3A_294 = vector.broadcast %eq3A_293 : f32 to vector<512x128xf32>
    %eq3A_295 = arith.cmpf oeq, %mul3A_73, %eq3A_294 : vector<512x128xf32>
    %convert_element_type3A_296 = arith.extui %eq3A_295 : vector<512x128xi1> to vector<512x128xi32>
    %convert_element_type3A_297 = arith.sitofp %convert_element_type3A_296 : vector<512x128xi32> to vector<512x128xf32>
    %dot_general3A_298 = arith.constant dense<0.000000e+00> : vector<131x128xf32>
    %dot_general3A_299 = tpu.matmul %get3A_13, %convert_element_type3A_297, %dot_general3A_298 {dimension_numbers = #tpu.dot_dimension_numbers<[1], [0], [0], [1], [0, 0, 1, 1], [], []>, precision = #tpu.contract_precision<fp32>, transpose_lhs_hint = false} : vector<131x512xf32>, vector<512x128xf32>, vector<131x128xf32> -> vector<131x128xf32>
    %gt3A_300 = arith.constant 6.000000e+00 : f32
    %gt3A_301 = vector.broadcast %gt3A_300 : f32 to vector<1x128xf32>
    %gt3A_302 = arith.cmpf ogt, %slice3A_72, %gt3A_301 : vector<1x128xf32>
    %broadcast_in_dim3A_303 = vector.shape_cast %gt3A_302 : vector<1x128xi1> to vector<1x128xi1>
    %broadcast_in_dim3A_304 = vector.broadcast %broadcast_in_dim3A_303 : vector<1x128xi1> to vector<131x128xi1>
    %select_n3A_305 = arith.select %broadcast_in_dim3A_304, %dot_general3A_299, %select_n3A : vector<131x128xi1>, vector<131x128xf32>
    %slice3A_306 = vector.extract_strided_slice %select_n3A_305 {offsets = [0, 0], sizes = [3, 128], strides = [1, 1]} : vector<131x128xf32> to vector<3x128xf32>
    %sub3A_307 = arith.subf %slice3A_306, %get3A_8 : vector<3x128xf32>
    %slice3A_308 = vector.extract_strided_slice %select_n3A_305 {offsets = [3, 0], sizes = [128, 128], strides = [1, 1]} : vector<131x128xf32> to vector<128x128xf32>
    %get3A_309 = arith.constant 0 : index
    %get3A_310 = arith.constant 0 : index
    %get3A_311 = vector.load %arg5[%get3A_309, %get3A_310] : memref<128x1xf32, #tpu.memory_space<vmem>>, vector<128x1xf32>
    %mul3A_312 = vector.broadcast %get3A_311 : vector<128x1xf32> to vector<128x128xf32>
    %mul3A_313 = arith.mulf %slice3A_308, %mul3A_312 : vector<128x128xf32>
    %get3A_314 = arith.constant 0 : index
    %get3A_315 = arith.constant 0 : index
    %get3A_316 = vector.load %arg6[%get3A_314, %get3A_315] : memref<128x1xf32, #tpu.memory_space<vmem>>, vector<128x1xf32>
    %add3A_317 = vector.broadcast %get3A_316 : vector<128x1xf32> to vector<128x128xf32>
    %add3A_318 = arith.addf %mul3A_313, %add3A_317 : vector<128x128xf32>
    %max3A_319 = arith.constant 0.000000e+00 : f32
    %max3A_320 = vector.broadcast %max3A_319 : f32 to vector<128x128xf32>
    %max3A_321 = arith.maximumf %add3A_318, %max3A_320 : vector<128x128xf32>
    %concatenate3A_322 = tpu.concatenate %sub3A_307, %max3A_321 in 0 : vector<3x128xf32>, vector<128x128xf32> -> vector<131x128xf32>
    %swap3A_323 = arith.constant 0 : index
    %swap3A_324 = arith.constant 6 : index
    %swap3A_325 = arith.constant 0 : index
    %swap3A_326 = arith.constant 0 : index
    %swap3A_327 = vector.load %arg7[%swap3A_323, %swap3A_324, %swap3A_325, %swap3A_326] : memref<1x64x131x128xf32, #tpu.memory_space<vmem>>, vector<1x1x131x128xf32>
    %swap3A_328 = vector.shape_cast %swap3A_327 : vector<1x1x131x128xf32> to vector<131x128xf32>
    %swap3A_329 = vector.shape_cast %concatenate3A_322 : vector<131x128xf32> to vector<1x1x131x128xf32>
    tpu.vector_store %arg7[%swap3A_323, %swap3A_324, %swap3A_325, %swap3A_326], %swap3A_329 {strides = array<i32>} : memref<1x64x131x128xf32, #tpu.memory_space<vmem>>, vector<1x1x131x128xf32>,
    %eq3A_330 = arith.constant 8.000000e+00 : f32
    %eq3A_331 = vector.broadcast %eq3A_330 : f32 to vector<512x128xf32>
    %eq3A_332 = arith.cmpf oeq, %mul3A_73, %eq3A_331 : vector<512x128xf32>
    %convert_element_type3A_333 = arith.extui %eq3A_332 : vector<512x128xi1> to vector<512x128xi32>
    %convert_element_type3A_334 = arith.sitofp %convert_element_type3A_333 : vector<512x128xi32> to vector<512x128xf32>
    %dot_general3A_335 = arith.constant dense<0.000000e+00> : vector<131x128xf32>
    %dot_general3A_336 = tpu.matmul %get3A_13, %convert_element_type3A_334, %dot_general3A_335 {dimension_numbers = #tpu.dot_dimension_numbers<[1], [0], [0], [1], [0, 0, 1, 1], [], []>, precision = #tpu.contract_precision<fp32>, transpose_lhs_hint = false} : vector<131x512xf32>, vector<512x128xf32>, vector<131x128xf32> -> vector<131x128xf32>
    %gt3A_337 = arith.constant 7.000000e+00 : f32
    %gt3A_338 = vector.broadcast %gt3A_337 : f32 to vector<1x128xf32>
    %gt3A_339 = arith.cmpf ogt, %slice3A_72, %gt3A_338 : vector<1x128xf32>
    %broadcast_in_dim3A_340 = vector.shape_cast %gt3A_339 : vector<1x128xi1> to vector<1x128xi1>
    %broadcast_in_dim3A_341 = vector.broadcast %broadcast_in_dim3A_340 : vector<1x128xi1> to vector<131x128xi1>
    %select_n3A_342 = arith.select %broadcast_in_dim3A_341, %dot_general3A_336, %select_n3A : vector<131x128xi1>, vector<131x128xf32>
    %slice3A_343 = vector.extract_strided_slice %select_n3A_342 {offsets = [0, 0], sizes = [3, 128], strides = [1, 1]} : vector<131x128xf32> to vector<3x128xf32>
    %sub3A_344 = arith.subf %slice3A_343, %get3A_8 : vector<3x128xf32>
    %slice3A_345 = vector.extract_strided_slice %select_n3A_342 {offsets = [3, 0], sizes = [128, 128], strides = [1, 1]} : vector<131x128xf32> to vector<128x128xf32>
    %get3A_346 = arith.constant 0 : index
    %get3A_347 = arith.constant 0 : index
    %get3A_348 = vector.load %arg5[%get3A_346, %get3A_347] : memref<128x1xf32, #tpu.memory_space<vmem>>, vector<128x1xf32>
    %mul3A_349 = vector.broadcast %get3A_348 : vector<128x1xf32> to vector<128x128xf32>
    %mul3A_350 = arith.mulf %slice3A_345, %mul3A_349 : vector<128x128xf32>
    %get3A_351 = arith.constant 0 : index
    %get3A_352 = arith.constant 0 : index
    %get3A_353 = vector.load %arg6[%get3A_351, %get3A_352] : memref<128x1xf32, #tpu.memory_space<vmem>>, vector<128x1xf32>
    %add3A_354 = vector.broadcast %get3A_353 : vector<128x1xf32> to vector<128x128xf32>
    %add3A_355 = arith.addf %mul3A_350, %add3A_354 : vector<128x128xf32>
    %max3A_356 = arith.constant 0.000000e+00 : f32
    %max3A_357 = vector.broadcast %max3A_356 : f32 to vector<128x128xf32>
    %max3A_358 = arith.maximumf %add3A_355, %max3A_357 : vector<128x128xf32>
    %concatenate3A_359 = tpu.concatenate %sub3A_344, %max3A_358 in 0 : vector<3x128xf32>, vector<128x128xf32> -> vector<131x128xf32>
    %swap3A_360 = arith.constant 0 : index
    %swap3A_361 = arith.constant 7 : index
    %swap3A_362 = arith.constant 0 : index
    %swap3A_363 = arith.constant 0 : index
    %swap3A_364 = vector.load %arg7[%swap3A_360, %swap3A_361, %swap3A_362, %swap3A_363] : memref<1x64x131x128xf32, #tpu.memory_space<vmem>>, vector<1x1x131x128xf32>
    %swap3A_365 = vector.shape_cast %swap3A_364 : vector<1x1x131x128xf32> to vector<131x128xf32>
    %swap3A_366 = vector.shape_cast %concatenate3A_359 : vector<131x128xf32> to vector<1x1x131x128xf32>
    tpu.vector_store %arg7[%swap3A_360, %swap3A_361, %swap3A_362, %swap3A_363], %swap3A_366 {strides = array<i32>} : memref<1x64x131x128xf32, #tpu.memory_space<vmem>>, vector<1x1x131x128xf32>,
    %eq3A_367 = arith.constant 9.000000e+00 : f32
    %eq3A_368 = vector.broadcast %eq3A_367 : f32 to vector<512x128xf32>
    %eq3A_369 = arith.cmpf oeq, %mul3A_73, %eq3A_368 : vector<512x128xf32>
    %convert_element_type3A_370 = arith.extui %eq3A_369 : vector<512x128xi1> to vector<512x128xi32>
    %convert_element_type3A_371 = arith.sitofp %convert_element_type3A_370 : vector<512x128xi32> to vector<512x128xf32>
    %dot_general3A_372 = arith.constant dense<0.000000e+00> : vector<131x128xf32>
    %dot_general3A_373 = tpu.matmul %get3A_13, %convert_element_type3A_371, %dot_general3A_372 {dimension_numbers = #tpu.dot_dimension_numbers<[1], [0], [0], [1], [0, 0, 1, 1], [], []>, precision = #tpu.contract_precision<fp32>, transpose_lhs_hint = false} : vector<131x512xf32>, vector<512x128xf32>, vector<131x128xf32> -> vector<131x128xf32>
    %gt3A_374 = arith.constant 8.000000e+00 : f32
    %gt3A_375 = vector.broadcast %gt3A_374 : f32 to vector<1x128xf32>
    %gt3A_376 = arith.cmpf ogt, %slice3A_72, %gt3A_375 : vector<1x128xf32>
    %broadcast_in_dim3A_377 = vector.shape_cast %gt3A_376 : vector<1x128xi1> to vector<1x128xi1>
    %broadcast_in_dim3A_378 = vector.broadcast %broadcast_in_dim3A_377 : vector<1x128xi1> to vector<131x128xi1>
    %select_n3A_379 = arith.select %broadcast_in_dim3A_378, %dot_general3A_373, %select_n3A : vector<131x128xi1>, vector<131x128xf32>
    %slice3A_380 = vector.extract_strided_slice %select_n3A_379 {offsets = [0, 0], sizes = [3, 128], strides = [1, 1]} : vector<131x128xf32> to vector<3x128xf32>
    %sub3A_381 = arith.subf %slice3A_380, %get3A_8 : vector<3x128xf32>
    %slice3A_382 = vector.extract_strided_slice %select_n3A_379 {offsets = [3, 0], sizes = [128, 128], strides = [1, 1]} : vector<131x128xf32> to vector<128x128xf32>
    %get3A_383 = arith.constant 0 : index
    %get3A_384 = arith.constant 0 : index
    %get3A_385 = vector.load %arg5[%get3A_383, %get3A_384] : memref<128x1xf32, #tpu.memory_space<vmem>>, vector<128x1xf32>
    %mul3A_386 = vector.broadcast %get3A_385 : vector<128x1xf32> to vector<128x128xf32>
    %mul3A_387 = arith.mulf %slice3A_382, %mul3A_386 : vector<128x128xf32>
    %get3A_388 = arith.constant 0 : index
    %get3A_389 = arith.constant 0 : index
    %get3A_390 = vector.load %arg6[%get3A_388, %get3A_389] : memref<128x1xf32, #tpu.memory_space<vmem>>, vector<128x1xf32>
    %add3A_391 = vector.broadcast %get3A_390 : vector<128x1xf32> to vector<128x128xf32>
    %add3A_392 = arith.addf %mul3A_387, %add3A_391 : vector<128x128xf32>
    %max3A_393 = arith.constant 0.000000e+00 : f32
    %max3A_394 = vector.broadcast %max3A_393 : f32 to vector<128x128xf32>
    %max3A_395 = arith.maximumf %add3A_392, %max3A_394 : vector<128x128xf32>
    %concatenate3A_396 = tpu.concatenate %sub3A_381, %max3A_395 in 0 : vector<3x128xf32>, vector<128x128xf32> -> vector<131x128xf32>
    %swap3A_397 = arith.constant 0 : index
    %swap3A_398 = arith.constant 8 : index
    %swap3A_399 = arith.constant 0 : index
    %swap3A_400 = arith.constant 0 : index
    %swap3A_401 = vector.load %arg7[%swap3A_397, %swap3A_398, %swap3A_399, %swap3A_400] : memref<1x64x131x128xf32, #tpu.memory_space<vmem>>, vector<1x1x131x128xf32>
    %swap3A_402 = vector.shape_cast %swap3A_401 : vector<1x1x131x128xf32> to vector<131x128xf32>
    %swap3A_403 = vector.shape_cast %concatenate3A_396 : vector<131x128xf32> to vector<1x1x131x128xf32>
    tpu.vector_store %arg7[%swap3A_397, %swap3A_398, %swap3A_399, %swap3A_400], %swap3A_403 {strides = array<i32>} : memref<1x64x131x128xf32, #tpu.memory_space<vmem>>, vector<1x1x131x128xf32>,
    %eq3A_404 = arith.constant 1.000000e+01 : f32
    %eq3A_405 = vector.broadcast %eq3A_404 : f32 to vector<512x128xf32>
    %eq3A_406 = arith.cmpf oeq, %mul3A_73, %eq3A_405 : vector<512x128xf32>
    %convert_element_type3A_407 = arith.extui %eq3A_406 : vector<512x128xi1> to vector<512x128xi32>
    %convert_element_type3A_408 = arith.sitofp %convert_element_type3A_407 : vector<512x128xi32> to vector<512x128xf32>
    %dot_general3A_409 = arith.constant dense<0.000000e+00> : vector<131x128xf32>
    %dot_general3A_410 = tpu.matmul %get3A_13, %convert_element_type3A_408, %dot_general3A_409 {dimension_numbers = #tpu.dot_dimension_numbers<[1], [0], [0], [1], [0, 0, 1, 1], [], []>, precision = #tpu.contract_precision<fp32>, transpose_lhs_hint = false} : vector<131x512xf32>, vector<512x128xf32>, vector<131x128xf32> -> vector<131x128xf32>
    %gt3A_411 = arith.constant 9.000000e+00 : f32
    %gt3A_412 = vector.broadcast %gt3A_411 : f32 to vector<1x128xf32>
    %gt3A_413 = arith.cmpf ogt, %slice3A_72, %gt3A_412 : vector<1x128xf32>
    %broadcast_in_dim3A_414 = vector.shape_cast %gt3A_413 : vector<1x128xi1> to vector<1x128xi1>
    %broadcast_in_dim3A_415 = vector.broadcast %broadcast_in_dim3A_414 : vector<1x128xi1> to vector<131x128xi1>
    %select_n3A_416 = arith.select %broadcast_in_dim3A_415, %dot_general3A_410, %select_n3A : vector<131x128xi1>, vector<131x128xf32>
    %slice3A_417 = vector.extract_strided_slice %select_n3A_416 {offsets = [0, 0], sizes = [3, 128], strides = [1, 1]} : vector<131x128xf32> to vector<3x128xf32>
    %sub3A_418 = arith.subf %slice3A_417, %get3A_8 : vector<3x128xf32>
    %slice3A_419 = vector.extract_strided_slice %select_n3A_416 {offsets = [3, 0], sizes = [128, 128], strides = [1, 1]} : vector<131x128xf32> to vector<128x128xf32>
    %get3A_420 = arith.constant 0 : index
    %get3A_421 = arith.constant 0 : index
    %get3A_422 = vector.load %arg5[%get3A_420, %get3A_421] : memref<128x1xf32, #tpu.memory_space<vmem>>, vector<128x1xf32>
    %mul3A_423 = vector.broadcast %get3A_422 : vector<128x1xf32> to vector<128x128xf32>
    %mul3A_424 = arith.mulf %slice3A_419, %mul3A_423 : vector<128x128xf32>
    %get3A_425 = arith.constant 0 : index
    %get3A_426 = arith.constant 0 : index
    %get3A_427 = vector.load %arg6[%get3A_425, %get3A_426] : memref<128x1xf32, #tpu.memory_space<vmem>>, vector<128x1xf32>
    %add3A_428 = vector.broadcast %get3A_427 : vector<128x1xf32> to vector<128x128xf32>
    %add3A_429 = arith.addf %mul3A_424, %add3A_428 : vector<128x128xf32>
    %max3A_430 = arith.constant 0.000000e+00 : f32
    %max3A_431 = vector.broadcast %max3A_430 : f32 to vector<128x128xf32>
    %max3A_432 = arith.maximumf %add3A_429, %max3A_431 : vector<128x128xf32>
    %concatenate3A_433 = tpu.concatenate %sub3A_418, %max3A_432 in 0 : vector<3x128xf32>, vector<128x128xf32> -> vector<131x128xf32>
    %swap3A_434 = arith.constant 0 : index
    %swap3A_435 = arith.constant 9 : index
    %swap3A_436 = arith.constant 0 : index
    %swap3A_437 = arith.constant 0 : index
    %swap3A_438 = vector.load %arg7[%swap3A_434, %swap3A_435, %swap3A_436, %swap3A_437] : memref<1x64x131x128xf32, #tpu.memory_space<vmem>>, vector<1x1x131x128xf32>
    %swap3A_439 = vector.shape_cast %swap3A_438 : vector<1x1x131x128xf32> to vector<131x128xf32>
    %swap3A_440 = vector.shape_cast %concatenate3A_433 : vector<131x128xf32> to vector<1x1x131x128xf32>
    tpu.vector_store %arg7[%swap3A_434, %swap3A_435, %swap3A_436, %swap3A_437], %swap3A_440 {strides = array<i32>} : memref<1x64x131x128xf32, #tpu.memory_space<vmem>>, vector<1x1x131x128xf32>,
    %eq3A_441 = arith.constant 1.100000e+01 : f32
    %eq3A_442 = vector.broadcast %eq3A_441 : f32 to vector<512x128xf32>
    %eq3A_443 = arith.cmpf oeq, %mul3A_73, %eq3A_442 : vector<512x128xf32>
    %convert_element_type3A_444 = arith.extui %eq3A_443 : vector<512x128xi1> to vector<512x128xi32>
    %convert_element_type3A_445 = arith.sitofp %convert_element_type3A_444 : vector<512x128xi32> to vector<512x128xf32>
    %dot_general3A_446 = arith.constant dense<0.000000e+00> : vector<131x128xf32>
    %dot_general3A_447 = tpu.matmul %get3A_13, %convert_element_type3A_445, %dot_general3A_446 {dimension_numbers = #tpu.dot_dimension_numbers<[1], [0], [0], [1], [0, 0, 1, 1], [], []>, precision = #tpu.contract_precision<fp32>, transpose_lhs_hint = false} : vector<131x512xf32>, vector<512x128xf32>, vector<131x128xf32> -> vector<131x128xf32>
    %gt3A_448 = arith.constant 1.000000e+01 : f32
    %gt3A_449 = vector.broadcast %gt3A_448 : f32 to vector<1x128xf32>
    %gt3A_450 = arith.cmpf ogt, %slice3A_72, %gt3A_449 : vector<1x128xf32>
    %broadcast_in_dim3A_451 = vector.shape_cast %gt3A_450 : vector<1x128xi1> to vector<1x128xi1>
    %broadcast_in_dim3A_452 = vector.broadcast %broadcast_in_dim3A_451 : vector<1x128xi1> to vector<131x128xi1>
    %select_n3A_453 = arith.select %broadcast_in_dim3A_452, %dot_general3A_447, %select_n3A : vector<131x128xi1>, vector<131x128xf32>
    %slice3A_454 = vector.extract_strided_slice %select_n3A_453 {offsets = [0, 0], sizes = [3, 128], strides = [1, 1]} : vector<131x128xf32> to vector<3x128xf32>
    %sub3A_455 = arith.subf %slice3A_454, %get3A_8 : vector<3x128xf32>
    %slice3A_456 = vector.extract_strided_slice %select_n3A_453 {offsets = [3, 0], sizes = [128, 128], strides = [1, 1]} : vector<131x128xf32> to vector<128x128xf32>
    %get3A_457 = arith.constant 0 : index
    %get3A_458 = arith.constant 0 : index
    %get3A_459 = vector.load %arg5[%get3A_457, %get3A_458] : memref<128x1xf32, #tpu.memory_space<vmem>>, vector<128x1xf32>
    %mul3A_460 = vector.broadcast %get3A_459 : vector<128x1xf32> to vector<128x128xf32>
    %mul3A_461 = arith.mulf %slice3A_456, %mul3A_460 : vector<128x128xf32>
    %get3A_462 = arith.constant 0 : index
    %get3A_463 = arith.constant 0 : index
    %get3A_464 = vector.load %arg6[%get3A_462, %get3A_463] : memref<128x1xf32, #tpu.memory_space<vmem>>, vector<128x1xf32>
    %add3A_465 = vector.broadcast %get3A_464 : vector<128x1xf32> to vector<128x128xf32>
    %add3A_466 = arith.addf %mul3A_461, %add3A_465 : vector<128x128xf32>
    %max3A_467 = arith.constant 0.000000e+00 : f32
    %max3A_468 = vector.broadcast %max3A_467 : f32 to vector<128x128xf32>
    %max3A_469 = arith.maximumf %add3A_466, %max3A_468 : vector<128x128xf32>
    %concatenate3A_470 = tpu.concatenate %sub3A_455, %max3A_469 in 0 : vector<3x128xf32>, vector<128x128xf32> -> vector<131x128xf32>
    %swap3A_471 = arith.constant 0 : index
    %swap3A_472 = arith.constant 10 : index
    %swap3A_473 = arith.constant 0 : index
    %swap3A_474 = arith.constant 0 : index
    %swap3A_475 = vector.load %arg7[%swap3A_471, %swap3A_472, %swap3A_473, %swap3A_474] : memref<1x64x131x128xf32, #tpu.memory_space<vmem>>, vector<1x1x131x128xf32>
    %swap3A_476 = vector.shape_cast %swap3A_475 : vector<1x1x131x128xf32> to vector<131x128xf32>
    %swap3A_477 = vector.shape_cast %concatenate3A_470 : vector<131x128xf32> to vector<1x1x131x128xf32>
    tpu.vector_store %arg7[%swap3A_471, %swap3A_472, %swap3A_473, %swap3A_474], %swap3A_477 {strides = array<i32>} : memref<1x64x131x128xf32, #tpu.memory_space<vmem>>, vector<1x1x131x128xf32>,
    %eq3A_478 = arith.constant 1.200000e+01 : f32
    %eq3A_479 = vector.broadcast %eq3A_478 : f32 to vector<512x128xf32>
    %eq3A_480 = arith.cmpf oeq, %mul3A_73, %eq3A_479 : vector<512x128xf32>
    %convert_element_type3A_481 = arith.extui %eq3A_480 : vector<512x128xi1> to vector<512x128xi32>
    %convert_element_type3A_482 = arith.sitofp %convert_element_type3A_481 : vector<512x128xi32> to vector<512x128xf32>
    %dot_general3A_483 = arith.constant dense<0.000000e+00> : vector<131x128xf32>
    %dot_general3A_484 = tpu.matmul %get3A_13, %convert_element_type3A_482, %dot_general3A_483 {dimension_numbers = #tpu.dot_dimension_numbers<[1], [0], [0], [1], [0, 0, 1, 1], [], []>, precision = #tpu.contract_precision<fp32>, transpose_lhs_hint = false} : vector<131x512xf32>, vector<512x128xf32>, vector<131x128xf32> -> vector<131x128xf32>
    %gt3A_485 = arith.constant 1.100000e+01 : f32
    %gt3A_486 = vector.broadcast %gt3A_485 : f32 to vector<1x128xf32>
    %gt3A_487 = arith.cmpf ogt, %slice3A_72, %gt3A_486 : vector<1x128xf32>
    %broadcast_in_dim3A_488 = vector.shape_cast %gt3A_487 : vector<1x128xi1> to vector<1x128xi1>
    %broadcast_in_dim3A_489 = vector.broadcast %broadcast_in_dim3A_488 : vector<1x128xi1> to vector<131x128xi1>
    %select_n3A_490 = arith.select %broadcast_in_dim3A_489, %dot_general3A_484, %select_n3A : vector<131x128xi1>, vector<131x128xf32>
    %slice3A_491 = vector.extract_strided_slice %select_n3A_490 {offsets = [0, 0], sizes = [3, 128], strides = [1, 1]} : vector<131x128xf32> to vector<3x128xf32>
    %sub3A_492 = arith.subf %slice3A_491, %get3A_8 : vector<3x128xf32>
    %slice3A_493 = vector.extract_strided_slice %select_n3A_490 {offsets = [3, 0], sizes = [128, 128], strides = [1, 1]} : vector<131x128xf32> to vector<128x128xf32>
    %get3A_494 = arith.constant 0 : index
    %get3A_495 = arith.constant 0 : index
    %get3A_496 = vector.load %arg5[%get3A_494, %get3A_495] : memref<128x1xf32, #tpu.memory_space<vmem>>, vector<128x1xf32>
    %mul3A_497 = vector.broadcast %get3A_496 : vector<128x1xf32> to vector<128x128xf32>
    %mul3A_498 = arith.mulf %slice3A_493, %mul3A_497 : vector<128x128xf32>
    %get3A_499 = arith.constant 0 : index
    %get3A_500 = arith.constant 0 : index
    %get3A_501 = vector.load %arg6[%get3A_499, %get3A_500] : memref<128x1xf32, #tpu.memory_space<vmem>>, vector<128x1xf32>
    %add3A_502 = vector.broadcast %get3A_501 : vector<128x1xf32> to vector<128x128xf32>
    %add3A_503 = arith.addf %mul3A_498, %add3A_502 : vector<128x128xf32>
    %max3A_504 = arith.constant 0.000000e+00 : f32
    %max3A_505 = vector.broadcast %max3A_504 : f32 to vector<128x128xf32>
    %max3A_506 = arith.maximumf %add3A_503, %max3A_505 : vector<128x128xf32>
    %concatenate3A_507 = tpu.concatenate %sub3A_492, %max3A_506 in 0 : vector<3x128xf32>, vector<128x128xf32> -> vector<131x128xf32>
    %swap3A_508 = arith.constant 0 : index
    %swap3A_509 = arith.constant 11 : index
    %swap3A_510 = arith.constant 0 : index
    %swap3A_511 = arith.constant 0 : index
    %swap3A_512 = vector.load %arg7[%swap3A_508, %swap3A_509, %swap3A_510, %swap3A_511] : memref<1x64x131x128xf32, #tpu.memory_space<vmem>>, vector<1x1x131x128xf32>
    %swap3A_513 = vector.shape_cast %swap3A_512 : vector<1x1x131x128xf32> to vector<131x128xf32>
    %swap3A_514 = vector.shape_cast %concatenate3A_507 : vector<131x128xf32> to vector<1x1x131x128xf32>
    tpu.vector_store %arg7[%swap3A_508, %swap3A_509, %swap3A_510, %swap3A_511], %swap3A_514 {strides = array<i32>} : memref<1x64x131x128xf32, #tpu.memory_space<vmem>>, vector<1x1x131x128xf32>,
    %eq3A_515 = arith.constant 1.300000e+01 : f32
    %eq3A_516 = vector.broadcast %eq3A_515 : f32 to vector<512x128xf32>
    %eq3A_517 = arith.cmpf oeq, %mul3A_73, %eq3A_516 : vector<512x128xf32>
    %convert_element_type3A_518 = arith.extui %eq3A_517 : vector<512x128xi1> to vector<512x128xi32>
    %convert_element_type3A_519 = arith.sitofp %convert_element_type3A_518 : vector<512x128xi32> to vector<512x128xf32>
    %dot_general3A_520 = arith.constant dense<0.000000e+00> : vector<131x128xf32>
    %dot_general3A_521 = tpu.matmul %get3A_13, %convert_element_type3A_519, %dot_general3A_520 {dimension_numbers = #tpu.dot_dimension_numbers<[1], [0], [0], [1], [0, 0, 1, 1], [], []>, precision = #tpu.contract_precision<fp32>, transpose_lhs_hint = false} : vector<131x512xf32>, vector<512x128xf32>, vector<131x128xf32> -> vector<131x128xf32>
    %gt3A_522 = arith.constant 1.200000e+01 : f32
    %gt3A_523 = vector.broadcast %gt3A_522 : f32 to vector<1x128xf32>
    %gt3A_524 = arith.cmpf ogt, %slice3A_72, %gt3A_523 : vector<1x128xf32>
    %broadcast_in_dim3A_525 = vector.shape_cast %gt3A_524 : vector<1x128xi1> to vector<1x128xi1>
    %broadcast_in_dim3A_526 = vector.broadcast %broadcast_in_dim3A_525 : vector<1x128xi1> to vector<131x128xi1>
    %select_n3A_527 = arith.select %broadcast_in_dim3A_526, %dot_general3A_521, %select_n3A : vector<131x128xi1>, vector<131x128xf32>
    %slice3A_528 = vector.extract_strided_slice %select_n3A_527 {offsets = [0, 0], sizes = [3, 128], strides = [1, 1]} : vector<131x128xf32> to vector<3x128xf32>
    %sub3A_529 = arith.subf %slice3A_528, %get3A_8 : vector<3x128xf32>
    %slice3A_530 = vector.extract_strided_slice %select_n3A_527 {offsets = [3, 0], sizes = [128, 128], strides = [1, 1]} : vector<131x128xf32> to vector<128x128xf32>
    %get3A_531 = arith.constant 0 : index
    %get3A_532 = arith.constant 0 : index
    %get3A_533 = vector.load %arg5[%get3A_531, %get3A_532] : memref<128x1xf32, #tpu.memory_space<vmem>>, vector<128x1xf32>
    %mul3A_534 = vector.broadcast %get3A_533 : vector<128x1xf32> to vector<128x128xf32>
    %mul3A_535 = arith.mulf %slice3A_530, %mul3A_534 : vector<128x128xf32>
    %get3A_536 = arith.constant 0 : index
    %get3A_537 = arith.constant 0 : index
    %get3A_538 = vector.load %arg6[%get3A_536, %get3A_537] : memref<128x1xf32, #tpu.memory_space<vmem>>, vector<128x1xf32>
    %add3A_539 = vector.broadcast %get3A_538 : vector<128x1xf32> to vector<128x128xf32>
    %add3A_540 = arith.addf %mul3A_535, %add3A_539 : vector<128x128xf32>
    %max3A_541 = arith.constant 0.000000e+00 : f32
    %max3A_542 = vector.broadcast %max3A_541 : f32 to vector<128x128xf32>
    %max3A_543 = arith.maximumf %add3A_540, %max3A_542 : vector<128x128xf32>
    %concatenate3A_544 = tpu.concatenate %sub3A_529, %max3A_543 in 0 : vector<3x128xf32>, vector<128x128xf32> -> vector<131x128xf32>
    %swap3A_545 = arith.constant 0 : index
    %swap3A_546 = arith.constant 12 : index
    %swap3A_547 = arith.constant 0 : index
    %swap3A_548 = arith.constant 0 : index
    %swap3A_549 = vector.load %arg7[%swap3A_545, %swap3A_546, %swap3A_547, %swap3A_548] : memref<1x64x131x128xf32, #tpu.memory_space<vmem>>, vector<1x1x131x128xf32>
    %swap3A_550 = vector.shape_cast %swap3A_549 : vector<1x1x131x128xf32> to vector<131x128xf32>
    %swap3A_551 = vector.shape_cast %concatenate3A_544 : vector<131x128xf32> to vector<1x1x131x128xf32>
    tpu.vector_store %arg7[%swap3A_545, %swap3A_546, %swap3A_547, %swap3A_548], %swap3A_551 {strides = array<i32>} : memref<1x64x131x128xf32, #tpu.memory_space<vmem>>, vector<1x1x131x128xf32>,
    %eq3A_552 = arith.constant 1.400000e+01 : f32
    %eq3A_553 = vector.broadcast %eq3A_552 : f32 to vector<512x128xf32>
    %eq3A_554 = arith.cmpf oeq, %mul3A_73, %eq3A_553 : vector<512x128xf32>
    %convert_element_type3A_555 = arith.extui %eq3A_554 : vector<512x128xi1> to vector<512x128xi32>
    %convert_element_type3A_556 = arith.sitofp %convert_element_type3A_555 : vector<512x128xi32> to vector<512x128xf32>
    %dot_general3A_557 = arith.constant dense<0.000000e+00> : vector<131x128xf32>
    %dot_general3A_558 = tpu.matmul %get3A_13, %convert_element_type3A_556, %dot_general3A_557 {dimension_numbers = #tpu.dot_dimension_numbers<[1], [0], [0], [1], [0, 0, 1, 1], [], []>, precision = #tpu.contract_precision<fp32>, transpose_lhs_hint = false} : vector<131x512xf32>, vector<512x128xf32>, vector<131x128xf32> -> vector<131x128xf32>
    %gt3A_559 = arith.constant 1.300000e+01 : f32
    %gt3A_560 = vector.broadcast %gt3A_559 : f32 to vector<1x128xf32>
    %gt3A_561 = arith.cmpf ogt, %slice3A_72, %gt3A_560 : vector<1x128xf32>
    %broadcast_in_dim3A_562 = vector.shape_cast %gt3A_561 : vector<1x128xi1> to vector<1x128xi1>
    %broadcast_in_dim3A_563 = vector.broadcast %broadcast_in_dim3A_562 : vector<1x128xi1> to vector<131x128xi1>
    %select_n3A_564 = arith.select %broadcast_in_dim3A_563, %dot_general3A_558, %select_n3A : vector<131x128xi1>, vector<131x128xf32>
    %slice3A_565 = vector.extract_strided_slice %select_n3A_564 {offsets = [0, 0], sizes = [3, 128], strides = [1, 1]} : vector<131x128xf32> to vector<3x128xf32>
    %sub3A_566 = arith.subf %slice3A_565, %get3A_8 : vector<3x128xf32>
    %slice3A_567 = vector.extract_strided_slice %select_n3A_564 {offsets = [3, 0], sizes = [128, 128], strides = [1, 1]} : vector<131x128xf32> to vector<128x128xf32>
    %get3A_568 = arith.constant 0 : index
    %get3A_569 = arith.constant 0 : index
    %get3A_570 = vector.load %arg5[%get3A_568, %get3A_569] : memref<128x1xf32, #tpu.memory_space<vmem>>, vector<128x1xf32>
    %mul3A_571 = vector.broadcast %get3A_570 : vector<128x1xf32> to vector<128x128xf32>
    %mul3A_572 = arith.mulf %slice3A_567, %mul3A_571 : vector<128x128xf32>
    %get3A_573 = arith.constant 0 : index
    %get3A_574 = arith.constant 0 : index
    %get3A_575 = vector.load %arg6[%get3A_573, %get3A_574] : memref<128x1xf32, #tpu.memory_space<vmem>>, vector<128x1xf32>
    %add3A_576 = vector.broadcast %get3A_575 : vector<128x1xf32> to vector<128x128xf32>
    %add3A_577 = arith.addf %mul3A_572, %add3A_576 : vector<128x128xf32>
    %max3A_578 = arith.constant 0.000000e+00 : f32
    %max3A_579 = vector.broadcast %max3A_578 : f32 to vector<128x128xf32>
    %max3A_580 = arith.maximumf %add3A_577, %max3A_579 : vector<128x128xf32>
    %concatenate3A_581 = tpu.concatenate %sub3A_566, %max3A_580 in 0 : vector<3x128xf32>, vector<128x128xf32> -> vector<131x128xf32>
    %swap3A_582 = arith.constant 0 : index
    %swap3A_583 = arith.constant 13 : index
    %swap3A_584 = arith.constant 0 : index
    %swap3A_585 = arith.constant 0 : index
    %swap3A_586 = vector.load %arg7[%swap3A_582, %swap3A_583, %swap3A_584, %swap3A_585] : memref<1x64x131x128xf32, #tpu.memory_space<vmem>>, vector<1x1x131x128xf32>
    %swap3A_587 = vector.shape_cast %swap3A_586 : vector<1x1x131x128xf32> to vector<131x128xf32>
    %swap3A_588 = vector.shape_cast %concatenate3A_581 : vector<131x128xf32> to vector<1x1x131x128xf32>
    tpu.vector_store %arg7[%swap3A_582, %swap3A_583, %swap3A_584, %swap3A_585], %swap3A_588 {strides = array<i32>} : memref<1x64x131x128xf32, #tpu.memory_space<vmem>>, vector<1x1x131x128xf32>,
    %eq3A_589 = arith.constant 1.500000e+01 : f32
    %eq3A_590 = vector.broadcast %eq3A_589 : f32 to vector<512x128xf32>
    %eq3A_591 = arith.cmpf oeq, %mul3A_73, %eq3A_590 : vector<512x128xf32>
    %convert_element_type3A_592 = arith.extui %eq3A_591 : vector<512x128xi1> to vector<512x128xi32>
    %convert_element_type3A_593 = arith.sitofp %convert_element_type3A_592 : vector<512x128xi32> to vector<512x128xf32>
    %dot_general3A_594 = arith.constant dense<0.000000e+00> : vector<131x128xf32>
    %dot_general3A_595 = tpu.matmul %get3A_13, %convert_element_type3A_593, %dot_general3A_594 {dimension_numbers = #tpu.dot_dimension_numbers<[1], [0], [0], [1], [0, 0, 1, 1], [], []>, precision = #tpu.contract_precision<fp32>, transpose_lhs_hint = false} : vector<131x512xf32>, vector<512x128xf32>, vector<131x128xf32> -> vector<131x128xf32>
    %gt3A_596 = arith.constant 1.400000e+01 : f32
    %gt3A_597 = vector.broadcast %gt3A_596 : f32 to vector<1x128xf32>
    %gt3A_598 = arith.cmpf ogt, %slice3A_72, %gt3A_597 : vector<1x128xf32>
    %broadcast_in_dim3A_599 = vector.shape_cast %gt3A_598 : vector<1x128xi1> to vector<1x128xi1>
    %broadcast_in_dim3A_600 = vector.broadcast %broadcast_in_dim3A_599 : vector<1x128xi1> to vector<131x128xi1>
    %select_n3A_601 = arith.select %broadcast_in_dim3A_600, %dot_general3A_595, %select_n3A : vector<131x128xi1>, vector<131x128xf32>
    %slice3A_602 = vector.extract_strided_slice %select_n3A_601 {offsets = [0, 0], sizes = [3, 128], strides = [1, 1]} : vector<131x128xf32> to vector<3x128xf32>
    %sub3A_603 = arith.subf %slice3A_602, %get3A_8 : vector<3x128xf32>
    %slice3A_604 = vector.extract_strided_slice %select_n3A_601 {offsets = [3, 0], sizes = [128, 128], strides = [1, 1]} : vector<131x128xf32> to vector<128x128xf32>
    %get3A_605 = arith.constant 0 : index
    %get3A_606 = arith.constant 0 : index
    %get3A_607 = vector.load %arg5[%get3A_605, %get3A_606] : memref<128x1xf32, #tpu.memory_space<vmem>>, vector<128x1xf32>
    %mul3A_608 = vector.broadcast %get3A_607 : vector<128x1xf32> to vector<128x128xf32>
    %mul3A_609 = arith.mulf %slice3A_604, %mul3A_608 : vector<128x128xf32>
    %get3A_610 = arith.constant 0 : index
    %get3A_611 = arith.constant 0 : index
    %get3A_612 = vector.load %arg6[%get3A_610, %get3A_611] : memref<128x1xf32, #tpu.memory_space<vmem>>, vector<128x1xf32>
    %add3A_613 = vector.broadcast %get3A_612 : vector<128x1xf32> to vector<128x128xf32>
    %add3A_614 = arith.addf %mul3A_609, %add3A_613 : vector<128x128xf32>
    %max3A_615 = arith.constant 0.000000e+00 : f32
    %max3A_616 = vector.broadcast %max3A_615 : f32 to vector<128x128xf32>
    %max3A_617 = arith.maximumf %add3A_614, %max3A_616 : vector<128x128xf32>
    %concatenate3A_618 = tpu.concatenate %sub3A_603, %max3A_617 in 0 : vector<3x128xf32>, vector<128x128xf32> -> vector<131x128xf32>
    %swap3A_619 = arith.constant 0 : index
    %swap3A_620 = arith.constant 14 : index
    %swap3A_621 = arith.constant 0 : index
    %swap3A_622 = arith.constant 0 : index
    %swap3A_623 = vector.load %arg7[%swap3A_619, %swap3A_620, %swap3A_621, %swap3A_622] : memref<1x64x131x128xf32, #tpu.memory_space<vmem>>, vector<1x1x131x128xf32>
    %swap3A_624 = vector.shape_cast %swap3A_623 : vector<1x1x131x128xf32> to vector<131x128xf32>
    %swap3A_625 = vector.shape_cast %concatenate3A_618 : vector<131x128xf32> to vector<1x1x131x128xf32>
    tpu.vector_store %arg7[%swap3A_619, %swap3A_620, %swap3A_621, %swap3A_622], %swap3A_625 {strides = array<i32>} : memref<1x64x131x128xf32, #tpu.memory_space<vmem>>, vector<1x1x131x128xf32>,
    %eq3A_626 = arith.constant 1.600000e+01 : f32
    %eq3A_627 = vector.broadcast %eq3A_626 : f32 to vector<512x128xf32>
    %eq3A_628 = arith.cmpf oeq, %mul3A_73, %eq3A_627 : vector<512x128xf32>
    %convert_element_type3A_629 = arith.extui %eq3A_628 : vector<512x128xi1> to vector<512x128xi32>
    %convert_element_type3A_630 = arith.sitofp %convert_element_type3A_629 : vector<512x128xi32> to vector<512x128xf32>
    %dot_general3A_631 = arith.constant dense<0.000000e+00> : vector<131x128xf32>
    %dot_general3A_632 = tpu.matmul %get3A_13, %convert_element_type3A_630, %dot_general3A_631 {dimension_numbers = #tpu.dot_dimension_numbers<[1], [0], [0], [1], [0, 0, 1, 1], [], []>, precision = #tpu.contract_precision<fp32>, transpose_lhs_hint = false} : vector<131x512xf32>, vector<512x128xf32>, vector<131x128xf32> -> vector<131x128xf32>
    %gt3A_633 = arith.constant 1.500000e+01 : f32
    %gt3A_634 = vector.broadcast %gt3A_633 : f32 to vector<1x128xf32>
    %gt3A_635 = arith.cmpf ogt, %slice3A_72, %gt3A_634 : vector<1x128xf32>
    %broadcast_in_dim3A_636 = vector.shape_cast %gt3A_635 : vector<1x128xi1> to vector<1x128xi1>
    %broadcast_in_dim3A_637 = vector.broadcast %broadcast_in_dim3A_636 : vector<1x128xi1> to vector<131x128xi1>
    %select_n3A_638 = arith.select %broadcast_in_dim3A_637, %dot_general3A_632, %select_n3A : vector<131x128xi1>, vector<131x128xf32>
    %slice3A_639 = vector.extract_strided_slice %select_n3A_638 {offsets = [0, 0], sizes = [3, 128], strides = [1, 1]} : vector<131x128xf32> to vector<3x128xf32>
    %sub3A_640 = arith.subf %slice3A_639, %get3A_8 : vector<3x128xf32>
    %slice3A_641 = vector.extract_strided_slice %select_n3A_638 {offsets = [3, 0], sizes = [128, 128], strides = [1, 1]} : vector<131x128xf32> to vector<128x128xf32>
    %get3A_642 = arith.constant 0 : index
    %get3A_643 = arith.constant 0 : index
    %get3A_644 = vector.load %arg5[%get3A_642, %get3A_643] : memref<128x1xf32, #tpu.memory_space<vmem>>, vector<128x1xf32>
    %mul3A_645 = vector.broadcast %get3A_644 : vector<128x1xf32> to vector<128x128xf32>
    %mul3A_646 = arith.mulf %slice3A_641, %mul3A_645 : vector<128x128xf32>
    %get3A_647 = arith.constant 0 : index
    %get3A_648 = arith.constant 0 : index
    %get3A_649 = vector.load %arg6[%get3A_647, %get3A_648] : memref<128x1xf32, #tpu.memory_space<vmem>>, vector<128x1xf32>
    %add3A_650 = vector.broadcast %get3A_649 : vector<128x1xf32> to vector<128x128xf32>
    %add3A_651 = arith.addf %mul3A_646, %add3A_650 : vector<128x128xf32>
    %max3A_652 = arith.constant 0.000000e+00 : f32
    %max3A_653 = vector.broadcast %max3A_652 : f32 to vector<128x128xf32>
    %max3A_654 = arith.maximumf %add3A_651, %max3A_653 : vector<128x128xf32>
    %concatenate3A_655 = tpu.concatenate %sub3A_640, %max3A_654 in 0 : vector<3x128xf32>, vector<128x128xf32> -> vector<131x128xf32>
    %swap3A_656 = arith.constant 0 : index
    %swap3A_657 = arith.constant 15 : index
    %swap3A_658 = arith.constant 0 : index
    %swap3A_659 = arith.constant 0 : index
    %swap3A_660 = vector.load %arg7[%swap3A_656, %swap3A_657, %swap3A_658, %swap3A_659] : memref<1x64x131x128xf32, #tpu.memory_space<vmem>>, vector<1x1x131x128xf32>
    %swap3A_661 = vector.shape_cast %swap3A_660 : vector<1x1x131x128xf32> to vector<131x128xf32>
    %swap3A_662 = vector.shape_cast %concatenate3A_655 : vector<131x128xf32> to vector<1x1x131x128xf32>
    tpu.vector_store %arg7[%swap3A_656, %swap3A_657, %swap3A_658, %swap3A_659], %swap3A_662 {strides = array<i32>} : memref<1x64x131x128xf32, #tpu.memory_space<vmem>>, vector<1x1x131x128xf32>,
    %eq3A_663 = arith.constant 1.700000e+01 : f32
    %eq3A_664 = vector.broadcast %eq3A_663 : f32 to vector<512x128xf32>
    %eq3A_665 = arith.cmpf oeq, %mul3A_73, %eq3A_664 : vector<512x128xf32>
    %convert_element_type3A_666 = arith.extui %eq3A_665 : vector<512x128xi1> to vector<512x128xi32>
    %convert_element_type3A_667 = arith.sitofp %convert_element_type3A_666 : vector<512x128xi32> to vector<512x128xf32>
    %dot_general3A_668 = arith.constant dense<0.000000e+00> : vector<131x128xf32>
    %dot_general3A_669 = tpu.matmul %get3A_13, %convert_element_type3A_667, %dot_general3A_668 {dimension_numbers = #tpu.dot_dimension_numbers<[1], [0], [0], [1], [0, 0, 1, 1], [], []>, precision = #tpu.contract_precision<fp32>, transpose_lhs_hint = false} : vector<131x512xf32>, vector<512x128xf32>, vector<131x128xf32> -> vector<131x128xf32>
    %gt3A_670 = arith.constant 1.600000e+01 : f32
    %gt3A_671 = vector.broadcast %gt3A_670 : f32 to vector<1x128xf32>
    %gt3A_672 = arith.cmpf ogt, %slice3A_72, %gt3A_671 : vector<1x128xf32>
    %broadcast_in_dim3A_673 = vector.shape_cast %gt3A_672 : vector<1x128xi1> to vector<1x128xi1>
    %broadcast_in_dim3A_674 = vector.broadcast %broadcast_in_dim3A_673 : vector<1x128xi1> to vector<131x128xi1>
    %select_n3A_675 = arith.select %broadcast_in_dim3A_674, %dot_general3A_669, %select_n3A : vector<131x128xi1>, vector<131x128xf32>
    %slice3A_676 = vector.extract_strided_slice %select_n3A_675 {offsets = [0, 0], sizes = [3, 128], strides = [1, 1]} : vector<131x128xf32> to vector<3x128xf32>
    %sub3A_677 = arith.subf %slice3A_676, %get3A_8 : vector<3x128xf32>
    %slice3A_678 = vector.extract_strided_slice %select_n3A_675 {offsets = [3, 0], sizes = [128, 128], strides = [1, 1]} : vector<131x128xf32> to vector<128x128xf32>
    %get3A_679 = arith.constant 0 : index
    %get3A_680 = arith.constant 0 : index
    %get3A_681 = vector.load %arg5[%get3A_679, %get3A_680] : memref<128x1xf32, #tpu.memory_space<vmem>>, vector<128x1xf32>
    %mul3A_682 = vector.broadcast %get3A_681 : vector<128x1xf32> to vector<128x128xf32>
    %mul3A_683 = arith.mulf %slice3A_678, %mul3A_682 : vector<128x128xf32>
    %get3A_684 = arith.constant 0 : index
    %get3A_685 = arith.constant 0 : index
    %get3A_686 = vector.load %arg6[%get3A_684, %get3A_685] : memref<128x1xf32, #tpu.memory_space<vmem>>, vector<128x1xf32>
    %add3A_687 = vector.broadcast %get3A_686 : vector<128x1xf32> to vector<128x128xf32>
    %add3A_688 = arith.addf %mul3A_683, %add3A_687 : vector<128x128xf32>
    %max3A_689 = arith.constant 0.000000e+00 : f32
    %max3A_690 = vector.broadcast %max3A_689 : f32 to vector<128x128xf32>
    %max3A_691 = arith.maximumf %add3A_688, %max3A_690 : vector<128x128xf32>
    %concatenate3A_692 = tpu.concatenate %sub3A_677, %max3A_691 in 0 : vector<3x128xf32>, vector<128x128xf32> -> vector<131x128xf32>
    %swap3A_693 = arith.constant 0 : index
    %swap3A_694 = arith.constant 16 : index
    %swap3A_695 = arith.constant 0 : index
    %swap3A_696 = arith.constant 0 : index
    %swap3A_697 = vector.load %arg7[%swap3A_693, %swap3A_694, %swap3A_695, %swap3A_696] : memref<1x64x131x128xf32, #tpu.memory_space<vmem>>, vector<1x1x131x128xf32>
    %swap3A_698 = vector.shape_cast %swap3A_697 : vector<1x1x131x128xf32> to vector<131x128xf32>
    %swap3A_699 = vector.shape_cast %concatenate3A_692 : vector<131x128xf32> to vector<1x1x131x128xf32>
    tpu.vector_store %arg7[%swap3A_693, %swap3A_694, %swap3A_695, %swap3A_696], %swap3A_699 {strides = array<i32>} : memref<1x64x131x128xf32, #tpu.memory_space<vmem>>, vector<1x1x131x128xf32>,
    %eq3A_700 = arith.constant 1.800000e+01 : f32
    %eq3A_701 = vector.broadcast %eq3A_700 : f32 to vector<512x128xf32>
    %eq3A_702 = arith.cmpf oeq, %mul3A_73, %eq3A_701 : vector<512x128xf32>
    %convert_element_type3A_703 = arith.extui %eq3A_702 : vector<512x128xi1> to vector<512x128xi32>
    %convert_element_type3A_704 = arith.sitofp %convert_element_type3A_703 : vector<512x128xi32> to vector<512x128xf32>
    %dot_general3A_705 = arith.constant dense<0.000000e+00> : vector<131x128xf32>
    %dot_general3A_706 = tpu.matmul %get3A_13, %convert_element_type3A_704, %dot_general3A_705 {dimension_numbers = #tpu.dot_dimension_numbers<[1], [0], [0], [1], [0, 0, 1, 1], [], []>, precision = #tpu.contract_precision<fp32>, transpose_lhs_hint = false} : vector<131x512xf32>, vector<512x128xf32>, vector<131x128xf32> -> vector<131x128xf32>
    %gt3A_707 = arith.constant 1.700000e+01 : f32
    %gt3A_708 = vector.broadcast %gt3A_707 : f32 to vector<1x128xf32>
    %gt3A_709 = arith.cmpf ogt, %slice3A_72, %gt3A_708 : vector<1x128xf32>
    %broadcast_in_dim3A_710 = vector.shape_cast %gt3A_709 : vector<1x128xi1> to vector<1x128xi1>
    %broadcast_in_dim3A_711 = vector.broadcast %broadcast_in_dim3A_710 : vector<1x128xi1> to vector<131x128xi1>
    %select_n3A_712 = arith.select %broadcast_in_dim3A_711, %dot_general3A_706, %select_n3A : vector<131x128xi1>, vector<131x128xf32>
    %slice3A_713 = vector.extract_strided_slice %select_n3A_712 {offsets = [0, 0], sizes = [3, 128], strides = [1, 1]} : vector<131x128xf32> to vector<3x128xf32>
    %sub3A_714 = arith.subf %slice3A_713, %get3A_8 : vector<3x128xf32>
    %slice3A_715 = vector.extract_strided_slice %select_n3A_712 {offsets = [3, 0], sizes = [128, 128], strides = [1, 1]} : vector<131x128xf32> to vector<128x128xf32>
    %get3A_716 = arith.constant 0 : index
    %get3A_717 = arith.constant 0 : index
    %get3A_718 = vector.load %arg5[%get3A_716, %get3A_717] : memref<128x1xf32, #tpu.memory_space<vmem>>, vector<128x1xf32>
    %mul3A_719 = vector.broadcast %get3A_718 : vector<128x1xf32> to vector<128x128xf32>
    %mul3A_720 = arith.mulf %slice3A_715, %mul3A_719 : vector<128x128xf32>
    %get3A_721 = arith.constant 0 : index
    %get3A_722 = arith.constant 0 : index
    %get3A_723 = vector.load %arg6[%get3A_721, %get3A_722] : memref<128x1xf32, #tpu.memory_space<vmem>>, vector<128x1xf32>
    %add3A_724 = vector.broadcast %get3A_723 : vector<128x1xf32> to vector<128x128xf32>
    %add3A_725 = arith.addf %mul3A_720, %add3A_724 : vector<128x128xf32>
    %max3A_726 = arith.constant 0.000000e+00 : f32
    %max3A_727 = vector.broadcast %max3A_726 : f32 to vector<128x128xf32>
    %max3A_728 = arith.maximumf %add3A_725, %max3A_727 : vector<128x128xf32>
    %concatenate3A_729 = tpu.concatenate %sub3A_714, %max3A_728 in 0 : vector<3x128xf32>, vector<128x128xf32> -> vector<131x128xf32>
    %swap3A_730 = arith.constant 0 : index
    %swap3A_731 = arith.constant 17 : index
    %swap3A_732 = arith.constant 0 : index
    %swap3A_733 = arith.constant 0 : index
    %swap3A_734 = vector.load %arg7[%swap3A_730, %swap3A_731, %swap3A_732, %swap3A_733] : memref<1x64x131x128xf32, #tpu.memory_space<vmem>>, vector<1x1x131x128xf32>
    %swap3A_735 = vector.shape_cast %swap3A_734 : vector<1x1x131x128xf32> to vector<131x128xf32>
    %swap3A_736 = vector.shape_cast %concatenate3A_729 : vector<131x128xf32> to vector<1x1x131x128xf32>
    tpu.vector_store %arg7[%swap3A_730, %swap3A_731, %swap3A_732, %swap3A_733], %swap3A_736 {strides = array<i32>} : memref<1x64x131x128xf32, #tpu.memory_space<vmem>>, vector<1x1x131x128xf32>,
    %eq3A_737 = arith.constant 1.900000e+01 : f32
    %eq3A_738 = vector.broadcast %eq3A_737 : f32 to vector<512x128xf32>
    %eq3A_739 = arith.cmpf oeq, %mul3A_73, %eq3A_738 : vector<512x128xf32>
    %convert_element_type3A_740 = arith.extui %eq3A_739 : vector<512x128xi1> to vector<512x128xi32>
    %convert_element_type3A_741 = arith.sitofp %convert_element_type3A_740 : vector<512x128xi32> to vector<512x128xf32>
    %dot_general3A_742 = arith.constant dense<0.000000e+00> : vector<131x128xf32>
    %dot_general3A_743 = tpu.matmul %get3A_13, %convert_element_type3A_741, %dot_general3A_742 {dimension_numbers = #tpu.dot_dimension_numbers<[1], [0], [0], [1], [0, 0, 1, 1], [], []>, precision = #tpu.contract_precision<fp32>, transpose_lhs_hint = false} : vector<131x512xf32>, vector<512x128xf32>, vector<131x128xf32> -> vector<131x128xf32>
    %gt3A_744 = arith.constant 1.800000e+01 : f32
    %gt3A_745 = vector.broadcast %gt3A_744 : f32 to vector<1x128xf32>
    %gt3A_746 = arith.cmpf ogt, %slice3A_72, %gt3A_745 : vector<1x128xf32>
    %broadcast_in_dim3A_747 = vector.shape_cast %gt3A_746 : vector<1x128xi1> to vector<1x128xi1>
    %broadcast_in_dim3A_748 = vector.broadcast %broadcast_in_dim3A_747 : vector<1x128xi1> to vector<131x128xi1>
    %select_n3A_749 = arith.select %broadcast_in_dim3A_748, %dot_general3A_743, %select_n3A : vector<131x128xi1>, vector<131x128xf32>
    %slice3A_750 = vector.extract_strided_slice %select_n3A_749 {offsets = [0, 0], sizes = [3, 128], strides = [1, 1]} : vector<131x128xf32> to vector<3x128xf32>
    %sub3A_751 = arith.subf %slice3A_750, %get3A_8 : vector<3x128xf32>
    %slice3A_752 = vector.extract_strided_slice %select_n3A_749 {offsets = [3, 0], sizes = [128, 128], strides = [1, 1]} : vector<131x128xf32> to vector<128x128xf32>
    %get3A_753 = arith.constant 0 : index
    %get3A_754 = arith.constant 0 : index
    %get3A_755 = vector.load %arg5[%get3A_753, %get3A_754] : memref<128x1xf32, #tpu.memory_space<vmem>>, vector<128x1xf32>
    %mul3A_756 = vector.broadcast %get3A_755 : vector<128x1xf32> to vector<128x128xf32>
    %mul3A_757 = arith.mulf %slice3A_752, %mul3A_756 : vector<128x128xf32>
    %get3A_758 = arith.constant 0 : index
    %get3A_759 = arith.constant 0 : index
    %get3A_760 = vector.load %arg6[%get3A_758, %get3A_759] : memref<128x1xf32, #tpu.memory_space<vmem>>, vector<128x1xf32>
    %add3A_761 = vector.broadcast %get3A_760 : vector<128x1xf32> to vector<128x128xf32>
    %add3A_762 = arith.addf %mul3A_757, %add3A_761 : vector<128x128xf32>
    %max3A_763 = arith.constant 0.000000e+00 : f32
    %max3A_764 = vector.broadcast %max3A_763 : f32 to vector<128x128xf32>
    %max3A_765 = arith.maximumf %add3A_762, %max3A_764 : vector<128x128xf32>
    %concatenate3A_766 = tpu.concatenate %sub3A_751, %max3A_765 in 0 : vector<3x128xf32>, vector<128x128xf32> -> vector<131x128xf32>
    %swap3A_767 = arith.constant 0 : index
    %swap3A_768 = arith.constant 18 : index
    %swap3A_769 = arith.constant 0 : index
    %swap3A_770 = arith.constant 0 : index
    %swap3A_771 = vector.load %arg7[%swap3A_767, %swap3A_768, %swap3A_769, %swap3A_770] : memref<1x64x131x128xf32, #tpu.memory_space<vmem>>, vector<1x1x131x128xf32>
    %swap3A_772 = vector.shape_cast %swap3A_771 : vector<1x1x131x128xf32> to vector<131x128xf32>
    %swap3A_773 = vector.shape_cast %concatenate3A_766 : vector<131x128xf32> to vector<1x1x131x128xf32>
    tpu.vector_store %arg7[%swap3A_767, %swap3A_768, %swap3A_769, %swap3A_770], %swap3A_773 {strides = array<i32>} : memref<1x64x131x128xf32, #tpu.memory_space<vmem>>, vector<1x1x131x128xf32>,
    %eq3A_774 = arith.constant 2.000000e+01 : f32
    %eq3A_775 = vector.broadcast %eq3A_774 : f32 to vector<512x128xf32>
    %eq3A_776 = arith.cmpf oeq, %mul3A_73, %eq3A_775 : vector<512x128xf32>
    %convert_element_type3A_777 = arith.extui %eq3A_776 : vector<512x128xi1> to vector<512x128xi32>
    %convert_element_type3A_778 = arith.sitofp %convert_element_type3A_777 : vector<512x128xi32> to vector<512x128xf32>
    %dot_general3A_779 = arith.constant dense<0.000000e+00> : vector<131x128xf32>
    %dot_general3A_780 = tpu.matmul %get3A_13, %convert_element_type3A_778, %dot_general3A_779 {dimension_numbers = #tpu.dot_dimension_numbers<[1], [0], [0], [1], [0, 0, 1, 1], [], []>, precision = #tpu.contract_precision<fp32>, transpose_lhs_hint = false} : vector<131x512xf32>, vector<512x128xf32>, vector<131x128xf32> -> vector<131x128xf32>
    %gt3A_781 = arith.constant 1.900000e+01 : f32
    %gt3A_782 = vector.broadcast %gt3A_781 : f32 to vector<1x128xf32>
    %gt3A_783 = arith.cmpf ogt, %slice3A_72, %gt3A_782 : vector<1x128xf32>
    %broadcast_in_dim3A_784 = vector.shape_cast %gt3A_783 : vector<1x128xi1> to vector<1x128xi1>
    %broadcast_in_dim3A_785 = vector.broadcast %broadcast_in_dim3A_784 : vector<1x128xi1> to vector<131x128xi1>
    %select_n3A_786 = arith.select %broadcast_in_dim3A_785, %dot_general3A_780, %select_n3A : vector<131x128xi1>, vector<131x128xf32>
    %slice3A_787 = vector.extract_strided_slice %select_n3A_786 {offsets = [0, 0], sizes = [3, 128], strides = [1, 1]} : vector<131x128xf32> to vector<3x128xf32>
    %sub3A_788 = arith.subf %slice3A_787, %get3A_8 : vector<3x128xf32>
    %slice3A_789 = vector.extract_strided_slice %select_n3A_786 {offsets = [3, 0], sizes = [128, 128], strides = [1, 1]} : vector<131x128xf32> to vector<128x128xf32>
    %get3A_790 = arith.constant 0 : index
    %get3A_791 = arith.constant 0 : index
    %get3A_792 = vector.load %arg5[%get3A_790, %get3A_791] : memref<128x1xf32, #tpu.memory_space<vmem>>, vector<128x1xf32>
    %mul3A_793 = vector.broadcast %get3A_792 : vector<128x1xf32> to vector<128x128xf32>
    %mul3A_794 = arith.mulf %slice3A_789, %mul3A_793 : vector<128x128xf32>
    %get3A_795 = arith.constant 0 : index
    %get3A_796 = arith.constant 0 : index
    %get3A_797 = vector.load %arg6[%get3A_795, %get3A_796] : memref<128x1xf32, #tpu.memory_space<vmem>>, vector<128x1xf32>
    %add3A_798 = vector.broadcast %get3A_797 : vector<128x1xf32> to vector<128x128xf32>
    %add3A_799 = arith.addf %mul3A_794, %add3A_798 : vector<128x128xf32>
    %max3A_800 = arith.constant 0.000000e+00 : f32
    %max3A_801 = vector.broadcast %max3A_800 : f32 to vector<128x128xf32>
    %max3A_802 = arith.maximumf %add3A_799, %max3A_801 : vector<128x128xf32>
    %concatenate3A_803 = tpu.concatenate %sub3A_788, %max3A_802 in 0 : vector<3x128xf32>, vector<128x128xf32> -> vector<131x128xf32>
    %swap3A_804 = arith.constant 0 : index
    %swap3A_805 = arith.constant 19 : index
    %swap3A_806 = arith.constant 0 : index
    %swap3A_807 = arith.constant 0 : index
    %swap3A_808 = vector.load %arg7[%swap3A_804, %swap3A_805, %swap3A_806, %swap3A_807] : memref<1x64x131x128xf32, #tpu.memory_space<vmem>>, vector<1x1x131x128xf32>
    %swap3A_809 = vector.shape_cast %swap3A_808 : vector<1x1x131x128xf32> to vector<131x128xf32>
    %swap3A_810 = vector.shape_cast %concatenate3A_803 : vector<131x128xf32> to vector<1x1x131x128xf32>
    tpu.vector_store %arg7[%swap3A_804, %swap3A_805, %swap3A_806, %swap3A_807], %swap3A_810 {strides = array<i32>} : memref<1x64x131x128xf32, #tpu.memory_space<vmem>>, vector<1x1x131x128xf32>,
    %eq3A_811 = arith.constant 2.100000e+01 : f32
    %eq3A_812 = vector.broadcast %eq3A_811 : f32 to vector<512x128xf32>
    %eq3A_813 = arith.cmpf oeq, %mul3A_73, %eq3A_812 : vector<512x128xf32>
    %convert_element_type3A_814 = arith.extui %eq3A_813 : vector<512x128xi1> to vector<512x128xi32>
    %convert_element_type3A_815 = arith.sitofp %convert_element_type3A_814 : vector<512x128xi32> to vector<512x128xf32>
    %dot_general3A_816 = arith.constant dense<0.000000e+00> : vector<131x128xf32>
    %dot_general3A_817 = tpu.matmul %get3A_13, %convert_element_type3A_815, %dot_general3A_816 {dimension_numbers = #tpu.dot_dimension_numbers<[1], [0], [0], [1], [0, 0, 1, 1], [], []>, precision = #tpu.contract_precision<fp32>, transpose_lhs_hint = false} : vector<131x512xf32>, vector<512x128xf32>, vector<131x128xf32> -> vector<131x128xf32>
    %gt3A_818 = arith.constant 2.000000e+01 : f32
    %gt3A_819 = vector.broadcast %gt3A_818 : f32 to vector<1x128xf32>
    %gt3A_820 = arith.cmpf ogt, %slice3A_72, %gt3A_819 : vector<1x128xf32>
    %broadcast_in_dim3A_821 = vector.shape_cast %gt3A_820 : vector<1x128xi1> to vector<1x128xi1>
    %broadcast_in_dim3A_822 = vector.broadcast %broadcast_in_dim3A_821 : vector<1x128xi1> to vector<131x128xi1>
    %select_n3A_823 = arith.select %broadcast_in_dim3A_822, %dot_general3A_817, %select_n3A : vector<131x128xi1>, vector<131x128xf32>
    %slice3A_824 = vector.extract_strided_slice %select_n3A_823 {offsets = [0, 0], sizes = [3, 128], strides = [1, 1]} : vector<131x128xf32> to vector<3x128xf32>
    %sub3A_825 = arith.subf %slice3A_824, %get3A_8 : vector<3x128xf32>
    %slice3A_826 = vector.extract_strided_slice %select_n3A_823 {offsets = [3, 0], sizes = [128, 128], strides = [1, 1]} : vector<131x128xf32> to vector<128x128xf32>
    %get3A_827 = arith.constant 0 : index
    %get3A_828 = arith.constant 0 : index
    %get3A_829 = vector.load %arg5[%get3A_827, %get3A_828] : memref<128x1xf32, #tpu.memory_space<vmem>>, vector<128x1xf32>
    %mul3A_830 = vector.broadcast %get3A_829 : vector<128x1xf32> to vector<128x128xf32>
    %mul3A_831 = arith.mulf %slice3A_826, %mul3A_830 : vector<128x128xf32>
    %get3A_832 = arith.constant 0 : index
    %get3A_833 = arith.constant 0 : index
    %get3A_834 = vector.load %arg6[%get3A_832, %get3A_833] : memref<128x1xf32, #tpu.memory_space<vmem>>, vector<128x1xf32>
    %add3A_835 = vector.broadcast %get3A_834 : vector<128x1xf32> to vector<128x128xf32>
    %add3A_836 = arith.addf %mul3A_831, %add3A_835 : vector<128x128xf32>
    %max3A_837 = arith.constant 0.000000e+00 : f32
    %max3A_838 = vector.broadcast %max3A_837 : f32 to vector<128x128xf32>
    %max3A_839 = arith.maximumf %add3A_836, %max3A_838 : vector<128x128xf32>
    %concatenate3A_840 = tpu.concatenate %sub3A_825, %max3A_839 in 0 : vector<3x128xf32>, vector<128x128xf32> -> vector<131x128xf32>
    %swap3A_841 = arith.constant 0 : index
    %swap3A_842 = arith.constant 20 : index
    %swap3A_843 = arith.constant 0 : index
    %swap3A_844 = arith.constant 0 : index
    %swap3A_845 = vector.load %arg7[%swap3A_841, %swap3A_842, %swap3A_843, %swap3A_844] : memref<1x64x131x128xf32, #tpu.memory_space<vmem>>, vector<1x1x131x128xf32>
    %swap3A_846 = vector.shape_cast %swap3A_845 : vector<1x1x131x128xf32> to vector<131x128xf32>
    %swap3A_847 = vector.shape_cast %concatenate3A_840 : vector<131x128xf32> to vector<1x1x131x128xf32>
    tpu.vector_store %arg7[%swap3A_841, %swap3A_842, %swap3A_843, %swap3A_844], %swap3A_847 {strides = array<i32>} : memref<1x64x131x128xf32, #tpu.memory_space<vmem>>, vector<1x1x131x128xf32>,
    %eq3A_848 = arith.constant 2.200000e+01 : f32
    %eq3A_849 = vector.broadcast %eq3A_848 : f32 to vector<512x128xf32>
    %eq3A_850 = arith.cmpf oeq, %mul3A_73, %eq3A_849 : vector<512x128xf32>
    %convert_element_type3A_851 = arith.extui %eq3A_850 : vector<512x128xi1> to vector<512x128xi32>
    %convert_element_type3A_852 = arith.sitofp %convert_element_type3A_851 : vector<512x128xi32> to vector<512x128xf32>
    %dot_general3A_853 = arith.constant dense<0.000000e+00> : vector<131x128xf32>
    %dot_general3A_854 = tpu.matmul %get3A_13, %convert_element_type3A_852, %dot_general3A_853 {dimension_numbers = #tpu.dot_dimension_numbers<[1], [0], [0], [1], [0, 0, 1, 1], [], []>, precision = #tpu.contract_precision<fp32>, transpose_lhs_hint = false} : vector<131x512xf32>, vector<512x128xf32>, vector<131x128xf32> -> vector<131x128xf32>
    %gt3A_855 = arith.constant 2.100000e+01 : f32
    %gt3A_856 = vector.broadcast %gt3A_855 : f32 to vector<1x128xf32>
    %gt3A_857 = arith.cmpf ogt, %slice3A_72, %gt3A_856 : vector<1x128xf32>
    %broadcast_in_dim3A_858 = vector.shape_cast %gt3A_857 : vector<1x128xi1> to vector<1x128xi1>
    %broadcast_in_dim3A_859 = vector.broadcast %broadcast_in_dim3A_858 : vector<1x128xi1> to vector<131x128xi1>
    %select_n3A_860 = arith.select %broadcast_in_dim3A_859, %dot_general3A_854, %select_n3A : vector<131x128xi1>, vector<131x128xf32>
    %slice3A_861 = vector.extract_strided_slice %select_n3A_860 {offsets = [0, 0], sizes = [3, 128], strides = [1, 1]} : vector<131x128xf32> to vector<3x128xf32>
    %sub3A_862 = arith.subf %slice3A_861, %get3A_8 : vector<3x128xf32>
    %slice3A_863 = vector.extract_strided_slice %select_n3A_860 {offsets = [3, 0], sizes = [128, 128], strides = [1, 1]} : vector<131x128xf32> to vector<128x128xf32>
    %get3A_864 = arith.constant 0 : index
    %get3A_865 = arith.constant 0 : index
    %get3A_866 = vector.load %arg5[%get3A_864, %get3A_865] : memref<128x1xf32, #tpu.memory_space<vmem>>, vector<128x1xf32>
    %mul3A_867 = vector.broadcast %get3A_866 : vector<128x1xf32> to vector<128x128xf32>
    %mul3A_868 = arith.mulf %slice3A_863, %mul3A_867 : vector<128x128xf32>
    %get3A_869 = arith.constant 0 : index
    %get3A_870 = arith.constant 0 : index
    %get3A_871 = vector.load %arg6[%get3A_869, %get3A_870] : memref<128x1xf32, #tpu.memory_space<vmem>>, vector<128x1xf32>
    %add3A_872 = vector.broadcast %get3A_871 : vector<128x1xf32> to vector<128x128xf32>
    %add3A_873 = arith.addf %mul3A_868, %add3A_872 : vector<128x128xf32>
    %max3A_874 = arith.constant 0.000000e+00 : f32
    %max3A_875 = vector.broadcast %max3A_874 : f32 to vector<128x128xf32>
    %max3A_876 = arith.maximumf %add3A_873, %max3A_875 : vector<128x128xf32>
    %concatenate3A_877 = tpu.concatenate %sub3A_862, %max3A_876 in 0 : vector<3x128xf32>, vector<128x128xf32> -> vector<131x128xf32>
    %swap3A_878 = arith.constant 0 : index
    %swap3A_879 = arith.constant 21 : index
    %swap3A_880 = arith.constant 0 : index
    %swap3A_881 = arith.constant 0 : index
    %swap3A_882 = vector.load %arg7[%swap3A_878, %swap3A_879, %swap3A_880, %swap3A_881] : memref<1x64x131x128xf32, #tpu.memory_space<vmem>>, vector<1x1x131x128xf32>
    %swap3A_883 = vector.shape_cast %swap3A_882 : vector<1x1x131x128xf32> to vector<131x128xf32>
    %swap3A_884 = vector.shape_cast %concatenate3A_877 : vector<131x128xf32> to vector<1x1x131x128xf32>
    tpu.vector_store %arg7[%swap3A_878, %swap3A_879, %swap3A_880, %swap3A_881], %swap3A_884 {strides = array<i32>} : memref<1x64x131x128xf32, #tpu.memory_space<vmem>>, vector<1x1x131x128xf32>,
    %eq3A_885 = arith.constant 2.300000e+01 : f32
    %eq3A_886 = vector.broadcast %eq3A_885 : f32 to vector<512x128xf32>
    %eq3A_887 = arith.cmpf oeq, %mul3A_73, %eq3A_886 : vector<512x128xf32>
    %convert_element_type3A_888 = arith.extui %eq3A_887 : vector<512x128xi1> to vector<512x128xi32>
    %convert_element_type3A_889 = arith.sitofp %convert_element_type3A_888 : vector<512x128xi32> to vector<512x128xf32>
    %dot_general3A_890 = arith.constant dense<0.000000e+00> : vector<131x128xf32>
    %dot_general3A_891 = tpu.matmul %get3A_13, %convert_element_type3A_889, %dot_general3A_890 {dimension_numbers = #tpu.dot_dimension_numbers<[1], [0], [0], [1], [0, 0, 1, 1], [], []>, precision = #tpu.contract_precision<fp32>, transpose_lhs_hint = false} : vector<131x512xf32>, vector<512x128xf32>, vector<131x128xf32> -> vector<131x128xf32>
    %gt3A_892 = arith.constant 2.200000e+01 : f32
    %gt3A_893 = vector.broadcast %gt3A_892 : f32 to vector<1x128xf32>
    %gt3A_894 = arith.cmpf ogt, %slice3A_72, %gt3A_893 : vector<1x128xf32>
    %broadcast_in_dim3A_895 = vector.shape_cast %gt3A_894 : vector<1x128xi1> to vector<1x128xi1>
    %broadcast_in_dim3A_896 = vector.broadcast %broadcast_in_dim3A_895 : vector<1x128xi1> to vector<131x128xi1>
    %select_n3A_897 = arith.select %broadcast_in_dim3A_896, %dot_general3A_891, %select_n3A : vector<131x128xi1>, vector<131x128xf32>
    %slice3A_898 = vector.extract_strided_slice %select_n3A_897 {offsets = [0, 0], sizes = [3, 128], strides = [1, 1]} : vector<131x128xf32> to vector<3x128xf32>
    %sub3A_899 = arith.subf %slice3A_898, %get3A_8 : vector<3x128xf32>
    %slice3A_900 = vector.extract_strided_slice %select_n3A_897 {offsets = [3, 0], sizes = [128, 128], strides = [1, 1]} : vector<131x128xf32> to vector<128x128xf32>
    %get3A_901 = arith.constant 0 : index
    %get3A_902 = arith.constant 0 : index
    %get3A_903 = vector.load %arg5[%get3A_901, %get3A_902] : memref<128x1xf32, #tpu.memory_space<vmem>>, vector<128x1xf32>
    %mul3A_904 = vector.broadcast %get3A_903 : vector<128x1xf32> to vector<128x128xf32>
    %mul3A_905 = arith.mulf %slice3A_900, %mul3A_904 : vector<128x128xf32>
    %get3A_906 = arith.constant 0 : index
    %get3A_907 = arith.constant 0 : index
    %get3A_908 = vector.load %arg6[%get3A_906, %get3A_907] : memref<128x1xf32, #tpu.memory_space<vmem>>, vector<128x1xf32>
    %add3A_909 = vector.broadcast %get3A_908 : vector<128x1xf32> to vector<128x128xf32>
    %add3A_910 = arith.addf %mul3A_905, %add3A_909 : vector<128x128xf32>
    %max3A_911 = arith.constant 0.000000e+00 : f32
    %max3A_912 = vector.broadcast %max3A_911 : f32 to vector<128x128xf32>
    %max3A_913 = arith.maximumf %add3A_910, %max3A_912 : vector<128x128xf32>
    %concatenate3A_914 = tpu.concatenate %sub3A_899, %max3A_913 in 0 : vector<3x128xf32>, vector<128x128xf32> -> vector<131x128xf32>
    %swap3A_915 = arith.constant 0 : index
    %swap3A_916 = arith.constant 22 : index
    %swap3A_917 = arith.constant 0 : index
    %swap3A_918 = arith.constant 0 : index
    %swap3A_919 = vector.load %arg7[%swap3A_915, %swap3A_916, %swap3A_917, %swap3A_918] : memref<1x64x131x128xf32, #tpu.memory_space<vmem>>, vector<1x1x131x128xf32>
    %swap3A_920 = vector.shape_cast %swap3A_919 : vector<1x1x131x128xf32> to vector<131x128xf32>
    %swap3A_921 = vector.shape_cast %concatenate3A_914 : vector<131x128xf32> to vector<1x1x131x128xf32>
    tpu.vector_store %arg7[%swap3A_915, %swap3A_916, %swap3A_917, %swap3A_918], %swap3A_921 {strides = array<i32>} : memref<1x64x131x128xf32, #tpu.memory_space<vmem>>, vector<1x1x131x128xf32>,
    %eq3A_922 = arith.constant 2.400000e+01 : f32
    %eq3A_923 = vector.broadcast %eq3A_922 : f32 to vector<512x128xf32>
    %eq3A_924 = arith.cmpf oeq, %mul3A_73, %eq3A_923 : vector<512x128xf32>
    %convert_element_type3A_925 = arith.extui %eq3A_924 : vector<512x128xi1> to vector<512x128xi32>
    %convert_element_type3A_926 = arith.sitofp %convert_element_type3A_925 : vector<512x128xi32> to vector<512x128xf32>
    %dot_general3A_927 = arith.constant dense<0.000000e+00> : vector<131x128xf32>
    %dot_general3A_928 = tpu.matmul %get3A_13, %convert_element_type3A_926, %dot_general3A_927 {dimension_numbers = #tpu.dot_dimension_numbers<[1], [0], [0], [1], [0, 0, 1, 1], [], []>, precision = #tpu.contract_precision<fp32>, transpose_lhs_hint = false} : vector<131x512xf32>, vector<512x128xf32>, vector<131x128xf32> -> vector<131x128xf32>
    %gt3A_929 = arith.constant 2.300000e+01 : f32
    %gt3A_930 = vector.broadcast %gt3A_929 : f32 to vector<1x128xf32>
    %gt3A_931 = arith.cmpf ogt, %slice3A_72, %gt3A_930 : vector<1x128xf32>
    %broadcast_in_dim3A_932 = vector.shape_cast %gt3A_931 : vector<1x128xi1> to vector<1x128xi1>
    %broadcast_in_dim3A_933 = vector.broadcast %broadcast_in_dim3A_932 : vector<1x128xi1> to vector<131x128xi1>
    %select_n3A_934 = arith.select %broadcast_in_dim3A_933, %dot_general3A_928, %select_n3A : vector<131x128xi1>, vector<131x128xf32>
    %slice3A_935 = vector.extract_strided_slice %select_n3A_934 {offsets = [0, 0], sizes = [3, 128], strides = [1, 1]} : vector<131x128xf32> to vector<3x128xf32>
    %sub3A_936 = arith.subf %slice3A_935, %get3A_8 : vector<3x128xf32>
    %slice3A_937 = vector.extract_strided_slice %select_n3A_934 {offsets = [3, 0], sizes = [128, 128], strides = [1, 1]} : vector<131x128xf32> to vector<128x128xf32>
    %get3A_938 = arith.constant 0 : index
    %get3A_939 = arith.constant 0 : index
    %get3A_940 = vector.load %arg5[%get3A_938, %get3A_939] : memref<128x1xf32, #tpu.memory_space<vmem>>, vector<128x1xf32>
    %mul3A_941 = vector.broadcast %get3A_940 : vector<128x1xf32> to vector<128x128xf32>
    %mul3A_942 = arith.mulf %slice3A_937, %mul3A_941 : vector<128x128xf32>
    %get3A_943 = arith.constant 0 : index
    %get3A_944 = arith.constant 0 : index
    %get3A_945 = vector.load %arg6[%get3A_943, %get3A_944] : memref<128x1xf32, #tpu.memory_space<vmem>>, vector<128x1xf32>
    %add3A_946 = vector.broadcast %get3A_945 : vector<128x1xf32> to vector<128x128xf32>
    %add3A_947 = arith.addf %mul3A_942, %add3A_946 : vector<128x128xf32>
    %max3A_948 = arith.constant 0.000000e+00 : f32
    %max3A_949 = vector.broadcast %max3A_948 : f32 to vector<128x128xf32>
    %max3A_950 = arith.maximumf %add3A_947, %max3A_949 : vector<128x128xf32>
    %concatenate3A_951 = tpu.concatenate %sub3A_936, %max3A_950 in 0 : vector<3x128xf32>, vector<128x128xf32> -> vector<131x128xf32>
    %swap3A_952 = arith.constant 0 : index
    %swap3A_953 = arith.constant 23 : index
    %swap3A_954 = arith.constant 0 : index
    %swap3A_955 = arith.constant 0 : index
    %swap3A_956 = vector.load %arg7[%swap3A_952, %swap3A_953, %swap3A_954, %swap3A_955] : memref<1x64x131x128xf32, #tpu.memory_space<vmem>>, vector<1x1x131x128xf32>
    %swap3A_957 = vector.shape_cast %swap3A_956 : vector<1x1x131x128xf32> to vector<131x128xf32>
    %swap3A_958 = vector.shape_cast %concatenate3A_951 : vector<131x128xf32> to vector<1x1x131x128xf32>
    tpu.vector_store %arg7[%swap3A_952, %swap3A_953, %swap3A_954, %swap3A_955], %swap3A_958 {strides = array<i32>} : memref<1x64x131x128xf32, #tpu.memory_space<vmem>>, vector<1x1x131x128xf32>,
    %eq3A_959 = arith.constant 2.500000e+01 : f32
    %eq3A_960 = vector.broadcast %eq3A_959 : f32 to vector<512x128xf32>
    %eq3A_961 = arith.cmpf oeq, %mul3A_73, %eq3A_960 : vector<512x128xf32>
    %convert_element_type3A_962 = arith.extui %eq3A_961 : vector<512x128xi1> to vector<512x128xi32>
    %convert_element_type3A_963 = arith.sitofp %convert_element_type3A_962 : vector<512x128xi32> to vector<512x128xf32>
    %dot_general3A_964 = arith.constant dense<0.000000e+00> : vector<131x128xf32>
    %dot_general3A_965 = tpu.matmul %get3A_13, %convert_element_type3A_963, %dot_general3A_964 {dimension_numbers = #tpu.dot_dimension_numbers<[1], [0], [0], [1], [0, 0, 1, 1], [], []>, precision = #tpu.contract_precision<fp32>, transpose_lhs_hint = false} : vector<131x512xf32>, vector<512x128xf32>, vector<131x128xf32> -> vector<131x128xf32>
    %gt3A_966 = arith.constant 2.400000e+01 : f32
    %gt3A_967 = vector.broadcast %gt3A_966 : f32 to vector<1x128xf32>
    %gt3A_968 = arith.cmpf ogt, %slice3A_72, %gt3A_967 : vector<1x128xf32>
    %broadcast_in_dim3A_969 = vector.shape_cast %gt3A_968 : vector<1x128xi1> to vector<1x128xi1>
    %broadcast_in_dim3A_970 = vector.broadcast %broadcast_in_dim3A_969 : vector<1x128xi1> to vector<131x128xi1>
    %select_n3A_971 = arith.select %broadcast_in_dim3A_970, %dot_general3A_965, %select_n3A : vector<131x128xi1>, vector<131x128xf32>
    %slice3A_972 = vector.extract_strided_slice %select_n3A_971 {offsets = [0, 0], sizes = [3, 128], strides = [1, 1]} : vector<131x128xf32> to vector<3x128xf32>
    %sub3A_973 = arith.subf %slice3A_972, %get3A_8 : vector<3x128xf32>
    %slice3A_974 = vector.extract_strided_slice %select_n3A_971 {offsets = [3, 0], sizes = [128, 128], strides = [1, 1]} : vector<131x128xf32> to vector<128x128xf32>
    %get3A_975 = arith.constant 0 : index
    %get3A_976 = arith.constant 0 : index
    %get3A_977 = vector.load %arg5[%get3A_975, %get3A_976] : memref<128x1xf32, #tpu.memory_space<vmem>>, vector<128x1xf32>
    %mul3A_978 = vector.broadcast %get3A_977 : vector<128x1xf32> to vector<128x128xf32>
    %mul3A_979 = arith.mulf %slice3A_974, %mul3A_978 : vector<128x128xf32>
    %get3A_980 = arith.constant 0 : index
    %get3A_981 = arith.constant 0 : index
    %get3A_982 = vector.load %arg6[%get3A_980, %get3A_981] : memref<128x1xf32, #tpu.memory_space<vmem>>, vector<128x1xf32>
    %add3A_983 = vector.broadcast %get3A_982 : vector<128x1xf32> to vector<128x128xf32>
    %add3A_984 = arith.addf %mul3A_979, %add3A_983 : vector<128x128xf32>
    %max3A_985 = arith.constant 0.000000e+00 : f32
    %max3A_986 = vector.broadcast %max3A_985 : f32 to vector<128x128xf32>
    %max3A_987 = arith.maximumf %add3A_984, %max3A_986 : vector<128x128xf32>
    %concatenate3A_988 = tpu.concatenate %sub3A_973, %max3A_987 in 0 : vector<3x128xf32>, vector<128x128xf32> -> vector<131x128xf32>
    %swap3A_989 = arith.constant 0 : index
    %swap3A_990 = arith.constant 24 : index
    %swap3A_991 = arith.constant 0 : index
    %swap3A_992 = arith.constant 0 : index
    %swap3A_993 = vector.load %arg7[%swap3A_989, %swap3A_990, %swap3A_991, %swap3A_992] : memref<1x64x131x128xf32, #tpu.memory_space<vmem>>, vector<1x1x131x128xf32>
    %swap3A_994 = vector.shape_cast %swap3A_993 : vector<1x1x131x128xf32> to vector<131x128xf32>
    %swap3A_995 = vector.shape_cast %concatenate3A_988 : vector<131x128xf32> to vector<1x1x131x128xf32>
    tpu.vector_store %arg7[%swap3A_989, %swap3A_990, %swap3A_991, %swap3A_992], %swap3A_995 {strides = array<i32>} : memref<1x64x131x128xf32, #tpu.memory_space<vmem>>, vector<1x1x131x128xf32>,
    %eq3A_996 = arith.constant 2.600000e+01 : f32
    %eq3A_997 = vector.broadcast %eq3A_996 : f32 to vector<512x128xf32>
    %eq3A_998 = arith.cmpf oeq, %mul3A_73, %eq3A_997 : vector<512x128xf32>
    %convert_element_type3A_999 = arith.extui %eq3A_998 : vector<512x128xi1> to vector<512x128xi32>
    %convert_element_type3A_1000 = arith.sitofp %convert_element_type3A_999 : vector<512x128xi32> to vector<512x128xf32>
    %dot_general3A_1001 = arith.constant dense<0.000000e+00> : vector<131x128xf32>
    %dot_general3A_1002 = tpu.matmul %get3A_13, %convert_element_type3A_1000, %dot_general3A_1001 {dimension_numbers = #tpu.dot_dimension_numbers<[1], [0], [0], [1], [0, 0, 1, 1], [], []>, precision = #tpu.contract_precision<fp32>, transpose_lhs_hint = false} : vector<131x512xf32>, vector<512x128xf32>, vector<131x128xf32> -> vector<131x128xf32>
    %gt3A_1003 = arith.constant 2.500000e+01 : f32
    %gt3A_1004 = vector.broadcast %gt3A_1003 : f32 to vector<1x128xf32>
    %gt3A_1005 = arith.cmpf ogt, %slice3A_72, %gt3A_1004 : vector<1x128xf32>
    %broadcast_in_dim3A_1006 = vector.shape_cast %gt3A_1005 : vector<1x128xi1> to vector<1x128xi1>
    %broadcast_in_dim3A_1007 = vector.broadcast %broadcast_in_dim3A_1006 : vector<1x128xi1> to vector<131x128xi1>
    %select_n3A_1008 = arith.select %broadcast_in_dim3A_1007, %dot_general3A_1002, %select_n3A : vector<131x128xi1>, vector<131x128xf32>
    %slice3A_1009 = vector.extract_strided_slice %select_n3A_1008 {offsets = [0, 0], sizes = [3, 128], strides = [1, 1]} : vector<131x128xf32> to vector<3x128xf32>
    %sub3A_1010 = arith.subf %slice3A_1009, %get3A_8 : vector<3x128xf32>
    %slice3A_1011 = vector.extract_strided_slice %select_n3A_1008 {offsets = [3, 0], sizes = [128, 128], strides = [1, 1]} : vector<131x128xf32> to vector<128x128xf32>
    %get3A_1012 = arith.constant 0 : index
    %get3A_1013 = arith.constant 0 : index
    %get3A_1014 = vector.load %arg5[%get3A_1012, %get3A_1013] : memref<128x1xf32, #tpu.memory_space<vmem>>, vector<128x1xf32>
    %mul3A_1015 = vector.broadcast %get3A_1014 : vector<128x1xf32> to vector<128x128xf32>
    %mul3A_1016 = arith.mulf %slice3A_1011, %mul3A_1015 : vector<128x128xf32>
    %get3A_1017 = arith.constant 0 : index
    %get3A_1018 = arith.constant 0 : index
    %get3A_1019 = vector.load %arg6[%get3A_1017, %get3A_1018] : memref<128x1xf32, #tpu.memory_space<vmem>>, vector<128x1xf32>
    %add3A_1020 = vector.broadcast %get3A_1019 : vector<128x1xf32> to vector<128x128xf32>
    %add3A_1021 = arith.addf %mul3A_1016, %add3A_1020 : vector<128x128xf32>
    %max3A_1022 = arith.constant 0.000000e+00 : f32
    %max3A_1023 = vector.broadcast %max3A_1022 : f32 to vector<128x128xf32>
    %max3A_1024 = arith.maximumf %add3A_1021, %max3A_1023 : vector<128x128xf32>
    %concatenate3A_1025 = tpu.concatenate %sub3A_1010, %max3A_1024 in 0 : vector<3x128xf32>, vector<128x128xf32> -> vector<131x128xf32>
    %swap3A_1026 = arith.constant 0 : index
    %swap3A_1027 = arith.constant 25 : index
    %swap3A_1028 = arith.constant 0 : index
    %swap3A_1029 = arith.constant 0 : index
    %swap3A_1030 = vector.load %arg7[%swap3A_1026, %swap3A_1027, %swap3A_1028, %swap3A_1029] : memref<1x64x131x128xf32, #tpu.memory_space<vmem>>, vector<1x1x131x128xf32>
    %swap3A_1031 = vector.shape_cast %swap3A_1030 : vector<1x1x131x128xf32> to vector<131x128xf32>
    %swap3A_1032 = vector.shape_cast %concatenate3A_1025 : vector<131x128xf32> to vector<1x1x131x128xf32>
    tpu.vector_store %arg7[%swap3A_1026, %swap3A_1027, %swap3A_1028, %swap3A_1029], %swap3A_1032 {strides = array<i32>} : memref<1x64x131x128xf32, #tpu.memory_space<vmem>>, vector<1x1x131x128xf32>,
    %eq3A_1033 = arith.constant 2.700000e+01 : f32
    %eq3A_1034 = vector.broadcast %eq3A_1033 : f32 to vector<512x128xf32>
    %eq3A_1035 = arith.cmpf oeq, %mul3A_73, %eq3A_1034 : vector<512x128xf32>
    %convert_element_type3A_1036 = arith.extui %eq3A_1035 : vector<512x128xi1> to vector<512x128xi32>
    %convert_element_type3A_1037 = arith.sitofp %convert_element_type3A_1036 : vector<512x128xi32> to vector<512x128xf32>
    %dot_general3A_1038 = arith.constant dense<0.000000e+00> : vector<131x128xf32>
    %dot_general3A_1039 = tpu.matmul %get3A_13, %convert_element_type3A_1037, %dot_general3A_1038 {dimension_numbers = #tpu.dot_dimension_numbers<[1], [0], [0], [1], [0, 0, 1, 1], [], []>, precision = #tpu.contract_precision<fp32>, transpose_lhs_hint = false} : vector<131x512xf32>, vector<512x128xf32>, vector<131x128xf32> -> vector<131x128xf32>
    %gt3A_1040 = arith.constant 2.600000e+01 : f32
    %gt3A_1041 = vector.broadcast %gt3A_1040 : f32 to vector<1x128xf32>
    %gt3A_1042 = arith.cmpf ogt, %slice3A_72, %gt3A_1041 : vector<1x128xf32>
    %broadcast_in_dim3A_1043 = vector.shape_cast %gt3A_1042 : vector<1x128xi1> to vector<1x128xi1>
    %broadcast_in_dim3A_1044 = vector.broadcast %broadcast_in_dim3A_1043 : vector<1x128xi1> to vector<131x128xi1>
    %select_n3A_1045 = arith.select %broadcast_in_dim3A_1044, %dot_general3A_1039, %select_n3A : vector<131x128xi1>, vector<131x128xf32>
    %slice3A_1046 = vector.extract_strided_slice %select_n3A_1045 {offsets = [0, 0], sizes = [3, 128], strides = [1, 1]} : vector<131x128xf32> to vector<3x128xf32>
    %sub3A_1047 = arith.subf %slice3A_1046, %get3A_8 : vector<3x128xf32>
    %slice3A_1048 = vector.extract_strided_slice %select_n3A_1045 {offsets = [3, 0], sizes = [128, 128], strides = [1, 1]} : vector<131x128xf32> to vector<128x128xf32>
    %get3A_1049 = arith.constant 0 : index
    %get3A_1050 = arith.constant 0 : index
    %get3A_1051 = vector.load %arg5[%get3A_1049, %get3A_1050] : memref<128x1xf32, #tpu.memory_space<vmem>>, vector<128x1xf32>
    %mul3A_1052 = vector.broadcast %get3A_1051 : vector<128x1xf32> to vector<128x128xf32>
    %mul3A_1053 = arith.mulf %slice3A_1048, %mul3A_1052 : vector<128x128xf32>
    %get3A_1054 = arith.constant 0 : index
    %get3A_1055 = arith.constant 0 : index
    %get3A_1056 = vector.load %arg6[%get3A_1054, %get3A_1055] : memref<128x1xf32, #tpu.memory_space<vmem>>, vector<128x1xf32>
    %add3A_1057 = vector.broadcast %get3A_1056 : vector<128x1xf32> to vector<128x128xf32>
    %add3A_1058 = arith.addf %mul3A_1053, %add3A_1057 : vector<128x128xf32>
    %max3A_1059 = arith.constant 0.000000e+00 : f32
    %max3A_1060 = vector.broadcast %max3A_1059 : f32 to vector<128x128xf32>
    %max3A_1061 = arith.maximumf %add3A_1058, %max3A_1060 : vector<128x128xf32>
    %concatenate3A_1062 = tpu.concatenate %sub3A_1047, %max3A_1061 in 0 : vector<3x128xf32>, vector<128x128xf32> -> vector<131x128xf32>
    %swap3A_1063 = arith.constant 0 : index
    %swap3A_1064 = arith.constant 26 : index
    %swap3A_1065 = arith.constant 0 : index
    %swap3A_1066 = arith.constant 0 : index
    %swap3A_1067 = vector.load %arg7[%swap3A_1063, %swap3A_1064, %swap3A_1065, %swap3A_1066] : memref<1x64x131x128xf32, #tpu.memory_space<vmem>>, vector<1x1x131x128xf32>
    %swap3A_1068 = vector.shape_cast %swap3A_1067 : vector<1x1x131x128xf32> to vector<131x128xf32>
    %swap3A_1069 = vector.shape_cast %concatenate3A_1062 : vector<131x128xf32> to vector<1x1x131x128xf32>
    tpu.vector_store %arg7[%swap3A_1063, %swap3A_1064, %swap3A_1065, %swap3A_1066], %swap3A_1069 {strides = array<i32>} : memref<1x64x131x128xf32, #tpu.memory_space<vmem>>, vector<1x1x131x128xf32>,
    %eq3A_1070 = arith.constant 2.800000e+01 : f32
    %eq3A_1071 = vector.broadcast %eq3A_1070 : f32 to vector<512x128xf32>
    %eq3A_1072 = arith.cmpf oeq, %mul3A_73, %eq3A_1071 : vector<512x128xf32>
    %convert_element_type3A_1073 = arith.extui %eq3A_1072 : vector<512x128xi1> to vector<512x128xi32>
    %convert_element_type3A_1074 = arith.sitofp %convert_element_type3A_1073 : vector<512x128xi32> to vector<512x128xf32>
    %dot_general3A_1075 = arith.constant dense<0.000000e+00> : vector<131x128xf32>
    %dot_general3A_1076 = tpu.matmul %get3A_13, %convert_element_type3A_1074, %dot_general3A_1075 {dimension_numbers = #tpu.dot_dimension_numbers<[1], [0], [0], [1], [0, 0, 1, 1], [], []>, precision = #tpu.contract_precision<fp32>, transpose_lhs_hint = false} : vector<131x512xf32>, vector<512x128xf32>, vector<131x128xf32> -> vector<131x128xf32>
    %gt3A_1077 = arith.constant 2.700000e+01 : f32
    %gt3A_1078 = vector.broadcast %gt3A_1077 : f32 to vector<1x128xf32>
    %gt3A_1079 = arith.cmpf ogt, %slice3A_72, %gt3A_1078 : vector<1x128xf32>
    %broadcast_in_dim3A_1080 = vector.shape_cast %gt3A_1079 : vector<1x128xi1> to vector<1x128xi1>
    %broadcast_in_dim3A_1081 = vector.broadcast %broadcast_in_dim3A_1080 : vector<1x128xi1> to vector<131x128xi1>
    %select_n3A_1082 = arith.select %broadcast_in_dim3A_1081, %dot_general3A_1076, %select_n3A : vector<131x128xi1>, vector<131x128xf32>
    %slice3A_1083 = vector.extract_strided_slice %select_n3A_1082 {offsets = [0, 0], sizes = [3, 128], strides = [1, 1]} : vector<131x128xf32> to vector<3x128xf32>
    %sub3A_1084 = arith.subf %slice3A_1083, %get3A_8 : vector<3x128xf32>
    %slice3A_1085 = vector.extract_strided_slice %select_n3A_1082 {offsets = [3, 0], sizes = [128, 128], strides = [1, 1]} : vector<131x128xf32> to vector<128x128xf32>
    %get3A_1086 = arith.constant 0 : index
    %get3A_1087 = arith.constant 0 : index
    %get3A_1088 = vector.load %arg5[%get3A_1086, %get3A_1087] : memref<128x1xf32, #tpu.memory_space<vmem>>, vector<128x1xf32>
    %mul3A_1089 = vector.broadcast %get3A_1088 : vector<128x1xf32> to vector<128x128xf32>
    %mul3A_1090 = arith.mulf %slice3A_1085, %mul3A_1089 : vector<128x128xf32>
    %get3A_1091 = arith.constant 0 : index
    %get3A_1092 = arith.constant 0 : index
    %get3A_1093 = vector.load %arg6[%get3A_1091, %get3A_1092] : memref<128x1xf32, #tpu.memory_space<vmem>>, vector<128x1xf32>
    %add3A_1094 = vector.broadcast %get3A_1093 : vector<128x1xf32> to vector<128x128xf32>
    %add3A_1095 = arith.addf %mul3A_1090, %add3A_1094 : vector<128x128xf32>
    %max3A_1096 = arith.constant 0.000000e+00 : f32
    %max3A_1097 = vector.broadcast %max3A_1096 : f32 to vector<128x128xf32>
    %max3A_1098 = arith.maximumf %add3A_1095, %max3A_1097 : vector<128x128xf32>
    %concatenate3A_1099 = tpu.concatenate %sub3A_1084, %max3A_1098 in 0 : vector<3x128xf32>, vector<128x128xf32> -> vector<131x128xf32>
    %swap3A_1100 = arith.constant 0 : index
    %swap3A_1101 = arith.constant 27 : index
    %swap3A_1102 = arith.constant 0 : index
    %swap3A_1103 = arith.constant 0 : index
    %swap3A_1104 = vector.load %arg7[%swap3A_1100, %swap3A_1101, %swap3A_1102, %swap3A_1103] : memref<1x64x131x128xf32, #tpu.memory_space<vmem>>, vector<1x1x131x128xf32>
    %swap3A_1105 = vector.shape_cast %swap3A_1104 : vector<1x1x131x128xf32> to vector<131x128xf32>
    %swap3A_1106 = vector.shape_cast %concatenate3A_1099 : vector<131x128xf32> to vector<1x1x131x128xf32>
    tpu.vector_store %arg7[%swap3A_1100, %swap3A_1101, %swap3A_1102, %swap3A_1103], %swap3A_1106 {strides = array<i32>} : memref<1x64x131x128xf32, #tpu.memory_space<vmem>>, vector<1x1x131x128xf32>,
    %eq3A_1107 = arith.constant 2.900000e+01 : f32
    %eq3A_1108 = vector.broadcast %eq3A_1107 : f32 to vector<512x128xf32>
    %eq3A_1109 = arith.cmpf oeq, %mul3A_73, %eq3A_1108 : vector<512x128xf32>
    %convert_element_type3A_1110 = arith.extui %eq3A_1109 : vector<512x128xi1> to vector<512x128xi32>
    %convert_element_type3A_1111 = arith.sitofp %convert_element_type3A_1110 : vector<512x128xi32> to vector<512x128xf32>
    %dot_general3A_1112 = arith.constant dense<0.000000e+00> : vector<131x128xf32>
    %dot_general3A_1113 = tpu.matmul %get3A_13, %convert_element_type3A_1111, %dot_general3A_1112 {dimension_numbers = #tpu.dot_dimension_numbers<[1], [0], [0], [1], [0, 0, 1, 1], [], []>, precision = #tpu.contract_precision<fp32>, transpose_lhs_hint = false} : vector<131x512xf32>, vector<512x128xf32>, vector<131x128xf32> -> vector<131x128xf32>
    %gt3A_1114 = arith.constant 2.800000e+01 : f32
    %gt3A_1115 = vector.broadcast %gt3A_1114 : f32 to vector<1x128xf32>
    %gt3A_1116 = arith.cmpf ogt, %slice3A_72, %gt3A_1115 : vector<1x128xf32>
    %broadcast_in_dim3A_1117 = vector.shape_cast %gt3A_1116 : vector<1x128xi1> to vector<1x128xi1>
    %broadcast_in_dim3A_1118 = vector.broadcast %broadcast_in_dim3A_1117 : vector<1x128xi1> to vector<131x128xi1>
    %select_n3A_1119 = arith.select %broadcast_in_dim3A_1118, %dot_general3A_1113, %select_n3A : vector<131x128xi1>, vector<131x128xf32>
    %slice3A_1120 = vector.extract_strided_slice %select_n3A_1119 {offsets = [0, 0], sizes = [3, 128], strides = [1, 1]} : vector<131x128xf32> to vector<3x128xf32>
    %sub3A_1121 = arith.subf %slice3A_1120, %get3A_8 : vector<3x128xf32>
    %slice3A_1122 = vector.extract_strided_slice %select_n3A_1119 {offsets = [3, 0], sizes = [128, 128], strides = [1, 1]} : vector<131x128xf32> to vector<128x128xf32>
    %get3A_1123 = arith.constant 0 : index
    %get3A_1124 = arith.constant 0 : index
    %get3A_1125 = vector.load %arg5[%get3A_1123, %get3A_1124] : memref<128x1xf32, #tpu.memory_space<vmem>>, vector<128x1xf32>
    %mul3A_1126 = vector.broadcast %get3A_1125 : vector<128x1xf32> to vector<128x128xf32>
    %mul3A_1127 = arith.mulf %slice3A_1122, %mul3A_1126 : vector<128x128xf32>
    %get3A_1128 = arith.constant 0 : index
    %get3A_1129 = arith.constant 0 : index
    %get3A_1130 = vector.load %arg6[%get3A_1128, %get3A_1129] : memref<128x1xf32, #tpu.memory_space<vmem>>, vector<128x1xf32>
    %add3A_1131 = vector.broadcast %get3A_1130 : vector<128x1xf32> to vector<128x128xf32>
    %add3A_1132 = arith.addf %mul3A_1127, %add3A_1131 : vector<128x128xf32>
    %max3A_1133 = arith.constant 0.000000e+00 : f32
    %max3A_1134 = vector.broadcast %max3A_1133 : f32 to vector<128x128xf32>
    %max3A_1135 = arith.maximumf %add3A_1132, %max3A_1134 : vector<128x128xf32>
    %concatenate3A_1136 = tpu.concatenate %sub3A_1121, %max3A_1135 in 0 : vector<3x128xf32>, vector<128x128xf32> -> vector<131x128xf32>
    %swap3A_1137 = arith.constant 0 : index
    %swap3A_1138 = arith.constant 28 : index
    %swap3A_1139 = arith.constant 0 : index
    %swap3A_1140 = arith.constant 0 : index
    %swap3A_1141 = vector.load %arg7[%swap3A_1137, %swap3A_1138, %swap3A_1139, %swap3A_1140] : memref<1x64x131x128xf32, #tpu.memory_space<vmem>>, vector<1x1x131x128xf32>
    %swap3A_1142 = vector.shape_cast %swap3A_1141 : vector<1x1x131x128xf32> to vector<131x128xf32>
    %swap3A_1143 = vector.shape_cast %concatenate3A_1136 : vector<131x128xf32> to vector<1x1x131x128xf32>
    tpu.vector_store %arg7[%swap3A_1137, %swap3A_1138, %swap3A_1139, %swap3A_1140], %swap3A_1143 {strides = array<i32>} : memref<1x64x131x128xf32, #tpu.memory_space<vmem>>, vector<1x1x131x128xf32>,
    %eq3A_1144 = arith.constant 3.000000e+01 : f32
    %eq3A_1145 = vector.broadcast %eq3A_1144 : f32 to vector<512x128xf32>
    %eq3A_1146 = arith.cmpf oeq, %mul3A_73, %eq3A_1145 : vector<512x128xf32>
    %convert_element_type3A_1147 = arith.extui %eq3A_1146 : vector<512x128xi1> to vector<512x128xi32>
    %convert_element_type3A_1148 = arith.sitofp %convert_element_type3A_1147 : vector<512x128xi32> to vector<512x128xf32>
    %dot_general3A_1149 = arith.constant dense<0.000000e+00> : vector<131x128xf32>
    %dot_general3A_1150 = tpu.matmul %get3A_13, %convert_element_type3A_1148, %dot_general3A_1149 {dimension_numbers = #tpu.dot_dimension_numbers<[1], [0], [0], [1], [0, 0, 1, 1], [], []>, precision = #tpu.contract_precision<fp32>, transpose_lhs_hint = false} : vector<131x512xf32>, vector<512x128xf32>, vector<131x128xf32> -> vector<131x128xf32>
    %gt3A_1151 = arith.constant 2.900000e+01 : f32
    %gt3A_1152 = vector.broadcast %gt3A_1151 : f32 to vector<1x128xf32>
    %gt3A_1153 = arith.cmpf ogt, %slice3A_72, %gt3A_1152 : vector<1x128xf32>
    %broadcast_in_dim3A_1154 = vector.shape_cast %gt3A_1153 : vector<1x128xi1> to vector<1x128xi1>
    %broadcast_in_dim3A_1155 = vector.broadcast %broadcast_in_dim3A_1154 : vector<1x128xi1> to vector<131x128xi1>
    %select_n3A_1156 = arith.select %broadcast_in_dim3A_1155, %dot_general3A_1150, %select_n3A : vector<131x128xi1>, vector<131x128xf32>
    %slice3A_1157 = vector.extract_strided_slice %select_n3A_1156 {offsets = [0, 0], sizes = [3, 128], strides = [1, 1]} : vector<131x128xf32> to vector<3x128xf32>
    %sub3A_1158 = arith.subf %slice3A_1157, %get3A_8 : vector<3x128xf32>
    %slice3A_1159 = vector.extract_strided_slice %select_n3A_1156 {offsets = [3, 0], sizes = [128, 128], strides = [1, 1]} : vector<131x128xf32> to vector<128x128xf32>
    %get3A_1160 = arith.constant 0 : index
    %get3A_1161 = arith.constant 0 : index
    %get3A_1162 = vector.load %arg5[%get3A_1160, %get3A_1161] : memref<128x1xf32, #tpu.memory_space<vmem>>, vector<128x1xf32>
    %mul3A_1163 = vector.broadcast %get3A_1162 : vector<128x1xf32> to vector<128x128xf32>
    %mul3A_1164 = arith.mulf %slice3A_1159, %mul3A_1163 : vector<128x128xf32>
    %get3A_1165 = arith.constant 0 : index
    %get3A_1166 = arith.constant 0 : index
    %get3A_1167 = vector.load %arg6[%get3A_1165, %get3A_1166] : memref<128x1xf32, #tpu.memory_space<vmem>>, vector<128x1xf32>
    %add3A_1168 = vector.broadcast %get3A_1167 : vector<128x1xf32> to vector<128x128xf32>
    %add3A_1169 = arith.addf %mul3A_1164, %add3A_1168 : vector<128x128xf32>
    %max3A_1170 = arith.constant 0.000000e+00 : f32
    %max3A_1171 = vector.broadcast %max3A_1170 : f32 to vector<128x128xf32>
    %max3A_1172 = arith.maximumf %add3A_1169, %max3A_1171 : vector<128x128xf32>
    %concatenate3A_1173 = tpu.concatenate %sub3A_1158, %max3A_1172 in 0 : vector<3x128xf32>, vector<128x128xf32> -> vector<131x128xf32>
    %swap3A_1174 = arith.constant 0 : index
    %swap3A_1175 = arith.constant 29 : index
    %swap3A_1176 = arith.constant 0 : index
    %swap3A_1177 = arith.constant 0 : index
    %swap3A_1178 = vector.load %arg7[%swap3A_1174, %swap3A_1175, %swap3A_1176, %swap3A_1177] : memref<1x64x131x128xf32, #tpu.memory_space<vmem>>, vector<1x1x131x128xf32>
    %swap3A_1179 = vector.shape_cast %swap3A_1178 : vector<1x1x131x128xf32> to vector<131x128xf32>
    %swap3A_1180 = vector.shape_cast %concatenate3A_1173 : vector<131x128xf32> to vector<1x1x131x128xf32>
    tpu.vector_store %arg7[%swap3A_1174, %swap3A_1175, %swap3A_1176, %swap3A_1177], %swap3A_1180 {strides = array<i32>} : memref<1x64x131x128xf32, #tpu.memory_space<vmem>>, vector<1x1x131x128xf32>,
    %eq3A_1181 = arith.constant 3.100000e+01 : f32
    %eq3A_1182 = vector.broadcast %eq3A_1181 : f32 to vector<512x128xf32>
    %eq3A_1183 = arith.cmpf oeq, %mul3A_73, %eq3A_1182 : vector<512x128xf32>
    %convert_element_type3A_1184 = arith.extui %eq3A_1183 : vector<512x128xi1> to vector<512x128xi32>
    %convert_element_type3A_1185 = arith.sitofp %convert_element_type3A_1184 : vector<512x128xi32> to vector<512x128xf32>
    %dot_general3A_1186 = arith.constant dense<0.000000e+00> : vector<131x128xf32>
    %dot_general3A_1187 = tpu.matmul %get3A_13, %convert_element_type3A_1185, %dot_general3A_1186 {dimension_numbers = #tpu.dot_dimension_numbers<[1], [0], [0], [1], [0, 0, 1, 1], [], []>, precision = #tpu.contract_precision<fp32>, transpose_lhs_hint = false} : vector<131x512xf32>, vector<512x128xf32>, vector<131x128xf32> -> vector<131x128xf32>
    %gt3A_1188 = arith.constant 3.000000e+01 : f32
    %gt3A_1189 = vector.broadcast %gt3A_1188 : f32 to vector<1x128xf32>
    %gt3A_1190 = arith.cmpf ogt, %slice3A_72, %gt3A_1189 : vector<1x128xf32>
    %broadcast_in_dim3A_1191 = vector.shape_cast %gt3A_1190 : vector<1x128xi1> to vector<1x128xi1>
    %broadcast_in_dim3A_1192 = vector.broadcast %broadcast_in_dim3A_1191 : vector<1x128xi1> to vector<131x128xi1>
    %select_n3A_1193 = arith.select %broadcast_in_dim3A_1192, %dot_general3A_1187, %select_n3A : vector<131x128xi1>, vector<131x128xf32>
    %slice3A_1194 = vector.extract_strided_slice %select_n3A_1193 {offsets = [0, 0], sizes = [3, 128], strides = [1, 1]} : vector<131x128xf32> to vector<3x128xf32>
    %sub3A_1195 = arith.subf %slice3A_1194, %get3A_8 : vector<3x128xf32>
    %slice3A_1196 = vector.extract_strided_slice %select_n3A_1193 {offsets = [3, 0], sizes = [128, 128], strides = [1, 1]} : vector<131x128xf32> to vector<128x128xf32>
    %get3A_1197 = arith.constant 0 : index
    %get3A_1198 = arith.constant 0 : index
    %get3A_1199 = vector.load %arg5[%get3A_1197, %get3A_1198] : memref<128x1xf32, #tpu.memory_space<vmem>>, vector<128x1xf32>
    %mul3A_1200 = vector.broadcast %get3A_1199 : vector<128x1xf32> to vector<128x128xf32>
    %mul3A_1201 = arith.mulf %slice3A_1196, %mul3A_1200 : vector<128x128xf32>
    %get3A_1202 = arith.constant 0 : index
    %get3A_1203 = arith.constant 0 : index
    %get3A_1204 = vector.load %arg6[%get3A_1202, %get3A_1203] : memref<128x1xf32, #tpu.memory_space<vmem>>, vector<128x1xf32>
    %add3A_1205 = vector.broadcast %get3A_1204 : vector<128x1xf32> to vector<128x128xf32>
    %add3A_1206 = arith.addf %mul3A_1201, %add3A_1205 : vector<128x128xf32>
    %max3A_1207 = arith.constant 0.000000e+00 : f32
    %max3A_1208 = vector.broadcast %max3A_1207 : f32 to vector<128x128xf32>
    %max3A_1209 = arith.maximumf %add3A_1206, %max3A_1208 : vector<128x128xf32>
    %concatenate3A_1210 = tpu.concatenate %sub3A_1195, %max3A_1209 in 0 : vector<3x128xf32>, vector<128x128xf32> -> vector<131x128xf32>
    %swap3A_1211 = arith.constant 0 : index
    %swap3A_1212 = arith.constant 30 : index
    %swap3A_1213 = arith.constant 0 : index
    %swap3A_1214 = arith.constant 0 : index
    %swap3A_1215 = vector.load %arg7[%swap3A_1211, %swap3A_1212, %swap3A_1213, %swap3A_1214] : memref<1x64x131x128xf32, #tpu.memory_space<vmem>>, vector<1x1x131x128xf32>
    %swap3A_1216 = vector.shape_cast %swap3A_1215 : vector<1x1x131x128xf32> to vector<131x128xf32>
    %swap3A_1217 = vector.shape_cast %concatenate3A_1210 : vector<131x128xf32> to vector<1x1x131x128xf32>
    tpu.vector_store %arg7[%swap3A_1211, %swap3A_1212, %swap3A_1213, %swap3A_1214], %swap3A_1217 {strides = array<i32>} : memref<1x64x131x128xf32, #tpu.memory_space<vmem>>, vector<1x1x131x128xf32>,
    %eq3A_1218 = arith.constant 3.200000e+01 : f32
    %eq3A_1219 = vector.broadcast %eq3A_1218 : f32 to vector<512x128xf32>
    %eq3A_1220 = arith.cmpf oeq, %mul3A_73, %eq3A_1219 : vector<512x128xf32>
    %convert_element_type3A_1221 = arith.extui %eq3A_1220 : vector<512x128xi1> to vector<512x128xi32>
    %convert_element_type3A_1222 = arith.sitofp %convert_element_type3A_1221 : vector<512x128xi32> to vector<512x128xf32>
    %dot_general3A_1223 = arith.constant dense<0.000000e+00> : vector<131x128xf32>
    %dot_general3A_1224 = tpu.matmul %get3A_13, %convert_element_type3A_1222, %dot_general3A_1223 {dimension_numbers = #tpu.dot_dimension_numbers<[1], [0], [0], [1], [0, 0, 1, 1], [], []>, precision = #tpu.contract_precision<fp32>, transpose_lhs_hint = false} : vector<131x512xf32>, vector<512x128xf32>, vector<131x128xf32> -> vector<131x128xf32>
    %gt3A_1225 = arith.constant 3.100000e+01 : f32
    %gt3A_1226 = vector.broadcast %gt3A_1225 : f32 to vector<1x128xf32>
    %gt3A_1227 = arith.cmpf ogt, %slice3A_72, %gt3A_1226 : vector<1x128xf32>
    %broadcast_in_dim3A_1228 = vector.shape_cast %gt3A_1227 : vector<1x128xi1> to vector<1x128xi1>
    %broadcast_in_dim3A_1229 = vector.broadcast %broadcast_in_dim3A_1228 : vector<1x128xi1> to vector<131x128xi1>
    %select_n3A_1230 = arith.select %broadcast_in_dim3A_1229, %dot_general3A_1224, %select_n3A : vector<131x128xi1>, vector<131x128xf32>
    %slice3A_1231 = vector.extract_strided_slice %select_n3A_1230 {offsets = [0, 0], sizes = [3, 128], strides = [1, 1]} : vector<131x128xf32> to vector<3x128xf32>
    %sub3A_1232 = arith.subf %slice3A_1231, %get3A_8 : vector<3x128xf32>
    %slice3A_1233 = vector.extract_strided_slice %select_n3A_1230 {offsets = [3, 0], sizes = [128, 128], strides = [1, 1]} : vector<131x128xf32> to vector<128x128xf32>
    %get3A_1234 = arith.constant 0 : index
    %get3A_1235 = arith.constant 0 : index
    %get3A_1236 = vector.load %arg5[%get3A_1234, %get3A_1235] : memref<128x1xf32, #tpu.memory_space<vmem>>, vector<128x1xf32>
    %mul3A_1237 = vector.broadcast %get3A_1236 : vector<128x1xf32> to vector<128x128xf32>
    %mul3A_1238 = arith.mulf %slice3A_1233, %mul3A_1237 : vector<128x128xf32>
    %get3A_1239 = arith.constant 0 : index
    %get3A_1240 = arith.constant 0 : index
    %get3A_1241 = vector.load %arg6[%get3A_1239, %get3A_1240] : memref<128x1xf32, #tpu.memory_space<vmem>>, vector<128x1xf32>
    %add3A_1242 = vector.broadcast %get3A_1241 : vector<128x1xf32> to vector<128x128xf32>
    %add3A_1243 = arith.addf %mul3A_1238, %add3A_1242 : vector<128x128xf32>
    %max3A_1244 = arith.constant 0.000000e+00 : f32
    %max3A_1245 = vector.broadcast %max3A_1244 : f32 to vector<128x128xf32>
    %max3A_1246 = arith.maximumf %add3A_1243, %max3A_1245 : vector<128x128xf32>
    %concatenate3A_1247 = tpu.concatenate %sub3A_1232, %max3A_1246 in 0 : vector<3x128xf32>, vector<128x128xf32> -> vector<131x128xf32>
    %swap3A_1248 = arith.constant 0 : index
    %swap3A_1249 = arith.constant 31 : index
    %swap3A_1250 = arith.constant 0 : index
    %swap3A_1251 = arith.constant 0 : index
    %swap3A_1252 = vector.load %arg7[%swap3A_1248, %swap3A_1249, %swap3A_1250, %swap3A_1251] : memref<1x64x131x128xf32, #tpu.memory_space<vmem>>, vector<1x1x131x128xf32>
    %swap3A_1253 = vector.shape_cast %swap3A_1252 : vector<1x1x131x128xf32> to vector<131x128xf32>
    %swap3A_1254 = vector.shape_cast %concatenate3A_1247 : vector<131x128xf32> to vector<1x1x131x128xf32>
    tpu.vector_store %arg7[%swap3A_1248, %swap3A_1249, %swap3A_1250, %swap3A_1251], %swap3A_1254 {strides = array<i32>} : memref<1x64x131x128xf32, #tpu.memory_space<vmem>>, vector<1x1x131x128xf32>,
    %eq3A_1255 = arith.constant 3.300000e+01 : f32
    %eq3A_1256 = vector.broadcast %eq3A_1255 : f32 to vector<512x128xf32>
    %eq3A_1257 = arith.cmpf oeq, %mul3A_73, %eq3A_1256 : vector<512x128xf32>
    %convert_element_type3A_1258 = arith.extui %eq3A_1257 : vector<512x128xi1> to vector<512x128xi32>
    %convert_element_type3A_1259 = arith.sitofp %convert_element_type3A_1258 : vector<512x128xi32> to vector<512x128xf32>
    %dot_general3A_1260 = arith.constant dense<0.000000e+00> : vector<131x128xf32>
    %dot_general3A_1261 = tpu.matmul %get3A_13, %convert_element_type3A_1259, %dot_general3A_1260 {dimension_numbers = #tpu.dot_dimension_numbers<[1], [0], [0], [1], [0, 0, 1, 1], [], []>, precision = #tpu.contract_precision<fp32>, transpose_lhs_hint = false} : vector<131x512xf32>, vector<512x128xf32>, vector<131x128xf32> -> vector<131x128xf32>
    %gt3A_1262 = arith.constant 3.200000e+01 : f32
    %gt3A_1263 = vector.broadcast %gt3A_1262 : f32 to vector<1x128xf32>
    %gt3A_1264 = arith.cmpf ogt, %slice3A_72, %gt3A_1263 : vector<1x128xf32>
    %broadcast_in_dim3A_1265 = vector.shape_cast %gt3A_1264 : vector<1x128xi1> to vector<1x128xi1>
    %broadcast_in_dim3A_1266 = vector.broadcast %broadcast_in_dim3A_1265 : vector<1x128xi1> to vector<131x128xi1>
    %select_n3A_1267 = arith.select %broadcast_in_dim3A_1266, %dot_general3A_1261, %select_n3A : vector<131x128xi1>, vector<131x128xf32>
    %slice3A_1268 = vector.extract_strided_slice %select_n3A_1267 {offsets = [0, 0], sizes = [3, 128], strides = [1, 1]} : vector<131x128xf32> to vector<3x128xf32>
    %sub3A_1269 = arith.subf %slice3A_1268, %get3A_8 : vector<3x128xf32>
    %slice3A_1270 = vector.extract_strided_slice %select_n3A_1267 {offsets = [3, 0], sizes = [128, 128], strides = [1, 1]} : vector<131x128xf32> to vector<128x128xf32>
    %get3A_1271 = arith.constant 0 : index
    %get3A_1272 = arith.constant 0 : index
    %get3A_1273 = vector.load %arg5[%get3A_1271, %get3A_1272] : memref<128x1xf32, #tpu.memory_space<vmem>>, vector<128x1xf32>
    %mul3A_1274 = vector.broadcast %get3A_1273 : vector<128x1xf32> to vector<128x128xf32>
    %mul3A_1275 = arith.mulf %slice3A_1270, %mul3A_1274 : vector<128x128xf32>
    %get3A_1276 = arith.constant 0 : index
    %get3A_1277 = arith.constant 0 : index
    %get3A_1278 = vector.load %arg6[%get3A_1276, %get3A_1277] : memref<128x1xf32, #tpu.memory_space<vmem>>, vector<128x1xf32>
    %add3A_1279 = vector.broadcast %get3A_1278 : vector<128x1xf32> to vector<128x128xf32>
    %add3A_1280 = arith.addf %mul3A_1275, %add3A_1279 : vector<128x128xf32>
    %max3A_1281 = arith.constant 0.000000e+00 : f32
    %max3A_1282 = vector.broadcast %max3A_1281 : f32 to vector<128x128xf32>
    %max3A_1283 = arith.maximumf %add3A_1280, %max3A_1282 : vector<128x128xf32>
    %concatenate3A_1284 = tpu.concatenate %sub3A_1269, %max3A_1283 in 0 : vector<3x128xf32>, vector<128x128xf32> -> vector<131x128xf32>
    %swap3A_1285 = arith.constant 0 : index
    %swap3A_1286 = arith.constant 32 : index
    %swap3A_1287 = arith.constant 0 : index
    %swap3A_1288 = arith.constant 0 : index
    %swap3A_1289 = vector.load %arg7[%swap3A_1285, %swap3A_1286, %swap3A_1287, %swap3A_1288] : memref<1x64x131x128xf32, #tpu.memory_space<vmem>>, vector<1x1x131x128xf32>
    %swap3A_1290 = vector.shape_cast %swap3A_1289 : vector<1x1x131x128xf32> to vector<131x128xf32>
    %swap3A_1291 = vector.shape_cast %concatenate3A_1284 : vector<131x128xf32> to vector<1x1x131x128xf32>
    tpu.vector_store %arg7[%swap3A_1285, %swap3A_1286, %swap3A_1287, %swap3A_1288], %swap3A_1291 {strides = array<i32>} : memref<1x64x131x128xf32, #tpu.memory_space<vmem>>, vector<1x1x131x128xf32>,
    %eq3A_1292 = arith.constant 3.400000e+01 : f32
    %eq3A_1293 = vector.broadcast %eq3A_1292 : f32 to vector<512x128xf32>
    %eq3A_1294 = arith.cmpf oeq, %mul3A_73, %eq3A_1293 : vector<512x128xf32>
    %convert_element_type3A_1295 = arith.extui %eq3A_1294 : vector<512x128xi1> to vector<512x128xi32>
    %convert_element_type3A_1296 = arith.sitofp %convert_element_type3A_1295 : vector<512x128xi32> to vector<512x128xf32>
    %dot_general3A_1297 = arith.constant dense<0.000000e+00> : vector<131x128xf32>
    %dot_general3A_1298 = tpu.matmul %get3A_13, %convert_element_type3A_1296, %dot_general3A_1297 {dimension_numbers = #tpu.dot_dimension_numbers<[1], [0], [0], [1], [0, 0, 1, 1], [], []>, precision = #tpu.contract_precision<fp32>, transpose_lhs_hint = false} : vector<131x512xf32>, vector<512x128xf32>, vector<131x128xf32> -> vector<131x128xf32>
    %gt3A_1299 = arith.constant 3.300000e+01 : f32
    %gt3A_1300 = vector.broadcast %gt3A_1299 : f32 to vector<1x128xf32>
    %gt3A_1301 = arith.cmpf ogt, %slice3A_72, %gt3A_1300 : vector<1x128xf32>
    %broadcast_in_dim3A_1302 = vector.shape_cast %gt3A_1301 : vector<1x128xi1> to vector<1x128xi1>
    %broadcast_in_dim3A_1303 = vector.broadcast %broadcast_in_dim3A_1302 : vector<1x128xi1> to vector<131x128xi1>
    %select_n3A_1304 = arith.select %broadcast_in_dim3A_1303, %dot_general3A_1298, %select_n3A : vector<131x128xi1>, vector<131x128xf32>
    %slice3A_1305 = vector.extract_strided_slice %select_n3A_1304 {offsets = [0, 0], sizes = [3, 128], strides = [1, 1]} : vector<131x128xf32> to vector<3x128xf32>
    %sub3A_1306 = arith.subf %slice3A_1305, %get3A_8 : vector<3x128xf32>
    %slice3A_1307 = vector.extract_strided_slice %select_n3A_1304 {offsets = [3, 0], sizes = [128, 128], strides = [1, 1]} : vector<131x128xf32> to vector<128x128xf32>
    %get3A_1308 = arith.constant 0 : index
    %get3A_1309 = arith.constant 0 : index
    %get3A_1310 = vector.load %arg5[%get3A_1308, %get3A_1309] : memref<128x1xf32, #tpu.memory_space<vmem>>, vector<128x1xf32>
    %mul3A_1311 = vector.broadcast %get3A_1310 : vector<128x1xf32> to vector<128x128xf32>
    %mul3A_1312 = arith.mulf %slice3A_1307, %mul3A_1311 : vector<128x128xf32>
    %get3A_1313 = arith.constant 0 : index
    %get3A_1314 = arith.constant 0 : index
    %get3A_1315 = vector.load %arg6[%get3A_1313, %get3A_1314] : memref<128x1xf32, #tpu.memory_space<vmem>>, vector<128x1xf32>
    %add3A_1316 = vector.broadcast %get3A_1315 : vector<128x1xf32> to vector<128x128xf32>
    %add3A_1317 = arith.addf %mul3A_1312, %add3A_1316 : vector<128x128xf32>
    %max3A_1318 = arith.constant 0.000000e+00 : f32
    %max3A_1319 = vector.broadcast %max3A_1318 : f32 to vector<128x128xf32>
    %max3A_1320 = arith.maximumf %add3A_1317, %max3A_1319 : vector<128x128xf32>
    %concatenate3A_1321 = tpu.concatenate %sub3A_1306, %max3A_1320 in 0 : vector<3x128xf32>, vector<128x128xf32> -> vector<131x128xf32>
    %swap3A_1322 = arith.constant 0 : index
    %swap3A_1323 = arith.constant 33 : index
    %swap3A_1324 = arith.constant 0 : index
    %swap3A_1325 = arith.constant 0 : index
    %swap3A_1326 = vector.load %arg7[%swap3A_1322, %swap3A_1323, %swap3A_1324, %swap3A_1325] : memref<1x64x131x128xf32, #tpu.memory_space<vmem>>, vector<1x1x131x128xf32>
    %swap3A_1327 = vector.shape_cast %swap3A_1326 : vector<1x1x131x128xf32> to vector<131x128xf32>
    %swap3A_1328 = vector.shape_cast %concatenate3A_1321 : vector<131x128xf32> to vector<1x1x131x128xf32>
    tpu.vector_store %arg7[%swap3A_1322, %swap3A_1323, %swap3A_1324, %swap3A_1325], %swap3A_1328 {strides = array<i32>} : memref<1x64x131x128xf32, #tpu.memory_space<vmem>>, vector<1x1x131x128xf32>,
    %eq3A_1329 = arith.constant 3.500000e+01 : f32
    %eq3A_1330 = vector.broadcast %eq3A_1329 : f32 to vector<512x128xf32>
    %eq3A_1331 = arith.cmpf oeq, %mul3A_73, %eq3A_1330 : vector<512x128xf32>
    %convert_element_type3A_1332 = arith.extui %eq3A_1331 : vector<512x128xi1> to vector<512x128xi32>
    %convert_element_type3A_1333 = arith.sitofp %convert_element_type3A_1332 : vector<512x128xi32> to vector<512x128xf32>
    %dot_general3A_1334 = arith.constant dense<0.000000e+00> : vector<131x128xf32>
    %dot_general3A_1335 = tpu.matmul %get3A_13, %convert_element_type3A_1333, %dot_general3A_1334 {dimension_numbers = #tpu.dot_dimension_numbers<[1], [0], [0], [1], [0, 0, 1, 1], [], []>, precision = #tpu.contract_precision<fp32>, transpose_lhs_hint = false} : vector<131x512xf32>, vector<512x128xf32>, vector<131x128xf32> -> vector<131x128xf32>
    %gt3A_1336 = arith.constant 3.400000e+01 : f32
    %gt3A_1337 = vector.broadcast %gt3A_1336 : f32 to vector<1x128xf32>
    %gt3A_1338 = arith.cmpf ogt, %slice3A_72, %gt3A_1337 : vector<1x128xf32>
    %broadcast_in_dim3A_1339 = vector.shape_cast %gt3A_1338 : vector<1x128xi1> to vector<1x128xi1>
    %broadcast_in_dim3A_1340 = vector.broadcast %broadcast_in_dim3A_1339 : vector<1x128xi1> to vector<131x128xi1>
    %select_n3A_1341 = arith.select %broadcast_in_dim3A_1340, %dot_general3A_1335, %select_n3A : vector<131x128xi1>, vector<131x128xf32>
    %slice3A_1342 = vector.extract_strided_slice %select_n3A_1341 {offsets = [0, 0], sizes = [3, 128], strides = [1, 1]} : vector<131x128xf32> to vector<3x128xf32>
    %sub3A_1343 = arith.subf %slice3A_1342, %get3A_8 : vector<3x128xf32>
    %slice3A_1344 = vector.extract_strided_slice %select_n3A_1341 {offsets = [3, 0], sizes = [128, 128], strides = [1, 1]} : vector<131x128xf32> to vector<128x128xf32>
    %get3A_1345 = arith.constant 0 : index
    %get3A_1346 = arith.constant 0 : index
    %get3A_1347 = vector.load %arg5[%get3A_1345, %get3A_1346] : memref<128x1xf32, #tpu.memory_space<vmem>>, vector<128x1xf32>
    %mul3A_1348 = vector.broadcast %get3A_1347 : vector<128x1xf32> to vector<128x128xf32>
    %mul3A_1349 = arith.mulf %slice3A_1344, %mul3A_1348 : vector<128x128xf32>
    %get3A_1350 = arith.constant 0 : index
    %get3A_1351 = arith.constant 0 : index
    %get3A_1352 = vector.load %arg6[%get3A_1350, %get3A_1351] : memref<128x1xf32, #tpu.memory_space<vmem>>, vector<128x1xf32>
    %add3A_1353 = vector.broadcast %get3A_1352 : vector<128x1xf32> to vector<128x128xf32>
    %add3A_1354 = arith.addf %mul3A_1349, %add3A_1353 : vector<128x128xf32>
    %max3A_1355 = arith.constant 0.000000e+00 : f32
    %max3A_1356 = vector.broadcast %max3A_1355 : f32 to vector<128x128xf32>
    %max3A_1357 = arith.maximumf %add3A_1354, %max3A_1356 : vector<128x128xf32>
    %concatenate3A_1358 = tpu.concatenate %sub3A_1343, %max3A_1357 in 0 : vector<3x128xf32>, vector<128x128xf32> -> vector<131x128xf32>
    %swap3A_1359 = arith.constant 0 : index
    %swap3A_1360 = arith.constant 34 : index
    %swap3A_1361 = arith.constant 0 : index
    %swap3A_1362 = arith.constant 0 : index
    %swap3A_1363 = vector.load %arg7[%swap3A_1359, %swap3A_1360, %swap3A_1361, %swap3A_1362] : memref<1x64x131x128xf32, #tpu.memory_space<vmem>>, vector<1x1x131x128xf32>
    %swap3A_1364 = vector.shape_cast %swap3A_1363 : vector<1x1x131x128xf32> to vector<131x128xf32>
    %swap3A_1365 = vector.shape_cast %concatenate3A_1358 : vector<131x128xf32> to vector<1x1x131x128xf32>
    tpu.vector_store %arg7[%swap3A_1359, %swap3A_1360, %swap3A_1361, %swap3A_1362], %swap3A_1365 {strides = array<i32>} : memref<1x64x131x128xf32, #tpu.memory_space<vmem>>, vector<1x1x131x128xf32>,
    %eq3A_1366 = arith.constant 3.600000e+01 : f32
    %eq3A_1367 = vector.broadcast %eq3A_1366 : f32 to vector<512x128xf32>
    %eq3A_1368 = arith.cmpf oeq, %mul3A_73, %eq3A_1367 : vector<512x128xf32>
    %convert_element_type3A_1369 = arith.extui %eq3A_1368 : vector<512x128xi1> to vector<512x128xi32>
    %convert_element_type3A_1370 = arith.sitofp %convert_element_type3A_1369 : vector<512x128xi32> to vector<512x128xf32>
    %dot_general3A_1371 = arith.constant dense<0.000000e+00> : vector<131x128xf32>
    %dot_general3A_1372 = tpu.matmul %get3A_13, %convert_element_type3A_1370, %dot_general3A_1371 {dimension_numbers = #tpu.dot_dimension_numbers<[1], [0], [0], [1], [0, 0, 1, 1], [], []>, precision = #tpu.contract_precision<fp32>, transpose_lhs_hint = false} : vector<131x512xf32>, vector<512x128xf32>, vector<131x128xf32> -> vector<131x128xf32>
    %gt3A_1373 = arith.constant 3.500000e+01 : f32
    %gt3A_1374 = vector.broadcast %gt3A_1373 : f32 to vector<1x128xf32>
    %gt3A_1375 = arith.cmpf ogt, %slice3A_72, %gt3A_1374 : vector<1x128xf32>
    %broadcast_in_dim3A_1376 = vector.shape_cast %gt3A_1375 : vector<1x128xi1> to vector<1x128xi1>
    %broadcast_in_dim3A_1377 = vector.broadcast %broadcast_in_dim3A_1376 : vector<1x128xi1> to vector<131x128xi1>
    %select_n3A_1378 = arith.select %broadcast_in_dim3A_1377, %dot_general3A_1372, %select_n3A : vector<131x128xi1>, vector<131x128xf32>
    %slice3A_1379 = vector.extract_strided_slice %select_n3A_1378 {offsets = [0, 0], sizes = [3, 128], strides = [1, 1]} : vector<131x128xf32> to vector<3x128xf32>
    %sub3A_1380 = arith.subf %slice3A_1379, %get3A_8 : vector<3x128xf32>
    %slice3A_1381 = vector.extract_strided_slice %select_n3A_1378 {offsets = [3, 0], sizes = [128, 128], strides = [1, 1]} : vector<131x128xf32> to vector<128x128xf32>
    %get3A_1382 = arith.constant 0 : index
    %get3A_1383 = arith.constant 0 : index
    %get3A_1384 = vector.load %arg5[%get3A_1382, %get3A_1383] : memref<128x1xf32, #tpu.memory_space<vmem>>, vector<128x1xf32>
    %mul3A_1385 = vector.broadcast %get3A_1384 : vector<128x1xf32> to vector<128x128xf32>
    %mul3A_1386 = arith.mulf %slice3A_1381, %mul3A_1385 : vector<128x128xf32>
    %get3A_1387 = arith.constant 0 : index
    %get3A_1388 = arith.constant 0 : index
    %get3A_1389 = vector.load %arg6[%get3A_1387, %get3A_1388] : memref<128x1xf32, #tpu.memory_space<vmem>>, vector<128x1xf32>
    %add3A_1390 = vector.broadcast %get3A_1389 : vector<128x1xf32> to vector<128x128xf32>
    %add3A_1391 = arith.addf %mul3A_1386, %add3A_1390 : vector<128x128xf32>
    %max3A_1392 = arith.constant 0.000000e+00 : f32
    %max3A_1393 = vector.broadcast %max3A_1392 : f32 to vector<128x128xf32>
    %max3A_1394 = arith.maximumf %add3A_1391, %max3A_1393 : vector<128x128xf32>
    %concatenate3A_1395 = tpu.concatenate %sub3A_1380, %max3A_1394 in 0 : vector<3x128xf32>, vector<128x128xf32> -> vector<131x128xf32>
    %swap3A_1396 = arith.constant 0 : index
    %swap3A_1397 = arith.constant 35 : index
    %swap3A_1398 = arith.constant 0 : index
    %swap3A_1399 = arith.constant 0 : index
    %swap3A_1400 = vector.load %arg7[%swap3A_1396, %swap3A_1397, %swap3A_1398, %swap3A_1399] : memref<1x64x131x128xf32, #tpu.memory_space<vmem>>, vector<1x1x131x128xf32>
    %swap3A_1401 = vector.shape_cast %swap3A_1400 : vector<1x1x131x128xf32> to vector<131x128xf32>
    %swap3A_1402 = vector.shape_cast %concatenate3A_1395 : vector<131x128xf32> to vector<1x1x131x128xf32>
    tpu.vector_store %arg7[%swap3A_1396, %swap3A_1397, %swap3A_1398, %swap3A_1399], %swap3A_1402 {strides = array<i32>} : memref<1x64x131x128xf32, #tpu.memory_space<vmem>>, vector<1x1x131x128xf32>,
    %eq3A_1403 = arith.constant 3.700000e+01 : f32
    %eq3A_1404 = vector.broadcast %eq3A_1403 : f32 to vector<512x128xf32>
    %eq3A_1405 = arith.cmpf oeq, %mul3A_73, %eq3A_1404 : vector<512x128xf32>
    %convert_element_type3A_1406 = arith.extui %eq3A_1405 : vector<512x128xi1> to vector<512x128xi32>
    %convert_element_type3A_1407 = arith.sitofp %convert_element_type3A_1406 : vector<512x128xi32> to vector<512x128xf32>
    %dot_general3A_1408 = arith.constant dense<0.000000e+00> : vector<131x128xf32>
    %dot_general3A_1409 = tpu.matmul %get3A_13, %convert_element_type3A_1407, %dot_general3A_1408 {dimension_numbers = #tpu.dot_dimension_numbers<[1], [0], [0], [1], [0, 0, 1, 1], [], []>, precision = #tpu.contract_precision<fp32>, transpose_lhs_hint = false} : vector<131x512xf32>, vector<512x128xf32>, vector<131x128xf32> -> vector<131x128xf32>
    %gt3A_1410 = arith.constant 3.600000e+01 : f32
    %gt3A_1411 = vector.broadcast %gt3A_1410 : f32 to vector<1x128xf32>
    %gt3A_1412 = arith.cmpf ogt, %slice3A_72, %gt3A_1411 : vector<1x128xf32>
    %broadcast_in_dim3A_1413 = vector.shape_cast %gt3A_1412 : vector<1x128xi1> to vector<1x128xi1>
    %broadcast_in_dim3A_1414 = vector.broadcast %broadcast_in_dim3A_1413 : vector<1x128xi1> to vector<131x128xi1>
    %select_n3A_1415 = arith.select %broadcast_in_dim3A_1414, %dot_general3A_1409, %select_n3A : vector<131x128xi1>, vector<131x128xf32>
    %slice3A_1416 = vector.extract_strided_slice %select_n3A_1415 {offsets = [0, 0], sizes = [3, 128], strides = [1, 1]} : vector<131x128xf32> to vector<3x128xf32>
    %sub3A_1417 = arith.subf %slice3A_1416, %get3A_8 : vector<3x128xf32>
    %slice3A_1418 = vector.extract_strided_slice %select_n3A_1415 {offsets = [3, 0], sizes = [128, 128], strides = [1, 1]} : vector<131x128xf32> to vector<128x128xf32>
    %get3A_1419 = arith.constant 0 : index
    %get3A_1420 = arith.constant 0 : index
    %get3A_1421 = vector.load %arg5[%get3A_1419, %get3A_1420] : memref<128x1xf32, #tpu.memory_space<vmem>>, vector<128x1xf32>
    %mul3A_1422 = vector.broadcast %get3A_1421 : vector<128x1xf32> to vector<128x128xf32>
    %mul3A_1423 = arith.mulf %slice3A_1418, %mul3A_1422 : vector<128x128xf32>
    %get3A_1424 = arith.constant 0 : index
    %get3A_1425 = arith.constant 0 : index
    %get3A_1426 = vector.load %arg6[%get3A_1424, %get3A_1425] : memref<128x1xf32, #tpu.memory_space<vmem>>, vector<128x1xf32>
    %add3A_1427 = vector.broadcast %get3A_1426 : vector<128x1xf32> to vector<128x128xf32>
    %add3A_1428 = arith.addf %mul3A_1423, %add3A_1427 : vector<128x128xf32>
    %max3A_1429 = arith.constant 0.000000e+00 : f32
    %max3A_1430 = vector.broadcast %max3A_1429 : f32 to vector<128x128xf32>
    %max3A_1431 = arith.maximumf %add3A_1428, %max3A_1430 : vector<128x128xf32>
    %concatenate3A_1432 = tpu.concatenate %sub3A_1417, %max3A_1431 in 0 : vector<3x128xf32>, vector<128x128xf32> -> vector<131x128xf32>
    %swap3A_1433 = arith.constant 0 : index
    %swap3A_1434 = arith.constant 36 : index
    %swap3A_1435 = arith.constant 0 : index
    %swap3A_1436 = arith.constant 0 : index
    %swap3A_1437 = vector.load %arg7[%swap3A_1433, %swap3A_1434, %swap3A_1435, %swap3A_1436] : memref<1x64x131x128xf32, #tpu.memory_space<vmem>>, vector<1x1x131x128xf32>
    %swap3A_1438 = vector.shape_cast %swap3A_1437 : vector<1x1x131x128xf32> to vector<131x128xf32>
    %swap3A_1439 = vector.shape_cast %concatenate3A_1432 : vector<131x128xf32> to vector<1x1x131x128xf32>
    tpu.vector_store %arg7[%swap3A_1433, %swap3A_1434, %swap3A_1435, %swap3A_1436], %swap3A_1439 {strides = array<i32>} : memref<1x64x131x128xf32, #tpu.memory_space<vmem>>, vector<1x1x131x128xf32>,
    %eq3A_1440 = arith.constant 3.800000e+01 : f32
    %eq3A_1441 = vector.broadcast %eq3A_1440 : f32 to vector<512x128xf32>
    %eq3A_1442 = arith.cmpf oeq, %mul3A_73, %eq3A_1441 : vector<512x128xf32>
    %convert_element_type3A_1443 = arith.extui %eq3A_1442 : vector<512x128xi1> to vector<512x128xi32>
    %convert_element_type3A_1444 = arith.sitofp %convert_element_type3A_1443 : vector<512x128xi32> to vector<512x128xf32>
    %dot_general3A_1445 = arith.constant dense<0.000000e+00> : vector<131x128xf32>
    %dot_general3A_1446 = tpu.matmul %get3A_13, %convert_element_type3A_1444, %dot_general3A_1445 {dimension_numbers = #tpu.dot_dimension_numbers<[1], [0], [0], [1], [0, 0, 1, 1], [], []>, precision = #tpu.contract_precision<fp32>, transpose_lhs_hint = false} : vector<131x512xf32>, vector<512x128xf32>, vector<131x128xf32> -> vector<131x128xf32>
    %gt3A_1447 = arith.constant 3.700000e+01 : f32
    %gt3A_1448 = vector.broadcast %gt3A_1447 : f32 to vector<1x128xf32>
    %gt3A_1449 = arith.cmpf ogt, %slice3A_72, %gt3A_1448 : vector<1x128xf32>
    %broadcast_in_dim3A_1450 = vector.shape_cast %gt3A_1449 : vector<1x128xi1> to vector<1x128xi1>
    %broadcast_in_dim3A_1451 = vector.broadcast %broadcast_in_dim3A_1450 : vector<1x128xi1> to vector<131x128xi1>
    %select_n3A_1452 = arith.select %broadcast_in_dim3A_1451, %dot_general3A_1446, %select_n3A : vector<131x128xi1>, vector<131x128xf32>
    %slice3A_1453 = vector.extract_strided_slice %select_n3A_1452 {offsets = [0, 0], sizes = [3, 128], strides = [1, 1]} : vector<131x128xf32> to vector<3x128xf32>
    %sub3A_1454 = arith.subf %slice3A_1453, %get3A_8 : vector<3x128xf32>
    %slice3A_1455 = vector.extract_strided_slice %select_n3A_1452 {offsets = [3, 0], sizes = [128, 128], strides = [1, 1]} : vector<131x128xf32> to vector<128x128xf32>
    %get3A_1456 = arith.constant 0 : index
    %get3A_1457 = arith.constant 0 : index
    %get3A_1458 = vector.load %arg5[%get3A_1456, %get3A_1457] : memref<128x1xf32, #tpu.memory_space<vmem>>, vector<128x1xf32>
    %mul3A_1459 = vector.broadcast %get3A_1458 : vector<128x1xf32> to vector<128x128xf32>
    %mul3A_1460 = arith.mulf %slice3A_1455, %mul3A_1459 : vector<128x128xf32>
    %get3A_1461 = arith.constant 0 : index
    %get3A_1462 = arith.constant 0 : index
    %get3A_1463 = vector.load %arg6[%get3A_1461, %get3A_1462] : memref<128x1xf32, #tpu.memory_space<vmem>>, vector<128x1xf32>
    %add3A_1464 = vector.broadcast %get3A_1463 : vector<128x1xf32> to vector<128x128xf32>
    %add3A_1465 = arith.addf %mul3A_1460, %add3A_1464 : vector<128x128xf32>
    %max3A_1466 = arith.constant 0.000000e+00 : f32
    %max3A_1467 = vector.broadcast %max3A_1466 : f32 to vector<128x128xf32>
    %max3A_1468 = arith.maximumf %add3A_1465, %max3A_1467 : vector<128x128xf32>
    %concatenate3A_1469 = tpu.concatenate %sub3A_1454, %max3A_1468 in 0 : vector<3x128xf32>, vector<128x128xf32> -> vector<131x128xf32>
    %swap3A_1470 = arith.constant 0 : index
    %swap3A_1471 = arith.constant 37 : index
    %swap3A_1472 = arith.constant 0 : index
    %swap3A_1473 = arith.constant 0 : index
    %swap3A_1474 = vector.load %arg7[%swap3A_1470, %swap3A_1471, %swap3A_1472, %swap3A_1473] : memref<1x64x131x128xf32, #tpu.memory_space<vmem>>, vector<1x1x131x128xf32>
    %swap3A_1475 = vector.shape_cast %swap3A_1474 : vector<1x1x131x128xf32> to vector<131x128xf32>
    %swap3A_1476 = vector.shape_cast %concatenate3A_1469 : vector<131x128xf32> to vector<1x1x131x128xf32>
    tpu.vector_store %arg7[%swap3A_1470, %swap3A_1471, %swap3A_1472, %swap3A_1473], %swap3A_1476 {strides = array<i32>} : memref<1x64x131x128xf32, #tpu.memory_space<vmem>>, vector<1x1x131x128xf32>,
    %eq3A_1477 = arith.constant 3.900000e+01 : f32
    %eq3A_1478 = vector.broadcast %eq3A_1477 : f32 to vector<512x128xf32>
    %eq3A_1479 = arith.cmpf oeq, %mul3A_73, %eq3A_1478 : vector<512x128xf32>
    %convert_element_type3A_1480 = arith.extui %eq3A_1479 : vector<512x128xi1> to vector<512x128xi32>
    %convert_element_type3A_1481 = arith.sitofp %convert_element_type3A_1480 : vector<512x128xi32> to vector<512x128xf32>
    %dot_general3A_1482 = arith.constant dense<0.000000e+00> : vector<131x128xf32>
    %dot_general3A_1483 = tpu.matmul %get3A_13, %convert_element_type3A_1481, %dot_general3A_1482 {dimension_numbers = #tpu.dot_dimension_numbers<[1], [0], [0], [1], [0, 0, 1, 1], [], []>, precision = #tpu.contract_precision<fp32>, transpose_lhs_hint = false} : vector<131x512xf32>, vector<512x128xf32>, vector<131x128xf32> -> vector<131x128xf32>
    %gt3A_1484 = arith.constant 3.800000e+01 : f32
    %gt3A_1485 = vector.broadcast %gt3A_1484 : f32 to vector<1x128xf32>
    %gt3A_1486 = arith.cmpf ogt, %slice3A_72, %gt3A_1485 : vector<1x128xf32>
    %broadcast_in_dim3A_1487 = vector.shape_cast %gt3A_1486 : vector<1x128xi1> to vector<1x128xi1>
    %broadcast_in_dim3A_1488 = vector.broadcast %broadcast_in_dim3A_1487 : vector<1x128xi1> to vector<131x128xi1>
    %select_n3A_1489 = arith.select %broadcast_in_dim3A_1488, %dot_general3A_1483, %select_n3A : vector<131x128xi1>, vector<131x128xf32>
    %slice3A_1490 = vector.extract_strided_slice %select_n3A_1489 {offsets = [0, 0], sizes = [3, 128], strides = [1, 1]} : vector<131x128xf32> to vector<3x128xf32>
    %sub3A_1491 = arith.subf %slice3A_1490, %get3A_8 : vector<3x128xf32>
    %slice3A_1492 = vector.extract_strided_slice %select_n3A_1489 {offsets = [3, 0], sizes = [128, 128], strides = [1, 1]} : vector<131x128xf32> to vector<128x128xf32>
    %get3A_1493 = arith.constant 0 : index
    %get3A_1494 = arith.constant 0 : index
    %get3A_1495 = vector.load %arg5[%get3A_1493, %get3A_1494] : memref<128x1xf32, #tpu.memory_space<vmem>>, vector<128x1xf32>
    %mul3A_1496 = vector.broadcast %get3A_1495 : vector<128x1xf32> to vector<128x128xf32>
    %mul3A_1497 = arith.mulf %slice3A_1492, %mul3A_1496 : vector<128x128xf32>
    %get3A_1498 = arith.constant 0 : index
    %get3A_1499 = arith.constant 0 : index
    %get3A_1500 = vector.load %arg6[%get3A_1498, %get3A_1499] : memref<128x1xf32, #tpu.memory_space<vmem>>, vector<128x1xf32>
    %add3A_1501 = vector.broadcast %get3A_1500 : vector<128x1xf32> to vector<128x128xf32>
    %add3A_1502 = arith.addf %mul3A_1497, %add3A_1501 : vector<128x128xf32>
    %max3A_1503 = arith.constant 0.000000e+00 : f32
    %max3A_1504 = vector.broadcast %max3A_1503 : f32 to vector<128x128xf32>
    %max3A_1505 = arith.maximumf %add3A_1502, %max3A_1504 : vector<128x128xf32>
    %concatenate3A_1506 = tpu.concatenate %sub3A_1491, %max3A_1505 in 0 : vector<3x128xf32>, vector<128x128xf32> -> vector<131x128xf32>
    %swap3A_1507 = arith.constant 0 : index
    %swap3A_1508 = arith.constant 38 : index
    %swap3A_1509 = arith.constant 0 : index
    %swap3A_1510 = arith.constant 0 : index
    %swap3A_1511 = vector.load %arg7[%swap3A_1507, %swap3A_1508, %swap3A_1509, %swap3A_1510] : memref<1x64x131x128xf32, #tpu.memory_space<vmem>>, vector<1x1x131x128xf32>
    %swap3A_1512 = vector.shape_cast %swap3A_1511 : vector<1x1x131x128xf32> to vector<131x128xf32>
    %swap3A_1513 = vector.shape_cast %concatenate3A_1506 : vector<131x128xf32> to vector<1x1x131x128xf32>
    tpu.vector_store %arg7[%swap3A_1507, %swap3A_1508, %swap3A_1509, %swap3A_1510], %swap3A_1513 {strides = array<i32>} : memref<1x64x131x128xf32, #tpu.memory_space<vmem>>, vector<1x1x131x128xf32>,
    %eq3A_1514 = arith.constant 4.000000e+01 : f32
    %eq3A_1515 = vector.broadcast %eq3A_1514 : f32 to vector<512x128xf32>
    %eq3A_1516 = arith.cmpf oeq, %mul3A_73, %eq3A_1515 : vector<512x128xf32>
    %convert_element_type3A_1517 = arith.extui %eq3A_1516 : vector<512x128xi1> to vector<512x128xi32>
    %convert_element_type3A_1518 = arith.sitofp %convert_element_type3A_1517 : vector<512x128xi32> to vector<512x128xf32>
    %dot_general3A_1519 = arith.constant dense<0.000000e+00> : vector<131x128xf32>
    %dot_general3A_1520 = tpu.matmul %get3A_13, %convert_element_type3A_1518, %dot_general3A_1519 {dimension_numbers = #tpu.dot_dimension_numbers<[1], [0], [0], [1], [0, 0, 1, 1], [], []>, precision = #tpu.contract_precision<fp32>, transpose_lhs_hint = false} : vector<131x512xf32>, vector<512x128xf32>, vector<131x128xf32> -> vector<131x128xf32>
    %gt3A_1521 = arith.constant 3.900000e+01 : f32
    %gt3A_1522 = vector.broadcast %gt3A_1521 : f32 to vector<1x128xf32>
    %gt3A_1523 = arith.cmpf ogt, %slice3A_72, %gt3A_1522 : vector<1x128xf32>
    %broadcast_in_dim3A_1524 = vector.shape_cast %gt3A_1523 : vector<1x128xi1> to vector<1x128xi1>
    %broadcast_in_dim3A_1525 = vector.broadcast %broadcast_in_dim3A_1524 : vector<1x128xi1> to vector<131x128xi1>
    %select_n3A_1526 = arith.select %broadcast_in_dim3A_1525, %dot_general3A_1520, %select_n3A : vector<131x128xi1>, vector<131x128xf32>
    %slice3A_1527 = vector.extract_strided_slice %select_n3A_1526 {offsets = [0, 0], sizes = [3, 128], strides = [1, 1]} : vector<131x128xf32> to vector<3x128xf32>
    %sub3A_1528 = arith.subf %slice3A_1527, %get3A_8 : vector<3x128xf32>
    %slice3A_1529 = vector.extract_strided_slice %select_n3A_1526 {offsets = [3, 0], sizes = [128, 128], strides = [1, 1]} : vector<131x128xf32> to vector<128x128xf32>
    %get3A_1530 = arith.constant 0 : index
    %get3A_1531 = arith.constant 0 : index
    %get3A_1532 = vector.load %arg5[%get3A_1530, %get3A_1531] : memref<128x1xf32, #tpu.memory_space<vmem>>, vector<128x1xf32>
    %mul3A_1533 = vector.broadcast %get3A_1532 : vector<128x1xf32> to vector<128x128xf32>
    %mul3A_1534 = arith.mulf %slice3A_1529, %mul3A_1533 : vector<128x128xf32>
    %get3A_1535 = arith.constant 0 : index
    %get3A_1536 = arith.constant 0 : index
    %get3A_1537 = vector.load %arg6[%get3A_1535, %get3A_1536] : memref<128x1xf32, #tpu.memory_space<vmem>>, vector<128x1xf32>
    %add3A_1538 = vector.broadcast %get3A_1537 : vector<128x1xf32> to vector<128x128xf32>
    %add3A_1539 = arith.addf %mul3A_1534, %add3A_1538 : vector<128x128xf32>
    %max3A_1540 = arith.constant 0.000000e+00 : f32
    %max3A_1541 = vector.broadcast %max3A_1540 : f32 to vector<128x128xf32>
    %max3A_1542 = arith.maximumf %add3A_1539, %max3A_1541 : vector<128x128xf32>
    %concatenate3A_1543 = tpu.concatenate %sub3A_1528, %max3A_1542 in 0 : vector<3x128xf32>, vector<128x128xf32> -> vector<131x128xf32>
    %swap3A_1544 = arith.constant 0 : index
    %swap3A_1545 = arith.constant 39 : index
    %swap3A_1546 = arith.constant 0 : index
    %swap3A_1547 = arith.constant 0 : index
    %swap3A_1548 = vector.load %arg7[%swap3A_1544, %swap3A_1545, %swap3A_1546, %swap3A_1547] : memref<1x64x131x128xf32, #tpu.memory_space<vmem>>, vector<1x1x131x128xf32>
    %swap3A_1549 = vector.shape_cast %swap3A_1548 : vector<1x1x131x128xf32> to vector<131x128xf32>
    %swap3A_1550 = vector.shape_cast %concatenate3A_1543 : vector<131x128xf32> to vector<1x1x131x128xf32>
    tpu.vector_store %arg7[%swap3A_1544, %swap3A_1545, %swap3A_1546, %swap3A_1547], %swap3A_1550 {strides = array<i32>} : memref<1x64x131x128xf32, #tpu.memory_space<vmem>>, vector<1x1x131x128xf32>,
    %eq3A_1551 = arith.constant 4.100000e+01 : f32
    %eq3A_1552 = vector.broadcast %eq3A_1551 : f32 to vector<512x128xf32>
    %eq3A_1553 = arith.cmpf oeq, %mul3A_73, %eq3A_1552 : vector<512x128xf32>
    %convert_element_type3A_1554 = arith.extui %eq3A_1553 : vector<512x128xi1> to vector<512x128xi32>
    %convert_element_type3A_1555 = arith.sitofp %convert_element_type3A_1554 : vector<512x128xi32> to vector<512x128xf32>
    %dot_general3A_1556 = arith.constant dense<0.000000e+00> : vector<131x128xf32>
    %dot_general3A_1557 = tpu.matmul %get3A_13, %convert_element_type3A_1555, %dot_general3A_1556 {dimension_numbers = #tpu.dot_dimension_numbers<[1], [0], [0], [1], [0, 0, 1, 1], [], []>, precision = #tpu.contract_precision<fp32>, transpose_lhs_hint = false} : vector<131x512xf32>, vector<512x128xf32>, vector<131x128xf32> -> vector<131x128xf32>
    %gt3A_1558 = arith.constant 4.000000e+01 : f32
    %gt3A_1559 = vector.broadcast %gt3A_1558 : f32 to vector<1x128xf32>
    %gt3A_1560 = arith.cmpf ogt, %slice3A_72, %gt3A_1559 : vector<1x128xf32>
    %broadcast_in_dim3A_1561 = vector.shape_cast %gt3A_1560 : vector<1x128xi1> to vector<1x128xi1>
    %broadcast_in_dim3A_1562 = vector.broadcast %broadcast_in_dim3A_1561 : vector<1x128xi1> to vector<131x128xi1>
    %select_n3A_1563 = arith.select %broadcast_in_dim3A_1562, %dot_general3A_1557, %select_n3A : vector<131x128xi1>, vector<131x128xf32>
    %slice3A_1564 = vector.extract_strided_slice %select_n3A_1563 {offsets = [0, 0], sizes = [3, 128], strides = [1, 1]} : vector<131x128xf32> to vector<3x128xf32>
    %sub3A_1565 = arith.subf %slice3A_1564, %get3A_8 : vector<3x128xf32>
    %slice3A_1566 = vector.extract_strided_slice %select_n3A_1563 {offsets = [3, 0], sizes = [128, 128], strides = [1, 1]} : vector<131x128xf32> to vector<128x128xf32>
    %get3A_1567 = arith.constant 0 : index
    %get3A_1568 = arith.constant 0 : index
    %get3A_1569 = vector.load %arg5[%get3A_1567, %get3A_1568] : memref<128x1xf32, #tpu.memory_space<vmem>>, vector<128x1xf32>
    %mul3A_1570 = vector.broadcast %get3A_1569 : vector<128x1xf32> to vector<128x128xf32>
    %mul3A_1571 = arith.mulf %slice3A_1566, %mul3A_1570 : vector<128x128xf32>
    %get3A_1572 = arith.constant 0 : index
    %get3A_1573 = arith.constant 0 : index
    %get3A_1574 = vector.load %arg6[%get3A_1572, %get3A_1573] : memref<128x1xf32, #tpu.memory_space<vmem>>, vector<128x1xf32>
    %add3A_1575 = vector.broadcast %get3A_1574 : vector<128x1xf32> to vector<128x128xf32>
    %add3A_1576 = arith.addf %mul3A_1571, %add3A_1575 : vector<128x128xf32>
    %max3A_1577 = arith.constant 0.000000e+00 : f32
    %max3A_1578 = vector.broadcast %max3A_1577 : f32 to vector<128x128xf32>
    %max3A_1579 = arith.maximumf %add3A_1576, %max3A_1578 : vector<128x128xf32>
    %concatenate3A_1580 = tpu.concatenate %sub3A_1565, %max3A_1579 in 0 : vector<3x128xf32>, vector<128x128xf32> -> vector<131x128xf32>
    %swap3A_1581 = arith.constant 0 : index
    %swap3A_1582 = arith.constant 40 : index
    %swap3A_1583 = arith.constant 0 : index
    %swap3A_1584 = arith.constant 0 : index
    %swap3A_1585 = vector.load %arg7[%swap3A_1581, %swap3A_1582, %swap3A_1583, %swap3A_1584] : memref<1x64x131x128xf32, #tpu.memory_space<vmem>>, vector<1x1x131x128xf32>
    %swap3A_1586 = vector.shape_cast %swap3A_1585 : vector<1x1x131x128xf32> to vector<131x128xf32>
    %swap3A_1587 = vector.shape_cast %concatenate3A_1580 : vector<131x128xf32> to vector<1x1x131x128xf32>
    tpu.vector_store %arg7[%swap3A_1581, %swap3A_1582, %swap3A_1583, %swap3A_1584], %swap3A_1587 {strides = array<i32>} : memref<1x64x131x128xf32, #tpu.memory_space<vmem>>, vector<1x1x131x128xf32>,
    %eq3A_1588 = arith.constant 4.200000e+01 : f32
    %eq3A_1589 = vector.broadcast %eq3A_1588 : f32 to vector<512x128xf32>
    %eq3A_1590 = arith.cmpf oeq, %mul3A_73, %eq3A_1589 : vector<512x128xf32>
    %convert_element_type3A_1591 = arith.extui %eq3A_1590 : vector<512x128xi1> to vector<512x128xi32>
    %convert_element_type3A_1592 = arith.sitofp %convert_element_type3A_1591 : vector<512x128xi32> to vector<512x128xf32>
    %dot_general3A_1593 = arith.constant dense<0.000000e+00> : vector<131x128xf32>
    %dot_general3A_1594 = tpu.matmul %get3A_13, %convert_element_type3A_1592, %dot_general3A_1593 {dimension_numbers = #tpu.dot_dimension_numbers<[1], [0], [0], [1], [0, 0, 1, 1], [], []>, precision = #tpu.contract_precision<fp32>, transpose_lhs_hint = false} : vector<131x512xf32>, vector<512x128xf32>, vector<131x128xf32> -> vector<131x128xf32>
    %gt3A_1595 = arith.constant 4.100000e+01 : f32
    %gt3A_1596 = vector.broadcast %gt3A_1595 : f32 to vector<1x128xf32>
    %gt3A_1597 = arith.cmpf ogt, %slice3A_72, %gt3A_1596 : vector<1x128xf32>
    %broadcast_in_dim3A_1598 = vector.shape_cast %gt3A_1597 : vector<1x128xi1> to vector<1x128xi1>
    %broadcast_in_dim3A_1599 = vector.broadcast %broadcast_in_dim3A_1598 : vector<1x128xi1> to vector<131x128xi1>
    %select_n3A_1600 = arith.select %broadcast_in_dim3A_1599, %dot_general3A_1594, %select_n3A : vector<131x128xi1>, vector<131x128xf32>
    %slice3A_1601 = vector.extract_strided_slice %select_n3A_1600 {offsets = [0, 0], sizes = [3, 128], strides = [1, 1]} : vector<131x128xf32> to vector<3x128xf32>
    %sub3A_1602 = arith.subf %slice3A_1601, %get3A_8 : vector<3x128xf32>
    %slice3A_1603 = vector.extract_strided_slice %select_n3A_1600 {offsets = [3, 0], sizes = [128, 128], strides = [1, 1]} : vector<131x128xf32> to vector<128x128xf32>
    %get3A_1604 = arith.constant 0 : index
    %get3A_1605 = arith.constant 0 : index
    %get3A_1606 = vector.load %arg5[%get3A_1604, %get3A_1605] : memref<128x1xf32, #tpu.memory_space<vmem>>, vector<128x1xf32>
    %mul3A_1607 = vector.broadcast %get3A_1606 : vector<128x1xf32> to vector<128x128xf32>
    %mul3A_1608 = arith.mulf %slice3A_1603, %mul3A_1607 : vector<128x128xf32>
    %get3A_1609 = arith.constant 0 : index
    %get3A_1610 = arith.constant 0 : index
    %get3A_1611 = vector.load %arg6[%get3A_1609, %get3A_1610] : memref<128x1xf32, #tpu.memory_space<vmem>>, vector<128x1xf32>
    %add3A_1612 = vector.broadcast %get3A_1611 : vector<128x1xf32> to vector<128x128xf32>
    %add3A_1613 = arith.addf %mul3A_1608, %add3A_1612 : vector<128x128xf32>
    %max3A_1614 = arith.constant 0.000000e+00 : f32
    %max3A_1615 = vector.broadcast %max3A_1614 : f32 to vector<128x128xf32>
    %max3A_1616 = arith.maximumf %add3A_1613, %max3A_1615 : vector<128x128xf32>
    %concatenate3A_1617 = tpu.concatenate %sub3A_1602, %max3A_1616 in 0 : vector<3x128xf32>, vector<128x128xf32> -> vector<131x128xf32>
    %swap3A_1618 = arith.constant 0 : index
    %swap3A_1619 = arith.constant 41 : index
    %swap3A_1620 = arith.constant 0 : index
    %swap3A_1621 = arith.constant 0 : index
    %swap3A_1622 = vector.load %arg7[%swap3A_1618, %swap3A_1619, %swap3A_1620, %swap3A_1621] : memref<1x64x131x128xf32, #tpu.memory_space<vmem>>, vector<1x1x131x128xf32>
    %swap3A_1623 = vector.shape_cast %swap3A_1622 : vector<1x1x131x128xf32> to vector<131x128xf32>
    %swap3A_1624 = vector.shape_cast %concatenate3A_1617 : vector<131x128xf32> to vector<1x1x131x128xf32>
    tpu.vector_store %arg7[%swap3A_1618, %swap3A_1619, %swap3A_1620, %swap3A_1621], %swap3A_1624 {strides = array<i32>} : memref<1x64x131x128xf32, #tpu.memory_space<vmem>>, vector<1x1x131x128xf32>,
    %eq3A_1625 = arith.constant 4.300000e+01 : f32
    %eq3A_1626 = vector.broadcast %eq3A_1625 : f32 to vector<512x128xf32>
    %eq3A_1627 = arith.cmpf oeq, %mul3A_73, %eq3A_1626 : vector<512x128xf32>
    %convert_element_type3A_1628 = arith.extui %eq3A_1627 : vector<512x128xi1> to vector<512x128xi32>
    %convert_element_type3A_1629 = arith.sitofp %convert_element_type3A_1628 : vector<512x128xi32> to vector<512x128xf32>
    %dot_general3A_1630 = arith.constant dense<0.000000e+00> : vector<131x128xf32>
    %dot_general3A_1631 = tpu.matmul %get3A_13, %convert_element_type3A_1629, %dot_general3A_1630 {dimension_numbers = #tpu.dot_dimension_numbers<[1], [0], [0], [1], [0, 0, 1, 1], [], []>, precision = #tpu.contract_precision<fp32>, transpose_lhs_hint = false} : vector<131x512xf32>, vector<512x128xf32>, vector<131x128xf32> -> vector<131x128xf32>
    %gt3A_1632 = arith.constant 4.200000e+01 : f32
    %gt3A_1633 = vector.broadcast %gt3A_1632 : f32 to vector<1x128xf32>
    %gt3A_1634 = arith.cmpf ogt, %slice3A_72, %gt3A_1633 : vector<1x128xf32>
    %broadcast_in_dim3A_1635 = vector.shape_cast %gt3A_1634 : vector<1x128xi1> to vector<1x128xi1>
    %broadcast_in_dim3A_1636 = vector.broadcast %broadcast_in_dim3A_1635 : vector<1x128xi1> to vector<131x128xi1>
    %select_n3A_1637 = arith.select %broadcast_in_dim3A_1636, %dot_general3A_1631, %select_n3A : vector<131x128xi1>, vector<131x128xf32>
    %slice3A_1638 = vector.extract_strided_slice %select_n3A_1637 {offsets = [0, 0], sizes = [3, 128], strides = [1, 1]} : vector<131x128xf32> to vector<3x128xf32>
    %sub3A_1639 = arith.subf %slice3A_1638, %get3A_8 : vector<3x128xf32>
    %slice3A_1640 = vector.extract_strided_slice %select_n3A_1637 {offsets = [3, 0], sizes = [128, 128], strides = [1, 1]} : vector<131x128xf32> to vector<128x128xf32>
    %get3A_1641 = arith.constant 0 : index
    %get3A_1642 = arith.constant 0 : index
    %get3A_1643 = vector.load %arg5[%get3A_1641, %get3A_1642] : memref<128x1xf32, #tpu.memory_space<vmem>>, vector<128x1xf32>
    %mul3A_1644 = vector.broadcast %get3A_1643 : vector<128x1xf32> to vector<128x128xf32>
    %mul3A_1645 = arith.mulf %slice3A_1640, %mul3A_1644 : vector<128x128xf32>
    %get3A_1646 = arith.constant 0 : index
    %get3A_1647 = arith.constant 0 : index
    %get3A_1648 = vector.load %arg6[%get3A_1646, %get3A_1647] : memref<128x1xf32, #tpu.memory_space<vmem>>, vector<128x1xf32>
    %add3A_1649 = vector.broadcast %get3A_1648 : vector<128x1xf32> to vector<128x128xf32>
    %add3A_1650 = arith.addf %mul3A_1645, %add3A_1649 : vector<128x128xf32>
    %max3A_1651 = arith.constant 0.000000e+00 : f32
    %max3A_1652 = vector.broadcast %max3A_1651 : f32 to vector<128x128xf32>
    %max3A_1653 = arith.maximumf %add3A_1650, %max3A_1652 : vector<128x128xf32>
    %concatenate3A_1654 = tpu.concatenate %sub3A_1639, %max3A_1653 in 0 : vector<3x128xf32>, vector<128x128xf32> -> vector<131x128xf32>
    %swap3A_1655 = arith.constant 0 : index
    %swap3A_1656 = arith.constant 42 : index
    %swap3A_1657 = arith.constant 0 : index
    %swap3A_1658 = arith.constant 0 : index
    %swap3A_1659 = vector.load %arg7[%swap3A_1655, %swap3A_1656, %swap3A_1657, %swap3A_1658] : memref<1x64x131x128xf32, #tpu.memory_space<vmem>>, vector<1x1x131x128xf32>
    %swap3A_1660 = vector.shape_cast %swap3A_1659 : vector<1x1x131x128xf32> to vector<131x128xf32>
    %swap3A_1661 = vector.shape_cast %concatenate3A_1654 : vector<131x128xf32> to vector<1x1x131x128xf32>
    tpu.vector_store %arg7[%swap3A_1655, %swap3A_1656, %swap3A_1657, %swap3A_1658], %swap3A_1661 {strides = array<i32>} : memref<1x64x131x128xf32, #tpu.memory_space<vmem>>, vector<1x1x131x128xf32>,
    %eq3A_1662 = arith.constant 4.400000e+01 : f32
    %eq3A_1663 = vector.broadcast %eq3A_1662 : f32 to vector<512x128xf32>
    %eq3A_1664 = arith.cmpf oeq, %mul3A_73, %eq3A_1663 : vector<512x128xf32>
    %convert_element_type3A_1665 = arith.extui %eq3A_1664 : vector<512x128xi1> to vector<512x128xi32>
    %convert_element_type3A_1666 = arith.sitofp %convert_element_type3A_1665 : vector<512x128xi32> to vector<512x128xf32>
    %dot_general3A_1667 = arith.constant dense<0.000000e+00> : vector<131x128xf32>
    %dot_general3A_1668 = tpu.matmul %get3A_13, %convert_element_type3A_1666, %dot_general3A_1667 {dimension_numbers = #tpu.dot_dimension_numbers<[1], [0], [0], [1], [0, 0, 1, 1], [], []>, precision = #tpu.contract_precision<fp32>, transpose_lhs_hint = false} : vector<131x512xf32>, vector<512x128xf32>, vector<131x128xf32> -> vector<131x128xf32>
    %gt3A_1669 = arith.constant 4.300000e+01 : f32
    %gt3A_1670 = vector.broadcast %gt3A_1669 : f32 to vector<1x128xf32>
    %gt3A_1671 = arith.cmpf ogt, %slice3A_72, %gt3A_1670 : vector<1x128xf32>
    %broadcast_in_dim3A_1672 = vector.shape_cast %gt3A_1671 : vector<1x128xi1> to vector<1x128xi1>
    %broadcast_in_dim3A_1673 = vector.broadcast %broadcast_in_dim3A_1672 : vector<1x128xi1> to vector<131x128xi1>
    %select_n3A_1674 = arith.select %broadcast_in_dim3A_1673, %dot_general3A_1668, %select_n3A : vector<131x128xi1>, vector<131x128xf32>
    %slice3A_1675 = vector.extract_strided_slice %select_n3A_1674 {offsets = [0, 0], sizes = [3, 128], strides = [1, 1]} : vector<131x128xf32> to vector<3x128xf32>
    %sub3A_1676 = arith.subf %slice3A_1675, %get3A_8 : vector<3x128xf32>
    %slice3A_1677 = vector.extract_strided_slice %select_n3A_1674 {offsets = [3, 0], sizes = [128, 128], strides = [1, 1]} : vector<131x128xf32> to vector<128x128xf32>
    %get3A_1678 = arith.constant 0 : index
    %get3A_1679 = arith.constant 0 : index
    %get3A_1680 = vector.load %arg5[%get3A_1678, %get3A_1679] : memref<128x1xf32, #tpu.memory_space<vmem>>, vector<128x1xf32>
    %mul3A_1681 = vector.broadcast %get3A_1680 : vector<128x1xf32> to vector<128x128xf32>
    %mul3A_1682 = arith.mulf %slice3A_1677, %mul3A_1681 : vector<128x128xf32>
    %get3A_1683 = arith.constant 0 : index
    %get3A_1684 = arith.constant 0 : index
    %get3A_1685 = vector.load %arg6[%get3A_1683, %get3A_1684] : memref<128x1xf32, #tpu.memory_space<vmem>>, vector<128x1xf32>
    %add3A_1686 = vector.broadcast %get3A_1685 : vector<128x1xf32> to vector<128x128xf32>
    %add3A_1687 = arith.addf %mul3A_1682, %add3A_1686 : vector<128x128xf32>
    %max3A_1688 = arith.constant 0.000000e+00 : f32
    %max3A_1689 = vector.broadcast %max3A_1688 : f32 to vector<128x128xf32>
    %max3A_1690 = arith.maximumf %add3A_1687, %max3A_1689 : vector<128x128xf32>
    %concatenate3A_1691 = tpu.concatenate %sub3A_1676, %max3A_1690 in 0 : vector<3x128xf32>, vector<128x128xf32> -> vector<131x128xf32>
    %swap3A_1692 = arith.constant 0 : index
    %swap3A_1693 = arith.constant 43 : index
    %swap3A_1694 = arith.constant 0 : index
    %swap3A_1695 = arith.constant 0 : index
    %swap3A_1696 = vector.load %arg7[%swap3A_1692, %swap3A_1693, %swap3A_1694, %swap3A_1695] : memref<1x64x131x128xf32, #tpu.memory_space<vmem>>, vector<1x1x131x128xf32>
    %swap3A_1697 = vector.shape_cast %swap3A_1696 : vector<1x1x131x128xf32> to vector<131x128xf32>
    %swap3A_1698 = vector.shape_cast %concatenate3A_1691 : vector<131x128xf32> to vector<1x1x131x128xf32>
    tpu.vector_store %arg7[%swap3A_1692, %swap3A_1693, %swap3A_1694, %swap3A_1695], %swap3A_1698 {strides = array<i32>} : memref<1x64x131x128xf32, #tpu.memory_space<vmem>>, vector<1x1x131x128xf32>,
    %eq3A_1699 = arith.constant 4.500000e+01 : f32
    %eq3A_1700 = vector.broadcast %eq3A_1699 : f32 to vector<512x128xf32>
    %eq3A_1701 = arith.cmpf oeq, %mul3A_73, %eq3A_1700 : vector<512x128xf32>
    %convert_element_type3A_1702 = arith.extui %eq3A_1701 : vector<512x128xi1> to vector<512x128xi32>
    %convert_element_type3A_1703 = arith.sitofp %convert_element_type3A_1702 : vector<512x128xi32> to vector<512x128xf32>
    %dot_general3A_1704 = arith.constant dense<0.000000e+00> : vector<131x128xf32>
    %dot_general3A_1705 = tpu.matmul %get3A_13, %convert_element_type3A_1703, %dot_general3A_1704 {dimension_numbers = #tpu.dot_dimension_numbers<[1], [0], [0], [1], [0, 0, 1, 1], [], []>, precision = #tpu.contract_precision<fp32>, transpose_lhs_hint = false} : vector<131x512xf32>, vector<512x128xf32>, vector<131x128xf32> -> vector<131x128xf32>
    %gt3A_1706 = arith.constant 4.400000e+01 : f32
    %gt3A_1707 = vector.broadcast %gt3A_1706 : f32 to vector<1x128xf32>
    %gt3A_1708 = arith.cmpf ogt, %slice3A_72, %gt3A_1707 : vector<1x128xf32>
    %broadcast_in_dim3A_1709 = vector.shape_cast %gt3A_1708 : vector<1x128xi1> to vector<1x128xi1>
    %broadcast_in_dim3A_1710 = vector.broadcast %broadcast_in_dim3A_1709 : vector<1x128xi1> to vector<131x128xi1>
    %select_n3A_1711 = arith.select %broadcast_in_dim3A_1710, %dot_general3A_1705, %select_n3A : vector<131x128xi1>, vector<131x128xf32>
    %slice3A_1712 = vector.extract_strided_slice %select_n3A_1711 {offsets = [0, 0], sizes = [3, 128], strides = [1, 1]} : vector<131x128xf32> to vector<3x128xf32>
    %sub3A_1713 = arith.subf %slice3A_1712, %get3A_8 : vector<3x128xf32>
    %slice3A_1714 = vector.extract_strided_slice %select_n3A_1711 {offsets = [3, 0], sizes = [128, 128], strides = [1, 1]} : vector<131x128xf32> to vector<128x128xf32>
    %get3A_1715 = arith.constant 0 : index
    %get3A_1716 = arith.constant 0 : index
    %get3A_1717 = vector.load %arg5[%get3A_1715, %get3A_1716] : memref<128x1xf32, #tpu.memory_space<vmem>>, vector<128x1xf32>
    %mul3A_1718 = vector.broadcast %get3A_1717 : vector<128x1xf32> to vector<128x128xf32>
    %mul3A_1719 = arith.mulf %slice3A_1714, %mul3A_1718 : vector<128x128xf32>
    %get3A_1720 = arith.constant 0 : index
    %get3A_1721 = arith.constant 0 : index
    %get3A_1722 = vector.load %arg6[%get3A_1720, %get3A_1721] : memref<128x1xf32, #tpu.memory_space<vmem>>, vector<128x1xf32>
    %add3A_1723 = vector.broadcast %get3A_1722 : vector<128x1xf32> to vector<128x128xf32>
    %add3A_1724 = arith.addf %mul3A_1719, %add3A_1723 : vector<128x128xf32>
    %max3A_1725 = arith.constant 0.000000e+00 : f32
    %max3A_1726 = vector.broadcast %max3A_1725 : f32 to vector<128x128xf32>
    %max3A_1727 = arith.maximumf %add3A_1724, %max3A_1726 : vector<128x128xf32>
    %concatenate3A_1728 = tpu.concatenate %sub3A_1713, %max3A_1727 in 0 : vector<3x128xf32>, vector<128x128xf32> -> vector<131x128xf32>
    %swap3A_1729 = arith.constant 0 : index
    %swap3A_1730 = arith.constant 44 : index
    %swap3A_1731 = arith.constant 0 : index
    %swap3A_1732 = arith.constant 0 : index
    %swap3A_1733 = vector.load %arg7[%swap3A_1729, %swap3A_1730, %swap3A_1731, %swap3A_1732] : memref<1x64x131x128xf32, #tpu.memory_space<vmem>>, vector<1x1x131x128xf32>
    %swap3A_1734 = vector.shape_cast %swap3A_1733 : vector<1x1x131x128xf32> to vector<131x128xf32>
    %swap3A_1735 = vector.shape_cast %concatenate3A_1728 : vector<131x128xf32> to vector<1x1x131x128xf32>
    tpu.vector_store %arg7[%swap3A_1729, %swap3A_1730, %swap3A_1731, %swap3A_1732], %swap3A_1735 {strides = array<i32>} : memref<1x64x131x128xf32, #tpu.memory_space<vmem>>, vector<1x1x131x128xf32>,
    %eq3A_1736 = arith.constant 4.600000e+01 : f32
    %eq3A_1737 = vector.broadcast %eq3A_1736 : f32 to vector<512x128xf32>
    %eq3A_1738 = arith.cmpf oeq, %mul3A_73, %eq3A_1737 : vector<512x128xf32>
    %convert_element_type3A_1739 = arith.extui %eq3A_1738 : vector<512x128xi1> to vector<512x128xi32>
    %convert_element_type3A_1740 = arith.sitofp %convert_element_type3A_1739 : vector<512x128xi32> to vector<512x128xf32>
    %dot_general3A_1741 = arith.constant dense<0.000000e+00> : vector<131x128xf32>
    %dot_general3A_1742 = tpu.matmul %get3A_13, %convert_element_type3A_1740, %dot_general3A_1741 {dimension_numbers = #tpu.dot_dimension_numbers<[1], [0], [0], [1], [0, 0, 1, 1], [], []>, precision = #tpu.contract_precision<fp32>, transpose_lhs_hint = false} : vector<131x512xf32>, vector<512x128xf32>, vector<131x128xf32> -> vector<131x128xf32>
    %gt3A_1743 = arith.constant 4.500000e+01 : f32
    %gt3A_1744 = vector.broadcast %gt3A_1743 : f32 to vector<1x128xf32>
    %gt3A_1745 = arith.cmpf ogt, %slice3A_72, %gt3A_1744 : vector<1x128xf32>
    %broadcast_in_dim3A_1746 = vector.shape_cast %gt3A_1745 : vector<1x128xi1> to vector<1x128xi1>
    %broadcast_in_dim3A_1747 = vector.broadcast %broadcast_in_dim3A_1746 : vector<1x128xi1> to vector<131x128xi1>
    %select_n3A_1748 = arith.select %broadcast_in_dim3A_1747, %dot_general3A_1742, %select_n3A : vector<131x128xi1>, vector<131x128xf32>
    %slice3A_1749 = vector.extract_strided_slice %select_n3A_1748 {offsets = [0, 0], sizes = [3, 128], strides = [1, 1]} : vector<131x128xf32> to vector<3x128xf32>
    %sub3A_1750 = arith.subf %slice3A_1749, %get3A_8 : vector<3x128xf32>
    %slice3A_1751 = vector.extract_strided_slice %select_n3A_1748 {offsets = [3, 0], sizes = [128, 128], strides = [1, 1]} : vector<131x128xf32> to vector<128x128xf32>
    %get3A_1752 = arith.constant 0 : index
    %get3A_1753 = arith.constant 0 : index
    %get3A_1754 = vector.load %arg5[%get3A_1752, %get3A_1753] : memref<128x1xf32, #tpu.memory_space<vmem>>, vector<128x1xf32>
    %mul3A_1755 = vector.broadcast %get3A_1754 : vector<128x1xf32> to vector<128x128xf32>
    %mul3A_1756 = arith.mulf %slice3A_1751, %mul3A_1755 : vector<128x128xf32>
    %get3A_1757 = arith.constant 0 : index
    %get3A_1758 = arith.constant 0 : index
    %get3A_1759 = vector.load %arg6[%get3A_1757, %get3A_1758] : memref<128x1xf32, #tpu.memory_space<vmem>>, vector<128x1xf32>
    %add3A_1760 = vector.broadcast %get3A_1759 : vector<128x1xf32> to vector<128x128xf32>
    %add3A_1761 = arith.addf %mul3A_1756, %add3A_1760 : vector<128x128xf32>
    %max3A_1762 = arith.constant 0.000000e+00 : f32
    %max3A_1763 = vector.broadcast %max3A_1762 : f32 to vector<128x128xf32>
    %max3A_1764 = arith.maximumf %add3A_1761, %max3A_1763 : vector<128x128xf32>
    %concatenate3A_1765 = tpu.concatenate %sub3A_1750, %max3A_1764 in 0 : vector<3x128xf32>, vector<128x128xf32> -> vector<131x128xf32>
    %swap3A_1766 = arith.constant 0 : index
    %swap3A_1767 = arith.constant 45 : index
    %swap3A_1768 = arith.constant 0 : index
    %swap3A_1769 = arith.constant 0 : index
    %swap3A_1770 = vector.load %arg7[%swap3A_1766, %swap3A_1767, %swap3A_1768, %swap3A_1769] : memref<1x64x131x128xf32, #tpu.memory_space<vmem>>, vector<1x1x131x128xf32>
    %swap3A_1771 = vector.shape_cast %swap3A_1770 : vector<1x1x131x128xf32> to vector<131x128xf32>
    %swap3A_1772 = vector.shape_cast %concatenate3A_1765 : vector<131x128xf32> to vector<1x1x131x128xf32>
    tpu.vector_store %arg7[%swap3A_1766, %swap3A_1767, %swap3A_1768, %swap3A_1769], %swap3A_1772 {strides = array<i32>} : memref<1x64x131x128xf32, #tpu.memory_space<vmem>>, vector<1x1x131x128xf32>,
    %eq3A_1773 = arith.constant 4.700000e+01 : f32
    %eq3A_1774 = vector.broadcast %eq3A_1773 : f32 to vector<512x128xf32>
    %eq3A_1775 = arith.cmpf oeq, %mul3A_73, %eq3A_1774 : vector<512x128xf32>
    %convert_element_type3A_1776 = arith.extui %eq3A_1775 : vector<512x128xi1> to vector<512x128xi32>
    %convert_element_type3A_1777 = arith.sitofp %convert_element_type3A_1776 : vector<512x128xi32> to vector<512x128xf32>
    %dot_general3A_1778 = arith.constant dense<0.000000e+00> : vector<131x128xf32>
    %dot_general3A_1779 = tpu.matmul %get3A_13, %convert_element_type3A_1777, %dot_general3A_1778 {dimension_numbers = #tpu.dot_dimension_numbers<[1], [0], [0], [1], [0, 0, 1, 1], [], []>, precision = #tpu.contract_precision<fp32>, transpose_lhs_hint = false} : vector<131x512xf32>, vector<512x128xf32>, vector<131x128xf32> -> vector<131x128xf32>
    %gt3A_1780 = arith.constant 4.600000e+01 : f32
    %gt3A_1781 = vector.broadcast %gt3A_1780 : f32 to vector<1x128xf32>
    %gt3A_1782 = arith.cmpf ogt, %slice3A_72, %gt3A_1781 : vector<1x128xf32>
    %broadcast_in_dim3A_1783 = vector.shape_cast %gt3A_1782 : vector<1x128xi1> to vector<1x128xi1>
    %broadcast_in_dim3A_1784 = vector.broadcast %broadcast_in_dim3A_1783 : vector<1x128xi1> to vector<131x128xi1>
    %select_n3A_1785 = arith.select %broadcast_in_dim3A_1784, %dot_general3A_1779, %select_n3A : vector<131x128xi1>, vector<131x128xf32>
    %slice3A_1786 = vector.extract_strided_slice %select_n3A_1785 {offsets = [0, 0], sizes = [3, 128], strides = [1, 1]} : vector<131x128xf32> to vector<3x128xf32>
    %sub3A_1787 = arith.subf %slice3A_1786, %get3A_8 : vector<3x128xf32>
    %slice3A_1788 = vector.extract_strided_slice %select_n3A_1785 {offsets = [3, 0], sizes = [128, 128], strides = [1, 1]} : vector<131x128xf32> to vector<128x128xf32>
    %get3A_1789 = arith.constant 0 : index
    %get3A_1790 = arith.constant 0 : index
    %get3A_1791 = vector.load %arg5[%get3A_1789, %get3A_1790] : memref<128x1xf32, #tpu.memory_space<vmem>>, vector<128x1xf32>
    %mul3A_1792 = vector.broadcast %get3A_1791 : vector<128x1xf32> to vector<128x128xf32>
    %mul3A_1793 = arith.mulf %slice3A_1788, %mul3A_1792 : vector<128x128xf32>
    %get3A_1794 = arith.constant 0 : index
    %get3A_1795 = arith.constant 0 : index
    %get3A_1796 = vector.load %arg6[%get3A_1794, %get3A_1795] : memref<128x1xf32, #tpu.memory_space<vmem>>, vector<128x1xf32>
    %add3A_1797 = vector.broadcast %get3A_1796 : vector<128x1xf32> to vector<128x128xf32>
    %add3A_1798 = arith.addf %mul3A_1793, %add3A_1797 : vector<128x128xf32>
    %max3A_1799 = arith.constant 0.000000e+00 : f32
    %max3A_1800 = vector.broadcast %max3A_1799 : f32 to vector<128x128xf32>
    %max3A_1801 = arith.maximumf %add3A_1798, %max3A_1800 : vector<128x128xf32>
    %concatenate3A_1802 = tpu.concatenate %sub3A_1787, %max3A_1801 in 0 : vector<3x128xf32>, vector<128x128xf32> -> vector<131x128xf32>
    %swap3A_1803 = arith.constant 0 : index
    %swap3A_1804 = arith.constant 46 : index
    %swap3A_1805 = arith.constant 0 : index
    %swap3A_1806 = arith.constant 0 : index
    %swap3A_1807 = vector.load %arg7[%swap3A_1803, %swap3A_1804, %swap3A_1805, %swap3A_1806] : memref<1x64x131x128xf32, #tpu.memory_space<vmem>>, vector<1x1x131x128xf32>
    %swap3A_1808 = vector.shape_cast %swap3A_1807 : vector<1x1x131x128xf32> to vector<131x128xf32>
    %swap3A_1809 = vector.shape_cast %concatenate3A_1802 : vector<131x128xf32> to vector<1x1x131x128xf32>
    tpu.vector_store %arg7[%swap3A_1803, %swap3A_1804, %swap3A_1805, %swap3A_1806], %swap3A_1809 {strides = array<i32>} : memref<1x64x131x128xf32, #tpu.memory_space<vmem>>, vector<1x1x131x128xf32>,
    %eq3A_1810 = arith.constant 4.800000e+01 : f32
    %eq3A_1811 = vector.broadcast %eq3A_1810 : f32 to vector<512x128xf32>
    %eq3A_1812 = arith.cmpf oeq, %mul3A_73, %eq3A_1811 : vector<512x128xf32>
    %convert_element_type3A_1813 = arith.extui %eq3A_1812 : vector<512x128xi1> to vector<512x128xi32>
    %convert_element_type3A_1814 = arith.sitofp %convert_element_type3A_1813 : vector<512x128xi32> to vector<512x128xf32>
    %dot_general3A_1815 = arith.constant dense<0.000000e+00> : vector<131x128xf32>
    %dot_general3A_1816 = tpu.matmul %get3A_13, %convert_element_type3A_1814, %dot_general3A_1815 {dimension_numbers = #tpu.dot_dimension_numbers<[1], [0], [0], [1], [0, 0, 1, 1], [], []>, precision = #tpu.contract_precision<fp32>, transpose_lhs_hint = false} : vector<131x512xf32>, vector<512x128xf32>, vector<131x128xf32> -> vector<131x128xf32>
    %gt3A_1817 = arith.constant 4.700000e+01 : f32
    %gt3A_1818 = vector.broadcast %gt3A_1817 : f32 to vector<1x128xf32>
    %gt3A_1819 = arith.cmpf ogt, %slice3A_72, %gt3A_1818 : vector<1x128xf32>
    %broadcast_in_dim3A_1820 = vector.shape_cast %gt3A_1819 : vector<1x128xi1> to vector<1x128xi1>
    %broadcast_in_dim3A_1821 = vector.broadcast %broadcast_in_dim3A_1820 : vector<1x128xi1> to vector<131x128xi1>
    %select_n3A_1822 = arith.select %broadcast_in_dim3A_1821, %dot_general3A_1816, %select_n3A : vector<131x128xi1>, vector<131x128xf32>
    %slice3A_1823 = vector.extract_strided_slice %select_n3A_1822 {offsets = [0, 0], sizes = [3, 128], strides = [1, 1]} : vector<131x128xf32> to vector<3x128xf32>
    %sub3A_1824 = arith.subf %slice3A_1823, %get3A_8 : vector<3x128xf32>
    %slice3A_1825 = vector.extract_strided_slice %select_n3A_1822 {offsets = [3, 0], sizes = [128, 128], strides = [1, 1]} : vector<131x128xf32> to vector<128x128xf32>
    %get3A_1826 = arith.constant 0 : index
    %get3A_1827 = arith.constant 0 : index
    %get3A_1828 = vector.load %arg5[%get3A_1826, %get3A_1827] : memref<128x1xf32, #tpu.memory_space<vmem>>, vector<128x1xf32>
    %mul3A_1829 = vector.broadcast %get3A_1828 : vector<128x1xf32> to vector<128x128xf32>
    %mul3A_1830 = arith.mulf %slice3A_1825, %mul3A_1829 : vector<128x128xf32>
    %get3A_1831 = arith.constant 0 : index
    %get3A_1832 = arith.constant 0 : index
    %get3A_1833 = vector.load %arg6[%get3A_1831, %get3A_1832] : memref<128x1xf32, #tpu.memory_space<vmem>>, vector<128x1xf32>
    %add3A_1834 = vector.broadcast %get3A_1833 : vector<128x1xf32> to vector<128x128xf32>
    %add3A_1835 = arith.addf %mul3A_1830, %add3A_1834 : vector<128x128xf32>
    %max3A_1836 = arith.constant 0.000000e+00 : f32
    %max3A_1837 = vector.broadcast %max3A_1836 : f32 to vector<128x128xf32>
    %max3A_1838 = arith.maximumf %add3A_1835, %max3A_1837 : vector<128x128xf32>
    %concatenate3A_1839 = tpu.concatenate %sub3A_1824, %max3A_1838 in 0 : vector<3x128xf32>, vector<128x128xf32> -> vector<131x128xf32>
    %swap3A_1840 = arith.constant 0 : index
    %swap3A_1841 = arith.constant 47 : index
    %swap3A_1842 = arith.constant 0 : index
    %swap3A_1843 = arith.constant 0 : index
    %swap3A_1844 = vector.load %arg7[%swap3A_1840, %swap3A_1841, %swap3A_1842, %swap3A_1843] : memref<1x64x131x128xf32, #tpu.memory_space<vmem>>, vector<1x1x131x128xf32>
    %swap3A_1845 = vector.shape_cast %swap3A_1844 : vector<1x1x131x128xf32> to vector<131x128xf32>
    %swap3A_1846 = vector.shape_cast %concatenate3A_1839 : vector<131x128xf32> to vector<1x1x131x128xf32>
    tpu.vector_store %arg7[%swap3A_1840, %swap3A_1841, %swap3A_1842, %swap3A_1843], %swap3A_1846 {strides = array<i32>} : memref<1x64x131x128xf32, #tpu.memory_space<vmem>>, vector<1x1x131x128xf32>,
    %eq3A_1847 = arith.constant 4.900000e+01 : f32
    %eq3A_1848 = vector.broadcast %eq3A_1847 : f32 to vector<512x128xf32>
    %eq3A_1849 = arith.cmpf oeq, %mul3A_73, %eq3A_1848 : vector<512x128xf32>
    %convert_element_type3A_1850 = arith.extui %eq3A_1849 : vector<512x128xi1> to vector<512x128xi32>
    %convert_element_type3A_1851 = arith.sitofp %convert_element_type3A_1850 : vector<512x128xi32> to vector<512x128xf32>
    %dot_general3A_1852 = arith.constant dense<0.000000e+00> : vector<131x128xf32>
    %dot_general3A_1853 = tpu.matmul %get3A_13, %convert_element_type3A_1851, %dot_general3A_1852 {dimension_numbers = #tpu.dot_dimension_numbers<[1], [0], [0], [1], [0, 0, 1, 1], [], []>, precision = #tpu.contract_precision<fp32>, transpose_lhs_hint = false} : vector<131x512xf32>, vector<512x128xf32>, vector<131x128xf32> -> vector<131x128xf32>
    %gt3A_1854 = arith.constant 4.800000e+01 : f32
    %gt3A_1855 = vector.broadcast %gt3A_1854 : f32 to vector<1x128xf32>
    %gt3A_1856 = arith.cmpf ogt, %slice3A_72, %gt3A_1855 : vector<1x128xf32>
    %broadcast_in_dim3A_1857 = vector.shape_cast %gt3A_1856 : vector<1x128xi1> to vector<1x128xi1>
    %broadcast_in_dim3A_1858 = vector.broadcast %broadcast_in_dim3A_1857 : vector<1x128xi1> to vector<131x128xi1>
    %select_n3A_1859 = arith.select %broadcast_in_dim3A_1858, %dot_general3A_1853, %select_n3A : vector<131x128xi1>, vector<131x128xf32>
    %slice3A_1860 = vector.extract_strided_slice %select_n3A_1859 {offsets = [0, 0], sizes = [3, 128], strides = [1, 1]} : vector<131x128xf32> to vector<3x128xf32>
    %sub3A_1861 = arith.subf %slice3A_1860, %get3A_8 : vector<3x128xf32>
    %slice3A_1862 = vector.extract_strided_slice %select_n3A_1859 {offsets = [3, 0], sizes = [128, 128], strides = [1, 1]} : vector<131x128xf32> to vector<128x128xf32>
    %get3A_1863 = arith.constant 0 : index
    %get3A_1864 = arith.constant 0 : index
    %get3A_1865 = vector.load %arg5[%get3A_1863, %get3A_1864] : memref<128x1xf32, #tpu.memory_space<vmem>>, vector<128x1xf32>
    %mul3A_1866 = vector.broadcast %get3A_1865 : vector<128x1xf32> to vector<128x128xf32>
    %mul3A_1867 = arith.mulf %slice3A_1862, %mul3A_1866 : vector<128x128xf32>
    %get3A_1868 = arith.constant 0 : index
    %get3A_1869 = arith.constant 0 : index
    %get3A_1870 = vector.load %arg6[%get3A_1868, %get3A_1869] : memref<128x1xf32, #tpu.memory_space<vmem>>, vector<128x1xf32>
    %add3A_1871 = vector.broadcast %get3A_1870 : vector<128x1xf32> to vector<128x128xf32>
    %add3A_1872 = arith.addf %mul3A_1867, %add3A_1871 : vector<128x128xf32>
    %max3A_1873 = arith.constant 0.000000e+00 : f32
    %max3A_1874 = vector.broadcast %max3A_1873 : f32 to vector<128x128xf32>
    %max3A_1875 = arith.maximumf %add3A_1872, %max3A_1874 : vector<128x128xf32>
    %concatenate3A_1876 = tpu.concatenate %sub3A_1861, %max3A_1875 in 0 : vector<3x128xf32>, vector<128x128xf32> -> vector<131x128xf32>
    %swap3A_1877 = arith.constant 0 : index
    %swap3A_1878 = arith.constant 48 : index
    %swap3A_1879 = arith.constant 0 : index
    %swap3A_1880 = arith.constant 0 : index
    %swap3A_1881 = vector.load %arg7[%swap3A_1877, %swap3A_1878, %swap3A_1879, %swap3A_1880] : memref<1x64x131x128xf32, #tpu.memory_space<vmem>>, vector<1x1x131x128xf32>
    %swap3A_1882 = vector.shape_cast %swap3A_1881 : vector<1x1x131x128xf32> to vector<131x128xf32>
    %swap3A_1883 = vector.shape_cast %concatenate3A_1876 : vector<131x128xf32> to vector<1x1x131x128xf32>
    tpu.vector_store %arg7[%swap3A_1877, %swap3A_1878, %swap3A_1879, %swap3A_1880], %swap3A_1883 {strides = array<i32>} : memref<1x64x131x128xf32, #tpu.memory_space<vmem>>, vector<1x1x131x128xf32>,
    %eq3A_1884 = arith.constant 5.000000e+01 : f32
    %eq3A_1885 = vector.broadcast %eq3A_1884 : f32 to vector<512x128xf32>
    %eq3A_1886 = arith.cmpf oeq, %mul3A_73, %eq3A_1885 : vector<512x128xf32>
    %convert_element_type3A_1887 = arith.extui %eq3A_1886 : vector<512x128xi1> to vector<512x128xi32>
    %convert_element_type3A_1888 = arith.sitofp %convert_element_type3A_1887 : vector<512x128xi32> to vector<512x128xf32>
    %dot_general3A_1889 = arith.constant dense<0.000000e+00> : vector<131x128xf32>
    %dot_general3A_1890 = tpu.matmul %get3A_13, %convert_element_type3A_1888, %dot_general3A_1889 {dimension_numbers = #tpu.dot_dimension_numbers<[1], [0], [0], [1], [0, 0, 1, 1], [], []>, precision = #tpu.contract_precision<fp32>, transpose_lhs_hint = false} : vector<131x512xf32>, vector<512x128xf32>, vector<131x128xf32> -> vector<131x128xf32>
    %gt3A_1891 = arith.constant 4.900000e+01 : f32
    %gt3A_1892 = vector.broadcast %gt3A_1891 : f32 to vector<1x128xf32>
    %gt3A_1893 = arith.cmpf ogt, %slice3A_72, %gt3A_1892 : vector<1x128xf32>
    %broadcast_in_dim3A_1894 = vector.shape_cast %gt3A_1893 : vector<1x128xi1> to vector<1x128xi1>
    %broadcast_in_dim3A_1895 = vector.broadcast %broadcast_in_dim3A_1894 : vector<1x128xi1> to vector<131x128xi1>
    %select_n3A_1896 = arith.select %broadcast_in_dim3A_1895, %dot_general3A_1890, %select_n3A : vector<131x128xi1>, vector<131x128xf32>
    %slice3A_1897 = vector.extract_strided_slice %select_n3A_1896 {offsets = [0, 0], sizes = [3, 128], strides = [1, 1]} : vector<131x128xf32> to vector<3x128xf32>
    %sub3A_1898 = arith.subf %slice3A_1897, %get3A_8 : vector<3x128xf32>
    %slice3A_1899 = vector.extract_strided_slice %select_n3A_1896 {offsets = [3, 0], sizes = [128, 128], strides = [1, 1]} : vector<131x128xf32> to vector<128x128xf32>
    %get3A_1900 = arith.constant 0 : index
    %get3A_1901 = arith.constant 0 : index
    %get3A_1902 = vector.load %arg5[%get3A_1900, %get3A_1901] : memref<128x1xf32, #tpu.memory_space<vmem>>, vector<128x1xf32>
    %mul3A_1903 = vector.broadcast %get3A_1902 : vector<128x1xf32> to vector<128x128xf32>
    %mul3A_1904 = arith.mulf %slice3A_1899, %mul3A_1903 : vector<128x128xf32>
    %get3A_1905 = arith.constant 0 : index
    %get3A_1906 = arith.constant 0 : index
    %get3A_1907 = vector.load %arg6[%get3A_1905, %get3A_1906] : memref<128x1xf32, #tpu.memory_space<vmem>>, vector<128x1xf32>
    %add3A_1908 = vector.broadcast %get3A_1907 : vector<128x1xf32> to vector<128x128xf32>
    %add3A_1909 = arith.addf %mul3A_1904, %add3A_1908 : vector<128x128xf32>
    %max3A_1910 = arith.constant 0.000000e+00 : f32
    %max3A_1911 = vector.broadcast %max3A_1910 : f32 to vector<128x128xf32>
    %max3A_1912 = arith.maximumf %add3A_1909, %max3A_1911 : vector<128x128xf32>
    %concatenate3A_1913 = tpu.concatenate %sub3A_1898, %max3A_1912 in 0 : vector<3x128xf32>, vector<128x128xf32> -> vector<131x128xf32>
    %swap3A_1914 = arith.constant 0 : index
    %swap3A_1915 = arith.constant 49 : index
    %swap3A_1916 = arith.constant 0 : index
    %swap3A_1917 = arith.constant 0 : index
    %swap3A_1918 = vector.load %arg7[%swap3A_1914, %swap3A_1915, %swap3A_1916, %swap3A_1917] : memref<1x64x131x128xf32, #tpu.memory_space<vmem>>, vector<1x1x131x128xf32>
    %swap3A_1919 = vector.shape_cast %swap3A_1918 : vector<1x1x131x128xf32> to vector<131x128xf32>
    %swap3A_1920 = vector.shape_cast %concatenate3A_1913 : vector<131x128xf32> to vector<1x1x131x128xf32>
    tpu.vector_store %arg7[%swap3A_1914, %swap3A_1915, %swap3A_1916, %swap3A_1917], %swap3A_1920 {strides = array<i32>} : memref<1x64x131x128xf32, #tpu.memory_space<vmem>>, vector<1x1x131x128xf32>,
    %eq3A_1921 = arith.constant 5.100000e+01 : f32
    %eq3A_1922 = vector.broadcast %eq3A_1921 : f32 to vector<512x128xf32>
    %eq3A_1923 = arith.cmpf oeq, %mul3A_73, %eq3A_1922 : vector<512x128xf32>
    %convert_element_type3A_1924 = arith.extui %eq3A_1923 : vector<512x128xi1> to vector<512x128xi32>
    %convert_element_type3A_1925 = arith.sitofp %convert_element_type3A_1924 : vector<512x128xi32> to vector<512x128xf32>
    %dot_general3A_1926 = arith.constant dense<0.000000e+00> : vector<131x128xf32>
    %dot_general3A_1927 = tpu.matmul %get3A_13, %convert_element_type3A_1925, %dot_general3A_1926 {dimension_numbers = #tpu.dot_dimension_numbers<[1], [0], [0], [1], [0, 0, 1, 1], [], []>, precision = #tpu.contract_precision<fp32>, transpose_lhs_hint = false} : vector<131x512xf32>, vector<512x128xf32>, vector<131x128xf32> -> vector<131x128xf32>
    %gt3A_1928 = arith.constant 5.000000e+01 : f32
    %gt3A_1929 = vector.broadcast %gt3A_1928 : f32 to vector<1x128xf32>
    %gt3A_1930 = arith.cmpf ogt, %slice3A_72, %gt3A_1929 : vector<1x128xf32>
    %broadcast_in_dim3A_1931 = vector.shape_cast %gt3A_1930 : vector<1x128xi1> to vector<1x128xi1>
    %broadcast_in_dim3A_1932 = vector.broadcast %broadcast_in_dim3A_1931 : vector<1x128xi1> to vector<131x128xi1>
    %select_n3A_1933 = arith.select %broadcast_in_dim3A_1932, %dot_general3A_1927, %select_n3A : vector<131x128xi1>, vector<131x128xf32>
    %slice3A_1934 = vector.extract_strided_slice %select_n3A_1933 {offsets = [0, 0], sizes = [3, 128], strides = [1, 1]} : vector<131x128xf32> to vector<3x128xf32>
    %sub3A_1935 = arith.subf %slice3A_1934, %get3A_8 : vector<3x128xf32>
    %slice3A_1936 = vector.extract_strided_slice %select_n3A_1933 {offsets = [3, 0], sizes = [128, 128], strides = [1, 1]} : vector<131x128xf32> to vector<128x128xf32>
    %get3A_1937 = arith.constant 0 : index
    %get3A_1938 = arith.constant 0 : index
    %get3A_1939 = vector.load %arg5[%get3A_1937, %get3A_1938] : memref<128x1xf32, #tpu.memory_space<vmem>>, vector<128x1xf32>
    %mul3A_1940 = vector.broadcast %get3A_1939 : vector<128x1xf32> to vector<128x128xf32>
    %mul3A_1941 = arith.mulf %slice3A_1936, %mul3A_1940 : vector<128x128xf32>
    %get3A_1942 = arith.constant 0 : index
    %get3A_1943 = arith.constant 0 : index
    %get3A_1944 = vector.load %arg6[%get3A_1942, %get3A_1943] : memref<128x1xf32, #tpu.memory_space<vmem>>, vector<128x1xf32>
    %add3A_1945 = vector.broadcast %get3A_1944 : vector<128x1xf32> to vector<128x128xf32>
    %add3A_1946 = arith.addf %mul3A_1941, %add3A_1945 : vector<128x128xf32>
    %max3A_1947 = arith.constant 0.000000e+00 : f32
    %max3A_1948 = vector.broadcast %max3A_1947 : f32 to vector<128x128xf32>
    %max3A_1949 = arith.maximumf %add3A_1946, %max3A_1948 : vector<128x128xf32>
    %concatenate3A_1950 = tpu.concatenate %sub3A_1935, %max3A_1949 in 0 : vector<3x128xf32>, vector<128x128xf32> -> vector<131x128xf32>
    %swap3A_1951 = arith.constant 0 : index
    %swap3A_1952 = arith.constant 50 : index
    %swap3A_1953 = arith.constant 0 : index
    %swap3A_1954 = arith.constant 0 : index
    %swap3A_1955 = vector.load %arg7[%swap3A_1951, %swap3A_1952, %swap3A_1953, %swap3A_1954] : memref<1x64x131x128xf32, #tpu.memory_space<vmem>>, vector<1x1x131x128xf32>
    %swap3A_1956 = vector.shape_cast %swap3A_1955 : vector<1x1x131x128xf32> to vector<131x128xf32>
    %swap3A_1957 = vector.shape_cast %concatenate3A_1950 : vector<131x128xf32> to vector<1x1x131x128xf32>
    tpu.vector_store %arg7[%swap3A_1951, %swap3A_1952, %swap3A_1953, %swap3A_1954], %swap3A_1957 {strides = array<i32>} : memref<1x64x131x128xf32, #tpu.memory_space<vmem>>, vector<1x1x131x128xf32>,
    %eq3A_1958 = arith.constant 5.200000e+01 : f32
    %eq3A_1959 = vector.broadcast %eq3A_1958 : f32 to vector<512x128xf32>
    %eq3A_1960 = arith.cmpf oeq, %mul3A_73, %eq3A_1959 : vector<512x128xf32>
    %convert_element_type3A_1961 = arith.extui %eq3A_1960 : vector<512x128xi1> to vector<512x128xi32>
    %convert_element_type3A_1962 = arith.sitofp %convert_element_type3A_1961 : vector<512x128xi32> to vector<512x128xf32>
    %dot_general3A_1963 = arith.constant dense<0.000000e+00> : vector<131x128xf32>
    %dot_general3A_1964 = tpu.matmul %get3A_13, %convert_element_type3A_1962, %dot_general3A_1963 {dimension_numbers = #tpu.dot_dimension_numbers<[1], [0], [0], [1], [0, 0, 1, 1], [], []>, precision = #tpu.contract_precision<fp32>, transpose_lhs_hint = false} : vector<131x512xf32>, vector<512x128xf32>, vector<131x128xf32> -> vector<131x128xf32>
    %gt3A_1965 = arith.constant 5.100000e+01 : f32
    %gt3A_1966 = vector.broadcast %gt3A_1965 : f32 to vector<1x128xf32>
    %gt3A_1967 = arith.cmpf ogt, %slice3A_72, %gt3A_1966 : vector<1x128xf32>
    %broadcast_in_dim3A_1968 = vector.shape_cast %gt3A_1967 : vector<1x128xi1> to vector<1x128xi1>
    %broadcast_in_dim3A_1969 = vector.broadcast %broadcast_in_dim3A_1968 : vector<1x128xi1> to vector<131x128xi1>
    %select_n3A_1970 = arith.select %broadcast_in_dim3A_1969, %dot_general3A_1964, %select_n3A : vector<131x128xi1>, vector<131x128xf32>
    %slice3A_1971 = vector.extract_strided_slice %select_n3A_1970 {offsets = [0, 0], sizes = [3, 128], strides = [1, 1]} : vector<131x128xf32> to vector<3x128xf32>
    %sub3A_1972 = arith.subf %slice3A_1971, %get3A_8 : vector<3x128xf32>
    %slice3A_1973 = vector.extract_strided_slice %select_n3A_1970 {offsets = [3, 0], sizes = [128, 128], strides = [1, 1]} : vector<131x128xf32> to vector<128x128xf32>
    %get3A_1974 = arith.constant 0 : index
    %get3A_1975 = arith.constant 0 : index
    %get3A_1976 = vector.load %arg5[%get3A_1974, %get3A_1975] : memref<128x1xf32, #tpu.memory_space<vmem>>, vector<128x1xf32>
    %mul3A_1977 = vector.broadcast %get3A_1976 : vector<128x1xf32> to vector<128x128xf32>
    %mul3A_1978 = arith.mulf %slice3A_1973, %mul3A_1977 : vector<128x128xf32>
    %get3A_1979 = arith.constant 0 : index
    %get3A_1980 = arith.constant 0 : index
    %get3A_1981 = vector.load %arg6[%get3A_1979, %get3A_1980] : memref<128x1xf32, #tpu.memory_space<vmem>>, vector<128x1xf32>
    %add3A_1982 = vector.broadcast %get3A_1981 : vector<128x1xf32> to vector<128x128xf32>
    %add3A_1983 = arith.addf %mul3A_1978, %add3A_1982 : vector<128x128xf32>
    %max3A_1984 = arith.constant 0.000000e+00 : f32
    %max3A_1985 = vector.broadcast %max3A_1984 : f32 to vector<128x128xf32>
    %max3A_1986 = arith.maximumf %add3A_1983, %max3A_1985 : vector<128x128xf32>
    %concatenate3A_1987 = tpu.concatenate %sub3A_1972, %max3A_1986 in 0 : vector<3x128xf32>, vector<128x128xf32> -> vector<131x128xf32>
    %swap3A_1988 = arith.constant 0 : index
    %swap3A_1989 = arith.constant 51 : index
    %swap3A_1990 = arith.constant 0 : index
    %swap3A_1991 = arith.constant 0 : index
    %swap3A_1992 = vector.load %arg7[%swap3A_1988, %swap3A_1989, %swap3A_1990, %swap3A_1991] : memref<1x64x131x128xf32, #tpu.memory_space<vmem>>, vector<1x1x131x128xf32>
    %swap3A_1993 = vector.shape_cast %swap3A_1992 : vector<1x1x131x128xf32> to vector<131x128xf32>
    %swap3A_1994 = vector.shape_cast %concatenate3A_1987 : vector<131x128xf32> to vector<1x1x131x128xf32>
    tpu.vector_store %arg7[%swap3A_1988, %swap3A_1989, %swap3A_1990, %swap3A_1991], %swap3A_1994 {strides = array<i32>} : memref<1x64x131x128xf32, #tpu.memory_space<vmem>>, vector<1x1x131x128xf32>,
    %eq3A_1995 = arith.constant 5.300000e+01 : f32
    %eq3A_1996 = vector.broadcast %eq3A_1995 : f32 to vector<512x128xf32>
    %eq3A_1997 = arith.cmpf oeq, %mul3A_73, %eq3A_1996 : vector<512x128xf32>
    %convert_element_type3A_1998 = arith.extui %eq3A_1997 : vector<512x128xi1> to vector<512x128xi32>
    %convert_element_type3A_1999 = arith.sitofp %convert_element_type3A_1998 : vector<512x128xi32> to vector<512x128xf32>
    %dot_general3A_2000 = arith.constant dense<0.000000e+00> : vector<131x128xf32>
    %dot_general3A_2001 = tpu.matmul %get3A_13, %convert_element_type3A_1999, %dot_general3A_2000 {dimension_numbers = #tpu.dot_dimension_numbers<[1], [0], [0], [1], [0, 0, 1, 1], [], []>, precision = #tpu.contract_precision<fp32>, transpose_lhs_hint = false} : vector<131x512xf32>, vector<512x128xf32>, vector<131x128xf32> -> vector<131x128xf32>
    %gt3A_2002 = arith.constant 5.200000e+01 : f32
    %gt3A_2003 = vector.broadcast %gt3A_2002 : f32 to vector<1x128xf32>
    %gt3A_2004 = arith.cmpf ogt, %slice3A_72, %gt3A_2003 : vector<1x128xf32>
    %broadcast_in_dim3A_2005 = vector.shape_cast %gt3A_2004 : vector<1x128xi1> to vector<1x128xi1>
    %broadcast_in_dim3A_2006 = vector.broadcast %broadcast_in_dim3A_2005 : vector<1x128xi1> to vector<131x128xi1>
    %select_n3A_2007 = arith.select %broadcast_in_dim3A_2006, %dot_general3A_2001, %select_n3A : vector<131x128xi1>, vector<131x128xf32>
    %slice3A_2008 = vector.extract_strided_slice %select_n3A_2007 {offsets = [0, 0], sizes = [3, 128], strides = [1, 1]} : vector<131x128xf32> to vector<3x128xf32>
    %sub3A_2009 = arith.subf %slice3A_2008, %get3A_8 : vector<3x128xf32>
    %slice3A_2010 = vector.extract_strided_slice %select_n3A_2007 {offsets = [3, 0], sizes = [128, 128], strides = [1, 1]} : vector<131x128xf32> to vector<128x128xf32>
    %get3A_2011 = arith.constant 0 : index
    %get3A_2012 = arith.constant 0 : index
    %get3A_2013 = vector.load %arg5[%get3A_2011, %get3A_2012] : memref<128x1xf32, #tpu.memory_space<vmem>>, vector<128x1xf32>
    %mul3A_2014 = vector.broadcast %get3A_2013 : vector<128x1xf32> to vector<128x128xf32>
    %mul3A_2015 = arith.mulf %slice3A_2010, %mul3A_2014 : vector<128x128xf32>
    %get3A_2016 = arith.constant 0 : index
    %get3A_2017 = arith.constant 0 : index
    %get3A_2018 = vector.load %arg6[%get3A_2016, %get3A_2017] : memref<128x1xf32, #tpu.memory_space<vmem>>, vector<128x1xf32>
    %add3A_2019 = vector.broadcast %get3A_2018 : vector<128x1xf32> to vector<128x128xf32>
    %add3A_2020 = arith.addf %mul3A_2015, %add3A_2019 : vector<128x128xf32>
    %max3A_2021 = arith.constant 0.000000e+00 : f32
    %max3A_2022 = vector.broadcast %max3A_2021 : f32 to vector<128x128xf32>
    %max3A_2023 = arith.maximumf %add3A_2020, %max3A_2022 : vector<128x128xf32>
    %concatenate3A_2024 = tpu.concatenate %sub3A_2009, %max3A_2023 in 0 : vector<3x128xf32>, vector<128x128xf32> -> vector<131x128xf32>
    %swap3A_2025 = arith.constant 0 : index
    %swap3A_2026 = arith.constant 52 : index
    %swap3A_2027 = arith.constant 0 : index
    %swap3A_2028 = arith.constant 0 : index
    %swap3A_2029 = vector.load %arg7[%swap3A_2025, %swap3A_2026, %swap3A_2027, %swap3A_2028] : memref<1x64x131x128xf32, #tpu.memory_space<vmem>>, vector<1x1x131x128xf32>
    %swap3A_2030 = vector.shape_cast %swap3A_2029 : vector<1x1x131x128xf32> to vector<131x128xf32>
    %swap3A_2031 = vector.shape_cast %concatenate3A_2024 : vector<131x128xf32> to vector<1x1x131x128xf32>
    tpu.vector_store %arg7[%swap3A_2025, %swap3A_2026, %swap3A_2027, %swap3A_2028], %swap3A_2031 {strides = array<i32>} : memref<1x64x131x128xf32, #tpu.memory_space<vmem>>, vector<1x1x131x128xf32>,
    %eq3A_2032 = arith.constant 5.400000e+01 : f32
    %eq3A_2033 = vector.broadcast %eq3A_2032 : f32 to vector<512x128xf32>
    %eq3A_2034 = arith.cmpf oeq, %mul3A_73, %eq3A_2033 : vector<512x128xf32>
    %convert_element_type3A_2035 = arith.extui %eq3A_2034 : vector<512x128xi1> to vector<512x128xi32>
    %convert_element_type3A_2036 = arith.sitofp %convert_element_type3A_2035 : vector<512x128xi32> to vector<512x128xf32>
    %dot_general3A_2037 = arith.constant dense<0.000000e+00> : vector<131x128xf32>
    %dot_general3A_2038 = tpu.matmul %get3A_13, %convert_element_type3A_2036, %dot_general3A_2037 {dimension_numbers = #tpu.dot_dimension_numbers<[1], [0], [0], [1], [0, 0, 1, 1], [], []>, precision = #tpu.contract_precision<fp32>, transpose_lhs_hint = false} : vector<131x512xf32>, vector<512x128xf32>, vector<131x128xf32> -> vector<131x128xf32>
    %gt3A_2039 = arith.constant 5.300000e+01 : f32
    %gt3A_2040 = vector.broadcast %gt3A_2039 : f32 to vector<1x128xf32>
    %gt3A_2041 = arith.cmpf ogt, %slice3A_72, %gt3A_2040 : vector<1x128xf32>
    %broadcast_in_dim3A_2042 = vector.shape_cast %gt3A_2041 : vector<1x128xi1> to vector<1x128xi1>
    %broadcast_in_dim3A_2043 = vector.broadcast %broadcast_in_dim3A_2042 : vector<1x128xi1> to vector<131x128xi1>
    %select_n3A_2044 = arith.select %broadcast_in_dim3A_2043, %dot_general3A_2038, %select_n3A : vector<131x128xi1>, vector<131x128xf32>
    %slice3A_2045 = vector.extract_strided_slice %select_n3A_2044 {offsets = [0, 0], sizes = [3, 128], strides = [1, 1]} : vector<131x128xf32> to vector<3x128xf32>
    %sub3A_2046 = arith.subf %slice3A_2045, %get3A_8 : vector<3x128xf32>
    %slice3A_2047 = vector.extract_strided_slice %select_n3A_2044 {offsets = [3, 0], sizes = [128, 128], strides = [1, 1]} : vector<131x128xf32> to vector<128x128xf32>
    %get3A_2048 = arith.constant 0 : index
    %get3A_2049 = arith.constant 0 : index
    %get3A_2050 = vector.load %arg5[%get3A_2048, %get3A_2049] : memref<128x1xf32, #tpu.memory_space<vmem>>, vector<128x1xf32>
    %mul3A_2051 = vector.broadcast %get3A_2050 : vector<128x1xf32> to vector<128x128xf32>
    %mul3A_2052 = arith.mulf %slice3A_2047, %mul3A_2051 : vector<128x128xf32>
    %get3A_2053 = arith.constant 0 : index
    %get3A_2054 = arith.constant 0 : index
    %get3A_2055 = vector.load %arg6[%get3A_2053, %get3A_2054] : memref<128x1xf32, #tpu.memory_space<vmem>>, vector<128x1xf32>
    %add3A_2056 = vector.broadcast %get3A_2055 : vector<128x1xf32> to vector<128x128xf32>
    %add3A_2057 = arith.addf %mul3A_2052, %add3A_2056 : vector<128x128xf32>
    %max3A_2058 = arith.constant 0.000000e+00 : f32
    %max3A_2059 = vector.broadcast %max3A_2058 : f32 to vector<128x128xf32>
    %max3A_2060 = arith.maximumf %add3A_2057, %max3A_2059 : vector<128x128xf32>
    %concatenate3A_2061 = tpu.concatenate %sub3A_2046, %max3A_2060 in 0 : vector<3x128xf32>, vector<128x128xf32> -> vector<131x128xf32>
    %swap3A_2062 = arith.constant 0 : index
    %swap3A_2063 = arith.constant 53 : index
    %swap3A_2064 = arith.constant 0 : index
    %swap3A_2065 = arith.constant 0 : index
    %swap3A_2066 = vector.load %arg7[%swap3A_2062, %swap3A_2063, %swap3A_2064, %swap3A_2065] : memref<1x64x131x128xf32, #tpu.memory_space<vmem>>, vector<1x1x131x128xf32>
    %swap3A_2067 = vector.shape_cast %swap3A_2066 : vector<1x1x131x128xf32> to vector<131x128xf32>
    %swap3A_2068 = vector.shape_cast %concatenate3A_2061 : vector<131x128xf32> to vector<1x1x131x128xf32>
    tpu.vector_store %arg7[%swap3A_2062, %swap3A_2063, %swap3A_2064, %swap3A_2065], %swap3A_2068 {strides = array<i32>} : memref<1x64x131x128xf32, #tpu.memory_space<vmem>>, vector<1x1x131x128xf32>,
    %eq3A_2069 = arith.constant 5.500000e+01 : f32
    %eq3A_2070 = vector.broadcast %eq3A_2069 : f32 to vector<512x128xf32>
    %eq3A_2071 = arith.cmpf oeq, %mul3A_73, %eq3A_2070 : vector<512x128xf32>
    %convert_element_type3A_2072 = arith.extui %eq3A_2071 : vector<512x128xi1> to vector<512x128xi32>
    %convert_element_type3A_2073 = arith.sitofp %convert_element_type3A_2072 : vector<512x128xi32> to vector<512x128xf32>
    %dot_general3A_2074 = arith.constant dense<0.000000e+00> : vector<131x128xf32>
    %dot_general3A_2075 = tpu.matmul %get3A_13, %convert_element_type3A_2073, %dot_general3A_2074 {dimension_numbers = #tpu.dot_dimension_numbers<[1], [0], [0], [1], [0, 0, 1, 1], [], []>, precision = #tpu.contract_precision<fp32>, transpose_lhs_hint = false} : vector<131x512xf32>, vector<512x128xf32>, vector<131x128xf32> -> vector<131x128xf32>
    %gt3A_2076 = arith.constant 5.400000e+01 : f32
    %gt3A_2077 = vector.broadcast %gt3A_2076 : f32 to vector<1x128xf32>
    %gt3A_2078 = arith.cmpf ogt, %slice3A_72, %gt3A_2077 : vector<1x128xf32>
    %broadcast_in_dim3A_2079 = vector.shape_cast %gt3A_2078 : vector<1x128xi1> to vector<1x128xi1>
    %broadcast_in_dim3A_2080 = vector.broadcast %broadcast_in_dim3A_2079 : vector<1x128xi1> to vector<131x128xi1>
    %select_n3A_2081 = arith.select %broadcast_in_dim3A_2080, %dot_general3A_2075, %select_n3A : vector<131x128xi1>, vector<131x128xf32>
    %slice3A_2082 = vector.extract_strided_slice %select_n3A_2081 {offsets = [0, 0], sizes = [3, 128], strides = [1, 1]} : vector<131x128xf32> to vector<3x128xf32>
    %sub3A_2083 = arith.subf %slice3A_2082, %get3A_8 : vector<3x128xf32>
    %slice3A_2084 = vector.extract_strided_slice %select_n3A_2081 {offsets = [3, 0], sizes = [128, 128], strides = [1, 1]} : vector<131x128xf32> to vector<128x128xf32>
    %get3A_2085 = arith.constant 0 : index
    %get3A_2086 = arith.constant 0 : index
    %get3A_2087 = vector.load %arg5[%get3A_2085, %get3A_2086] : memref<128x1xf32, #tpu.memory_space<vmem>>, vector<128x1xf32>
    %mul3A_2088 = vector.broadcast %get3A_2087 : vector<128x1xf32> to vector<128x128xf32>
    %mul3A_2089 = arith.mulf %slice3A_2084, %mul3A_2088 : vector<128x128xf32>
    %get3A_2090 = arith.constant 0 : index
    %get3A_2091 = arith.constant 0 : index
    %get3A_2092 = vector.load %arg6[%get3A_2090, %get3A_2091] : memref<128x1xf32, #tpu.memory_space<vmem>>, vector<128x1xf32>
    %add3A_2093 = vector.broadcast %get3A_2092 : vector<128x1xf32> to vector<128x128xf32>
    %add3A_2094 = arith.addf %mul3A_2089, %add3A_2093 : vector<128x128xf32>
    %max3A_2095 = arith.constant 0.000000e+00 : f32
    %max3A_2096 = vector.broadcast %max3A_2095 : f32 to vector<128x128xf32>
    %max3A_2097 = arith.maximumf %add3A_2094, %max3A_2096 : vector<128x128xf32>
    %concatenate3A_2098 = tpu.concatenate %sub3A_2083, %max3A_2097 in 0 : vector<3x128xf32>, vector<128x128xf32> -> vector<131x128xf32>
    %swap3A_2099 = arith.constant 0 : index
    %swap3A_2100 = arith.constant 54 : index
    %swap3A_2101 = arith.constant 0 : index
    %swap3A_2102 = arith.constant 0 : index
    %swap3A_2103 = vector.load %arg7[%swap3A_2099, %swap3A_2100, %swap3A_2101, %swap3A_2102] : memref<1x64x131x128xf32, #tpu.memory_space<vmem>>, vector<1x1x131x128xf32>
    %swap3A_2104 = vector.shape_cast %swap3A_2103 : vector<1x1x131x128xf32> to vector<131x128xf32>
    %swap3A_2105 = vector.shape_cast %concatenate3A_2098 : vector<131x128xf32> to vector<1x1x131x128xf32>
    tpu.vector_store %arg7[%swap3A_2099, %swap3A_2100, %swap3A_2101, %swap3A_2102], %swap3A_2105 {strides = array<i32>} : memref<1x64x131x128xf32, #tpu.memory_space<vmem>>, vector<1x1x131x128xf32>,
    %eq3A_2106 = arith.constant 5.600000e+01 : f32
    %eq3A_2107 = vector.broadcast %eq3A_2106 : f32 to vector<512x128xf32>
    %eq3A_2108 = arith.cmpf oeq, %mul3A_73, %eq3A_2107 : vector<512x128xf32>
    %convert_element_type3A_2109 = arith.extui %eq3A_2108 : vector<512x128xi1> to vector<512x128xi32>
    %convert_element_type3A_2110 = arith.sitofp %convert_element_type3A_2109 : vector<512x128xi32> to vector<512x128xf32>
    %dot_general3A_2111 = arith.constant dense<0.000000e+00> : vector<131x128xf32>
    %dot_general3A_2112 = tpu.matmul %get3A_13, %convert_element_type3A_2110, %dot_general3A_2111 {dimension_numbers = #tpu.dot_dimension_numbers<[1], [0], [0], [1], [0, 0, 1, 1], [], []>, precision = #tpu.contract_precision<fp32>, transpose_lhs_hint = false} : vector<131x512xf32>, vector<512x128xf32>, vector<131x128xf32> -> vector<131x128xf32>
    %gt3A_2113 = arith.constant 5.500000e+01 : f32
    %gt3A_2114 = vector.broadcast %gt3A_2113 : f32 to vector<1x128xf32>
    %gt3A_2115 = arith.cmpf ogt, %slice3A_72, %gt3A_2114 : vector<1x128xf32>
    %broadcast_in_dim3A_2116 = vector.shape_cast %gt3A_2115 : vector<1x128xi1> to vector<1x128xi1>
    %broadcast_in_dim3A_2117 = vector.broadcast %broadcast_in_dim3A_2116 : vector<1x128xi1> to vector<131x128xi1>
    %select_n3A_2118 = arith.select %broadcast_in_dim3A_2117, %dot_general3A_2112, %select_n3A : vector<131x128xi1>, vector<131x128xf32>
    %slice3A_2119 = vector.extract_strided_slice %select_n3A_2118 {offsets = [0, 0], sizes = [3, 128], strides = [1, 1]} : vector<131x128xf32> to vector<3x128xf32>
    %sub3A_2120 = arith.subf %slice3A_2119, %get3A_8 : vector<3x128xf32>
    %slice3A_2121 = vector.extract_strided_slice %select_n3A_2118 {offsets = [3, 0], sizes = [128, 128], strides = [1, 1]} : vector<131x128xf32> to vector<128x128xf32>
    %get3A_2122 = arith.constant 0 : index
    %get3A_2123 = arith.constant 0 : index
    %get3A_2124 = vector.load %arg5[%get3A_2122, %get3A_2123] : memref<128x1xf32, #tpu.memory_space<vmem>>, vector<128x1xf32>
    %mul3A_2125 = vector.broadcast %get3A_2124 : vector<128x1xf32> to vector<128x128xf32>
    %mul3A_2126 = arith.mulf %slice3A_2121, %mul3A_2125 : vector<128x128xf32>
    %get3A_2127 = arith.constant 0 : index
    %get3A_2128 = arith.constant 0 : index
    %get3A_2129 = vector.load %arg6[%get3A_2127, %get3A_2128] : memref<128x1xf32, #tpu.memory_space<vmem>>, vector<128x1xf32>
    %add3A_2130 = vector.broadcast %get3A_2129 : vector<128x1xf32> to vector<128x128xf32>
    %add3A_2131 = arith.addf %mul3A_2126, %add3A_2130 : vector<128x128xf32>
    %max3A_2132 = arith.constant 0.000000e+00 : f32
    %max3A_2133 = vector.broadcast %max3A_2132 : f32 to vector<128x128xf32>
    %max3A_2134 = arith.maximumf %add3A_2131, %max3A_2133 : vector<128x128xf32>
    %concatenate3A_2135 = tpu.concatenate %sub3A_2120, %max3A_2134 in 0 : vector<3x128xf32>, vector<128x128xf32> -> vector<131x128xf32>
    %swap3A_2136 = arith.constant 0 : index
    %swap3A_2137 = arith.constant 55 : index
    %swap3A_2138 = arith.constant 0 : index
    %swap3A_2139 = arith.constant 0 : index
    %swap3A_2140 = vector.load %arg7[%swap3A_2136, %swap3A_2137, %swap3A_2138, %swap3A_2139] : memref<1x64x131x128xf32, #tpu.memory_space<vmem>>, vector<1x1x131x128xf32>
    %swap3A_2141 = vector.shape_cast %swap3A_2140 : vector<1x1x131x128xf32> to vector<131x128xf32>
    %swap3A_2142 = vector.shape_cast %concatenate3A_2135 : vector<131x128xf32> to vector<1x1x131x128xf32>
    tpu.vector_store %arg7[%swap3A_2136, %swap3A_2137, %swap3A_2138, %swap3A_2139], %swap3A_2142 {strides = array<i32>} : memref<1x64x131x128xf32, #tpu.memory_space<vmem>>, vector<1x1x131x128xf32>,
    %eq3A_2143 = arith.constant 5.700000e+01 : f32
    %eq3A_2144 = vector.broadcast %eq3A_2143 : f32 to vector<512x128xf32>
    %eq3A_2145 = arith.cmpf oeq, %mul3A_73, %eq3A_2144 : vector<512x128xf32>
    %convert_element_type3A_2146 = arith.extui %eq3A_2145 : vector<512x128xi1> to vector<512x128xi32>
    %convert_element_type3A_2147 = arith.sitofp %convert_element_type3A_2146 : vector<512x128xi32> to vector<512x128xf32>
    %dot_general3A_2148 = arith.constant dense<0.000000e+00> : vector<131x128xf32>
    %dot_general3A_2149 = tpu.matmul %get3A_13, %convert_element_type3A_2147, %dot_general3A_2148 {dimension_numbers = #tpu.dot_dimension_numbers<[1], [0], [0], [1], [0, 0, 1, 1], [], []>, precision = #tpu.contract_precision<fp32>, transpose_lhs_hint = false} : vector<131x512xf32>, vector<512x128xf32>, vector<131x128xf32> -> vector<131x128xf32>
    %gt3A_2150 = arith.constant 5.600000e+01 : f32
    %gt3A_2151 = vector.broadcast %gt3A_2150 : f32 to vector<1x128xf32>
    %gt3A_2152 = arith.cmpf ogt, %slice3A_72, %gt3A_2151 : vector<1x128xf32>
    %broadcast_in_dim3A_2153 = vector.shape_cast %gt3A_2152 : vector<1x128xi1> to vector<1x128xi1>
    %broadcast_in_dim3A_2154 = vector.broadcast %broadcast_in_dim3A_2153 : vector<1x128xi1> to vector<131x128xi1>
    %select_n3A_2155 = arith.select %broadcast_in_dim3A_2154, %dot_general3A_2149, %select_n3A : vector<131x128xi1>, vector<131x128xf32>
    %slice3A_2156 = vector.extract_strided_slice %select_n3A_2155 {offsets = [0, 0], sizes = [3, 128], strides = [1, 1]} : vector<131x128xf32> to vector<3x128xf32>
    %sub3A_2157 = arith.subf %slice3A_2156, %get3A_8 : vector<3x128xf32>
    %slice3A_2158 = vector.extract_strided_slice %select_n3A_2155 {offsets = [3, 0], sizes = [128, 128], strides = [1, 1]} : vector<131x128xf32> to vector<128x128xf32>
    %get3A_2159 = arith.constant 0 : index
    %get3A_2160 = arith.constant 0 : index
    %get3A_2161 = vector.load %arg5[%get3A_2159, %get3A_2160] : memref<128x1xf32, #tpu.memory_space<vmem>>, vector<128x1xf32>
    %mul3A_2162 = vector.broadcast %get3A_2161 : vector<128x1xf32> to vector<128x128xf32>
    %mul3A_2163 = arith.mulf %slice3A_2158, %mul3A_2162 : vector<128x128xf32>
    %get3A_2164 = arith.constant 0 : index
    %get3A_2165 = arith.constant 0 : index
    %get3A_2166 = vector.load %arg6[%get3A_2164, %get3A_2165] : memref<128x1xf32, #tpu.memory_space<vmem>>, vector<128x1xf32>
    %add3A_2167 = vector.broadcast %get3A_2166 : vector<128x1xf32> to vector<128x128xf32>
    %add3A_2168 = arith.addf %mul3A_2163, %add3A_2167 : vector<128x128xf32>
    %max3A_2169 = arith.constant 0.000000e+00 : f32
    %max3A_2170 = vector.broadcast %max3A_2169 : f32 to vector<128x128xf32>
    %max3A_2171 = arith.maximumf %add3A_2168, %max3A_2170 : vector<128x128xf32>
    %concatenate3A_2172 = tpu.concatenate %sub3A_2157, %max3A_2171 in 0 : vector<3x128xf32>, vector<128x128xf32> -> vector<131x128xf32>
    %swap3A_2173 = arith.constant 0 : index
    %swap3A_2174 = arith.constant 56 : index
    %swap3A_2175 = arith.constant 0 : index
    %swap3A_2176 = arith.constant 0 : index
    %swap3A_2177 = vector.load %arg7[%swap3A_2173, %swap3A_2174, %swap3A_2175, %swap3A_2176] : memref<1x64x131x128xf32, #tpu.memory_space<vmem>>, vector<1x1x131x128xf32>
    %swap3A_2178 = vector.shape_cast %swap3A_2177 : vector<1x1x131x128xf32> to vector<131x128xf32>
    %swap3A_2179 = vector.shape_cast %concatenate3A_2172 : vector<131x128xf32> to vector<1x1x131x128xf32>
    tpu.vector_store %arg7[%swap3A_2173, %swap3A_2174, %swap3A_2175, %swap3A_2176], %swap3A_2179 {strides = array<i32>} : memref<1x64x131x128xf32, #tpu.memory_space<vmem>>, vector<1x1x131x128xf32>,
    %eq3A_2180 = arith.constant 5.800000e+01 : f32
    %eq3A_2181 = vector.broadcast %eq3A_2180 : f32 to vector<512x128xf32>
    %eq3A_2182 = arith.cmpf oeq, %mul3A_73, %eq3A_2181 : vector<512x128xf32>
    %convert_element_type3A_2183 = arith.extui %eq3A_2182 : vector<512x128xi1> to vector<512x128xi32>
    %convert_element_type3A_2184 = arith.sitofp %convert_element_type3A_2183 : vector<512x128xi32> to vector<512x128xf32>
    %dot_general3A_2185 = arith.constant dense<0.000000e+00> : vector<131x128xf32>
    %dot_general3A_2186 = tpu.matmul %get3A_13, %convert_element_type3A_2184, %dot_general3A_2185 {dimension_numbers = #tpu.dot_dimension_numbers<[1], [0], [0], [1], [0, 0, 1, 1], [], []>, precision = #tpu.contract_precision<fp32>, transpose_lhs_hint = false} : vector<131x512xf32>, vector<512x128xf32>, vector<131x128xf32> -> vector<131x128xf32>
    %gt3A_2187 = arith.constant 5.700000e+01 : f32
    %gt3A_2188 = vector.broadcast %gt3A_2187 : f32 to vector<1x128xf32>
    %gt3A_2189 = arith.cmpf ogt, %slice3A_72, %gt3A_2188 : vector<1x128xf32>
    %broadcast_in_dim3A_2190 = vector.shape_cast %gt3A_2189 : vector<1x128xi1> to vector<1x128xi1>
    %broadcast_in_dim3A_2191 = vector.broadcast %broadcast_in_dim3A_2190 : vector<1x128xi1> to vector<131x128xi1>
    %select_n3A_2192 = arith.select %broadcast_in_dim3A_2191, %dot_general3A_2186, %select_n3A : vector<131x128xi1>, vector<131x128xf32>
    %slice3A_2193 = vector.extract_strided_slice %select_n3A_2192 {offsets = [0, 0], sizes = [3, 128], strides = [1, 1]} : vector<131x128xf32> to vector<3x128xf32>
    %sub3A_2194 = arith.subf %slice3A_2193, %get3A_8 : vector<3x128xf32>
    %slice3A_2195 = vector.extract_strided_slice %select_n3A_2192 {offsets = [3, 0], sizes = [128, 128], strides = [1, 1]} : vector<131x128xf32> to vector<128x128xf32>
    %get3A_2196 = arith.constant 0 : index
    %get3A_2197 = arith.constant 0 : index
    %get3A_2198 = vector.load %arg5[%get3A_2196, %get3A_2197] : memref<128x1xf32, #tpu.memory_space<vmem>>, vector<128x1xf32>
    %mul3A_2199 = vector.broadcast %get3A_2198 : vector<128x1xf32> to vector<128x128xf32>
    %mul3A_2200 = arith.mulf %slice3A_2195, %mul3A_2199 : vector<128x128xf32>
    %get3A_2201 = arith.constant 0 : index
    %get3A_2202 = arith.constant 0 : index
    %get3A_2203 = vector.load %arg6[%get3A_2201, %get3A_2202] : memref<128x1xf32, #tpu.memory_space<vmem>>, vector<128x1xf32>
    %add3A_2204 = vector.broadcast %get3A_2203 : vector<128x1xf32> to vector<128x128xf32>
    %add3A_2205 = arith.addf %mul3A_2200, %add3A_2204 : vector<128x128xf32>
    %max3A_2206 = arith.constant 0.000000e+00 : f32
    %max3A_2207 = vector.broadcast %max3A_2206 : f32 to vector<128x128xf32>
    %max3A_2208 = arith.maximumf %add3A_2205, %max3A_2207 : vector<128x128xf32>
    %concatenate3A_2209 = tpu.concatenate %sub3A_2194, %max3A_2208 in 0 : vector<3x128xf32>, vector<128x128xf32> -> vector<131x128xf32>
    %swap3A_2210 = arith.constant 0 : index
    %swap3A_2211 = arith.constant 57 : index
    %swap3A_2212 = arith.constant 0 : index
    %swap3A_2213 = arith.constant 0 : index
    %swap3A_2214 = vector.load %arg7[%swap3A_2210, %swap3A_2211, %swap3A_2212, %swap3A_2213] : memref<1x64x131x128xf32, #tpu.memory_space<vmem>>, vector<1x1x131x128xf32>
    %swap3A_2215 = vector.shape_cast %swap3A_2214 : vector<1x1x131x128xf32> to vector<131x128xf32>
    %swap3A_2216 = vector.shape_cast %concatenate3A_2209 : vector<131x128xf32> to vector<1x1x131x128xf32>
    tpu.vector_store %arg7[%swap3A_2210, %swap3A_2211, %swap3A_2212, %swap3A_2213], %swap3A_2216 {strides = array<i32>} : memref<1x64x131x128xf32, #tpu.memory_space<vmem>>, vector<1x1x131x128xf32>,
    %eq3A_2217 = arith.constant 5.900000e+01 : f32
    %eq3A_2218 = vector.broadcast %eq3A_2217 : f32 to vector<512x128xf32>
    %eq3A_2219 = arith.cmpf oeq, %mul3A_73, %eq3A_2218 : vector<512x128xf32>
    %convert_element_type3A_2220 = arith.extui %eq3A_2219 : vector<512x128xi1> to vector<512x128xi32>
    %convert_element_type3A_2221 = arith.sitofp %convert_element_type3A_2220 : vector<512x128xi32> to vector<512x128xf32>
    %dot_general3A_2222 = arith.constant dense<0.000000e+00> : vector<131x128xf32>
    %dot_general3A_2223 = tpu.matmul %get3A_13, %convert_element_type3A_2221, %dot_general3A_2222 {dimension_numbers = #tpu.dot_dimension_numbers<[1], [0], [0], [1], [0, 0, 1, 1], [], []>, precision = #tpu.contract_precision<fp32>, transpose_lhs_hint = false} : vector<131x512xf32>, vector<512x128xf32>, vector<131x128xf32> -> vector<131x128xf32>
    %gt3A_2224 = arith.constant 5.800000e+01 : f32
    %gt3A_2225 = vector.broadcast %gt3A_2224 : f32 to vector<1x128xf32>
    %gt3A_2226 = arith.cmpf ogt, %slice3A_72, %gt3A_2225 : vector<1x128xf32>
    %broadcast_in_dim3A_2227 = vector.shape_cast %gt3A_2226 : vector<1x128xi1> to vector<1x128xi1>
    %broadcast_in_dim3A_2228 = vector.broadcast %broadcast_in_dim3A_2227 : vector<1x128xi1> to vector<131x128xi1>
    %select_n3A_2229 = arith.select %broadcast_in_dim3A_2228, %dot_general3A_2223, %select_n3A : vector<131x128xi1>, vector<131x128xf32>
    %slice3A_2230 = vector.extract_strided_slice %select_n3A_2229 {offsets = [0, 0], sizes = [3, 128], strides = [1, 1]} : vector<131x128xf32> to vector<3x128xf32>
    %sub3A_2231 = arith.subf %slice3A_2230, %get3A_8 : vector<3x128xf32>
    %slice3A_2232 = vector.extract_strided_slice %select_n3A_2229 {offsets = [3, 0], sizes = [128, 128], strides = [1, 1]} : vector<131x128xf32> to vector<128x128xf32>
    %get3A_2233 = arith.constant 0 : index
    %get3A_2234 = arith.constant 0 : index
    %get3A_2235 = vector.load %arg5[%get3A_2233, %get3A_2234] : memref<128x1xf32, #tpu.memory_space<vmem>>, vector<128x1xf32>
    %mul3A_2236 = vector.broadcast %get3A_2235 : vector<128x1xf32> to vector<128x128xf32>
    %mul3A_2237 = arith.mulf %slice3A_2232, %mul3A_2236 : vector<128x128xf32>
    %get3A_2238 = arith.constant 0 : index
    %get3A_2239 = arith.constant 0 : index
    %get3A_2240 = vector.load %arg6[%get3A_2238, %get3A_2239] : memref<128x1xf32, #tpu.memory_space<vmem>>, vector<128x1xf32>
    %add3A_2241 = vector.broadcast %get3A_2240 : vector<128x1xf32> to vector<128x128xf32>
    %add3A_2242 = arith.addf %mul3A_2237, %add3A_2241 : vector<128x128xf32>
    %max3A_2243 = arith.constant 0.000000e+00 : f32
    %max3A_2244 = vector.broadcast %max3A_2243 : f32 to vector<128x128xf32>
    %max3A_2245 = arith.maximumf %add3A_2242, %max3A_2244 : vector<128x128xf32>
    %concatenate3A_2246 = tpu.concatenate %sub3A_2231, %max3A_2245 in 0 : vector<3x128xf32>, vector<128x128xf32> -> vector<131x128xf32>
    %swap3A_2247 = arith.constant 0 : index
    %swap3A_2248 = arith.constant 58 : index
    %swap3A_2249 = arith.constant 0 : index
    %swap3A_2250 = arith.constant 0 : index
    %swap3A_2251 = vector.load %arg7[%swap3A_2247, %swap3A_2248, %swap3A_2249, %swap3A_2250] : memref<1x64x131x128xf32, #tpu.memory_space<vmem>>, vector<1x1x131x128xf32>
    %swap3A_2252 = vector.shape_cast %swap3A_2251 : vector<1x1x131x128xf32> to vector<131x128xf32>
    %swap3A_2253 = vector.shape_cast %concatenate3A_2246 : vector<131x128xf32> to vector<1x1x131x128xf32>
    tpu.vector_store %arg7[%swap3A_2247, %swap3A_2248, %swap3A_2249, %swap3A_2250], %swap3A_2253 {strides = array<i32>} : memref<1x64x131x128xf32, #tpu.memory_space<vmem>>, vector<1x1x131x128xf32>,
    %eq3A_2254 = arith.constant 6.000000e+01 : f32
    %eq3A_2255 = vector.broadcast %eq3A_2254 : f32 to vector<512x128xf32>
    %eq3A_2256 = arith.cmpf oeq, %mul3A_73, %eq3A_2255 : vector<512x128xf32>
    %convert_element_type3A_2257 = arith.extui %eq3A_2256 : vector<512x128xi1> to vector<512x128xi32>
    %convert_element_type3A_2258 = arith.sitofp %convert_element_type3A_2257 : vector<512x128xi32> to vector<512x128xf32>
    %dot_general3A_2259 = arith.constant dense<0.000000e+00> : vector<131x128xf32>
    %dot_general3A_2260 = tpu.matmul %get3A_13, %convert_element_type3A_2258, %dot_general3A_2259 {dimension_numbers = #tpu.dot_dimension_numbers<[1], [0], [0], [1], [0, 0, 1, 1], [], []>, precision = #tpu.contract_precision<fp32>, transpose_lhs_hint = false} : vector<131x512xf32>, vector<512x128xf32>, vector<131x128xf32> -> vector<131x128xf32>
    %gt3A_2261 = arith.constant 5.900000e+01 : f32
    %gt3A_2262 = vector.broadcast %gt3A_2261 : f32 to vector<1x128xf32>
    %gt3A_2263 = arith.cmpf ogt, %slice3A_72, %gt3A_2262 : vector<1x128xf32>
    %broadcast_in_dim3A_2264 = vector.shape_cast %gt3A_2263 : vector<1x128xi1> to vector<1x128xi1>
    %broadcast_in_dim3A_2265 = vector.broadcast %broadcast_in_dim3A_2264 : vector<1x128xi1> to vector<131x128xi1>
    %select_n3A_2266 = arith.select %broadcast_in_dim3A_2265, %dot_general3A_2260, %select_n3A : vector<131x128xi1>, vector<131x128xf32>
    %slice3A_2267 = vector.extract_strided_slice %select_n3A_2266 {offsets = [0, 0], sizes = [3, 128], strides = [1, 1]} : vector<131x128xf32> to vector<3x128xf32>
    %sub3A_2268 = arith.subf %slice3A_2267, %get3A_8 : vector<3x128xf32>
    %slice3A_2269 = vector.extract_strided_slice %select_n3A_2266 {offsets = [3, 0], sizes = [128, 128], strides = [1, 1]} : vector<131x128xf32> to vector<128x128xf32>
    %get3A_2270 = arith.constant 0 : index
    %get3A_2271 = arith.constant 0 : index
    %get3A_2272 = vector.load %arg5[%get3A_2270, %get3A_2271] : memref<128x1xf32, #tpu.memory_space<vmem>>, vector<128x1xf32>
    %mul3A_2273 = vector.broadcast %get3A_2272 : vector<128x1xf32> to vector<128x128xf32>
    %mul3A_2274 = arith.mulf %slice3A_2269, %mul3A_2273 : vector<128x128xf32>
    %get3A_2275 = arith.constant 0 : index
    %get3A_2276 = arith.constant 0 : index
    %get3A_2277 = vector.load %arg6[%get3A_2275, %get3A_2276] : memref<128x1xf32, #tpu.memory_space<vmem>>, vector<128x1xf32>
    %add3A_2278 = vector.broadcast %get3A_2277 : vector<128x1xf32> to vector<128x128xf32>
    %add3A_2279 = arith.addf %mul3A_2274, %add3A_2278 : vector<128x128xf32>
    %max3A_2280 = arith.constant 0.000000e+00 : f32
    %max3A_2281 = vector.broadcast %max3A_2280 : f32 to vector<128x128xf32>
    %max3A_2282 = arith.maximumf %add3A_2279, %max3A_2281 : vector<128x128xf32>
    %concatenate3A_2283 = tpu.concatenate %sub3A_2268, %max3A_2282 in 0 : vector<3x128xf32>, vector<128x128xf32> -> vector<131x128xf32>
    %swap3A_2284 = arith.constant 0 : index
    %swap3A_2285 = arith.constant 59 : index
    %swap3A_2286 = arith.constant 0 : index
    %swap3A_2287 = arith.constant 0 : index
    %swap3A_2288 = vector.load %arg7[%swap3A_2284, %swap3A_2285, %swap3A_2286, %swap3A_2287] : memref<1x64x131x128xf32, #tpu.memory_space<vmem>>, vector<1x1x131x128xf32>
    %swap3A_2289 = vector.shape_cast %swap3A_2288 : vector<1x1x131x128xf32> to vector<131x128xf32>
    %swap3A_2290 = vector.shape_cast %concatenate3A_2283 : vector<131x128xf32> to vector<1x1x131x128xf32>
    tpu.vector_store %arg7[%swap3A_2284, %swap3A_2285, %swap3A_2286, %swap3A_2287], %swap3A_2290 {strides = array<i32>} : memref<1x64x131x128xf32, #tpu.memory_space<vmem>>, vector<1x1x131x128xf32>,
    %eq3A_2291 = arith.constant 6.100000e+01 : f32
    %eq3A_2292 = vector.broadcast %eq3A_2291 : f32 to vector<512x128xf32>
    %eq3A_2293 = arith.cmpf oeq, %mul3A_73, %eq3A_2292 : vector<512x128xf32>
    %convert_element_type3A_2294 = arith.extui %eq3A_2293 : vector<512x128xi1> to vector<512x128xi32>
    %convert_element_type3A_2295 = arith.sitofp %convert_element_type3A_2294 : vector<512x128xi32> to vector<512x128xf32>
    %dot_general3A_2296 = arith.constant dense<0.000000e+00> : vector<131x128xf32>
    %dot_general3A_2297 = tpu.matmul %get3A_13, %convert_element_type3A_2295, %dot_general3A_2296 {dimension_numbers = #tpu.dot_dimension_numbers<[1], [0], [0], [1], [0, 0, 1, 1], [], []>, precision = #tpu.contract_precision<fp32>, transpose_lhs_hint = false} : vector<131x512xf32>, vector<512x128xf32>, vector<131x128xf32> -> vector<131x128xf32>
    %gt3A_2298 = arith.constant 6.000000e+01 : f32
    %gt3A_2299 = vector.broadcast %gt3A_2298 : f32 to vector<1x128xf32>
    %gt3A_2300 = arith.cmpf ogt, %slice3A_72, %gt3A_2299 : vector<1x128xf32>
    %broadcast_in_dim3A_2301 = vector.shape_cast %gt3A_2300 : vector<1x128xi1> to vector<1x128xi1>
    %broadcast_in_dim3A_2302 = vector.broadcast %broadcast_in_dim3A_2301 : vector<1x128xi1> to vector<131x128xi1>
    %select_n3A_2303 = arith.select %broadcast_in_dim3A_2302, %dot_general3A_2297, %select_n3A : vector<131x128xi1>, vector<131x128xf32>
    %slice3A_2304 = vector.extract_strided_slice %select_n3A_2303 {offsets = [0, 0], sizes = [3, 128], strides = [1, 1]} : vector<131x128xf32> to vector<3x128xf32>
    %sub3A_2305 = arith.subf %slice3A_2304, %get3A_8 : vector<3x128xf32>
    %slice3A_2306 = vector.extract_strided_slice %select_n3A_2303 {offsets = [3, 0], sizes = [128, 128], strides = [1, 1]} : vector<131x128xf32> to vector<128x128xf32>
    %get3A_2307 = arith.constant 0 : index
    %get3A_2308 = arith.constant 0 : index
    %get3A_2309 = vector.load %arg5[%get3A_2307, %get3A_2308] : memref<128x1xf32, #tpu.memory_space<vmem>>, vector<128x1xf32>
    %mul3A_2310 = vector.broadcast %get3A_2309 : vector<128x1xf32> to vector<128x128xf32>
    %mul3A_2311 = arith.mulf %slice3A_2306, %mul3A_2310 : vector<128x128xf32>
    %get3A_2312 = arith.constant 0 : index
    %get3A_2313 = arith.constant 0 : index
    %get3A_2314 = vector.load %arg6[%get3A_2312, %get3A_2313] : memref<128x1xf32, #tpu.memory_space<vmem>>, vector<128x1xf32>
    %add3A_2315 = vector.broadcast %get3A_2314 : vector<128x1xf32> to vector<128x128xf32>
    %add3A_2316 = arith.addf %mul3A_2311, %add3A_2315 : vector<128x128xf32>
    %max3A_2317 = arith.constant 0.000000e+00 : f32
    %max3A_2318 = vector.broadcast %max3A_2317 : f32 to vector<128x128xf32>
    %max3A_2319 = arith.maximumf %add3A_2316, %max3A_2318 : vector<128x128xf32>
    %concatenate3A_2320 = tpu.concatenate %sub3A_2305, %max3A_2319 in 0 : vector<3x128xf32>, vector<128x128xf32> -> vector<131x128xf32>
    %swap3A_2321 = arith.constant 0 : index
    %swap3A_2322 = arith.constant 60 : index
    %swap3A_2323 = arith.constant 0 : index
    %swap3A_2324 = arith.constant 0 : index
    %swap3A_2325 = vector.load %arg7[%swap3A_2321, %swap3A_2322, %swap3A_2323, %swap3A_2324] : memref<1x64x131x128xf32, #tpu.memory_space<vmem>>, vector<1x1x131x128xf32>
    %swap3A_2326 = vector.shape_cast %swap3A_2325 : vector<1x1x131x128xf32> to vector<131x128xf32>
    %swap3A_2327 = vector.shape_cast %concatenate3A_2320 : vector<131x128xf32> to vector<1x1x131x128xf32>
    tpu.vector_store %arg7[%swap3A_2321, %swap3A_2322, %swap3A_2323, %swap3A_2324], %swap3A_2327 {strides = array<i32>} : memref<1x64x131x128xf32, #tpu.memory_space<vmem>>, vector<1x1x131x128xf32>,
    %eq3A_2328 = arith.constant 6.200000e+01 : f32
    %eq3A_2329 = vector.broadcast %eq3A_2328 : f32 to vector<512x128xf32>
    %eq3A_2330 = arith.cmpf oeq, %mul3A_73, %eq3A_2329 : vector<512x128xf32>
    %convert_element_type3A_2331 = arith.extui %eq3A_2330 : vector<512x128xi1> to vector<512x128xi32>
    %convert_element_type3A_2332 = arith.sitofp %convert_element_type3A_2331 : vector<512x128xi32> to vector<512x128xf32>
    %dot_general3A_2333 = arith.constant dense<0.000000e+00> : vector<131x128xf32>
    %dot_general3A_2334 = tpu.matmul %get3A_13, %convert_element_type3A_2332, %dot_general3A_2333 {dimension_numbers = #tpu.dot_dimension_numbers<[1], [0], [0], [1], [0, 0, 1, 1], [], []>, precision = #tpu.contract_precision<fp32>, transpose_lhs_hint = false} : vector<131x512xf32>, vector<512x128xf32>, vector<131x128xf32> -> vector<131x128xf32>
    %gt3A_2335 = arith.constant 6.100000e+01 : f32
    %gt3A_2336 = vector.broadcast %gt3A_2335 : f32 to vector<1x128xf32>
    %gt3A_2337 = arith.cmpf ogt, %slice3A_72, %gt3A_2336 : vector<1x128xf32>
    %broadcast_in_dim3A_2338 = vector.shape_cast %gt3A_2337 : vector<1x128xi1> to vector<1x128xi1>
    %broadcast_in_dim3A_2339 = vector.broadcast %broadcast_in_dim3A_2338 : vector<1x128xi1> to vector<131x128xi1>
    %select_n3A_2340 = arith.select %broadcast_in_dim3A_2339, %dot_general3A_2334, %select_n3A : vector<131x128xi1>, vector<131x128xf32>
    %slice3A_2341 = vector.extract_strided_slice %select_n3A_2340 {offsets = [0, 0], sizes = [3, 128], strides = [1, 1]} : vector<131x128xf32> to vector<3x128xf32>
    %sub3A_2342 = arith.subf %slice3A_2341, %get3A_8 : vector<3x128xf32>
    %slice3A_2343 = vector.extract_strided_slice %select_n3A_2340 {offsets = [3, 0], sizes = [128, 128], strides = [1, 1]} : vector<131x128xf32> to vector<128x128xf32>
    %get3A_2344 = arith.constant 0 : index
    %get3A_2345 = arith.constant 0 : index
    %get3A_2346 = vector.load %arg5[%get3A_2344, %get3A_2345] : memref<128x1xf32, #tpu.memory_space<vmem>>, vector<128x1xf32>
    %mul3A_2347 = vector.broadcast %get3A_2346 : vector<128x1xf32> to vector<128x128xf32>
    %mul3A_2348 = arith.mulf %slice3A_2343, %mul3A_2347 : vector<128x128xf32>
    %get3A_2349 = arith.constant 0 : index
    %get3A_2350 = arith.constant 0 : index
    %get3A_2351 = vector.load %arg6[%get3A_2349, %get3A_2350] : memref<128x1xf32, #tpu.memory_space<vmem>>, vector<128x1xf32>
    %add3A_2352 = vector.broadcast %get3A_2351 : vector<128x1xf32> to vector<128x128xf32>
    %add3A_2353 = arith.addf %mul3A_2348, %add3A_2352 : vector<128x128xf32>
    %max3A_2354 = arith.constant 0.000000e+00 : f32
    %max3A_2355 = vector.broadcast %max3A_2354 : f32 to vector<128x128xf32>
    %max3A_2356 = arith.maximumf %add3A_2353, %max3A_2355 : vector<128x128xf32>
    %concatenate3A_2357 = tpu.concatenate %sub3A_2342, %max3A_2356 in 0 : vector<3x128xf32>, vector<128x128xf32> -> vector<131x128xf32>
    %swap3A_2358 = arith.constant 0 : index
    %swap3A_2359 = arith.constant 61 : index
    %swap3A_2360 = arith.constant 0 : index
    %swap3A_2361 = arith.constant 0 : index
    %swap3A_2362 = vector.load %arg7[%swap3A_2358, %swap3A_2359, %swap3A_2360, %swap3A_2361] : memref<1x64x131x128xf32, #tpu.memory_space<vmem>>, vector<1x1x131x128xf32>
    %swap3A_2363 = vector.shape_cast %swap3A_2362 : vector<1x1x131x128xf32> to vector<131x128xf32>
    %swap3A_2364 = vector.shape_cast %concatenate3A_2357 : vector<131x128xf32> to vector<1x1x131x128xf32>
    tpu.vector_store %arg7[%swap3A_2358, %swap3A_2359, %swap3A_2360, %swap3A_2361], %swap3A_2364 {strides = array<i32>} : memref<1x64x131x128xf32, #tpu.memory_space<vmem>>, vector<1x1x131x128xf32>,
    %eq3A_2365 = arith.constant 6.300000e+01 : f32
    %eq3A_2366 = vector.broadcast %eq3A_2365 : f32 to vector<512x128xf32>
    %eq3A_2367 = arith.cmpf oeq, %mul3A_73, %eq3A_2366 : vector<512x128xf32>
    %convert_element_type3A_2368 = arith.extui %eq3A_2367 : vector<512x128xi1> to vector<512x128xi32>
    %convert_element_type3A_2369 = arith.sitofp %convert_element_type3A_2368 : vector<512x128xi32> to vector<512x128xf32>
    %dot_general3A_2370 = arith.constant dense<0.000000e+00> : vector<131x128xf32>
    %dot_general3A_2371 = tpu.matmul %get3A_13, %convert_element_type3A_2369, %dot_general3A_2370 {dimension_numbers = #tpu.dot_dimension_numbers<[1], [0], [0], [1], [0, 0, 1, 1], [], []>, precision = #tpu.contract_precision<fp32>, transpose_lhs_hint = false} : vector<131x512xf32>, vector<512x128xf32>, vector<131x128xf32> -> vector<131x128xf32>
    %gt3A_2372 = arith.constant 6.200000e+01 : f32
    %gt3A_2373 = vector.broadcast %gt3A_2372 : f32 to vector<1x128xf32>
    %gt3A_2374 = arith.cmpf ogt, %slice3A_72, %gt3A_2373 : vector<1x128xf32>
    %broadcast_in_dim3A_2375 = vector.shape_cast %gt3A_2374 : vector<1x128xi1> to vector<1x128xi1>
    %broadcast_in_dim3A_2376 = vector.broadcast %broadcast_in_dim3A_2375 : vector<1x128xi1> to vector<131x128xi1>
    %select_n3A_2377 = arith.select %broadcast_in_dim3A_2376, %dot_general3A_2371, %select_n3A : vector<131x128xi1>, vector<131x128xf32>
    %slice3A_2378 = vector.extract_strided_slice %select_n3A_2377 {offsets = [0, 0], sizes = [3, 128], strides = [1, 1]} : vector<131x128xf32> to vector<3x128xf32>
    %sub3A_2379 = arith.subf %slice3A_2378, %get3A_8 : vector<3x128xf32>
    %slice3A_2380 = vector.extract_strided_slice %select_n3A_2377 {offsets = [3, 0], sizes = [128, 128], strides = [1, 1]} : vector<131x128xf32> to vector<128x128xf32>
    %get3A_2381 = arith.constant 0 : index
    %get3A_2382 = arith.constant 0 : index
    %get3A_2383 = vector.load %arg5[%get3A_2381, %get3A_2382] : memref<128x1xf32, #tpu.memory_space<vmem>>, vector<128x1xf32>
    %mul3A_2384 = vector.broadcast %get3A_2383 : vector<128x1xf32> to vector<128x128xf32>
    %mul3A_2385 = arith.mulf %slice3A_2380, %mul3A_2384 : vector<128x128xf32>
    %get3A_2386 = arith.constant 0 : index
    %get3A_2387 = arith.constant 0 : index
    %get3A_2388 = vector.load %arg6[%get3A_2386, %get3A_2387] : memref<128x1xf32, #tpu.memory_space<vmem>>, vector<128x1xf32>
    %add3A_2389 = vector.broadcast %get3A_2388 : vector<128x1xf32> to vector<128x128xf32>
    %add3A_2390 = arith.addf %mul3A_2385, %add3A_2389 : vector<128x128xf32>
    %max3A_2391 = arith.constant 0.000000e+00 : f32
    %max3A_2392 = vector.broadcast %max3A_2391 : f32 to vector<128x128xf32>
    %max3A_2393 = arith.maximumf %add3A_2390, %max3A_2392 : vector<128x128xf32>
    %concatenate3A_2394 = tpu.concatenate %sub3A_2379, %max3A_2393 in 0 : vector<3x128xf32>, vector<128x128xf32> -> vector<131x128xf32>
    %swap3A_2395 = arith.constant 0 : index
    %swap3A_2396 = arith.constant 62 : index
    %swap3A_2397 = arith.constant 0 : index
    %swap3A_2398 = arith.constant 0 : index
    %swap3A_2399 = vector.load %arg7[%swap3A_2395, %swap3A_2396, %swap3A_2397, %swap3A_2398] : memref<1x64x131x128xf32, #tpu.memory_space<vmem>>, vector<1x1x131x128xf32>
    %swap3A_2400 = vector.shape_cast %swap3A_2399 : vector<1x1x131x128xf32> to vector<131x128xf32>
    %swap3A_2401 = vector.shape_cast %concatenate3A_2394 : vector<131x128xf32> to vector<1x1x131x128xf32>
    tpu.vector_store %arg7[%swap3A_2395, %swap3A_2396, %swap3A_2397, %swap3A_2398], %swap3A_2401 {strides = array<i32>} : memref<1x64x131x128xf32, #tpu.memory_space<vmem>>, vector<1x1x131x128xf32>,
    %eq3A_2402 = arith.constant 6.400000e+01 : f32
    %eq3A_2403 = vector.broadcast %eq3A_2402 : f32 to vector<512x128xf32>
    %eq3A_2404 = arith.cmpf oeq, %mul3A_73, %eq3A_2403 : vector<512x128xf32>
    %convert_element_type3A_2405 = arith.extui %eq3A_2404 : vector<512x128xi1> to vector<512x128xi32>
    %convert_element_type3A_2406 = arith.sitofp %convert_element_type3A_2405 : vector<512x128xi32> to vector<512x128xf32>
    %dot_general3A_2407 = arith.constant dense<0.000000e+00> : vector<131x128xf32>
    %dot_general3A_2408 = tpu.matmul %get3A_13, %convert_element_type3A_2406, %dot_general3A_2407 {dimension_numbers = #tpu.dot_dimension_numbers<[1], [0], [0], [1], [0, 0, 1, 1], [], []>, precision = #tpu.contract_precision<fp32>, transpose_lhs_hint = false} : vector<131x512xf32>, vector<512x128xf32>, vector<131x128xf32> -> vector<131x128xf32>
    %gt3A_2409 = arith.constant 6.300000e+01 : f32
    %gt3A_2410 = vector.broadcast %gt3A_2409 : f32 to vector<1x128xf32>
    %gt3A_2411 = arith.cmpf ogt, %slice3A_72, %gt3A_2410 : vector<1x128xf32>
    %broadcast_in_dim3A_2412 = vector.shape_cast %gt3A_2411 : vector<1x128xi1> to vector<1x128xi1>
    %broadcast_in_dim3A_2413 = vector.broadcast %broadcast_in_dim3A_2412 : vector<1x128xi1> to vector<131x128xi1>
    %select_n3A_2414 = arith.select %broadcast_in_dim3A_2413, %dot_general3A_2408, %select_n3A : vector<131x128xi1>, vector<131x128xf32>
    %slice3A_2415 = vector.extract_strided_slice %select_n3A_2414 {offsets = [0, 0], sizes = [3, 128], strides = [1, 1]} : vector<131x128xf32> to vector<3x128xf32>
    %sub3A_2416 = arith.subf %slice3A_2415, %get3A_8 : vector<3x128xf32>
    %slice3A_2417 = vector.extract_strided_slice %select_n3A_2414 {offsets = [3, 0], sizes = [128, 128], strides = [1, 1]} : vector<131x128xf32> to vector<128x128xf32>
    %get3A_2418 = arith.constant 0 : index
    %get3A_2419 = arith.constant 0 : index
    %get3A_2420 = vector.load %arg5[%get3A_2418, %get3A_2419] : memref<128x1xf32, #tpu.memory_space<vmem>>, vector<128x1xf32>
    %mul3A_2421 = vector.broadcast %get3A_2420 : vector<128x1xf32> to vector<128x128xf32>
    %mul3A_2422 = arith.mulf %slice3A_2417, %mul3A_2421 : vector<128x128xf32>
    %get3A_2423 = arith.constant 0 : index
    %get3A_2424 = arith.constant 0 : index
    %get3A_2425 = vector.load %arg6[%get3A_2423, %get3A_2424] : memref<128x1xf32, #tpu.memory_space<vmem>>, vector<128x1xf32>
    %add3A_2426 = vector.broadcast %get3A_2425 : vector<128x1xf32> to vector<128x128xf32>
    %add3A_2427 = arith.addf %mul3A_2422, %add3A_2426 : vector<128x128xf32>
    %max3A_2428 = arith.constant 0.000000e+00 : f32
    %max3A_2429 = vector.broadcast %max3A_2428 : f32 to vector<128x128xf32>
    %max3A_2430 = arith.maximumf %add3A_2427, %max3A_2429 : vector<128x128xf32>
    %concatenate3A_2431 = tpu.concatenate %sub3A_2416, %max3A_2430 in 0 : vector<3x128xf32>, vector<128x128xf32> -> vector<131x128xf32>
    %swap3A_2432 = arith.constant 0 : index
    %swap3A_2433 = arith.constant 63 : index
    %swap3A_2434 = arith.constant 0 : index
    %swap3A_2435 = arith.constant 0 : index
    %swap3A_2436 = vector.load %arg7[%swap3A_2432, %swap3A_2433, %swap3A_2434, %swap3A_2435] : memref<1x64x131x128xf32, #tpu.memory_space<vmem>>, vector<1x1x131x128xf32>
    %swap3A_2437 = vector.shape_cast %swap3A_2436 : vector<1x1x131x128xf32> to vector<131x128xf32>
    %swap3A_2438 = vector.shape_cast %concatenate3A_2431 : vector<131x128xf32> to vector<1x1x131x128xf32>
    tpu.vector_store %arg7[%swap3A_2432, %swap3A_2433, %swap3A_2434, %swap3A_2435], %swap3A_2438 {strides = array<i32>} : memref<1x64x131x128xf32, #tpu.memory_space<vmem>>, vector<1x1x131x128xf32>,
    return
  }
  func.func @transform_0(%arg0: i32, %arg1: i32) -> (i32, i32, i32) {
    %c0_i32 = arith.constant 0 : i32
    %c0_i32_0 = arith.constant 0 : i32
    %c0_i32_1 = arith.constant 0 : i32
    return %arg0, %c0_i32, %c0_i32_0 : i32, i32, i32
  }
  func.func @transform_1(%arg0: i32, %arg1: i32) -> (i32, i32, i32) {
    %c0_i32 = arith.constant 0 : i32
    %c0_i32_0 = arith.constant 0 : i32
    return %arg0, %c0_i32, %arg1 : i32, i32, i32
  }
  func.func @transform_2(%arg0: i32, %arg1: i32) -> (i32, i32, i32) {
    %c0_i32 = arith.constant 0 : i32
    %c0_i32_0 = arith.constant 0 : i32
    %c0_i32_1 = arith.constant 0 : i32
    return %arg0, %c0_i32, %c0_i32_0 : i32, i32, i32
  }
  func.func @transform_3(%arg0: i32, %arg1: i32) -> (i32, i32) {
    %c0_i32 = arith.constant 0 : i32
    %c0_i32_0 = arith.constant 0 : i32
    %c0_i32_1 = arith.constant 0 : i32
    return %c0_i32, %c0_i32_0 : i32, i32
  }
  func.func @transform_4(%arg0: i32, %arg1: i32) -> (i32, i32) {
    %c0_i32 = arith.constant 0 : i32
    %c0_i32_0 = arith.constant 0 : i32
    %c0_i32_1 = arith.constant 0 : i32
    return %c0_i32, %c0_i32_0 : i32, i32
  }
  func.func @transform_5(%arg0: i32, %arg1: i32) -> (i32, i32, i32, i32) {
    %c0_i32 = arith.constant 0 : i32
    %c0_i32_0 = arith.constant 0 : i32
    %c0_i32_1 = arith.constant 0 : i32
    return %arg0, %c0_i32, %c0_i32_0, %arg1 : i32, i32, i32, i32
  }
}

module attributes {stable_mosaic.version = 14 : i64} {
  func.func @_stage_body(%arg0: i32, %arg1: memref<4096x131xf32, #tpu.memory_space<vmem>>, %arg2: memref<131x128xf32, #tpu.memory_space<vmem>>, %arg3: memref<1x128xf32, #tpu.memory_space<vmem>>, %arg4: memref<1x131xf32, #tpu.memory_space<vmem>>, %arg5: memref<1x131xf32, #tpu.memory_space<vmem>>, %arg6: memref<4096x128xf32, #tpu.memory_space<vmem>>, %arg7: memref<2x128xf32, #tpu.memory_space<vmem>>) attributes {dimension_semantics = [#tpu.dimension_semantics<arbitrary>], iteration_bounds = array<i64: 32>, scalar_prefetch = 0 : i64, scratch_operands = 0 : i64, tpu.core_type = #tpu.core_type<tc>, window_params = [{transform_indices = @transform_0, window_bounds = array<i64: 4096, 131>}, {pipeline_mode = #tpu.pipeline_mode<synchronous>, transform_indices = @transform_1, window_bounds = array<i64: 131, 128>}, {pipeline_mode = #tpu.pipeline_mode<synchronous>, transform_indices = @transform_2, window_bounds = array<i64: 1, 128>}, {pipeline_mode = #tpu.pipeline_mode<synchronous>, transform_indices = @transform_3, window_bounds = array<i64: 1, 131>}, {pipeline_mode = #tpu.pipeline_mode<synchronous>, transform_indices = @transform_4, window_bounds = array<i64: 1, 131>}, {transform_indices = @transform_5, window_bounds = array<i64: 4096, 128>}, {pipeline_mode = #tpu.pipeline_mode<synchronous>, transform_indices = @transform_6, window_bounds = array<i64: 2, 128>}]} {
    %get3A = arith.constant 0 : index
    %get3A_0 = arith.constant 0 : index
    %get3A_1 = vector.load %arg1[%get3A, %get3A_0] : memref<4096x131xf32, #tpu.memory_space<vmem>>, vector<4096x131xf32>
    %get3A_2 = arith.constant 0 : index
    %get3A_3 = arith.constant 0 : index
    %get3A_4 = vector.load %arg2[%get3A_2, %get3A_3] : memref<131x128xf32, #tpu.memory_space<vmem>>, vector<131x128xf32>
    %dot_general3A = arith.constant dense<0.000000e+00> : vector<4096x128xf32>
    %dot_general3A_5 = tpu.matmul %get3A_1, %get3A_4, %dot_general3A {dimension_numbers = #tpu.dot_dimension_numbers<[1], [0], [0], [1], [0, 0, 1, 1], [], []>, transpose_lhs_hint = false} : vector<4096x131xf32>, vector<131x128xf32>, vector<4096x128xf32> -> vector<4096x128xf32>
    %get3A_6 = arith.constant 0 : index
    %get3A_7 = arith.constant 0 : index
    %get3A_8 = vector.load %arg3[%get3A_6, %get3A_7] : memref<1x128xf32, #tpu.memory_space<vmem>>, vector<1x128xf32>
    %add3A = vector.broadcast %get3A_8 : vector<1x128xf32> to vector<4096x128xf32>
    %add3A_9 = arith.addf %dot_general3A_5, %add3A : vector<4096x128xf32>
    %swap3A = arith.constant 0 : index
    %swap3A_10 = arith.constant 0 : index
    %swap3A_11 = vector.load %arg6[%swap3A, %swap3A_10] : memref<4096x128xf32, #tpu.memory_space<vmem>>, vector<4096x128xf32>
    tpu.vector_store %arg6[%swap3A, %swap3A_10], %add3A_9 {strides = array<i32>} : memref<4096x128xf32, #tpu.memory_space<vmem>>, vector<4096x128xf32>,
    %reduce_sum3A = arith.constant dense<0.000000e+00> : vector<128xf32>
    %reduce_sum3A_12 = vector.multi_reduction <add>, %add3A_9, %reduce_sum3A [0] : vector<4096x128xf32> to vector<128xf32>
    %broadcast_in_dim3A = vector.shape_cast %reduce_sum3A_12 : vector<128xf32> to vector<1x128xf32>
    %mul3A = arith.mulf %add3A_9, %add3A_9 : vector<4096x128xf32>
    %reduce_sum3A_13 = arith.constant dense<0.000000e+00> : vector<128xf32>
    %reduce_sum3A_14 = vector.multi_reduction <add>, %mul3A, %reduce_sum3A_13 [0] : vector<4096x128xf32> to vector<128xf32>
    %broadcast_in_dim3A_15 = vector.shape_cast %reduce_sum3A_14 : vector<128xf32> to vector<1x128xf32>
    %concatenate3A = tpu.concatenate %broadcast_in_dim3A, %broadcast_in_dim3A_15 in 0 : vector<1x128xf32>, vector<1x128xf32> -> vector<2x128xf32>
    %eq3A = arith.constant 0 : i32
    %eq3A_16 = arith.cmpi eq, %arg0, %eq3A : i32
    %convert_element_type3A = arith.extui %eq3A_16 : i1 to i32
    %cond3A = arith.constant 0 : i32
    %cond3A_17 = arith.cmpi ne, %convert_element_type3A, %cond3A : i32
    scf.if %cond3A_17 {
      %swap3A_22 = arith.constant 0 : index
      %swap3A_23 = arith.constant 0 : index
      %swap3A_24 = vector.load %arg7[%swap3A_22, %swap3A_23] : memref<2x128xf32, #tpu.memory_space<vmem>>, vector<2x128xf32>
      tpu.vector_store %arg7[%swap3A_22, %swap3A_23], %concatenate3A {strides = array<i32>} : memref<2x128xf32, #tpu.memory_space<vmem>>, vector<2x128xf32>,
    } else {
    }
    %ne3A = arith.constant 0 : i32
    %ne3A_18 = arith.cmpi ne, %arg0, %ne3A : i32
    %convert_element_type3A_19 = arith.extui %ne3A_18 : i1 to i32
    %cond3A_20 = arith.constant 0 : i32
    %cond3A_21 = arith.cmpi ne, %convert_element_type3A_19, %cond3A_20 : i32
    scf.if %cond3A_21 {
      %get3A_22 = arith.constant 0 : index
      %get3A_23 = arith.constant 0 : index
      %get3A_24 = vector.load %arg7[%get3A_22, %get3A_23] : memref<2x128xf32, #tpu.memory_space<vmem>>, vector<2x128xf32>
      %add3A_25 = arith.addf %get3A_24, %concatenate3A : vector<2x128xf32>
      %swap3A_26 = arith.constant 0 : index
      %swap3A_27 = arith.constant 0 : index
      %swap3A_28 = vector.load %arg7[%swap3A_26, %swap3A_27] : memref<2x128xf32, #tpu.memory_space<vmem>>, vector<2x128xf32>
      tpu.vector_store %arg7[%swap3A_26, %swap3A_27], %add3A_25 {strides = array<i32>} : memref<2x128xf32, #tpu.memory_space<vmem>>, vector<2x128xf32>,
    } else {
    }
    return
  }
  func.func @transform_0(%arg0: i32) -> (i32, i32) {
    %c0_i32 = arith.constant 0 : i32
    %c0_i32_0 = arith.constant 0 : i32
    return %arg0, %c0_i32 : i32, i32
  }
  func.func @transform_1(%arg0: i32) -> (i32, i32) {
    %c0_i32 = arith.constant 0 : i32
    %c0_i32_0 = arith.constant 0 : i32
    %c0_i32_1 = arith.constant 0 : i32
    return %c0_i32, %c0_i32_0 : i32, i32
  }
  func.func @transform_2(%arg0: i32) -> (i32, i32) {
    %c0_i32 = arith.constant 0 : i32
    %c0_i32_0 = arith.constant 0 : i32
    %c0_i32_1 = arith.constant 0 : i32
    return %c0_i32, %c0_i32_0 : i32, i32
  }
  func.func @transform_3(%arg0: i32) -> (i32, i32) {
    %c0_i32 = arith.constant 0 : i32
    %c0_i32_0 = arith.constant 0 : i32
    %c0_i32_1 = arith.constant 0 : i32
    return %c0_i32, %c0_i32_0 : i32, i32
  }
  func.func @transform_4(%arg0: i32) -> (i32, i32) {
    %c0_i32 = arith.constant 0 : i32
    %c0_i32_0 = arith.constant 0 : i32
    %c0_i32_1 = arith.constant 0 : i32
    return %c0_i32, %c0_i32_0 : i32, i32
  }
  func.func @transform_5(%arg0: i32) -> (i32, i32) {
    %c0_i32 = arith.constant 0 : i32
    %c0_i32_0 = arith.constant 0 : i32
    return %arg0, %c0_i32 : i32, i32
  }
  func.func @transform_6(%arg0: i32) -> (i32, i32) {
    %c0_i32 = arith.constant 0 : i32
    %c0_i32_0 = arith.constant 0 : i32
    %c0_i32_1 = arith.constant 0 : i32
    return %c0_i32, %c0_i32_0 : i32, i32
  }
}

module attributes {stable_mosaic.version = 14 : i64} {
  func.func @_stage_body(%arg0: i32, %arg1: memref<4096x128xf32, #tpu.memory_space<vmem>>, %arg2: memref<128x128xf32, #tpu.memory_space<vmem>>, %arg3: memref<1x128xf32, #tpu.memory_space<vmem>>, %arg4: memref<1x128xf32, #tpu.memory_space<vmem>>, %arg5: memref<1x128xf32, #tpu.memory_space<vmem>>, %arg6: memref<4096x128xf32, #tpu.memory_space<vmem>>, %arg7: memref<2x128xf32, #tpu.memory_space<vmem>>) attributes {dimension_semantics = [#tpu.dimension_semantics<arbitrary>], iteration_bounds = array<i64: 32>, scalar_prefetch = 0 : i64, scratch_operands = 0 : i64, tpu.core_type = #tpu.core_type<tc>, window_params = [{transform_indices = @transform_0, window_bounds = array<i64: 4096, 128>}, {pipeline_mode = #tpu.pipeline_mode<synchronous>, transform_indices = @transform_1, window_bounds = array<i64: 128, 128>}, {pipeline_mode = #tpu.pipeline_mode<synchronous>, transform_indices = @transform_2, window_bounds = array<i64: 1, 128>}, {pipeline_mode = #tpu.pipeline_mode<synchronous>, transform_indices = @transform_3, window_bounds = array<i64: 1, 128>}, {pipeline_mode = #tpu.pipeline_mode<synchronous>, transform_indices = @transform_4, window_bounds = array<i64: 1, 128>}, {transform_indices = @transform_5, window_bounds = array<i64: 4096, 128>}, {pipeline_mode = #tpu.pipeline_mode<synchronous>, transform_indices = @transform_6, window_bounds = array<i64: 2, 128>}]} {
    %get3A = arith.constant 0 : index
    %get3A_0 = arith.constant 0 : index
    %get3A_1 = vector.load %arg1[%get3A, %get3A_0] : memref<4096x128xf32, #tpu.memory_space<vmem>>, vector<4096x128xf32>
    %get3A_2 = arith.constant 0 : index
    %get3A_3 = arith.constant 0 : index
    %get3A_4 = vector.load %arg4[%get3A_2, %get3A_3] : memref<1x128xf32, #tpu.memory_space<vmem>>, vector<1x128xf32>
    %mul3A = vector.broadcast %get3A_4 : vector<1x128xf32> to vector<4096x128xf32>
    %mul3A_5 = arith.mulf %get3A_1, %mul3A : vector<4096x128xf32>
    %get3A_6 = arith.constant 0 : index
    %get3A_7 = arith.constant 0 : index
    %get3A_8 = vector.load %arg5[%get3A_6, %get3A_7] : memref<1x128xf32, #tpu.memory_space<vmem>>, vector<1x128xf32>
    %add3A = vector.broadcast %get3A_8 : vector<1x128xf32> to vector<4096x128xf32>
    %add3A_9 = arith.addf %mul3A_5, %add3A : vector<4096x128xf32>
    %max3A = arith.constant 0.000000e+00 : f32
    %max3A_10 = vector.broadcast %max3A : f32 to vector<4096x128xf32>
    %max3A_11 = arith.maximumf %add3A_9, %max3A_10 : vector<4096x128xf32>
    %get3A_12 = arith.constant 0 : index
    %get3A_13 = arith.constant 0 : index
    %get3A_14 = vector.load %arg2[%get3A_12, %get3A_13] : memref<128x128xf32, #tpu.memory_space<vmem>>, vector<128x128xf32>
    %dot_general3A = arith.constant dense<0.000000e+00> : vector<4096x128xf32>
    %dot_general3A_15 = tpu.matmul %max3A_11, %get3A_14, %dot_general3A {dimension_numbers = #tpu.dot_dimension_numbers<[1], [0], [0], [1], [0, 0, 1, 1], [], []>, transpose_lhs_hint = false} : vector<4096x128xf32>, vector<128x128xf32>, vector<4096x128xf32> -> vector<4096x128xf32>
    %get3A_16 = arith.constant 0 : index
    %get3A_17 = arith.constant 0 : index
    %get3A_18 = vector.load %arg3[%get3A_16, %get3A_17] : memref<1x128xf32, #tpu.memory_space<vmem>>, vector<1x128xf32>
    %add3A_19 = vector.broadcast %get3A_18 : vector<1x128xf32> to vector<4096x128xf32>
    %add3A_20 = arith.addf %dot_general3A_15, %add3A_19 : vector<4096x128xf32>
    %swap3A = arith.constant 0 : index
    %swap3A_21 = arith.constant 0 : index
    %swap3A_22 = vector.load %arg6[%swap3A, %swap3A_21] : memref<4096x128xf32, #tpu.memory_space<vmem>>, vector<4096x128xf32>
    tpu.vector_store %arg6[%swap3A, %swap3A_21], %add3A_20 {strides = array<i32>} : memref<4096x128xf32, #tpu.memory_space<vmem>>, vector<4096x128xf32>,
    %reduce_sum3A = arith.constant dense<0.000000e+00> : vector<128xf32>
    %reduce_sum3A_23 = vector.multi_reduction <add>, %add3A_20, %reduce_sum3A [0] : vector<4096x128xf32> to vector<128xf32>
    %broadcast_in_dim3A = vector.shape_cast %reduce_sum3A_23 : vector<128xf32> to vector<1x128xf32>
    %mul3A_24 = arith.mulf %add3A_20, %add3A_20 : vector<4096x128xf32>
    %reduce_sum3A_25 = arith.constant dense<0.000000e+00> : vector<128xf32>
    %reduce_sum3A_26 = vector.multi_reduction <add>, %mul3A_24, %reduce_sum3A_25 [0] : vector<4096x128xf32> to vector<128xf32>
    %broadcast_in_dim3A_27 = vector.shape_cast %reduce_sum3A_26 : vector<128xf32> to vector<1x128xf32>
    %concatenate3A = tpu.concatenate %broadcast_in_dim3A, %broadcast_in_dim3A_27 in 0 : vector<1x128xf32>, vector<1x128xf32> -> vector<2x128xf32>
    %eq3A = arith.constant 0 : i32
    %eq3A_28 = arith.cmpi eq, %arg0, %eq3A : i32
    %convert_element_type3A = arith.extui %eq3A_28 : i1 to i32
    %cond3A = arith.constant 0 : i32
    %cond3A_29 = arith.cmpi ne, %convert_element_type3A, %cond3A : i32
    scf.if %cond3A_29 {
      %swap3A_34 = arith.constant 0 : index
      %swap3A_35 = arith.constant 0 : index
      %swap3A_36 = vector.load %arg7[%swap3A_34, %swap3A_35] : memref<2x128xf32, #tpu.memory_space<vmem>>, vector<2x128xf32>
      tpu.vector_store %arg7[%swap3A_34, %swap3A_35], %concatenate3A {strides = array<i32>} : memref<2x128xf32, #tpu.memory_space<vmem>>, vector<2x128xf32>,
    } else {
    }
    %ne3A = arith.constant 0 : i32
    %ne3A_30 = arith.cmpi ne, %arg0, %ne3A : i32
    %convert_element_type3A_31 = arith.extui %ne3A_30 : i1 to i32
    %cond3A_32 = arith.constant 0 : i32
    %cond3A_33 = arith.cmpi ne, %convert_element_type3A_31, %cond3A_32 : i32
    scf.if %cond3A_33 {
      %get3A_34 = arith.constant 0 : index
      %get3A_35 = arith.constant 0 : index
      %get3A_36 = vector.load %arg7[%get3A_34, %get3A_35] : memref<2x128xf32, #tpu.memory_space<vmem>>, vector<2x128xf32>
      %add3A_37 = arith.addf %get3A_36, %concatenate3A : vector<2x128xf32>
      %swap3A_38 = arith.constant 0 : index
      %swap3A_39 = arith.constant 0 : index
      %swap3A_40 = vector.load %arg7[%swap3A_38, %swap3A_39] : memref<2x128xf32, #tpu.memory_space<vmem>>, vector<2x128xf32>
      tpu.vector_store %arg7[%swap3A_38, %swap3A_39], %add3A_37 {strides = array<i32>} : memref<2x128xf32, #tpu.memory_space<vmem>>, vector<2x128xf32>,
    } else {
    }
    return
  }
  func.func @transform_0(%arg0: i32) -> (i32, i32) {
    %c0_i32 = arith.constant 0 : i32
    %c0_i32_0 = arith.constant 0 : i32
    return %arg0, %c0_i32 : i32, i32
  }
  func.func @transform_1(%arg0: i32) -> (i32, i32) {
    %c0_i32 = arith.constant 0 : i32
    %c0_i32_0 = arith.constant 0 : i32
    %c0_i32_1 = arith.constant 0 : i32
    return %c0_i32, %c0_i32_0 : i32, i32
  }
  func.func @transform_2(%arg0: i32) -> (i32, i32) {
    %c0_i32 = arith.constant 0 : i32
    %c0_i32_0 = arith.constant 0 : i32
    %c0_i32_1 = arith.constant 0 : i32
    return %c0_i32, %c0_i32_0 : i32, i32
  }
  func.func @transform_3(%arg0: i32) -> (i32, i32) {
    %c0_i32 = arith.constant 0 : i32
    %c0_i32_0 = arith.constant 0 : i32
    %c0_i32_1 = arith.constant 0 : i32
    return %c0_i32, %c0_i32_0 : i32, i32
  }
  func.func @transform_4(%arg0: i32) -> (i32, i32) {
    %c0_i32 = arith.constant 0 : i32
    %c0_i32_0 = arith.constant 0 : i32
    %c0_i32_1 = arith.constant 0 : i32
    return %c0_i32, %c0_i32_0 : i32, i32
  }
  func.func @transform_5(%arg0: i32) -> (i32, i32) {
    %c0_i32 = arith.constant 0 : i32
    %c0_i32_0 = arith.constant 0 : i32
    return %arg0, %c0_i32 : i32, i32
  }
  func.func @transform_6(%arg0: i32) -> (i32, i32) {
    %c0_i32 = arith.constant 0 : i32
    %c0_i32_0 = arith.constant 0 : i32
    %c0_i32_1 = arith.constant 0 : i32
    return %c0_i32, %c0_i32_0 : i32, i32
  }
}

module attributes {stable_mosaic.version = 14 : i64} {
  func.func @_stage_body(%arg0: i32, %arg1: memref<4096x128xf32, #tpu.memory_space<vmem>>, %arg2: memref<128x256xf32, #tpu.memory_space<vmem>>, %arg3: memref<1x256xf32, #tpu.memory_space<vmem>>, %arg4: memref<1x128xf32, #tpu.memory_space<vmem>>, %arg5: memref<1x128xf32, #tpu.memory_space<vmem>>, %arg6: memref<4096x256xf32, #tpu.memory_space<vmem>>, %arg7: memref<2x256xf32, #tpu.memory_space<vmem>>) attributes {dimension_semantics = [#tpu.dimension_semantics<arbitrary>], iteration_bounds = array<i64: 32>, scalar_prefetch = 0 : i64, scratch_operands = 0 : i64, tpu.core_type = #tpu.core_type<tc>, window_params = [{transform_indices = @transform_0, window_bounds = array<i64: 4096, 128>}, {pipeline_mode = #tpu.pipeline_mode<synchronous>, transform_indices = @transform_1, window_bounds = array<i64: 128, 256>}, {pipeline_mode = #tpu.pipeline_mode<synchronous>, transform_indices = @transform_2, window_bounds = array<i64: 1, 256>}, {pipeline_mode = #tpu.pipeline_mode<synchronous>, transform_indices = @transform_3, window_bounds = array<i64: 1, 128>}, {pipeline_mode = #tpu.pipeline_mode<synchronous>, transform_indices = @transform_4, window_bounds = array<i64: 1, 128>}, {transform_indices = @transform_5, window_bounds = array<i64: 4096, 256>}, {pipeline_mode = #tpu.pipeline_mode<synchronous>, transform_indices = @transform_6, window_bounds = array<i64: 2, 256>}]} {
    %get3A = arith.constant 0 : index
    %get3A_0 = arith.constant 0 : index
    %get3A_1 = vector.load %arg1[%get3A, %get3A_0] : memref<4096x128xf32, #tpu.memory_space<vmem>>, vector<4096x128xf32>
    %get3A_2 = arith.constant 0 : index
    %get3A_3 = arith.constant 0 : index
    %get3A_4 = vector.load %arg4[%get3A_2, %get3A_3] : memref<1x128xf32, #tpu.memory_space<vmem>>, vector<1x128xf32>
    %mul3A = vector.broadcast %get3A_4 : vector<1x128xf32> to vector<4096x128xf32>
    %mul3A_5 = arith.mulf %get3A_1, %mul3A : vector<4096x128xf32>
    %get3A_6 = arith.constant 0 : index
    %get3A_7 = arith.constant 0 : index
    %get3A_8 = vector.load %arg5[%get3A_6, %get3A_7] : memref<1x128xf32, #tpu.memory_space<vmem>>, vector<1x128xf32>
    %add3A = vector.broadcast %get3A_8 : vector<1x128xf32> to vector<4096x128xf32>
    %add3A_9 = arith.addf %mul3A_5, %add3A : vector<4096x128xf32>
    %max3A = arith.constant 0.000000e+00 : f32
    %max3A_10 = vector.broadcast %max3A : f32 to vector<4096x128xf32>
    %max3A_11 = arith.maximumf %add3A_9, %max3A_10 : vector<4096x128xf32>
    %get3A_12 = arith.constant 0 : index
    %get3A_13 = arith.constant 0 : index
    %get3A_14 = vector.load %arg2[%get3A_12, %get3A_13] : memref<128x256xf32, #tpu.memory_space<vmem>>, vector<128x256xf32>
    %dot_general3A = arith.constant dense<0.000000e+00> : vector<4096x256xf32>
    %dot_general3A_15 = tpu.matmul %max3A_11, %get3A_14, %dot_general3A {dimension_numbers = #tpu.dot_dimension_numbers<[1], [0], [0], [1], [0, 0, 1, 1], [], []>, transpose_lhs_hint = false} : vector<4096x128xf32>, vector<128x256xf32>, vector<4096x256xf32> -> vector<4096x256xf32>
    %get3A_16 = arith.constant 0 : index
    %get3A_17 = arith.constant 0 : index
    %get3A_18 = vector.load %arg3[%get3A_16, %get3A_17] : memref<1x256xf32, #tpu.memory_space<vmem>>, vector<1x256xf32>
    %add3A_19 = vector.broadcast %get3A_18 : vector<1x256xf32> to vector<4096x256xf32>
    %add3A_20 = arith.addf %dot_general3A_15, %add3A_19 : vector<4096x256xf32>
    %swap3A = arith.constant 0 : index
    %swap3A_21 = arith.constant 0 : index
    %swap3A_22 = vector.load %arg6[%swap3A, %swap3A_21] : memref<4096x256xf32, #tpu.memory_space<vmem>>, vector<4096x256xf32>
    tpu.vector_store %arg6[%swap3A, %swap3A_21], %add3A_20 {strides = array<i32>} : memref<4096x256xf32, #tpu.memory_space<vmem>>, vector<4096x256xf32>,
    %reduce_sum3A = arith.constant dense<0.000000e+00> : vector<256xf32>
    %reduce_sum3A_23 = vector.multi_reduction <add>, %add3A_20, %reduce_sum3A [0] : vector<4096x256xf32> to vector<256xf32>
    %broadcast_in_dim3A = vector.shape_cast %reduce_sum3A_23 : vector<256xf32> to vector<1x256xf32>
    %mul3A_24 = arith.mulf %add3A_20, %add3A_20 : vector<4096x256xf32>
    %reduce_sum3A_25 = arith.constant dense<0.000000e+00> : vector<256xf32>
    %reduce_sum3A_26 = vector.multi_reduction <add>, %mul3A_24, %reduce_sum3A_25 [0] : vector<4096x256xf32> to vector<256xf32>
    %broadcast_in_dim3A_27 = vector.shape_cast %reduce_sum3A_26 : vector<256xf32> to vector<1x256xf32>
    %concatenate3A = tpu.concatenate %broadcast_in_dim3A, %broadcast_in_dim3A_27 in 0 : vector<1x256xf32>, vector<1x256xf32> -> vector<2x256xf32>
    %eq3A = arith.constant 0 : i32
    %eq3A_28 = arith.cmpi eq, %arg0, %eq3A : i32
    %convert_element_type3A = arith.extui %eq3A_28 : i1 to i32
    %cond3A = arith.constant 0 : i32
    %cond3A_29 = arith.cmpi ne, %convert_element_type3A, %cond3A : i32
    scf.if %cond3A_29 {
      %swap3A_34 = arith.constant 0 : index
      %swap3A_35 = arith.constant 0 : index
      %swap3A_36 = vector.load %arg7[%swap3A_34, %swap3A_35] : memref<2x256xf32, #tpu.memory_space<vmem>>, vector<2x256xf32>
      tpu.vector_store %arg7[%swap3A_34, %swap3A_35], %concatenate3A {strides = array<i32>} : memref<2x256xf32, #tpu.memory_space<vmem>>, vector<2x256xf32>,
    } else {
    }
    %ne3A = arith.constant 0 : i32
    %ne3A_30 = arith.cmpi ne, %arg0, %ne3A : i32
    %convert_element_type3A_31 = arith.extui %ne3A_30 : i1 to i32
    %cond3A_32 = arith.constant 0 : i32
    %cond3A_33 = arith.cmpi ne, %convert_element_type3A_31, %cond3A_32 : i32
    scf.if %cond3A_33 {
      %get3A_34 = arith.constant 0 : index
      %get3A_35 = arith.constant 0 : index
      %get3A_36 = vector.load %arg7[%get3A_34, %get3A_35] : memref<2x256xf32, #tpu.memory_space<vmem>>, vector<2x256xf32>
      %add3A_37 = arith.addf %get3A_36, %concatenate3A : vector<2x256xf32>
      %swap3A_38 = arith.constant 0 : index
      %swap3A_39 = arith.constant 0 : index
      %swap3A_40 = vector.load %arg7[%swap3A_38, %swap3A_39] : memref<2x256xf32, #tpu.memory_space<vmem>>, vector<2x256xf32>
      tpu.vector_store %arg7[%swap3A_38, %swap3A_39], %add3A_37 {strides = array<i32>} : memref<2x256xf32, #tpu.memory_space<vmem>>, vector<2x256xf32>,
    } else {
    }
    return
  }
  func.func @transform_0(%arg0: i32) -> (i32, i32) {
    %c0_i32 = arith.constant 0 : i32
    %c0_i32_0 = arith.constant 0 : i32
    return %arg0, %c0_i32 : i32, i32
  }
  func.func @transform_1(%arg0: i32) -> (i32, i32) {
    %c0_i32 = arith.constant 0 : i32
    %c0_i32_0 = arith.constant 0 : i32
    %c0_i32_1 = arith.constant 0 : i32
    return %c0_i32, %c0_i32_0 : i32, i32
  }
  func.func @transform_2(%arg0: i32) -> (i32, i32) {
    %c0_i32 = arith.constant 0 : i32
    %c0_i32_0 = arith.constant 0 : i32
    %c0_i32_1 = arith.constant 0 : i32
    return %c0_i32, %c0_i32_0 : i32, i32
  }
  func.func @transform_3(%arg0: i32) -> (i32, i32) {
    %c0_i32 = arith.constant 0 : i32
    %c0_i32_0 = arith.constant 0 : i32
    %c0_i32_1 = arith.constant 0 : i32
    return %c0_i32, %c0_i32_0 : i32, i32
  }
  func.func @transform_4(%arg0: i32) -> (i32, i32) {
    %c0_i32 = arith.constant 0 : i32
    %c0_i32_0 = arith.constant 0 : i32
    %c0_i32_1 = arith.constant 0 : i32
    return %c0_i32, %c0_i32_0 : i32, i32
  }
  func.func @transform_5(%arg0: i32) -> (i32, i32) {
    %c0_i32 = arith.constant 0 : i32
    %c0_i32_0 = arith.constant 0 : i32
    return %arg0, %c0_i32 : i32, i32
  }
  func.func @transform_6(%arg0: i32) -> (i32, i32) {
    %c0_i32 = arith.constant 0 : i32
    %c0_i32_0 = arith.constant 0 : i32
    %c0_i32_1 = arith.constant 0 : i32
    return %c0_i32, %c0_i32_0 : i32, i32
  }
}

module attributes {stable_mosaic.version = 14 : i64} {
  func.func @_pool_body(%arg0: i32, %arg1: memref<128x64x256xf32, #tpu.memory_space<vmem>>, %arg2: memref<128x256xf32, #tpu.memory_space<vmem>>) attributes {dimension_semantics = [#tpu.dimension_semantics<arbitrary>], iteration_bounds = array<i64: 16>, scalar_prefetch = 0 : i64, scratch_operands = 0 : i64, tpu.core_type = #tpu.core_type<tc>, window_params = [{transform_indices = @transform_0, window_bounds = array<i64: 128, 64, 256>}, {transform_indices = @transform_1, window_bounds = array<i64: 128, 256>}]} {
    %get3A = arith.constant 0 : index
    %get3A_0 = arith.constant 0 : index
    %get3A_1 = arith.constant 0 : index
    %get3A_2 = vector.load %arg1[%get3A, %get3A_0, %get3A_1] : memref<128x64x256xf32, #tpu.memory_space<vmem>>, vector<128x64x256xf32>
    %reduce_max3A = arith.constant dense<0xFF800000> : vector<128x256xf32>
    %reduce_max3A_3 = vector.multi_reduction <maximumf>, %get3A_2, %reduce_max3A [1] : vector<128x64x256xf32> to vector<128x256xf32>
    %swap3A = arith.constant 0 : index
    %swap3A_4 = arith.constant 0 : index
    %swap3A_5 = vector.load %arg2[%swap3A, %swap3A_4] : memref<128x256xf32, #tpu.memory_space<vmem>>, vector<128x256xf32>
    tpu.vector_store %arg2[%swap3A, %swap3A_4], %reduce_max3A_3 {strides = array<i32>} : memref<128x256xf32, #tpu.memory_space<vmem>>, vector<128x256xf32>,
    return
  }
  func.func @transform_0(%arg0: i32) -> (i32, i32, i32) {
    %c0_i32 = arith.constant 0 : i32
    %c0_i32_0 = arith.constant 0 : i32
    %c0_i32_1 = arith.constant 0 : i32
    return %arg0, %c0_i32, %c0_i32_0 : i32, i32, i32
  }
  func.func @transform_1(%arg0: i32) -> (i32, i32) {
    %c0_i32 = arith.constant 0 : i32
    %c0_i32_0 = arith.constant 0 : i32
    return %arg0, %c0_i32 : i32, i32
  }
}

module attributes {stable_mosaic.version = 14 : i64} {
  func.func @_stage2_body(%arg0: i32, %arg1: memref<2048x3xf32, #tpu.memory_space<vmem>>, %arg2: memref<2048x256xf32, #tpu.memory_space<vmem>>, %arg3: memref<259x256xf32, #tpu.memory_space<vmem>>, %arg4: memref<1x256xf32, #tpu.memory_space<vmem>>, %arg5: memref<1x256xf32, #tpu.memory_space<vmem>>, %arg6: memref<1x256xf32, #tpu.memory_space<vmem>>, %arg7: memref<2048x256xf32, #tpu.memory_space<vmem>>, %arg8: memref<2x256xf32, #tpu.memory_space<vmem>>) attributes {dimension_semantics = [#tpu.dimension_semantics<arbitrary>], iteration_bounds = array<i64: 1>, scalar_prefetch = 0 : i64, scratch_operands = 0 : i64, tpu.core_type = #tpu.core_type<tc>, window_params = [{transform_indices = @transform_0, window_bounds = array<i64: 2048, 3>}, {transform_indices = @transform_1, window_bounds = array<i64: 2048, 256>}, {pipeline_mode = #tpu.pipeline_mode<synchronous>, transform_indices = @transform_2, window_bounds = array<i64: 259, 256>}, {pipeline_mode = #tpu.pipeline_mode<synchronous>, transform_indices = @transform_3, window_bounds = array<i64: 1, 256>}, {pipeline_mode = #tpu.pipeline_mode<synchronous>, transform_indices = @transform_4, window_bounds = array<i64: 1, 256>}, {pipeline_mode = #tpu.pipeline_mode<synchronous>, transform_indices = @transform_5, window_bounds = array<i64: 1, 256>}, {transform_indices = @transform_6, window_bounds = array<i64: 2048, 256>}, {pipeline_mode = #tpu.pipeline_mode<synchronous>, transform_indices = @transform_7, window_bounds = array<i64: 2, 256>}]} {
    %get3A = arith.constant 0 : index
    %get3A_0 = arith.constant 0 : index
    %get3A_1 = vector.load %arg1[%get3A, %get3A_0] : memref<2048x3xf32, #tpu.memory_space<vmem>>, vector<2048x3xf32>
    %get3A_2 = arith.constant 0 : index
    %get3A_3 = arith.constant 0 : index
    %get3A_4 = vector.load %arg2[%get3A_2, %get3A_3] : memref<2048x256xf32, #tpu.memory_space<vmem>>, vector<2048x256xf32>
    %get3A_5 = arith.constant 0 : index
    %get3A_6 = arith.constant 0 : index
    %get3A_7 = vector.load %arg5[%get3A_5, %get3A_6] : memref<1x256xf32, #tpu.memory_space<vmem>>, vector<1x256xf32>
    %mul3A = vector.broadcast %get3A_7 : vector<1x256xf32> to vector<2048x256xf32>
    %mul3A_8 = arith.mulf %get3A_4, %mul3A : vector<2048x256xf32>
    %get3A_9 = arith.constant 0 : index
    %get3A_10 = arith.constant 0 : index
    %get3A_11 = vector.load %arg6[%get3A_9, %get3A_10] : memref<1x256xf32, #tpu.memory_space<vmem>>, vector<1x256xf32>
    %add3A = vector.broadcast %get3A_11 : vector<1x256xf32> to vector<2048x256xf32>
    %add3A_12 = arith.addf %mul3A_8, %add3A : vector<2048x256xf32>
    %max3A = arith.constant 0.000000e+00 : f32
    %max3A_13 = vector.broadcast %max3A : f32 to vector<2048x256xf32>
    %max3A_14 = arith.maximumf %add3A_12, %max3A_13 : vector<2048x256xf32>
    %concatenate3A = tpu.concatenate %get3A_1, %max3A_14 in 1 : vector<2048x3xf32>, vector<2048x256xf32> -> vector<2048x259xf32>
    %get3A_15 = arith.constant 0 : index
    %get3A_16 = arith.constant 0 : index
    %get3A_17 = vector.load %arg3[%get3A_15, %get3A_16] : memref<259x256xf32, #tpu.memory_space<vmem>>, vector<259x256xf32>
    %dot_general3A = arith.constant dense<0.000000e+00> : vector<2048x256xf32>
    %dot_general3A_18 = tpu.matmul %concatenate3A, %get3A_17, %dot_general3A {dimension_numbers = #tpu.dot_dimension_numbers<[1], [0], [0], [1], [0, 0, 1, 1], [], []>, transpose_lhs_hint = false} : vector<2048x259xf32>, vector<259x256xf32>, vector<2048x256xf32> -> vector<2048x256xf32>
    %get3A_19 = arith.constant 0 : index
    %get3A_20 = arith.constant 0 : index
    %get3A_21 = vector.load %arg4[%get3A_19, %get3A_20] : memref<1x256xf32, #tpu.memory_space<vmem>>, vector<1x256xf32>
    %add3A_22 = vector.broadcast %get3A_21 : vector<1x256xf32> to vector<2048x256xf32>
    %add3A_23 = arith.addf %dot_general3A_18, %add3A_22 : vector<2048x256xf32>
    %swap3A = arith.constant 0 : index
    %swap3A_24 = arith.constant 0 : index
    %swap3A_25 = vector.load %arg7[%swap3A, %swap3A_24] : memref<2048x256xf32, #tpu.memory_space<vmem>>, vector<2048x256xf32>
    tpu.vector_store %arg7[%swap3A, %swap3A_24], %add3A_23 {strides = array<i32>} : memref<2048x256xf32, #tpu.memory_space<vmem>>, vector<2048x256xf32>,
    %reduce_sum3A = arith.constant dense<0.000000e+00> : vector<256xf32>
    %reduce_sum3A_26 = vector.multi_reduction <add>, %add3A_23, %reduce_sum3A [0] : vector<2048x256xf32> to vector<256xf32>
    %broadcast_in_dim3A = vector.shape_cast %reduce_sum3A_26 : vector<256xf32> to vector<1x256xf32>
    %mul3A_27 = arith.mulf %add3A_23, %add3A_23 : vector<2048x256xf32>
    %reduce_sum3A_28 = arith.constant dense<0.000000e+00> : vector<256xf32>
    %reduce_sum3A_29 = vector.multi_reduction <add>, %mul3A_27, %reduce_sum3A_28 [0] : vector<2048x256xf32> to vector<256xf32>
    %broadcast_in_dim3A_30 = vector.shape_cast %reduce_sum3A_29 : vector<256xf32> to vector<1x256xf32>
    %concatenate3A_31 = tpu.concatenate %broadcast_in_dim3A, %broadcast_in_dim3A_30 in 0 : vector<1x256xf32>, vector<1x256xf32> -> vector<2x256xf32>
    %eq3A = arith.constant 0 : i32
    %eq3A_32 = arith.cmpi eq, %arg0, %eq3A : i32
    %convert_element_type3A = arith.extui %eq3A_32 : i1 to i32
    %cond3A = arith.constant 0 : i32
    %cond3A_33 = arith.cmpi ne, %convert_element_type3A, %cond3A : i32
    scf.if %cond3A_33 {
      %swap3A_38 = arith.constant 0 : index
      %swap3A_39 = arith.constant 0 : index
      %swap3A_40 = vector.load %arg8[%swap3A_38, %swap3A_39] : memref<2x256xf32, #tpu.memory_space<vmem>>, vector<2x256xf32>
      tpu.vector_store %arg8[%swap3A_38, %swap3A_39], %concatenate3A_31 {strides = array<i32>} : memref<2x256xf32, #tpu.memory_space<vmem>>, vector<2x256xf32>,
    } else {
    }
    %ne3A = arith.constant 0 : i32
    %ne3A_34 = arith.cmpi ne, %arg0, %ne3A : i32
    %convert_element_type3A_35 = arith.extui %ne3A_34 : i1 to i32
    %cond3A_36 = arith.constant 0 : i32
    %cond3A_37 = arith.cmpi ne, %convert_element_type3A_35, %cond3A_36 : i32
    scf.if %cond3A_37 {
      %get3A_38 = arith.constant 0 : index
      %get3A_39 = arith.constant 0 : index
      %get3A_40 = vector.load %arg8[%get3A_38, %get3A_39] : memref<2x256xf32, #tpu.memory_space<vmem>>, vector<2x256xf32>
      %add3A_41 = arith.addf %get3A_40, %concatenate3A_31 : vector<2x256xf32>
      %swap3A_42 = arith.constant 0 : index
      %swap3A_43 = arith.constant 0 : index
      %swap3A_44 = vector.load %arg8[%swap3A_42, %swap3A_43] : memref<2x256xf32, #tpu.memory_space<vmem>>, vector<2x256xf32>
      tpu.vector_store %arg8[%swap3A_42, %swap3A_43], %add3A_41 {strides = array<i32>} : memref<2x256xf32, #tpu.memory_space<vmem>>, vector<2x256xf32>,
    } else {
    }
    return
  }
  func.func @transform_0(%arg0: i32) -> (i32, i32) {
    %c0_i32 = arith.constant 0 : i32
    %c0_i32_0 = arith.constant 0 : i32
    return %arg0, %c0_i32 : i32, i32
  }
  func.func @transform_1(%arg0: i32) -> (i32, i32) {
    %c0_i32 = arith.constant 0 : i32
    %c0_i32_0 = arith.constant 0 : i32
    return %arg0, %c0_i32 : i32, i32
  }
  func.func @transform_2(%arg0: i32) -> (i32, i32) {
    %c0_i32 = arith.constant 0 : i32
    %c0_i32_0 = arith.constant 0 : i32
    %c0_i32_1 = arith.constant 0 : i32
    return %c0_i32, %c0_i32_0 : i32, i32
  }
  func.func @transform_3(%arg0: i32) -> (i32, i32) {
    %c0_i32 = arith.constant 0 : i32
    %c0_i32_0 = arith.constant 0 : i32
    %c0_i32_1 = arith.constant 0 : i32
    return %c0_i32, %c0_i32_0 : i32, i32
  }
  func.func @transform_4(%arg0: i32) -> (i32, i32) {
    %c0_i32 = arith.constant 0 : i32
    %c0_i32_0 = arith.constant 0 : i32
    %c0_i32_1 = arith.constant 0 : i32
    return %c0_i32, %c0_i32_0 : i32, i32
  }
  func.func @transform_5(%arg0: i32) -> (i32, i32) {
    %c0_i32 = arith.constant 0 : i32
    %c0_i32_0 = arith.constant 0 : i32
    %c0_i32_1 = arith.constant 0 : i32
    return %c0_i32, %c0_i32_0 : i32, i32
  }
  func.func @transform_6(%arg0: i32) -> (i32, i32) {
    %c0_i32 = arith.constant 0 : i32
    %c0_i32_0 = arith.constant 0 : i32
    return %arg0, %c0_i32 : i32, i32
  }
  func.func @transform_7(%arg0: i32) -> (i32, i32) {
    %c0_i32 = arith.constant 0 : i32
    %c0_i32_0 = arith.constant 0 : i32
    %c0_i32_1 = arith.constant 0 : i32
    return %c0_i32, %c0_i32_0 : i32, i32
  }
}

module attributes {stable_mosaic.version = 14 : i64} {
  func.func @_stage_body(%arg0: i32, %arg1: memref<2048x256xf32, #tpu.memory_space<vmem>>, %arg2: memref<256x512xf32, #tpu.memory_space<vmem>>, %arg3: memref<1x512xf32, #tpu.memory_space<vmem>>, %arg4: memref<1x256xf32, #tpu.memory_space<vmem>>, %arg5: memref<1x256xf32, #tpu.memory_space<vmem>>, %arg6: memref<2048x512xf32, #tpu.memory_space<vmem>>, %arg7: memref<2x512xf32, #tpu.memory_space<vmem>>) attributes {dimension_semantics = [#tpu.dimension_semantics<arbitrary>], iteration_bounds = array<i64: 1>, scalar_prefetch = 0 : i64, scratch_operands = 0 : i64, tpu.core_type = #tpu.core_type<tc>, window_params = [{transform_indices = @transform_0, window_bounds = array<i64: 2048, 256>}, {pipeline_mode = #tpu.pipeline_mode<synchronous>, transform_indices = @transform_1, window_bounds = array<i64: 256, 512>}, {pipeline_mode = #tpu.pipeline_mode<synchronous>, transform_indices = @transform_2, window_bounds = array<i64: 1, 512>}, {pipeline_mode = #tpu.pipeline_mode<synchronous>, transform_indices = @transform_3, window_bounds = array<i64: 1, 256>}, {pipeline_mode = #tpu.pipeline_mode<synchronous>, transform_indices = @transform_4, window_bounds = array<i64: 1, 256>}, {transform_indices = @transform_5, window_bounds = array<i64: 2048, 512>}, {pipeline_mode = #tpu.pipeline_mode<synchronous>, transform_indices = @transform_6, window_bounds = array<i64: 2, 512>}]} {
    %get3A = arith.constant 0 : index
    %get3A_0 = arith.constant 0 : index
    %get3A_1 = vector.load %arg1[%get3A, %get3A_0] : memref<2048x256xf32, #tpu.memory_space<vmem>>, vector<2048x256xf32>
    %get3A_2 = arith.constant 0 : index
    %get3A_3 = arith.constant 0 : index
    %get3A_4 = vector.load %arg4[%get3A_2, %get3A_3] : memref<1x256xf32, #tpu.memory_space<vmem>>, vector<1x256xf32>
    %mul3A = vector.broadcast %get3A_4 : vector<1x256xf32> to vector<2048x256xf32>
    %mul3A_5 = arith.mulf %get3A_1, %mul3A : vector<2048x256xf32>
    %get3A_6 = arith.constant 0 : index
    %get3A_7 = arith.constant 0 : index
    %get3A_8 = vector.load %arg5[%get3A_6, %get3A_7] : memref<1x256xf32, #tpu.memory_space<vmem>>, vector<1x256xf32>
    %add3A = vector.broadcast %get3A_8 : vector<1x256xf32> to vector<2048x256xf32>
    %add3A_9 = arith.addf %mul3A_5, %add3A : vector<2048x256xf32>
    %max3A = arith.constant 0.000000e+00 : f32
    %max3A_10 = vector.broadcast %max3A : f32 to vector<2048x256xf32>
    %max3A_11 = arith.maximumf %add3A_9, %max3A_10 : vector<2048x256xf32>
    %get3A_12 = arith.constant 0 : index
    %get3A_13 = arith.constant 0 : index
    %get3A_14 = vector.load %arg2[%get3A_12, %get3A_13] : memref<256x512xf32, #tpu.memory_space<vmem>>, vector<256x512xf32>
    %dot_general3A = arith.constant dense<0.000000e+00> : vector<2048x512xf32>
    %dot_general3A_15 = tpu.matmul %max3A_11, %get3A_14, %dot_general3A {dimension_numbers = #tpu.dot_dimension_numbers<[1], [0], [0], [1], [0, 0, 1, 1], [], []>, transpose_lhs_hint = false} : vector<2048x256xf32>, vector<256x512xf32>, vector<2048x512xf32> -> vector<2048x512xf32>
    %get3A_16 = arith.constant 0 : index
    %get3A_17 = arith.constant 0 : index
    %get3A_18 = vector.load %arg3[%get3A_16, %get3A_17] : memref<1x512xf32, #tpu.memory_space<vmem>>, vector<1x512xf32>
    %add3A_19 = vector.broadcast %get3A_18 : vector<1x512xf32> to vector<2048x512xf32>
    %add3A_20 = arith.addf %dot_general3A_15, %add3A_19 : vector<2048x512xf32>
    %swap3A = arith.constant 0 : index
    %swap3A_21 = arith.constant 0 : index
    %swap3A_22 = vector.load %arg6[%swap3A, %swap3A_21] : memref<2048x512xf32, #tpu.memory_space<vmem>>, vector<2048x512xf32>
    tpu.vector_store %arg6[%swap3A, %swap3A_21], %add3A_20 {strides = array<i32>} : memref<2048x512xf32, #tpu.memory_space<vmem>>, vector<2048x512xf32>,
    %reduce_sum3A = arith.constant dense<0.000000e+00> : vector<512xf32>
    %reduce_sum3A_23 = vector.multi_reduction <add>, %add3A_20, %reduce_sum3A [0] : vector<2048x512xf32> to vector<512xf32>
    %broadcast_in_dim3A = vector.shape_cast %reduce_sum3A_23 : vector<512xf32> to vector<1x512xf32>
    %mul3A_24 = arith.mulf %add3A_20, %add3A_20 : vector<2048x512xf32>
    %reduce_sum3A_25 = arith.constant dense<0.000000e+00> : vector<512xf32>
    %reduce_sum3A_26 = vector.multi_reduction <add>, %mul3A_24, %reduce_sum3A_25 [0] : vector<2048x512xf32> to vector<512xf32>
    %broadcast_in_dim3A_27 = vector.shape_cast %reduce_sum3A_26 : vector<512xf32> to vector<1x512xf32>
    %concatenate3A = tpu.concatenate %broadcast_in_dim3A, %broadcast_in_dim3A_27 in 0 : vector<1x512xf32>, vector<1x512xf32> -> vector<2x512xf32>
    %eq3A = arith.constant 0 : i32
    %eq3A_28 = arith.cmpi eq, %arg0, %eq3A : i32
    %convert_element_type3A = arith.extui %eq3A_28 : i1 to i32
    %cond3A = arith.constant 0 : i32
    %cond3A_29 = arith.cmpi ne, %convert_element_type3A, %cond3A : i32
    scf.if %cond3A_29 {
      %swap3A_34 = arith.constant 0 : index
      %swap3A_35 = arith.constant 0 : index
      %swap3A_36 = vector.load %arg7[%swap3A_34, %swap3A_35] : memref<2x512xf32, #tpu.memory_space<vmem>>, vector<2x512xf32>
      tpu.vector_store %arg7[%swap3A_34, %swap3A_35], %concatenate3A {strides = array<i32>} : memref<2x512xf32, #tpu.memory_space<vmem>>, vector<2x512xf32>,
    } else {
    }
    %ne3A = arith.constant 0 : i32
    %ne3A_30 = arith.cmpi ne, %arg0, %ne3A : i32
    %convert_element_type3A_31 = arith.extui %ne3A_30 : i1 to i32
    %cond3A_32 = arith.constant 0 : i32
    %cond3A_33 = arith.cmpi ne, %convert_element_type3A_31, %cond3A_32 : i32
    scf.if %cond3A_33 {
      %get3A_34 = arith.constant 0 : index
      %get3A_35 = arith.constant 0 : index
      %get3A_36 = vector.load %arg7[%get3A_34, %get3A_35] : memref<2x512xf32, #tpu.memory_space<vmem>>, vector<2x512xf32>
      %add3A_37 = arith.addf %get3A_36, %concatenate3A : vector<2x512xf32>
      %swap3A_38 = arith.constant 0 : index
      %swap3A_39 = arith.constant 0 : index
      %swap3A_40 = vector.load %arg7[%swap3A_38, %swap3A_39] : memref<2x512xf32, #tpu.memory_space<vmem>>, vector<2x512xf32>
      tpu.vector_store %arg7[%swap3A_38, %swap3A_39], %add3A_37 {strides = array<i32>} : memref<2x512xf32, #tpu.memory_space<vmem>>, vector<2x512xf32>,
    } else {
    }
    return
  }
  func.func @transform_0(%arg0: i32) -> (i32, i32) {
    %c0_i32 = arith.constant 0 : i32
    %c0_i32_0 = arith.constant 0 : i32
    return %arg0, %c0_i32 : i32, i32
  }
  func.func @transform_1(%arg0: i32) -> (i32, i32) {
    %c0_i32 = arith.constant 0 : i32
    %c0_i32_0 = arith.constant 0 : i32
    %c0_i32_1 = arith.constant 0 : i32
    return %c0_i32, %c0_i32_0 : i32, i32
  }
  func.func @transform_2(%arg0: i32) -> (i32, i32) {
    %c0_i32 = arith.constant 0 : i32
    %c0_i32_0 = arith.constant 0 : i32
    %c0_i32_1 = arith.constant 0 : i32
    return %c0_i32, %c0_i32_0 : i32, i32
  }
  func.func @transform_3(%arg0: i32) -> (i32, i32) {
    %c0_i32 = arith.constant 0 : i32
    %c0_i32_0 = arith.constant 0 : i32
    %c0_i32_1 = arith.constant 0 : i32
    return %c0_i32, %c0_i32_0 : i32, i32
  }
  func.func @transform_4(%arg0: i32) -> (i32, i32) {
    %c0_i32 = arith.constant 0 : i32
    %c0_i32_0 = arith.constant 0 : i32
    %c0_i32_1 = arith.constant 0 : i32
    return %c0_i32, %c0_i32_0 : i32, i32
  }
  func.func @transform_5(%arg0: i32) -> (i32, i32) {
    %c0_i32 = arith.constant 0 : i32
    %c0_i32_0 = arith.constant 0 : i32
    return %arg0, %c0_i32 : i32, i32
  }
  func.func @transform_6(%arg0: i32) -> (i32, i32) {
    %c0_i32 = arith.constant 0 : i32
    %c0_i32_0 = arith.constant 0 : i32
    %c0_i32_1 = arith.constant 0 : i32
    return %c0_i32, %c0_i32_0 : i32, i32
  }
}

module attributes {stable_mosaic.version = 14 : i64} {
  func.func @_stage_body(%arg0: i32, %arg1: memref<2048x512xf32, #tpu.memory_space<vmem>>, %arg2: memref<512x1024xf32, #tpu.memory_space<vmem>>, %arg3: memref<1x1024xf32, #tpu.memory_space<vmem>>, %arg4: memref<1x512xf32, #tpu.memory_space<vmem>>, %arg5: memref<1x512xf32, #tpu.memory_space<vmem>>, %arg6: memref<2048x1024xf32, #tpu.memory_space<vmem>>, %arg7: memref<2x1024xf32, #tpu.memory_space<vmem>>) attributes {dimension_semantics = [#tpu.dimension_semantics<arbitrary>], iteration_bounds = array<i64: 1>, scalar_prefetch = 0 : i64, scratch_operands = 0 : i64, tpu.core_type = #tpu.core_type<tc>, window_params = [{transform_indices = @transform_0, window_bounds = array<i64: 2048, 512>}, {pipeline_mode = #tpu.pipeline_mode<synchronous>, transform_indices = @transform_1, window_bounds = array<i64: 512, 1024>}, {pipeline_mode = #tpu.pipeline_mode<synchronous>, transform_indices = @transform_2, window_bounds = array<i64: 1, 1024>}, {pipeline_mode = #tpu.pipeline_mode<synchronous>, transform_indices = @transform_3, window_bounds = array<i64: 1, 512>}, {pipeline_mode = #tpu.pipeline_mode<synchronous>, transform_indices = @transform_4, window_bounds = array<i64: 1, 512>}, {transform_indices = @transform_5, window_bounds = array<i64: 2048, 1024>}, {pipeline_mode = #tpu.pipeline_mode<synchronous>, transform_indices = @transform_6, window_bounds = array<i64: 2, 1024>}]} {
    %get3A = arith.constant 0 : index
    %get3A_0 = arith.constant 0 : index
    %get3A_1 = vector.load %arg1[%get3A, %get3A_0] : memref<2048x512xf32, #tpu.memory_space<vmem>>, vector<2048x512xf32>
    %get3A_2 = arith.constant 0 : index
    %get3A_3 = arith.constant 0 : index
    %get3A_4 = vector.load %arg4[%get3A_2, %get3A_3] : memref<1x512xf32, #tpu.memory_space<vmem>>, vector<1x512xf32>
    %mul3A = vector.broadcast %get3A_4 : vector<1x512xf32> to vector<2048x512xf32>
    %mul3A_5 = arith.mulf %get3A_1, %mul3A : vector<2048x512xf32>
    %get3A_6 = arith.constant 0 : index
    %get3A_7 = arith.constant 0 : index
    %get3A_8 = vector.load %arg5[%get3A_6, %get3A_7] : memref<1x512xf32, #tpu.memory_space<vmem>>, vector<1x512xf32>
    %add3A = vector.broadcast %get3A_8 : vector<1x512xf32> to vector<2048x512xf32>
    %add3A_9 = arith.addf %mul3A_5, %add3A : vector<2048x512xf32>
    %max3A = arith.constant 0.000000e+00 : f32
    %max3A_10 = vector.broadcast %max3A : f32 to vector<2048x512xf32>
    %max3A_11 = arith.maximumf %add3A_9, %max3A_10 : vector<2048x512xf32>
    %get3A_12 = arith.constant 0 : index
    %get3A_13 = arith.constant 0 : index
    %get3A_14 = vector.load %arg2[%get3A_12, %get3A_13] : memref<512x1024xf32, #tpu.memory_space<vmem>>, vector<512x1024xf32>
    %dot_general3A = arith.constant dense<0.000000e+00> : vector<2048x1024xf32>
    %dot_general3A_15 = tpu.matmul %max3A_11, %get3A_14, %dot_general3A {dimension_numbers = #tpu.dot_dimension_numbers<[1], [0], [0], [1], [0, 0, 1, 1], [], []>, transpose_lhs_hint = false} : vector<2048x512xf32>, vector<512x1024xf32>, vector<2048x1024xf32> -> vector<2048x1024xf32>
    %get3A_16 = arith.constant 0 : index
    %get3A_17 = arith.constant 0 : index
    %get3A_18 = vector.load %arg3[%get3A_16, %get3A_17] : memref<1x1024xf32, #tpu.memory_space<vmem>>, vector<1x1024xf32>
    %add3A_19 = vector.broadcast %get3A_18 : vector<1x1024xf32> to vector<2048x1024xf32>
    %add3A_20 = arith.addf %dot_general3A_15, %add3A_19 : vector<2048x1024xf32>
    %swap3A = arith.constant 0 : index
    %swap3A_21 = arith.constant 0 : index
    %swap3A_22 = vector.load %arg6[%swap3A, %swap3A_21] : memref<2048x1024xf32, #tpu.memory_space<vmem>>, vector<2048x1024xf32>
    tpu.vector_store %arg6[%swap3A, %swap3A_21], %add3A_20 {strides = array<i32>} : memref<2048x1024xf32, #tpu.memory_space<vmem>>, vector<2048x1024xf32>,
    %reduce_sum3A = arith.constant dense<0.000000e+00> : vector<1024xf32>
    %reduce_sum3A_23 = vector.multi_reduction <add>, %add3A_20, %reduce_sum3A [0] : vector<2048x1024xf32> to vector<1024xf32>
    %broadcast_in_dim3A = vector.shape_cast %reduce_sum3A_23 : vector<1024xf32> to vector<1x1024xf32>
    %mul3A_24 = arith.mulf %add3A_20, %add3A_20 : vector<2048x1024xf32>
    %reduce_sum3A_25 = arith.constant dense<0.000000e+00> : vector<1024xf32>
    %reduce_sum3A_26 = vector.multi_reduction <add>, %mul3A_24, %reduce_sum3A_25 [0] : vector<2048x1024xf32> to vector<1024xf32>
    %broadcast_in_dim3A_27 = vector.shape_cast %reduce_sum3A_26 : vector<1024xf32> to vector<1x1024xf32>
    %concatenate3A = tpu.concatenate %broadcast_in_dim3A, %broadcast_in_dim3A_27 in 0 : vector<1x1024xf32>, vector<1x1024xf32> -> vector<2x1024xf32>
    %eq3A = arith.constant 0 : i32
    %eq3A_28 = arith.cmpi eq, %arg0, %eq3A : i32
    %convert_element_type3A = arith.extui %eq3A_28 : i1 to i32
    %cond3A = arith.constant 0 : i32
    %cond3A_29 = arith.cmpi ne, %convert_element_type3A, %cond3A : i32
    scf.if %cond3A_29 {
      %swap3A_34 = arith.constant 0 : index
      %swap3A_35 = arith.constant 0 : index
      %swap3A_36 = vector.load %arg7[%swap3A_34, %swap3A_35] : memref<2x1024xf32, #tpu.memory_space<vmem>>, vector<2x1024xf32>
      tpu.vector_store %arg7[%swap3A_34, %swap3A_35], %concatenate3A {strides = array<i32>} : memref<2x1024xf32, #tpu.memory_space<vmem>>, vector<2x1024xf32>,
    } else {
    }
    %ne3A = arith.constant 0 : i32
    %ne3A_30 = arith.cmpi ne, %arg0, %ne3A : i32
    %convert_element_type3A_31 = arith.extui %ne3A_30 : i1 to i32
    %cond3A_32 = arith.constant 0 : i32
    %cond3A_33 = arith.cmpi ne, %convert_element_type3A_31, %cond3A_32 : i32
    scf.if %cond3A_33 {
      %get3A_34 = arith.constant 0 : index
      %get3A_35 = arith.constant 0 : index
      %get3A_36 = vector.load %arg7[%get3A_34, %get3A_35] : memref<2x1024xf32, #tpu.memory_space<vmem>>, vector<2x1024xf32>
      %add3A_37 = arith.addf %get3A_36, %concatenate3A : vector<2x1024xf32>
      %swap3A_38 = arith.constant 0 : index
      %swap3A_39 = arith.constant 0 : index
      %swap3A_40 = vector.load %arg7[%swap3A_38, %swap3A_39] : memref<2x1024xf32, #tpu.memory_space<vmem>>, vector<2x1024xf32>
      tpu.vector_store %arg7[%swap3A_38, %swap3A_39], %add3A_37 {strides = array<i32>} : memref<2x1024xf32, #tpu.memory_space<vmem>>, vector<2x1024xf32>,
    } else {
    }
    return
  }
  func.func @transform_0(%arg0: i32) -> (i32, i32) {
    %c0_i32 = arith.constant 0 : i32
    %c0_i32_0 = arith.constant 0 : i32
    return %arg0, %c0_i32 : i32, i32
  }
  func.func @transform_1(%arg0: i32) -> (i32, i32) {
    %c0_i32 = arith.constant 0 : i32
    %c0_i32_0 = arith.constant 0 : i32
    %c0_i32_1 = arith.constant 0 : i32
    return %c0_i32, %c0_i32_0 : i32, i32
  }
  func.func @transform_2(%arg0: i32) -> (i32, i32) {
    %c0_i32 = arith.constant 0 : i32
    %c0_i32_0 = arith.constant 0 : i32
    %c0_i32_1 = arith.constant 0 : i32
    return %c0_i32, %c0_i32_0 : i32, i32
  }
  func.func @transform_3(%arg0: i32) -> (i32, i32) {
    %c0_i32 = arith.constant 0 : i32
    %c0_i32_0 = arith.constant 0 : i32
    %c0_i32_1 = arith.constant 0 : i32
    return %c0_i32, %c0_i32_0 : i32, i32
  }
  func.func @transform_4(%arg0: i32) -> (i32, i32) {
    %c0_i32 = arith.constant 0 : i32
    %c0_i32_0 = arith.constant 0 : i32
    %c0_i32_1 = arith.constant 0 : i32
    return %c0_i32, %c0_i32_0 : i32, i32
  }
  func.func @transform_5(%arg0: i32) -> (i32, i32) {
    %c0_i32 = arith.constant 0 : i32
    %c0_i32_0 = arith.constant 0 : i32
    return %arg0, %c0_i32 : i32, i32
  }
  func.func @transform_6(%arg0: i32) -> (i32, i32) {
    %c0_i32 = arith.constant 0 : i32
    %c0_i32_0 = arith.constant 0 : i32
    %c0_i32_1 = arith.constant 0 : i32
    return %c0_i32, %c0_i32_0 : i32, i32
  }
}

module attributes {stable_mosaic.version = 14 : i64} {
  func.func @_pool_body(%arg0: i32, %arg1: memref<16x128x1024xf32, #tpu.memory_space<vmem>>, %arg2: memref<16x1024xf32, #tpu.memory_space<vmem>>) attributes {dimension_semantics = [#tpu.dimension_semantics<arbitrary>], iteration_bounds = array<i64: 1>, scalar_prefetch = 0 : i64, scratch_operands = 0 : i64, tpu.core_type = #tpu.core_type<tc>, window_params = [{transform_indices = @transform_0, window_bounds = array<i64: 16, 128, 1024>}, {transform_indices = @transform_1, window_bounds = array<i64: 16, 1024>}]} {
    %get3A = arith.constant 0 : index
    %get3A_0 = arith.constant 0 : index
    %get3A_1 = arith.constant 0 : index
    %get3A_2 = vector.load %arg1[%get3A, %get3A_0, %get3A_1] : memref<16x128x1024xf32, #tpu.memory_space<vmem>>, vector<16x128x1024xf32>
    %reduce_max3A = arith.constant dense<0xFF800000> : vector<16x1024xf32>
    %reduce_max3A_3 = vector.multi_reduction <maximumf>, %get3A_2, %reduce_max3A [1] : vector<16x128x1024xf32> to vector<16x1024xf32>
    %swap3A = arith.constant 0 : index
    %swap3A_4 = arith.constant 0 : index
    %swap3A_5 = vector.load %arg2[%swap3A, %swap3A_4] : memref<16x1024xf32, #tpu.memory_space<vmem>>, vector<16x1024xf32>
    tpu.vector_store %arg2[%swap3A, %swap3A_4], %reduce_max3A_3 {strides = array<i32>} : memref<16x1024xf32, #tpu.memory_space<vmem>>, vector<16x1024xf32>,
    return
  }
  func.func @transform_0(%arg0: i32) -> (i32, i32, i32) {
    %c0_i32 = arith.constant 0 : i32
    %c0_i32_0 = arith.constant 0 : i32
    %c0_i32_1 = arith.constant 0 : i32
    return %arg0, %c0_i32, %c0_i32_0 : i32, i32, i32
  }
  func.func @transform_1(%arg0: i32) -> (i32, i32) {
    %c0_i32 = arith.constant 0 : i32
    %c0_i32_0 = arith.constant 0 : i32
    return %arg0, %c0_i32 : i32, i32
  }
}

module attributes {stable_mosaic.version = 14 : i64} {
  func.func @_stage_body(%arg0: i32, %arg1: memref<2048x1280xf32, #tpu.memory_space<vmem>>, %arg2: memref<1280x256xf32, #tpu.memory_space<vmem>>, %arg3: memref<1x256xf32, #tpu.memory_space<vmem>>, %arg4: memref<1x1280xf32, #tpu.memory_space<vmem>>, %arg5: memref<1x1280xf32, #tpu.memory_space<vmem>>, %arg6: memref<2048x256xf32, #tpu.memory_space<vmem>>, %arg7: memref<2x256xf32, #tpu.memory_space<vmem>>) attributes {dimension_semantics = [#tpu.dimension_semantics<arbitrary>], iteration_bounds = array<i64: 1>, scalar_prefetch = 0 : i64, scratch_operands = 0 : i64, tpu.core_type = #tpu.core_type<tc>, window_params = [{transform_indices = @transform_0, window_bounds = array<i64: 2048, 1280>}, {pipeline_mode = #tpu.pipeline_mode<synchronous>, transform_indices = @transform_1, window_bounds = array<i64: 1280, 256>}, {pipeline_mode = #tpu.pipeline_mode<synchronous>, transform_indices = @transform_2, window_bounds = array<i64: 1, 256>}, {pipeline_mode = #tpu.pipeline_mode<synchronous>, transform_indices = @transform_3, window_bounds = array<i64: 1, 1280>}, {pipeline_mode = #tpu.pipeline_mode<synchronous>, transform_indices = @transform_4, window_bounds = array<i64: 1, 1280>}, {transform_indices = @transform_5, window_bounds = array<i64: 2048, 256>}, {pipeline_mode = #tpu.pipeline_mode<synchronous>, transform_indices = @transform_6, window_bounds = array<i64: 2, 256>}]} {
    %get3A = arith.constant 0 : index
    %get3A_0 = arith.constant 0 : index
    %get3A_1 = vector.load %arg1[%get3A, %get3A_0] : memref<2048x1280xf32, #tpu.memory_space<vmem>>, vector<2048x1280xf32>
    %get3A_2 = arith.constant 0 : index
    %get3A_3 = arith.constant 0 : index
    %get3A_4 = vector.load %arg4[%get3A_2, %get3A_3] : memref<1x1280xf32, #tpu.memory_space<vmem>>, vector<1x1280xf32>
    %mul3A = vector.broadcast %get3A_4 : vector<1x1280xf32> to vector<2048x1280xf32>
    %mul3A_5 = arith.mulf %get3A_1, %mul3A : vector<2048x1280xf32>
    %get3A_6 = arith.constant 0 : index
    %get3A_7 = arith.constant 0 : index
    %get3A_8 = vector.load %arg5[%get3A_6, %get3A_7] : memref<1x1280xf32, #tpu.memory_space<vmem>>, vector<1x1280xf32>
    %add3A = vector.broadcast %get3A_8 : vector<1x1280xf32> to vector<2048x1280xf32>
    %add3A_9 = arith.addf %mul3A_5, %add3A : vector<2048x1280xf32>
    %max3A = arith.constant 0.000000e+00 : f32
    %max3A_10 = vector.broadcast %max3A : f32 to vector<2048x1280xf32>
    %max3A_11 = arith.maximumf %add3A_9, %max3A_10 : vector<2048x1280xf32>
    %get3A_12 = arith.constant 0 : index
    %get3A_13 = arith.constant 0 : index
    %get3A_14 = vector.load %arg2[%get3A_12, %get3A_13] : memref<1280x256xf32, #tpu.memory_space<vmem>>, vector<1280x256xf32>
    %dot_general3A = arith.constant dense<0.000000e+00> : vector<2048x256xf32>
    %dot_general3A_15 = tpu.matmul %max3A_11, %get3A_14, %dot_general3A {dimension_numbers = #tpu.dot_dimension_numbers<[1], [0], [0], [1], [0, 0, 1, 1], [], []>, transpose_lhs_hint = false} : vector<2048x1280xf32>, vector<1280x256xf32>, vector<2048x256xf32> -> vector<2048x256xf32>
    %get3A_16 = arith.constant 0 : index
    %get3A_17 = arith.constant 0 : index
    %get3A_18 = vector.load %arg3[%get3A_16, %get3A_17] : memref<1x256xf32, #tpu.memory_space<vmem>>, vector<1x256xf32>
    %add3A_19 = vector.broadcast %get3A_18 : vector<1x256xf32> to vector<2048x256xf32>
    %add3A_20 = arith.addf %dot_general3A_15, %add3A_19 : vector<2048x256xf32>
    %swap3A = arith.constant 0 : index
    %swap3A_21 = arith.constant 0 : index
    %swap3A_22 = vector.load %arg6[%swap3A, %swap3A_21] : memref<2048x256xf32, #tpu.memory_space<vmem>>, vector<2048x256xf32>
    tpu.vector_store %arg6[%swap3A, %swap3A_21], %add3A_20 {strides = array<i32>} : memref<2048x256xf32, #tpu.memory_space<vmem>>, vector<2048x256xf32>,
    %reduce_sum3A = arith.constant dense<0.000000e+00> : vector<256xf32>
    %reduce_sum3A_23 = vector.multi_reduction <add>, %add3A_20, %reduce_sum3A [0] : vector<2048x256xf32> to vector<256xf32>
    %broadcast_in_dim3A = vector.shape_cast %reduce_sum3A_23 : vector<256xf32> to vector<1x256xf32>
    %mul3A_24 = arith.mulf %add3A_20, %add3A_20 : vector<2048x256xf32>
    %reduce_sum3A_25 = arith.constant dense<0.000000e+00> : vector<256xf32>
    %reduce_sum3A_26 = vector.multi_reduction <add>, %mul3A_24, %reduce_sum3A_25 [0] : vector<2048x256xf32> to vector<256xf32>
    %broadcast_in_dim3A_27 = vector.shape_cast %reduce_sum3A_26 : vector<256xf32> to vector<1x256xf32>
    %concatenate3A = tpu.concatenate %broadcast_in_dim3A, %broadcast_in_dim3A_27 in 0 : vector<1x256xf32>, vector<1x256xf32> -> vector<2x256xf32>
    %eq3A = arith.constant 0 : i32
    %eq3A_28 = arith.cmpi eq, %arg0, %eq3A : i32
    %convert_element_type3A = arith.extui %eq3A_28 : i1 to i32
    %cond3A = arith.constant 0 : i32
    %cond3A_29 = arith.cmpi ne, %convert_element_type3A, %cond3A : i32
    scf.if %cond3A_29 {
      %swap3A_34 = arith.constant 0 : index
      %swap3A_35 = arith.constant 0 : index
      %swap3A_36 = vector.load %arg7[%swap3A_34, %swap3A_35] : memref<2x256xf32, #tpu.memory_space<vmem>>, vector<2x256xf32>
      tpu.vector_store %arg7[%swap3A_34, %swap3A_35], %concatenate3A {strides = array<i32>} : memref<2x256xf32, #tpu.memory_space<vmem>>, vector<2x256xf32>,
    } else {
    }
    %ne3A = arith.constant 0 : i32
    %ne3A_30 = arith.cmpi ne, %arg0, %ne3A : i32
    %convert_element_type3A_31 = arith.extui %ne3A_30 : i1 to i32
    %cond3A_32 = arith.constant 0 : i32
    %cond3A_33 = arith.cmpi ne, %convert_element_type3A_31, %cond3A_32 : i32
    scf.if %cond3A_33 {
      %get3A_34 = arith.constant 0 : index
      %get3A_35 = arith.constant 0 : index
      %get3A_36 = vector.load %arg7[%get3A_34, %get3A_35] : memref<2x256xf32, #tpu.memory_space<vmem>>, vector<2x256xf32>
      %add3A_37 = arith.addf %get3A_36, %concatenate3A : vector<2x256xf32>
      %swap3A_38 = arith.constant 0 : index
      %swap3A_39 = arith.constant 0 : index
      %swap3A_40 = vector.load %arg7[%swap3A_38, %swap3A_39] : memref<2x256xf32, #tpu.memory_space<vmem>>, vector<2x256xf32>
      tpu.vector_store %arg7[%swap3A_38, %swap3A_39], %add3A_37 {strides = array<i32>} : memref<2x256xf32, #tpu.memory_space<vmem>>, vector<2x256xf32>,
    } else {
    }
    return
  }
  func.func @transform_0(%arg0: i32) -> (i32, i32) {
    %c0_i32 = arith.constant 0 : i32
    %c0_i32_0 = arith.constant 0 : i32
    return %arg0, %c0_i32 : i32, i32
  }
  func.func @transform_1(%arg0: i32) -> (i32, i32) {
    %c0_i32 = arith.constant 0 : i32
    %c0_i32_0 = arith.constant 0 : i32
    %c0_i32_1 = arith.constant 0 : i32
    return %c0_i32, %c0_i32_0 : i32, i32
  }
  func.func @transform_2(%arg0: i32) -> (i32, i32) {
    %c0_i32 = arith.constant 0 : i32
    %c0_i32_0 = arith.constant 0 : i32
    %c0_i32_1 = arith.constant 0 : i32
    return %c0_i32, %c0_i32_0 : i32, i32
  }
  func.func @transform_3(%arg0: i32) -> (i32, i32) {
    %c0_i32 = arith.constant 0 : i32
    %c0_i32_0 = arith.constant 0 : i32
    %c0_i32_1 = arith.constant 0 : i32
    return %c0_i32, %c0_i32_0 : i32, i32
  }
  func.func @transform_4(%arg0: i32) -> (i32, i32) {
    %c0_i32 = arith.constant 0 : i32
    %c0_i32_0 = arith.constant 0 : i32
    %c0_i32_1 = arith.constant 0 : i32
    return %c0_i32, %c0_i32_0 : i32, i32
  }
  func.func @transform_5(%arg0: i32) -> (i32, i32) {
    %c0_i32 = arith.constant 0 : i32
    %c0_i32_0 = arith.constant 0 : i32
    return %arg0, %c0_i32 : i32, i32
  }
  func.func @transform_6(%arg0: i32) -> (i32, i32) {
    %c0_i32 = arith.constant 0 : i32
    %c0_i32_0 = arith.constant 0 : i32
    %c0_i32_1 = arith.constant 0 : i32
    return %c0_i32, %c0_i32_0 : i32, i32
  }
}

module attributes {stable_mosaic.version = 14 : i64} {
  func.func @_stage_body(%arg0: i32, %arg1: memref<2048x256xf32, #tpu.memory_space<vmem>>, %arg2: memref<256x256xf32, #tpu.memory_space<vmem>>, %arg3: memref<1x256xf32, #tpu.memory_space<vmem>>, %arg4: memref<1x256xf32, #tpu.memory_space<vmem>>, %arg5: memref<1x256xf32, #tpu.memory_space<vmem>>, %arg6: memref<2048x256xf32, #tpu.memory_space<vmem>>, %arg7: memref<2x256xf32, #tpu.memory_space<vmem>>) attributes {dimension_semantics = [#tpu.dimension_semantics<arbitrary>], iteration_bounds = array<i64: 1>, scalar_prefetch = 0 : i64, scratch_operands = 0 : i64, tpu.core_type = #tpu.core_type<tc>, window_params = [{transform_indices = @transform_0, window_bounds = array<i64: 2048, 256>}, {pipeline_mode = #tpu.pipeline_mode<synchronous>, transform_indices = @transform_1, window_bounds = array<i64: 256, 256>}, {pipeline_mode = #tpu.pipeline_mode<synchronous>, transform_indices = @transform_2, window_bounds = array<i64: 1, 256>}, {pipeline_mode = #tpu.pipeline_mode<synchronous>, transform_indices = @transform_3, window_bounds = array<i64: 1, 256>}, {pipeline_mode = #tpu.pipeline_mode<synchronous>, transform_indices = @transform_4, window_bounds = array<i64: 1, 256>}, {transform_indices = @transform_5, window_bounds = array<i64: 2048, 256>}, {pipeline_mode = #tpu.pipeline_mode<synchronous>, transform_indices = @transform_6, window_bounds = array<i64: 2, 256>}]} {
    %get3A = arith.constant 0 : index
    %get3A_0 = arith.constant 0 : index
    %get3A_1 = vector.load %arg1[%get3A, %get3A_0] : memref<2048x256xf32, #tpu.memory_space<vmem>>, vector<2048x256xf32>
    %get3A_2 = arith.constant 0 : index
    %get3A_3 = arith.constant 0 : index
    %get3A_4 = vector.load %arg4[%get3A_2, %get3A_3] : memref<1x256xf32, #tpu.memory_space<vmem>>, vector<1x256xf32>
    %mul3A = vector.broadcast %get3A_4 : vector<1x256xf32> to vector<2048x256xf32>
    %mul3A_5 = arith.mulf %get3A_1, %mul3A : vector<2048x256xf32>
    %get3A_6 = arith.constant 0 : index
    %get3A_7 = arith.constant 0 : index
    %get3A_8 = vector.load %arg5[%get3A_6, %get3A_7] : memref<1x256xf32, #tpu.memory_space<vmem>>, vector<1x256xf32>
    %add3A = vector.broadcast %get3A_8 : vector<1x256xf32> to vector<2048x256xf32>
    %add3A_9 = arith.addf %mul3A_5, %add3A : vector<2048x256xf32>
    %max3A = arith.constant 0.000000e+00 : f32
    %max3A_10 = vector.broadcast %max3A : f32 to vector<2048x256xf32>
    %max3A_11 = arith.maximumf %add3A_9, %max3A_10 : vector<2048x256xf32>
    %get3A_12 = arith.constant 0 : index
    %get3A_13 = arith.constant 0 : index
    %get3A_14 = vector.load %arg2[%get3A_12, %get3A_13] : memref<256x256xf32, #tpu.memory_space<vmem>>, vector<256x256xf32>
    %dot_general3A = arith.constant dense<0.000000e+00> : vector<2048x256xf32>
    %dot_general3A_15 = tpu.matmul %max3A_11, %get3A_14, %dot_general3A {dimension_numbers = #tpu.dot_dimension_numbers<[1], [0], [0], [1], [0, 0, 1, 1], [], []>, transpose_lhs_hint = false} : vector<2048x256xf32>, vector<256x256xf32>, vector<2048x256xf32> -> vector<2048x256xf32>
    %get3A_16 = arith.constant 0 : index
    %get3A_17 = arith.constant 0 : index
    %get3A_18 = vector.load %arg3[%get3A_16, %get3A_17] : memref<1x256xf32, #tpu.memory_space<vmem>>, vector<1x256xf32>
    %add3A_19 = vector.broadcast %get3A_18 : vector<1x256xf32> to vector<2048x256xf32>
    %add3A_20 = arith.addf %dot_general3A_15, %add3A_19 : vector<2048x256xf32>
    %swap3A = arith.constant 0 : index
    %swap3A_21 = arith.constant 0 : index
    %swap3A_22 = vector.load %arg6[%swap3A, %swap3A_21] : memref<2048x256xf32, #tpu.memory_space<vmem>>, vector<2048x256xf32>
    tpu.vector_store %arg6[%swap3A, %swap3A_21], %add3A_20 {strides = array<i32>} : memref<2048x256xf32, #tpu.memory_space<vmem>>, vector<2048x256xf32>,
    %reduce_sum3A = arith.constant dense<0.000000e+00> : vector<256xf32>
    %reduce_sum3A_23 = vector.multi_reduction <add>, %add3A_20, %reduce_sum3A [0] : vector<2048x256xf32> to vector<256xf32>
    %broadcast_in_dim3A = vector.shape_cast %reduce_sum3A_23 : vector<256xf32> to vector<1x256xf32>
    %mul3A_24 = arith.mulf %add3A_20, %add3A_20 : vector<2048x256xf32>
    %reduce_sum3A_25 = arith.constant dense<0.000000e+00> : vector<256xf32>
    %reduce_sum3A_26 = vector.multi_reduction <add>, %mul3A_24, %reduce_sum3A_25 [0] : vector<2048x256xf32> to vector<256xf32>
    %broadcast_in_dim3A_27 = vector.shape_cast %reduce_sum3A_26 : vector<256xf32> to vector<1x256xf32>
    %concatenate3A = tpu.concatenate %broadcast_in_dim3A, %broadcast_in_dim3A_27 in 0 : vector<1x256xf32>, vector<1x256xf32> -> vector<2x256xf32>
    %eq3A = arith.constant 0 : i32
    %eq3A_28 = arith.cmpi eq, %arg0, %eq3A : i32
    %convert_element_type3A = arith.extui %eq3A_28 : i1 to i32
    %cond3A = arith.constant 0 : i32
    %cond3A_29 = arith.cmpi ne, %convert_element_type3A, %cond3A : i32
    scf.if %cond3A_29 {
      %swap3A_34 = arith.constant 0 : index
      %swap3A_35 = arith.constant 0 : index
      %swap3A_36 = vector.load %arg7[%swap3A_34, %swap3A_35] : memref<2x256xf32, #tpu.memory_space<vmem>>, vector<2x256xf32>
      tpu.vector_store %arg7[%swap3A_34, %swap3A_35], %concatenate3A {strides = array<i32>} : memref<2x256xf32, #tpu.memory_space<vmem>>, vector<2x256xf32>,
    } else {
    }
    %ne3A = arith.constant 0 : i32
    %ne3A_30 = arith.cmpi ne, %arg0, %ne3A : i32
    %convert_element_type3A_31 = arith.extui %ne3A_30 : i1 to i32
    %cond3A_32 = arith.constant 0 : i32
    %cond3A_33 = arith.cmpi ne, %convert_element_type3A_31, %cond3A_32 : i32
    scf.if %cond3A_33 {
      %get3A_34 = arith.constant 0 : index
      %get3A_35 = arith.constant 0 : index
      %get3A_36 = vector.load %arg7[%get3A_34, %get3A_35] : memref<2x256xf32, #tpu.memory_space<vmem>>, vector<2x256xf32>
      %add3A_37 = arith.addf %get3A_36, %concatenate3A : vector<2x256xf32>
      %swap3A_38 = arith.constant 0 : index
      %swap3A_39 = arith.constant 0 : index
      %swap3A_40 = vector.load %arg7[%swap3A_38, %swap3A_39] : memref<2x256xf32, #tpu.memory_space<vmem>>, vector<2x256xf32>
      tpu.vector_store %arg7[%swap3A_38, %swap3A_39], %add3A_37 {strides = array<i32>} : memref<2x256xf32, #tpu.memory_space<vmem>>, vector<2x256xf32>,
    } else {
    }
    return
  }
  func.func @transform_0(%arg0: i32) -> (i32, i32) {
    %c0_i32 = arith.constant 0 : i32
    %c0_i32_0 = arith.constant 0 : i32
    return %arg0, %c0_i32 : i32, i32
  }
  func.func @transform_1(%arg0: i32) -> (i32, i32) {
    %c0_i32 = arith.constant 0 : i32
    %c0_i32_0 = arith.constant 0 : i32
    %c0_i32_1 = arith.constant 0 : i32
    return %c0_i32, %c0_i32_0 : i32, i32
  }
  func.func @transform_2(%arg0: i32) -> (i32, i32) {
    %c0_i32 = arith.constant 0 : i32
    %c0_i32_0 = arith.constant 0 : i32
    %c0_i32_1 = arith.constant 0 : i32
    return %c0_i32, %c0_i32_0 : i32, i32
  }
  func.func @transform_3(%arg0: i32) -> (i32, i32) {
    %c0_i32 = arith.constant 0 : i32
    %c0_i32_0 = arith.constant 0 : i32
    %c0_i32_1 = arith.constant 0 : i32
    return %c0_i32, %c0_i32_0 : i32, i32
  }
  func.func @transform_4(%arg0: i32) -> (i32, i32) {
    %c0_i32 = arith.constant 0 : i32
    %c0_i32_0 = arith.constant 0 : i32
    %c0_i32_1 = arith.constant 0 : i32
    return %c0_i32, %c0_i32_0 : i32, i32
  }
  func.func @transform_5(%arg0: i32) -> (i32, i32) {
    %c0_i32 = arith.constant 0 : i32
    %c0_i32_0 = arith.constant 0 : i32
    return %arg0, %c0_i32 : i32, i32
  }
  func.func @transform_6(%arg0: i32) -> (i32, i32) {
    %c0_i32 = arith.constant 0 : i32
    %c0_i32_0 = arith.constant 0 : i32
    %c0_i32_1 = arith.constant 0 : i32
    return %c0_i32, %c0_i32_0 : i32, i32
  }
}

module attributes {stable_mosaic.version = 14 : i64} {
  func.func @_interp_body(%arg0: i32, %arg1: i32, %arg2: memref<1x512x3xf32, #tpu.memory_space<vmem>>, %arg3: memref<1x3x128xf32, #tpu.memory_space<vmem>>, %arg4: memref<1x128x256xf32, #tpu.memory_space<vmem>>, %arg5: memref<1x256xf32, #tpu.memory_space<vmem>>, %arg6: memref<1x256xf32, #tpu.memory_space<vmem>>, %arg7: memref<1x512x256xf32, #tpu.memory_space<vmem>>) attributes {dimension_semantics = [#tpu.dimension_semantics<arbitrary>, #tpu.dimension_semantics<arbitrary>], iteration_bounds = array<i64: 16, 1>, scalar_prefetch = 0 : i64, scratch_operands = 0 : i64, tpu.core_type = #tpu.core_type<tc>, window_params = [{transform_indices = @transform_0, window_bounds = array<i64: 1, 512, 3>}, {transform_indices = @transform_1, window_bounds = array<i64: 1, 3, 128>}, {transform_indices = @transform_2, window_bounds = array<i64: 1, 128, 256>}, {pipeline_mode = #tpu.pipeline_mode<synchronous>, transform_indices = @transform_3, window_bounds = array<i64: 1, 256>}, {pipeline_mode = #tpu.pipeline_mode<synchronous>, transform_indices = @transform_4, window_bounds = array<i64: 1, 256>}, {transform_indices = @transform_5, window_bounds = array<i64: 1, 512, 256>}]} {
    %get3A = arith.constant 0 : index
    %get3A_0 = arith.constant 0 : index
    %get3A_1 = arith.constant 0 : index
    %get3A_2 = vector.load %arg2[%get3A, %get3A_0, %get3A_1] : memref<1x512x3xf32, #tpu.memory_space<vmem>>, vector<1x512x3xf32>
    %get3A_3 = vector.shape_cast %get3A_2 : vector<1x512x3xf32> to vector<512x3xf32>
    %get3A_4 = arith.constant 0 : index
    %get3A_5 = arith.constant 0 : index
    %get3A_6 = arith.constant 0 : index
    %get3A_7 = vector.load %arg3[%get3A_4, %get3A_5, %get3A_6] : memref<1x3x128xf32, #tpu.memory_space<vmem>>, vector<1x3x128xf32>
    %get3A_8 = vector.shape_cast %get3A_7 : vector<1x3x128xf32> to vector<3x128xf32>
    %get3A_9 = arith.constant 0 : index
    %get3A_10 = arith.constant 0 : index
    %get3A_11 = arith.constant 0 : index
    %get3A_12 = vector.load %arg4[%get3A_9, %get3A_10, %get3A_11] : memref<1x128x256xf32, #tpu.memory_space<vmem>>, vector<1x128x256xf32>
    %get3A_13 = vector.shape_cast %get3A_12 : vector<1x128x256xf32> to vector<128x256xf32>
    %dot_general3A = arith.constant dense<0.000000e+00> : vector<512x128xf32>
    %dot_general3A_14 = tpu.matmul %get3A_3, %get3A_8, %dot_general3A {dimension_numbers = #tpu.dot_dimension_numbers<[1], [0], [0], [1], [0, 0, 1, 1], [], []>, transpose_lhs_hint = false} : vector<512x3xf32>, vector<3x128xf32>, vector<512x128xf32> -> vector<512x128xf32>
    %mul3A = arith.constant -2.000000e+00 : f32
    %mul3A_15 = vector.broadcast %mul3A : f32 to vector<512x128xf32>
    %mul3A_16 = arith.mulf %mul3A_15, %dot_general3A_14 : vector<512x128xf32>
    %mul3A_17 = arith.mulf %get3A_3, %get3A_3 : vector<512x3xf32>
    %reduce_sum3A = arith.constant dense<0.000000e+00> : vector<512xf32>
    %reduce_sum3A_18 = vector.multi_reduction <add>, %mul3A_17, %reduce_sum3A [1] : vector<512x3xf32> to vector<512xf32>
    %broadcast_in_dim3A = vector.shape_cast %reduce_sum3A_18 : vector<512xf32> to vector<512x1xf32>
    %add3A = vector.broadcast %broadcast_in_dim3A : vector<512x1xf32> to vector<512x128xf32>
    %add3A_19 = arith.addf %mul3A_16, %add3A : vector<512x128xf32>
    %mul3A_20 = arith.mulf %get3A_8, %get3A_8 : vector<3x128xf32>
    %reduce_sum3A_21 = arith.constant dense<0.000000e+00> : vector<128xf32>
    %reduce_sum3A_22 = vector.multi_reduction <add>, %mul3A_20, %reduce_sum3A_21 [0] : vector<3x128xf32> to vector<128xf32>
    %broadcast_in_dim3A_23 = vector.shape_cast %reduce_sum3A_22 : vector<128xf32> to vector<1x128xf32>
    %add3A_24 = vector.broadcast %broadcast_in_dim3A_23 : vector<1x128xf32> to vector<512x128xf32>
    %add3A_25 = arith.addf %add3A_19, %add3A_24 : vector<512x128xf32>
    %iota3A = tpu.iota {dimensions = array<i32: 1>} : vector<512x128xi32>
    %reduce_min3A = arith.constant dense<0x7F800000> : vector<512xf32>
    %reduce_min3A_26 = vector.multi_reduction <minimumf>, %add3A_25, %reduce_min3A [1] : vector<512x128xf32> to vector<512xf32>
    %broadcast_in_dim3A_27 = vector.shape_cast %reduce_min3A_26 : vector<512xf32> to vector<512x1xf32>
    %eq3A = vector.broadcast %broadcast_in_dim3A_27 : vector<512x1xf32> to vector<512x128xf32>
    %eq3A_28 = arith.cmpf oeq, %add3A_25, %eq3A : vector<512x128xf32>
    %jit3A = arith.constant 128 : i32
    %broadcast_in_dim3A_29 = vector.broadcast %jit3A : i32 to vector<512x128xi32>
    %select_n3A = arith.select %eq3A_28, %iota3A, %broadcast_in_dim3A_29 : vector<512x128xi1>, vector<512x128xi32>
    %reduce_min3A_30 = arith.constant dense<2147483647> : vector<512xi32>
    %reduce_min3A_31 = vector.multi_reduction <minsi>, %select_n3A, %reduce_min3A_30 [1] : vector<512x128xi32> to vector<512xi32>
    %broadcast_in_dim3A_32 = vector.shape_cast %reduce_min3A_31 : vector<512xi32> to vector<512x1xi32>
    %add3A_33 = arith.constant 9.99999993E-9 : f32
    %add3A_34 = vector.broadcast %add3A_33 : f32 to vector<512x1xf32>
    %add3A_35 = arith.addf %broadcast_in_dim3A_27, %add3A_34 : vector<512x1xf32>
    %div3A = arith.constant 1.000000e+00 : f32
    %div3A_36 = vector.broadcast %div3A : f32 to vector<512x1xf32>
    %div3A_37 = arith.divf %div3A_36, %add3A_35 : vector<512x1xf32>
    %eq3A_38 = vector.broadcast %broadcast_in_dim3A_32 : vector<512x1xi32> to vector<512x128xi32>
    %eq3A_39 = arith.cmpi eq, %iota3A, %eq3A_38 : vector<512x128xi32>
    %jit3A_40 = arith.constant 1.000000e+30 : f32
    %broadcast_in_dim3A_41 = vector.broadcast %jit3A_40 : f32 to vector<512x128xf32>
    %select_n3A_42 = arith.select %eq3A_39, %broadcast_in_dim3A_41, %add3A_25 : vector<512x128xi1>, vector<512x128xf32>
    %reduce_min3A_43 = arith.constant dense<0x7F800000> : vector<512xf32>
    %reduce_min3A_44 = vector.multi_reduction <minimumf>, %select_n3A_42, %reduce_min3A_43 [1] : vector<512x128xf32> to vector<512xf32>
    %broadcast_in_dim3A_45 = vector.shape_cast %reduce_min3A_44 : vector<512xf32> to vector<512x1xf32>
    %eq3A_46 = vector.broadcast %broadcast_in_dim3A_45 : vector<512x1xf32> to vector<512x128xf32>
    %eq3A_47 = arith.cmpf oeq, %select_n3A_42, %eq3A_46 : vector<512x128xf32>
    %jit3A_48 = arith.constant 128 : i32
    %broadcast_in_dim3A_49 = vector.broadcast %jit3A_48 : i32 to vector<512x128xi32>
    %select_n3A_50 = arith.select %eq3A_47, %iota3A, %broadcast_in_dim3A_49 : vector<512x128xi1>, vector<512x128xi32>
    %reduce_min3A_51 = arith.constant dense<2147483647> : vector<512xi32>
    %reduce_min3A_52 = vector.multi_reduction <minsi>, %select_n3A_50, %reduce_min3A_51 [1] : vector<512x128xi32> to vector<512xi32>
    %broadcast_in_dim3A_53 = vector.shape_cast %reduce_min3A_52 : vector<512xi32> to vector<512x1xi32>
    %add3A_54 = arith.constant 9.99999993E-9 : f32
    %add3A_55 = vector.broadcast %add3A_54 : f32 to vector<512x1xf32>
    %add3A_56 = arith.addf %broadcast_in_dim3A_45, %add3A_55 : vector<512x1xf32>
    %div3A_57 = arith.constant 1.000000e+00 : f32
    %div3A_58 = vector.broadcast %div3A_57 : f32 to vector<512x1xf32>
    %div3A_59 = arith.divf %div3A_58, %add3A_56 : vector<512x1xf32>
    %eq3A_60 = vector.broadcast %broadcast_in_dim3A_53 : vector<512x1xi32> to vector<512x128xi32>
    %eq3A_61 = arith.cmpi eq, %iota3A, %eq3A_60 : vector<512x128xi32>
    %jit3A_62 = arith.constant 1.000000e+30 : f32
    %broadcast_in_dim3A_63 = vector.broadcast %jit3A_62 : f32 to vector<512x128xf32>
    %select_n3A_64 = arith.select %eq3A_61, %broadcast_in_dim3A_63, %select_n3A_42 : vector<512x128xi1>, vector<512x128xf32>
    %reduce_min3A_65 = arith.constant dense<0x7F800000> : vector<512xf32>
    %reduce_min3A_66 = vector.multi_reduction <minimumf>, %select_n3A_64, %reduce_min3A_65 [1] : vector<512x128xf32> to vector<512xf32>
    %broadcast_in_dim3A_67 = vector.shape_cast %reduce_min3A_66 : vector<512xf32> to vector<512x1xf32>
    %eq3A_68 = vector.broadcast %broadcast_in_dim3A_67 : vector<512x1xf32> to vector<512x128xf32>
    %eq3A_69 = arith.cmpf oeq, %select_n3A_64, %eq3A_68 : vector<512x128xf32>
    %jit3A_70 = arith.constant 128 : i32
    %broadcast_in_dim3A_71 = vector.broadcast %jit3A_70 : i32 to vector<512x128xi32>
    %select_n3A_72 = arith.select %eq3A_69, %iota3A, %broadcast_in_dim3A_71 : vector<512x128xi1>, vector<512x128xi32>
    %reduce_min3A_73 = arith.constant dense<2147483647> : vector<512xi32>
    %reduce_min3A_74 = vector.multi_reduction <minsi>, %select_n3A_72, %reduce_min3A_73 [1] : vector<512x128xi32> to vector<512xi32>
    %broadcast_in_dim3A_75 = vector.shape_cast %reduce_min3A_74 : vector<512xi32> to vector<512x1xi32>
    %add3A_76 = arith.constant 9.99999993E-9 : f32
    %add3A_77 = vector.broadcast %add3A_76 : f32 to vector<512x1xf32>
    %add3A_78 = arith.addf %broadcast_in_dim3A_67, %add3A_77 : vector<512x1xf32>
    %div3A_79 = arith.constant 1.000000e+00 : f32
    %div3A_80 = vector.broadcast %div3A_79 : f32 to vector<512x1xf32>
    %div3A_81 = arith.divf %div3A_80, %add3A_78 : vector<512x1xf32>
    %add3A_82 = arith.addf %div3A_37, %div3A_59 : vector<512x1xf32>
    %add3A_83 = arith.addf %add3A_82, %div3A_81 : vector<512x1xf32>
    %broadcast_in_dim3A_84 = arith.constant 0.000000e+00 : f32
    %broadcast_in_dim3A_85 = vector.broadcast %broadcast_in_dim3A_84 : f32 to vector<512x128xf32>
    %eq3A_86 = vector.broadcast %broadcast_in_dim3A_32 : vector<512x1xi32> to vector<512x128xi32>
    %eq3A_87 = arith.cmpi eq, %iota3A, %eq3A_86 : vector<512x128xi32>
    %div3A_88 = arith.divf %div3A_37, %add3A_83 : vector<512x1xf32>
    %jit3A_89 = arith.constant 0.000000e+00 : f32
    %broadcast_in_dim3A_90 = vector.shape_cast %div3A_88 : vector<512x1xf32> to vector<512x1xf32>
    %broadcast_in_dim3A_91 = vector.broadcast %broadcast_in_dim3A_90 : vector<512x1xf32> to vector<512x128xf32>
    %broadcast_in_dim3A_92 = vector.broadcast %jit3A_89 : f32 to vector<512x128xf32>
    %select_n3A_93 = arith.select %eq3A_87, %broadcast_in_dim3A_91, %broadcast_in_dim3A_92 : vector<512x128xi1>, vector<512x128xf32>
    %add3A_94 = arith.addf %broadcast_in_dim3A_85, %select_n3A_93 : vector<512x128xf32>
    %eq3A_95 = vector.broadcast %broadcast_in_dim3A_53 : vector<512x1xi32> to vector<512x128xi32>
    %eq3A_96 = arith.cmpi eq, %iota3A, %eq3A_95 : vector<512x128xi32>
    %div3A_97 = arith.divf %div3A_59, %add3A_83 : vector<512x1xf32>
    %jit3A_98 = arith.constant 0.000000e+00 : f32
    %broadcast_in_dim3A_99 = vector.shape_cast %div3A_97 : vector<512x1xf32> to vector<512x1xf32>
    %broadcast_in_dim3A_100 = vector.broadcast %broadcast_in_dim3A_99 : vector<512x1xf32> to vector<512x128xf32>
    %broadcast_in_dim3A_101 = vector.broadcast %jit3A_98 : f32 to vector<512x128xf32>
    %select_n3A_102 = arith.select %eq3A_96, %broadcast_in_dim3A_100, %broadcast_in_dim3A_101 : vector<512x128xi1>, vector<512x128xf32>
    %add3A_103 = arith.addf %add3A_94, %select_n3A_102 : vector<512x128xf32>
    %eq3A_104 = vector.broadcast %broadcast_in_dim3A_75 : vector<512x1xi32> to vector<512x128xi32>
    %eq3A_105 = arith.cmpi eq, %iota3A, %eq3A_104 : vector<512x128xi32>
    %div3A_106 = arith.divf %div3A_81, %add3A_83 : vector<512x1xf32>
    %jit3A_107 = arith.constant 0.000000e+00 : f32
    %broadcast_in_dim3A_108 = vector.shape_cast %div3A_106 : vector<512x1xf32> to vector<512x1xf32>
    %broadcast_in_dim3A_109 = vector.broadcast %broadcast_in_dim3A_108 : vector<512x1xf32> to vector<512x128xf32>
    %broadcast_in_dim3A_110 = vector.broadcast %jit3A_107 : f32 to vector<512x128xf32>
    %select_n3A_111 = arith.select %eq3A_105, %broadcast_in_dim3A_109, %broadcast_in_dim3A_110 : vector<512x128xi1>, vector<512x128xf32>
    %add3A_112 = arith.addf %add3A_103, %select_n3A_111 : vector<512x128xf32>
    %get3A_113 = arith.constant 0 : index
    %get3A_114 = arith.constant 0 : index
    %get3A_115 = vector.load %arg5[%get3A_113, %get3A_114] : memref<1x256xf32, #tpu.memory_space<vmem>>, vector<1x256xf32>
    %mul3A_116 = vector.broadcast %get3A_115 : vector<1x256xf32> to vector<128x256xf32>
    %mul3A_117 = arith.mulf %get3A_13, %mul3A_116 : vector<128x256xf32>
    %get3A_118 = arith.constant 0 : index
    %get3A_119 = arith.constant 0 : index
    %get3A_120 = vector.load %arg6[%get3A_118, %get3A_119] : memref<1x256xf32, #tpu.memory_space<vmem>>, vector<1x256xf32>
    %add3A_121 = vector.broadcast %get3A_120 : vector<1x256xf32> to vector<128x256xf32>
    %add3A_122 = arith.addf %mul3A_117, %add3A_121 : vector<128x256xf32>
    %max3A = arith.constant 0.000000e+00 : f32
    %max3A_123 = vector.broadcast %max3A : f32 to vector<128x256xf32>
    %max3A_124 = arith.maximumf %add3A_122, %max3A_123 : vector<128x256xf32>
    %dot_general3A_125 = arith.constant dense<0.000000e+00> : vector<512x256xf32>
    %dot_general3A_126 = tpu.matmul %add3A_112, %max3A_124, %dot_general3A_125 {dimension_numbers = #tpu.dot_dimension_numbers<[1], [0], [0], [1], [0, 0, 1, 1], [], []>, precision = #tpu.contract_precision<fp32>, transpose_lhs_hint = false} : vector<512x128xf32>, vector<128x256xf32>, vector<512x256xf32> -> vector<512x256xf32>
    %swap3A = arith.constant 0 : index
    %swap3A_127 = arith.constant 0 : index
    %swap3A_128 = arith.constant 0 : index
    %swap3A_129 = vector.load %arg7[%swap3A, %swap3A_127, %swap3A_128] : memref<1x512x256xf32, #tpu.memory_space<vmem>>, vector<1x512x256xf32>
    %swap3A_130 = vector.shape_cast %swap3A_129 : vector<1x512x256xf32> to vector<512x256xf32>
    %swap3A_131 = vector.shape_cast %dot_general3A_126 : vector<512x256xf32> to vector<1x512x256xf32>
    tpu.vector_store %arg7[%swap3A, %swap3A_127, %swap3A_128], %swap3A_131 {strides = array<i32>} : memref<1x512x256xf32, #tpu.memory_space<vmem>>, vector<1x512x256xf32>,
    return
  }
  func.func @transform_0(%arg0: i32, %arg1: i32) -> (i32, i32, i32) {
    %c0_i32 = arith.constant 0 : i32
    %c0_i32_0 = arith.constant 0 : i32
    return %arg0, %arg1, %c0_i32 : i32, i32, i32
  }
  func.func @transform_1(%arg0: i32, %arg1: i32) -> (i32, i32, i32) {
    %c0_i32 = arith.constant 0 : i32
    %c0_i32_0 = arith.constant 0 : i32
    %c0_i32_1 = arith.constant 0 : i32
    return %arg0, %c0_i32, %c0_i32_0 : i32, i32, i32
  }
  func.func @transform_2(%arg0: i32, %arg1: i32) -> (i32, i32, i32) {
    %c0_i32 = arith.constant 0 : i32
    %c0_i32_0 = arith.constant 0 : i32
    %c0_i32_1 = arith.constant 0 : i32
    return %arg0, %c0_i32, %c0_i32_0 : i32, i32, i32
  }
  func.func @transform_3(%arg0: i32, %arg1: i32) -> (i32, i32) {
    %c0_i32 = arith.constant 0 : i32
    %c0_i32_0 = arith.constant 0 : i32
    %c0_i32_1 = arith.constant 0 : i32
    return %c0_i32, %c0_i32_0 : i32, i32
  }
  func.func @transform_4(%arg0: i32, %arg1: i32) -> (i32, i32) {
    %c0_i32 = arith.constant 0 : i32
    %c0_i32_0 = arith.constant 0 : i32
    %c0_i32_1 = arith.constant 0 : i32
    return %c0_i32, %c0_i32_0 : i32, i32
  }
  func.func @transform_5(%arg0: i32, %arg1: i32) -> (i32, i32, i32) {
    %c0_i32 = arith.constant 0 : i32
    %c0_i32_0 = arith.constant 0 : i32
    return %arg0, %arg1, %c0_i32 : i32, i32, i32
  }
}

module attributes {stable_mosaic.version = 14 : i64} {
  func.func @_stage2_body(%arg0: i32, %arg1: memref<4096x256xf32, #tpu.memory_space<vmem>>, %arg2: memref<4096x128xf32, #tpu.memory_space<vmem>>, %arg3: memref<384x256xf32, #tpu.memory_space<vmem>>, %arg4: memref<1x256xf32, #tpu.memory_space<vmem>>, %arg5: memref<1x128xf32, #tpu.memory_space<vmem>>, %arg6: memref<1x128xf32, #tpu.memory_space<vmem>>, %arg7: memref<4096x256xf32, #tpu.memory_space<vmem>>, %arg8: memref<2x256xf32, #tpu.memory_space<vmem>>) attributes {dimension_semantics = [#tpu.dimension_semantics<arbitrary>], iteration_bounds = array<i64: 2>, scalar_prefetch = 0 : i64, scratch_operands = 0 : i64, tpu.core_type = #tpu.core_type<tc>, window_params = [{transform_indices = @transform_0, window_bounds = array<i64: 4096, 256>}, {transform_indices = @transform_1, window_bounds = array<i64: 4096, 128>}, {pipeline_mode = #tpu.pipeline_mode<synchronous>, transform_indices = @transform_2, window_bounds = array<i64: 384, 256>}, {pipeline_mode = #tpu.pipeline_mode<synchronous>, transform_indices = @transform_3, window_bounds = array<i64: 1, 256>}, {pipeline_mode = #tpu.pipeline_mode<synchronous>, transform_indices = @transform_4, window_bounds = array<i64: 1, 128>}, {pipeline_mode = #tpu.pipeline_mode<synchronous>, transform_indices = @transform_5, window_bounds = array<i64: 1, 128>}, {transform_indices = @transform_6, window_bounds = array<i64: 4096, 256>}, {pipeline_mode = #tpu.pipeline_mode<synchronous>, transform_indices = @transform_7, window_bounds = array<i64: 2, 256>}]} {
    %get3A = arith.constant 0 : index
    %get3A_0 = arith.constant 0 : index
    %get3A_1 = vector.load %arg1[%get3A, %get3A_0] : memref<4096x256xf32, #tpu.memory_space<vmem>>, vector<4096x256xf32>
    %get3A_2 = arith.constant 0 : index
    %get3A_3 = arith.constant 0 : index
    %get3A_4 = vector.load %arg2[%get3A_2, %get3A_3] : memref<4096x128xf32, #tpu.memory_space<vmem>>, vector<4096x128xf32>
    %get3A_5 = arith.constant 0 : index
    %get3A_6 = arith.constant 0 : index
    %get3A_7 = vector.load %arg5[%get3A_5, %get3A_6] : memref<1x128xf32, #tpu.memory_space<vmem>>, vector<1x128xf32>
    %mul3A = vector.broadcast %get3A_7 : vector<1x128xf32> to vector<4096x128xf32>
    %mul3A_8 = arith.mulf %get3A_4, %mul3A : vector<4096x128xf32>
    %get3A_9 = arith.constant 0 : index
    %get3A_10 = arith.constant 0 : index
    %get3A_11 = vector.load %arg6[%get3A_9, %get3A_10] : memref<1x128xf32, #tpu.memory_space<vmem>>, vector<1x128xf32>
    %add3A = vector.broadcast %get3A_11 : vector<1x128xf32> to vector<4096x128xf32>
    %add3A_12 = arith.addf %mul3A_8, %add3A : vector<4096x128xf32>
    %max3A = arith.constant 0.000000e+00 : f32
    %max3A_13 = vector.broadcast %max3A : f32 to vector<4096x128xf32>
    %max3A_14 = arith.maximumf %add3A_12, %max3A_13 : vector<4096x128xf32>
    %concatenate3A = tpu.concatenate %max3A_14, %get3A_1 in 1 : vector<4096x128xf32>, vector<4096x256xf32> -> vector<4096x384xf32>
    %get3A_15 = arith.constant 0 : index
    %get3A_16 = arith.constant 0 : index
    %get3A_17 = vector.load %arg3[%get3A_15, %get3A_16] : memref<384x256xf32, #tpu.memory_space<vmem>>, vector<384x256xf32>
    %dot_general3A = arith.constant dense<0.000000e+00> : vector<4096x256xf32>
    %dot_general3A_18 = tpu.matmul %concatenate3A, %get3A_17, %dot_general3A {dimension_numbers = #tpu.dot_dimension_numbers<[1], [0], [0], [1], [0, 0, 1, 1], [], []>, transpose_lhs_hint = false} : vector<4096x384xf32>, vector<384x256xf32>, vector<4096x256xf32> -> vector<4096x256xf32>
    %get3A_19 = arith.constant 0 : index
    %get3A_20 = arith.constant 0 : index
    %get3A_21 = vector.load %arg4[%get3A_19, %get3A_20] : memref<1x256xf32, #tpu.memory_space<vmem>>, vector<1x256xf32>
    %add3A_22 = vector.broadcast %get3A_21 : vector<1x256xf32> to vector<4096x256xf32>
    %add3A_23 = arith.addf %dot_general3A_18, %add3A_22 : vector<4096x256xf32>
    %swap3A = arith.constant 0 : index
    %swap3A_24 = arith.constant 0 : index
    %swap3A_25 = vector.load %arg7[%swap3A, %swap3A_24] : memref<4096x256xf32, #tpu.memory_space<vmem>>, vector<4096x256xf32>
    tpu.vector_store %arg7[%swap3A, %swap3A_24], %add3A_23 {strides = array<i32>} : memref<4096x256xf32, #tpu.memory_space<vmem>>, vector<4096x256xf32>,
    %reduce_sum3A = arith.constant dense<0.000000e+00> : vector<256xf32>
    %reduce_sum3A_26 = vector.multi_reduction <add>, %add3A_23, %reduce_sum3A [0] : vector<4096x256xf32> to vector<256xf32>
    %broadcast_in_dim3A = vector.shape_cast %reduce_sum3A_26 : vector<256xf32> to vector<1x256xf32>
    %mul3A_27 = arith.mulf %add3A_23, %add3A_23 : vector<4096x256xf32>
    %reduce_sum3A_28 = arith.constant dense<0.000000e+00> : vector<256xf32>
    %reduce_sum3A_29 = vector.multi_reduction <add>, %mul3A_27, %reduce_sum3A_28 [0] : vector<4096x256xf32> to vector<256xf32>
    %broadcast_in_dim3A_30 = vector.shape_cast %reduce_sum3A_29 : vector<256xf32> to vector<1x256xf32>
    %concatenate3A_31 = tpu.concatenate %broadcast_in_dim3A, %broadcast_in_dim3A_30 in 0 : vector<1x256xf32>, vector<1x256xf32> -> vector<2x256xf32>
    %eq3A = arith.constant 0 : i32
    %eq3A_32 = arith.cmpi eq, %arg0, %eq3A : i32
    %convert_element_type3A = arith.extui %eq3A_32 : i1 to i32
    %cond3A = arith.constant 0 : i32
    %cond3A_33 = arith.cmpi ne, %convert_element_type3A, %cond3A : i32
    scf.if %cond3A_33 {
      %swap3A_38 = arith.constant 0 : index
      %swap3A_39 = arith.constant 0 : index
      %swap3A_40 = vector.load %arg8[%swap3A_38, %swap3A_39] : memref<2x256xf32, #tpu.memory_space<vmem>>, vector<2x256xf32>
      tpu.vector_store %arg8[%swap3A_38, %swap3A_39], %concatenate3A_31 {strides = array<i32>} : memref<2x256xf32, #tpu.memory_space<vmem>>, vector<2x256xf32>,
    } else {
    }
    %ne3A = arith.constant 0 : i32
    %ne3A_34 = arith.cmpi ne, %arg0, %ne3A : i32
    %convert_element_type3A_35 = arith.extui %ne3A_34 : i1 to i32
    %cond3A_36 = arith.constant 0 : i32
    %cond3A_37 = arith.cmpi ne, %convert_element_type3A_35, %cond3A_36 : i32
    scf.if %cond3A_37 {
      %get3A_38 = arith.constant 0 : index
      %get3A_39 = arith.constant 0 : index
      %get3A_40 = vector.load %arg8[%get3A_38, %get3A_39] : memref<2x256xf32, #tpu.memory_space<vmem>>, vector<2x256xf32>
      %add3A_41 = arith.addf %get3A_40, %concatenate3A_31 : vector<2x256xf32>
      %swap3A_42 = arith.constant 0 : index
      %swap3A_43 = arith.constant 0 : index
      %swap3A_44 = vector.load %arg8[%swap3A_42, %swap3A_43] : memref<2x256xf32, #tpu.memory_space<vmem>>, vector<2x256xf32>
      tpu.vector_store %arg8[%swap3A_42, %swap3A_43], %add3A_41 {strides = array<i32>} : memref<2x256xf32, #tpu.memory_space<vmem>>, vector<2x256xf32>,
    } else {
    }
    return
  }
  func.func @transform_0(%arg0: i32) -> (i32, i32) {
    %c0_i32 = arith.constant 0 : i32
    %c0_i32_0 = arith.constant 0 : i32
    return %arg0, %c0_i32 : i32, i32
  }
  func.func @transform_1(%arg0: i32) -> (i32, i32) {
    %c0_i32 = arith.constant 0 : i32
    %c0_i32_0 = arith.constant 0 : i32
    return %arg0, %c0_i32 : i32, i32
  }
  func.func @transform_2(%arg0: i32) -> (i32, i32) {
    %c0_i32 = arith.constant 0 : i32
    %c0_i32_0 = arith.constant 0 : i32
    %c0_i32_1 = arith.constant 0 : i32
    return %c0_i32, %c0_i32_0 : i32, i32
  }
  func.func @transform_3(%arg0: i32) -> (i32, i32) {
    %c0_i32 = arith.constant 0 : i32
    %c0_i32_0 = arith.constant 0 : i32
    %c0_i32_1 = arith.constant 0 : i32
    return %c0_i32, %c0_i32_0 : i32, i32
  }
  func.func @transform_4(%arg0: i32) -> (i32, i32) {
    %c0_i32 = arith.constant 0 : i32
    %c0_i32_0 = arith.constant 0 : i32
    %c0_i32_1 = arith.constant 0 : i32
    return %c0_i32, %c0_i32_0 : i32, i32
  }
  func.func @transform_5(%arg0: i32) -> (i32, i32) {
    %c0_i32 = arith.constant 0 : i32
    %c0_i32_0 = arith.constant 0 : i32
    %c0_i32_1 = arith.constant 0 : i32
    return %c0_i32, %c0_i32_0 : i32, i32
  }
  func.func @transform_6(%arg0: i32) -> (i32, i32) {
    %c0_i32 = arith.constant 0 : i32
    %c0_i32_0 = arith.constant 0 : i32
    return %arg0, %c0_i32 : i32, i32
  }
  func.func @transform_7(%arg0: i32) -> (i32, i32) {
    %c0_i32 = arith.constant 0 : i32
    %c0_i32_0 = arith.constant 0 : i32
    %c0_i32_1 = arith.constant 0 : i32
    return %c0_i32, %c0_i32_0 : i32, i32
  }
}

module attributes {stable_mosaic.version = 14 : i64} {
  func.func @_stage_body(%arg0: i32, %arg1: memref<4096x256xf32, #tpu.memory_space<vmem>>, %arg2: memref<256x128xf32, #tpu.memory_space<vmem>>, %arg3: memref<1x128xf32, #tpu.memory_space<vmem>>, %arg4: memref<1x256xf32, #tpu.memory_space<vmem>>, %arg5: memref<1x256xf32, #tpu.memory_space<vmem>>, %arg6: memref<4096x128xf32, #tpu.memory_space<vmem>>, %arg7: memref<2x128xf32, #tpu.memory_space<vmem>>) attributes {dimension_semantics = [#tpu.dimension_semantics<arbitrary>], iteration_bounds = array<i64: 2>, scalar_prefetch = 0 : i64, scratch_operands = 0 : i64, tpu.core_type = #tpu.core_type<tc>, window_params = [{transform_indices = @transform_0, window_bounds = array<i64: 4096, 256>}, {pipeline_mode = #tpu.pipeline_mode<synchronous>, transform_indices = @transform_1, window_bounds = array<i64: 256, 128>}, {pipeline_mode = #tpu.pipeline_mode<synchronous>, transform_indices = @transform_2, window_bounds = array<i64: 1, 128>}, {pipeline_mode = #tpu.pipeline_mode<synchronous>, transform_indices = @transform_3, window_bounds = array<i64: 1, 256>}, {pipeline_mode = #tpu.pipeline_mode<synchronous>, transform_indices = @transform_4, window_bounds = array<i64: 1, 256>}, {transform_indices = @transform_5, window_bounds = array<i64: 4096, 128>}, {pipeline_mode = #tpu.pipeline_mode<synchronous>, transform_indices = @transform_6, window_bounds = array<i64: 2, 128>}]} {
    %get3A = arith.constant 0 : index
    %get3A_0 = arith.constant 0 : index
    %get3A_1 = vector.load %arg1[%get3A, %get3A_0] : memref<4096x256xf32, #tpu.memory_space<vmem>>, vector<4096x256xf32>
    %get3A_2 = arith.constant 0 : index
    %get3A_3 = arith.constant 0 : index
    %get3A_4 = vector.load %arg4[%get3A_2, %get3A_3] : memref<1x256xf32, #tpu.memory_space<vmem>>, vector<1x256xf32>
    %mul3A = vector.broadcast %get3A_4 : vector<1x256xf32> to vector<4096x256xf32>
    %mul3A_5 = arith.mulf %get3A_1, %mul3A : vector<4096x256xf32>
    %get3A_6 = arith.constant 0 : index
    %get3A_7 = arith.constant 0 : index
    %get3A_8 = vector.load %arg5[%get3A_6, %get3A_7] : memref<1x256xf32, #tpu.memory_space<vmem>>, vector<1x256xf32>
    %add3A = vector.broadcast %get3A_8 : vector<1x256xf32> to vector<4096x256xf32>
    %add3A_9 = arith.addf %mul3A_5, %add3A : vector<4096x256xf32>
    %max3A = arith.constant 0.000000e+00 : f32
    %max3A_10 = vector.broadcast %max3A : f32 to vector<4096x256xf32>
    %max3A_11 = arith.maximumf %add3A_9, %max3A_10 : vector<4096x256xf32>
    %get3A_12 = arith.constant 0 : index
    %get3A_13 = arith.constant 0 : index
    %get3A_14 = vector.load %arg2[%get3A_12, %get3A_13] : memref<256x128xf32, #tpu.memory_space<vmem>>, vector<256x128xf32>
    %dot_general3A = arith.constant dense<0.000000e+00> : vector<4096x128xf32>
    %dot_general3A_15 = tpu.matmul %max3A_11, %get3A_14, %dot_general3A {dimension_numbers = #tpu.dot_dimension_numbers<[1], [0], [0], [1], [0, 0, 1, 1], [], []>, transpose_lhs_hint = false} : vector<4096x256xf32>, vector<256x128xf32>, vector<4096x128xf32> -> vector<4096x128xf32>
    %get3A_16 = arith.constant 0 : index
    %get3A_17 = arith.constant 0 : index
    %get3A_18 = vector.load %arg3[%get3A_16, %get3A_17] : memref<1x128xf32, #tpu.memory_space<vmem>>, vector<1x128xf32>
    %add3A_19 = vector.broadcast %get3A_18 : vector<1x128xf32> to vector<4096x128xf32>
    %add3A_20 = arith.addf %dot_general3A_15, %add3A_19 : vector<4096x128xf32>
    %swap3A = arith.constant 0 : index
    %swap3A_21 = arith.constant 0 : index
    %swap3A_22 = vector.load %arg6[%swap3A, %swap3A_21] : memref<4096x128xf32, #tpu.memory_space<vmem>>, vector<4096x128xf32>
    tpu.vector_store %arg6[%swap3A, %swap3A_21], %add3A_20 {strides = array<i32>} : memref<4096x128xf32, #tpu.memory_space<vmem>>, vector<4096x128xf32>,
    %reduce_sum3A = arith.constant dense<0.000000e+00> : vector<128xf32>
    %reduce_sum3A_23 = vector.multi_reduction <add>, %add3A_20, %reduce_sum3A [0] : vector<4096x128xf32> to vector<128xf32>
    %broadcast_in_dim3A = vector.shape_cast %reduce_sum3A_23 : vector<128xf32> to vector<1x128xf32>
    %mul3A_24 = arith.mulf %add3A_20, %add3A_20 : vector<4096x128xf32>
    %reduce_sum3A_25 = arith.constant dense<0.000000e+00> : vector<128xf32>
    %reduce_sum3A_26 = vector.multi_reduction <add>, %mul3A_24, %reduce_sum3A_25 [0] : vector<4096x128xf32> to vector<128xf32>
    %broadcast_in_dim3A_27 = vector.shape_cast %reduce_sum3A_26 : vector<128xf32> to vector<1x128xf32>
    %concatenate3A = tpu.concatenate %broadcast_in_dim3A, %broadcast_in_dim3A_27 in 0 : vector<1x128xf32>, vector<1x128xf32> -> vector<2x128xf32>
    %eq3A = arith.constant 0 : i32
    %eq3A_28 = arith.cmpi eq, %arg0, %eq3A : i32
    %convert_element_type3A = arith.extui %eq3A_28 : i1 to i32
    %cond3A = arith.constant 0 : i32
    %cond3A_29 = arith.cmpi ne, %convert_element_type3A, %cond3A : i32
    scf.if %cond3A_29 {
      %swap3A_34 = arith.constant 0 : index
      %swap3A_35 = arith.constant 0 : index
      %swap3A_36 = vector.load %arg7[%swap3A_34, %swap3A_35] : memref<2x128xf32, #tpu.memory_space<vmem>>, vector<2x128xf32>
      tpu.vector_store %arg7[%swap3A_34, %swap3A_35], %concatenate3A {strides = array<i32>} : memref<2x128xf32, #tpu.memory_space<vmem>>, vector<2x128xf32>,
    } else {
    }
    %ne3A = arith.constant 0 : i32
    %ne3A_30 = arith.cmpi ne, %arg0, %ne3A : i32
    %convert_element_type3A_31 = arith.extui %ne3A_30 : i1 to i32
    %cond3A_32 = arith.constant 0 : i32
    %cond3A_33 = arith.cmpi ne, %convert_element_type3A_31, %cond3A_32 : i32
    scf.if %cond3A_33 {
      %get3A_34 = arith.constant 0 : index
      %get3A_35 = arith.constant 0 : index
      %get3A_36 = vector.load %arg7[%get3A_34, %get3A_35] : memref<2x128xf32, #tpu.memory_space<vmem>>, vector<2x128xf32>
      %add3A_37 = arith.addf %get3A_36, %concatenate3A : vector<2x128xf32>
      %swap3A_38 = arith.constant 0 : index
      %swap3A_39 = arith.constant 0 : index
      %swap3A_40 = vector.load %arg7[%swap3A_38, %swap3A_39] : memref<2x128xf32, #tpu.memory_space<vmem>>, vector<2x128xf32>
      tpu.vector_store %arg7[%swap3A_38, %swap3A_39], %add3A_37 {strides = array<i32>} : memref<2x128xf32, #tpu.memory_space<vmem>>, vector<2x128xf32>,
    } else {
    }
    return
  }
  func.func @transform_0(%arg0: i32) -> (i32, i32) {
    %c0_i32 = arith.constant 0 : i32
    %c0_i32_0 = arith.constant 0 : i32
    return %arg0, %c0_i32 : i32, i32
  }
  func.func @transform_1(%arg0: i32) -> (i32, i32) {
    %c0_i32 = arith.constant 0 : i32
    %c0_i32_0 = arith.constant 0 : i32
    %c0_i32_1 = arith.constant 0 : i32
    return %c0_i32, %c0_i32_0 : i32, i32
  }
  func.func @transform_2(%arg0: i32) -> (i32, i32) {
    %c0_i32 = arith.constant 0 : i32
    %c0_i32_0 = arith.constant 0 : i32
    %c0_i32_1 = arith.constant 0 : i32
    return %c0_i32, %c0_i32_0 : i32, i32
  }
  func.func @transform_3(%arg0: i32) -> (i32, i32) {
    %c0_i32 = arith.constant 0 : i32
    %c0_i32_0 = arith.constant 0 : i32
    %c0_i32_1 = arith.constant 0 : i32
    return %c0_i32, %c0_i32_0 : i32, i32
  }
  func.func @transform_4(%arg0: i32) -> (i32, i32) {
    %c0_i32 = arith.constant 0 : i32
    %c0_i32_0 = arith.constant 0 : i32
    %c0_i32_1 = arith.constant 0 : i32
    return %c0_i32, %c0_i32_0 : i32, i32
  }
  func.func @transform_5(%arg0: i32) -> (i32, i32) {
    %c0_i32 = arith.constant 0 : i32
    %c0_i32_0 = arith.constant 0 : i32
    return %arg0, %c0_i32 : i32, i32
  }
  func.func @transform_6(%arg0: i32) -> (i32, i32) {
    %c0_i32 = arith.constant 0 : i32
    %c0_i32_0 = arith.constant 0 : i32
    %c0_i32_1 = arith.constant 0 : i32
    return %c0_i32, %c0_i32_0 : i32, i32
  }
}

module attributes {stable_mosaic.version = 14 : i64} {
  func.func @_interp_body(%arg0: i32, %arg1: i32, %arg2: memref<1x512x3xf32, #tpu.memory_space<vmem>>, %arg3: memref<1x3x512xf32, #tpu.memory_space<vmem>>, %arg4: memref<1x512x128xf32, #tpu.memory_space<vmem>>, %arg5: memref<1x128xf32, #tpu.memory_space<vmem>>, %arg6: memref<1x128xf32, #tpu.memory_space<vmem>>, %arg7: memref<1x512x128xf32, #tpu.memory_space<vmem>>) attributes {dimension_semantics = [#tpu.dimension_semantics<arbitrary>, #tpu.dimension_semantics<arbitrary>], iteration_bounds = array<i64: 16, 4>, scalar_prefetch = 0 : i64, scratch_operands = 0 : i64, tpu.core_type = #tpu.core_type<tc>, window_params = [{transform_indices = @transform_0, window_bounds = array<i64: 1, 512, 3>}, {transform_indices = @transform_1, window_bounds = array<i64: 1, 3, 512>}, {transform_indices = @transform_2, window_bounds = array<i64: 1, 512, 128>}, {pipeline_mode = #tpu.pipeline_mode<synchronous>, transform_indices = @transform_3, window_bounds = array<i64: 1, 128>}, {pipeline_mode = #tpu.pipeline_mode<synchronous>, transform_indices = @transform_4, window_bounds = array<i64: 1, 128>}, {transform_indices = @transform_5, window_bounds = array<i64: 1, 512, 128>}]} {
    %get3A = arith.constant 0 : index
    %get3A_0 = arith.constant 0 : index
    %get3A_1 = arith.constant 0 : index
    %get3A_2 = vector.load %arg2[%get3A, %get3A_0, %get3A_1] : memref<1x512x3xf32, #tpu.memory_space<vmem>>, vector<1x512x3xf32>
    %get3A_3 = vector.shape_cast %get3A_2 : vector<1x512x3xf32> to vector<512x3xf32>
    %get3A_4 = arith.constant 0 : index
    %get3A_5 = arith.constant 0 : index
    %get3A_6 = arith.constant 0 : index
    %get3A_7 = vector.load %arg3[%get3A_4, %get3A_5, %get3A_6] : memref<1x3x512xf32, #tpu.memory_space<vmem>>, vector<1x3x512xf32>
    %get3A_8 = vector.shape_cast %get3A_7 : vector<1x3x512xf32> to vector<3x512xf32>
    %get3A_9 = arith.constant 0 : index
    %get3A_10 = arith.constant 0 : index
    %get3A_11 = arith.constant 0 : index
    %get3A_12 = vector.load %arg4[%get3A_9, %get3A_10, %get3A_11] : memref<1x512x128xf32, #tpu.memory_space<vmem>>, vector<1x512x128xf32>
    %get3A_13 = vector.shape_cast %get3A_12 : vector<1x512x128xf32> to vector<512x128xf32>
    %dot_general3A = arith.constant dense<0.000000e+00> : vector<512x512xf32>
    %dot_general3A_14 = tpu.matmul %get3A_3, %get3A_8, %dot_general3A {dimension_numbers = #tpu.dot_dimension_numbers<[1], [0], [0], [1], [0, 0, 1, 1], [], []>, transpose_lhs_hint = false} : vector<512x3xf32>, vector<3x512xf32>, vector<512x512xf32> -> vector<512x512xf32>
    %mul3A = arith.constant -2.000000e+00 : f32
    %mul3A_15 = vector.broadcast %mul3A : f32 to vector<512x512xf32>
    %mul3A_16 = arith.mulf %mul3A_15, %dot_general3A_14 : vector<512x512xf32>
    %mul3A_17 = arith.mulf %get3A_3, %get3A_3 : vector<512x3xf32>
    %reduce_sum3A = arith.constant dense<0.000000e+00> : vector<512xf32>
    %reduce_sum3A_18 = vector.multi_reduction <add>, %mul3A_17, %reduce_sum3A [1] : vector<512x3xf32> to vector<512xf32>
    %broadcast_in_dim3A = vector.shape_cast %reduce_sum3A_18 : vector<512xf32> to vector<512x1xf32>
    %add3A = vector.broadcast %broadcast_in_dim3A : vector<512x1xf32> to vector<512x512xf32>
    %add3A_19 = arith.addf %mul3A_16, %add3A : vector<512x512xf32>
    %mul3A_20 = arith.mulf %get3A_8, %get3A_8 : vector<3x512xf32>
    %reduce_sum3A_21 = arith.constant dense<0.000000e+00> : vector<512xf32>
    %reduce_sum3A_22 = vector.multi_reduction <add>, %mul3A_20, %reduce_sum3A_21 [0] : vector<3x512xf32> to vector<512xf32>
    %broadcast_in_dim3A_23 = vector.shape_cast %reduce_sum3A_22 : vector<512xf32> to vector<1x512xf32>
    %add3A_24 = vector.broadcast %broadcast_in_dim3A_23 : vector<1x512xf32> to vector<512x512xf32>
    %add3A_25 = arith.addf %add3A_19, %add3A_24 : vector<512x512xf32>
    %iota3A = tpu.iota {dimensions = array<i32: 1>} : vector<512x512xi32>
    %reduce_min3A = arith.constant dense<0x7F800000> : vector<512xf32>
    %reduce_min3A_26 = vector.multi_reduction <minimumf>, %add3A_25, %reduce_min3A [1] : vector<512x512xf32> to vector<512xf32>
    %broadcast_in_dim3A_27 = vector.shape_cast %reduce_min3A_26 : vector<512xf32> to vector<512x1xf32>
    %eq3A = vector.broadcast %broadcast_in_dim3A_27 : vector<512x1xf32> to vector<512x512xf32>
    %eq3A_28 = arith.cmpf oeq, %add3A_25, %eq3A : vector<512x512xf32>
    %jit3A = arith.constant 512 : i32
    %broadcast_in_dim3A_29 = vector.broadcast %jit3A : i32 to vector<512x512xi32>
    %select_n3A = arith.select %eq3A_28, %iota3A, %broadcast_in_dim3A_29 : vector<512x512xi1>, vector<512x512xi32>
    %reduce_min3A_30 = arith.constant dense<2147483647> : vector<512xi32>
    %reduce_min3A_31 = vector.multi_reduction <minsi>, %select_n3A, %reduce_min3A_30 [1] : vector<512x512xi32> to vector<512xi32>
    %broadcast_in_dim3A_32 = vector.shape_cast %reduce_min3A_31 : vector<512xi32> to vector<512x1xi32>
    %add3A_33 = arith.constant 9.99999993E-9 : f32
    %add3A_34 = vector.broadcast %add3A_33 : f32 to vector<512x1xf32>
    %add3A_35 = arith.addf %broadcast_in_dim3A_27, %add3A_34 : vector<512x1xf32>
    %div3A = arith.constant 1.000000e+00 : f32
    %div3A_36 = vector.broadcast %div3A : f32 to vector<512x1xf32>
    %div3A_37 = arith.divf %div3A_36, %add3A_35 : vector<512x1xf32>
    %eq3A_38 = vector.broadcast %broadcast_in_dim3A_32 : vector<512x1xi32> to vector<512x512xi32>
    %eq3A_39 = arith.cmpi eq, %iota3A, %eq3A_38 : vector<512x512xi32>
    %jit3A_40 = arith.constant 1.000000e+30 : f32
    %broadcast_in_dim3A_41 = vector.broadcast %jit3A_40 : f32 to vector<512x512xf32>
    %select_n3A_42 = arith.select %eq3A_39, %broadcast_in_dim3A_41, %add3A_25 : vector<512x512xi1>, vector<512x512xf32>
    %reduce_min3A_43 = arith.constant dense<0x7F800000> : vector<512xf32>
    %reduce_min3A_44 = vector.multi_reduction <minimumf>, %select_n3A_42, %reduce_min3A_43 [1] : vector<512x512xf32> to vector<512xf32>
    %broadcast_in_dim3A_45 = vector.shape_cast %reduce_min3A_44 : vector<512xf32> to vector<512x1xf32>
    %eq3A_46 = vector.broadcast %broadcast_in_dim3A_45 : vector<512x1xf32> to vector<512x512xf32>
    %eq3A_47 = arith.cmpf oeq, %select_n3A_42, %eq3A_46 : vector<512x512xf32>
    %jit3A_48 = arith.constant 512 : i32
    %broadcast_in_dim3A_49 = vector.broadcast %jit3A_48 : i32 to vector<512x512xi32>
    %select_n3A_50 = arith.select %eq3A_47, %iota3A, %broadcast_in_dim3A_49 : vector<512x512xi1>, vector<512x512xi32>
    %reduce_min3A_51 = arith.constant dense<2147483647> : vector<512xi32>
    %reduce_min3A_52 = vector.multi_reduction <minsi>, %select_n3A_50, %reduce_min3A_51 [1] : vector<512x512xi32> to vector<512xi32>
    %broadcast_in_dim3A_53 = vector.shape_cast %reduce_min3A_52 : vector<512xi32> to vector<512x1xi32>
    %add3A_54 = arith.constant 9.99999993E-9 : f32
    %add3A_55 = vector.broadcast %add3A_54 : f32 to vector<512x1xf32>
    %add3A_56 = arith.addf %broadcast_in_dim3A_45, %add3A_55 : vector<512x1xf32>
    %div3A_57 = arith.constant 1.000000e+00 : f32
    %div3A_58 = vector.broadcast %div3A_57 : f32 to vector<512x1xf32>
    %div3A_59 = arith.divf %div3A_58, %add3A_56 : vector<512x1xf32>
    %eq3A_60 = vector.broadcast %broadcast_in_dim3A_53 : vector<512x1xi32> to vector<512x512xi32>
    %eq3A_61 = arith.cmpi eq, %iota3A, %eq3A_60 : vector<512x512xi32>
    %jit3A_62 = arith.constant 1.000000e+30 : f32
    %broadcast_in_dim3A_63 = vector.broadcast %jit3A_62 : f32 to vector<512x512xf32>
    %select_n3A_64 = arith.select %eq3A_61, %broadcast_in_dim3A_63, %select_n3A_42 : vector<512x512xi1>, vector<512x512xf32>
    %reduce_min3A_65 = arith.constant dense<0x7F800000> : vector<512xf32>
    %reduce_min3A_66 = vector.multi_reduction <minimumf>, %select_n3A_64, %reduce_min3A_65 [1] : vector<512x512xf32> to vector<512xf32>
    %broadcast_in_dim3A_67 = vector.shape_cast %reduce_min3A_66 : vector<512xf32> to vector<512x1xf32>
    %eq3A_68 = vector.broadcast %broadcast_in_dim3A_67 : vector<512x1xf32> to vector<512x512xf32>
    %eq3A_69 = arith.cmpf oeq, %select_n3A_64, %eq3A_68 : vector<512x512xf32>
    %jit3A_70 = arith.constant 512 : i32
    %broadcast_in_dim3A_71 = vector.broadcast %jit3A_70 : i32 to vector<512x512xi32>
    %select_n3A_72 = arith.select %eq3A_69, %iota3A, %broadcast_in_dim3A_71 : vector<512x512xi1>, vector<512x512xi32>
    %reduce_min3A_73 = arith.constant dense<2147483647> : vector<512xi32>
    %reduce_min3A_74 = vector.multi_reduction <minsi>, %select_n3A_72, %reduce_min3A_73 [1] : vector<512x512xi32> to vector<512xi32>
    %broadcast_in_dim3A_75 = vector.shape_cast %reduce_min3A_74 : vector<512xi32> to vector<512x1xi32>
    %add3A_76 = arith.constant 9.99999993E-9 : f32
    %add3A_77 = vector.broadcast %add3A_76 : f32 to vector<512x1xf32>
    %add3A_78 = arith.addf %broadcast_in_dim3A_67, %add3A_77 : vector<512x1xf32>
    %div3A_79 = arith.constant 1.000000e+00 : f32
    %div3A_80 = vector.broadcast %div3A_79 : f32 to vector<512x1xf32>
    %div3A_81 = arith.divf %div3A_80, %add3A_78 : vector<512x1xf32>
    %add3A_82 = arith.addf %div3A_37, %div3A_59 : vector<512x1xf32>
    %add3A_83 = arith.addf %add3A_82, %div3A_81 : vector<512x1xf32>
    %broadcast_in_dim3A_84 = arith.constant 0.000000e+00 : f32
    %broadcast_in_dim3A_85 = vector.broadcast %broadcast_in_dim3A_84 : f32 to vector<512x512xf32>
    %eq3A_86 = vector.broadcast %broadcast_in_dim3A_32 : vector<512x1xi32> to vector<512x512xi32>
    %eq3A_87 = arith.cmpi eq, %iota3A, %eq3A_86 : vector<512x512xi32>
    %div3A_88 = arith.divf %div3A_37, %add3A_83 : vector<512x1xf32>
    %jit3A_89 = arith.constant 0.000000e+00 : f32
    %broadcast_in_dim3A_90 = vector.shape_cast %div3A_88 : vector<512x1xf32> to vector<512x1xf32>
    %broadcast_in_dim3A_91 = vector.broadcast %broadcast_in_dim3A_90 : vector<512x1xf32> to vector<512x512xf32>
    %broadcast_in_dim3A_92 = vector.broadcast %jit3A_89 : f32 to vector<512x512xf32>
    %select_n3A_93 = arith.select %eq3A_87, %broadcast_in_dim3A_91, %broadcast_in_dim3A_92 : vector<512x512xi1>, vector<512x512xf32>
    %add3A_94 = arith.addf %broadcast_in_dim3A_85, %select_n3A_93 : vector<512x512xf32>
    %eq3A_95 = vector.broadcast %broadcast_in_dim3A_53 : vector<512x1xi32> to vector<512x512xi32>
    %eq3A_96 = arith.cmpi eq, %iota3A, %eq3A_95 : vector<512x512xi32>
    %div3A_97 = arith.divf %div3A_59, %add3A_83 : vector<512x1xf32>
    %jit3A_98 = arith.constant 0.000000e+00 : f32
    %broadcast_in_dim3A_99 = vector.shape_cast %div3A_97 : vector<512x1xf32> to vector<512x1xf32>
    %broadcast_in_dim3A_100 = vector.broadcast %broadcast_in_dim3A_99 : vector<512x1xf32> to vector<512x512xf32>
    %broadcast_in_dim3A_101 = vector.broadcast %jit3A_98 : f32 to vector<512x512xf32>
    %select_n3A_102 = arith.select %eq3A_96, %broadcast_in_dim3A_100, %broadcast_in_dim3A_101 : vector<512x512xi1>, vector<512x512xf32>
    %add3A_103 = arith.addf %add3A_94, %select_n3A_102 : vector<512x512xf32>
    %eq3A_104 = vector.broadcast %broadcast_in_dim3A_75 : vector<512x1xi32> to vector<512x512xi32>
    %eq3A_105 = arith.cmpi eq, %iota3A, %eq3A_104 : vector<512x512xi32>
    %div3A_106 = arith.divf %div3A_81, %add3A_83 : vector<512x1xf32>
    %jit3A_107 = arith.constant 0.000000e+00 : f32
    %broadcast_in_dim3A_108 = vector.shape_cast %div3A_106 : vector<512x1xf32> to vector<512x1xf32>
    %broadcast_in_dim3A_109 = vector.broadcast %broadcast_in_dim3A_108 : vector<512x1xf32> to vector<512x512xf32>
    %broadcast_in_dim3A_110 = vector.broadcast %jit3A_107 : f32 to vector<512x512xf32>
    %select_n3A_111 = arith.select %eq3A_105, %broadcast_in_dim3A_109, %broadcast_in_dim3A_110 : vector<512x512xi1>, vector<512x512xf32>
    %add3A_112 = arith.addf %add3A_103, %select_n3A_111 : vector<512x512xf32>
    %get3A_113 = arith.constant 0 : index
    %get3A_114 = arith.constant 0 : index
    %get3A_115 = vector.load %arg5[%get3A_113, %get3A_114] : memref<1x128xf32, #tpu.memory_space<vmem>>, vector<1x128xf32>
    %mul3A_116 = vector.broadcast %get3A_115 : vector<1x128xf32> to vector<512x128xf32>
    %mul3A_117 = arith.mulf %get3A_13, %mul3A_116 : vector<512x128xf32>
    %get3A_118 = arith.constant 0 : index
    %get3A_119 = arith.constant 0 : index
    %get3A_120 = vector.load %arg6[%get3A_118, %get3A_119] : memref<1x128xf32, #tpu.memory_space<vmem>>, vector<1x128xf32>
    %add3A_121 = vector.broadcast %get3A_120 : vector<1x128xf32> to vector<512x128xf32>
    %add3A_122 = arith.addf %mul3A_117, %add3A_121 : vector<512x128xf32>
    %max3A = arith.constant 0.000000e+00 : f32
    %max3A_123 = vector.broadcast %max3A : f32 to vector<512x128xf32>
    %max3A_124 = arith.maximumf %add3A_122, %max3A_123 : vector<512x128xf32>
    %dot_general3A_125 = arith.constant dense<0.000000e+00> : vector<512x128xf32>
    %dot_general3A_126 = tpu.matmul %add3A_112, %max3A_124, %dot_general3A_125 {dimension_numbers = #tpu.dot_dimension_numbers<[1], [0], [0], [1], [0, 0, 1, 1], [], []>, precision = #tpu.contract_precision<fp32>, transpose_lhs_hint = false} : vector<512x512xf32>, vector<512x128xf32>, vector<512x128xf32> -> vector<512x128xf32>
    %swap3A = arith.constant 0 : index
    %swap3A_127 = arith.constant 0 : index
    %swap3A_128 = arith.constant 0 : index
    %swap3A_129 = vector.load %arg7[%swap3A, %swap3A_127, %swap3A_128] : memref<1x512x128xf32, #tpu.memory_space<vmem>>, vector<1x512x128xf32>
    %swap3A_130 = vector.shape_cast %swap3A_129 : vector<1x512x128xf32> to vector<512x128xf32>
    %swap3A_131 = vector.shape_cast %dot_general3A_126 : vector<512x128xf32> to vector<1x512x128xf32>
    tpu.vector_store %arg7[%swap3A, %swap3A_127, %swap3A_128], %swap3A_131 {strides = array<i32>} : memref<1x512x128xf32, #tpu.memory_space<vmem>>, vector<1x512x128xf32>,
    return
  }
  func.func @transform_0(%arg0: i32, %arg1: i32) -> (i32, i32, i32) {
    %c0_i32 = arith.constant 0 : i32
    %c0_i32_0 = arith.constant 0 : i32
    return %arg0, %arg1, %c0_i32 : i32, i32, i32
  }
  func.func @transform_1(%arg0: i32, %arg1: i32) -> (i32, i32, i32) {
    %c0_i32 = arith.constant 0 : i32
    %c0_i32_0 = arith.constant 0 : i32
    %c0_i32_1 = arith.constant 0 : i32
    return %arg0, %c0_i32, %c0_i32_0 : i32, i32, i32
  }
  func.func @transform_2(%arg0: i32, %arg1: i32) -> (i32, i32, i32) {
    %c0_i32 = arith.constant 0 : i32
    %c0_i32_0 = arith.constant 0 : i32
    %c0_i32_1 = arith.constant 0 : i32
    return %arg0, %c0_i32, %c0_i32_0 : i32, i32, i32
  }
  func.func @transform_3(%arg0: i32, %arg1: i32) -> (i32, i32) {
    %c0_i32 = arith.constant 0 : i32
    %c0_i32_0 = arith.constant 0 : i32
    %c0_i32_1 = arith.constant 0 : i32
    return %c0_i32, %c0_i32_0 : i32, i32
  }
  func.func @transform_4(%arg0: i32, %arg1: i32) -> (i32, i32) {
    %c0_i32 = arith.constant 0 : i32
    %c0_i32_0 = arith.constant 0 : i32
    %c0_i32_1 = arith.constant 0 : i32
    return %c0_i32, %c0_i32_0 : i32, i32
  }
  func.func @transform_5(%arg0: i32, %arg1: i32) -> (i32, i32, i32) {
    %c0_i32 = arith.constant 0 : i32
    %c0_i32_0 = arith.constant 0 : i32
    return %arg0, %arg1, %c0_i32 : i32, i32, i32
  }
}

module attributes {stable_mosaic.version = 14 : i64} {
  func.func @_stage_body(%arg0: i32, %arg1: memref<4096x134xf32, #tpu.memory_space<vmem>>, %arg2: memref<134x128xf32, #tpu.memory_space<vmem>>, %arg3: memref<1x128xf32, #tpu.memory_space<vmem>>, %arg4: memref<1x134xf32, #tpu.memory_space<vmem>>, %arg5: memref<1x134xf32, #tpu.memory_space<vmem>>, %arg6: memref<4096x128xf32, #tpu.memory_space<vmem>>, %arg7: memref<2x128xf32, #tpu.memory_space<vmem>>) attributes {dimension_semantics = [#tpu.dimension_semantics<arbitrary>], iteration_bounds = array<i64: 8>, scalar_prefetch = 0 : i64, scratch_operands = 0 : i64, tpu.core_type = #tpu.core_type<tc>, window_params = [{transform_indices = @transform_0, window_bounds = array<i64: 4096, 134>}, {pipeline_mode = #tpu.pipeline_mode<synchronous>, transform_indices = @transform_1, window_bounds = array<i64: 134, 128>}, {pipeline_mode = #tpu.pipeline_mode<synchronous>, transform_indices = @transform_2, window_bounds = array<i64: 1, 128>}, {pipeline_mode = #tpu.pipeline_mode<synchronous>, transform_indices = @transform_3, window_bounds = array<i64: 1, 134>}, {pipeline_mode = #tpu.pipeline_mode<synchronous>, transform_indices = @transform_4, window_bounds = array<i64: 1, 134>}, {transform_indices = @transform_5, window_bounds = array<i64: 4096, 128>}, {pipeline_mode = #tpu.pipeline_mode<synchronous>, transform_indices = @transform_6, window_bounds = array<i64: 2, 128>}]} {
    %get3A = arith.constant 0 : index
    %get3A_0 = arith.constant 0 : index
    %get3A_1 = vector.load %arg1[%get3A, %get3A_0] : memref<4096x134xf32, #tpu.memory_space<vmem>>, vector<4096x134xf32>
    %get3A_2 = arith.constant 0 : index
    %get3A_3 = arith.constant 0 : index
    %get3A_4 = vector.load %arg2[%get3A_2, %get3A_3] : memref<134x128xf32, #tpu.memory_space<vmem>>, vector<134x128xf32>
    %dot_general3A = arith.constant dense<0.000000e+00> : vector<4096x128xf32>
    %dot_general3A_5 = tpu.matmul %get3A_1, %get3A_4, %dot_general3A {dimension_numbers = #tpu.dot_dimension_numbers<[1], [0], [0], [1], [0, 0, 1, 1], [], []>, transpose_lhs_hint = false} : vector<4096x134xf32>, vector<134x128xf32>, vector<4096x128xf32> -> vector<4096x128xf32>
    %get3A_6 = arith.constant 0 : index
    %get3A_7 = arith.constant 0 : index
    %get3A_8 = vector.load %arg3[%get3A_6, %get3A_7] : memref<1x128xf32, #tpu.memory_space<vmem>>, vector<1x128xf32>
    %add3A = vector.broadcast %get3A_8 : vector<1x128xf32> to vector<4096x128xf32>
    %add3A_9 = arith.addf %dot_general3A_5, %add3A : vector<4096x128xf32>
    %swap3A = arith.constant 0 : index
    %swap3A_10 = arith.constant 0 : index
    %swap3A_11 = vector.load %arg6[%swap3A, %swap3A_10] : memref<4096x128xf32, #tpu.memory_space<vmem>>, vector<4096x128xf32>
    tpu.vector_store %arg6[%swap3A, %swap3A_10], %add3A_9 {strides = array<i32>} : memref<4096x128xf32, #tpu.memory_space<vmem>>, vector<4096x128xf32>,
    %reduce_sum3A = arith.constant dense<0.000000e+00> : vector<128xf32>
    %reduce_sum3A_12 = vector.multi_reduction <add>, %add3A_9, %reduce_sum3A [0] : vector<4096x128xf32> to vector<128xf32>
    %broadcast_in_dim3A = vector.shape_cast %reduce_sum3A_12 : vector<128xf32> to vector<1x128xf32>
    %mul3A = arith.mulf %add3A_9, %add3A_9 : vector<4096x128xf32>
    %reduce_sum3A_13 = arith.constant dense<0.000000e+00> : vector<128xf32>
    %reduce_sum3A_14 = vector.multi_reduction <add>, %mul3A, %reduce_sum3A_13 [0] : vector<4096x128xf32> to vector<128xf32>
    %broadcast_in_dim3A_15 = vector.shape_cast %reduce_sum3A_14 : vector<128xf32> to vector<1x128xf32>
    %concatenate3A = tpu.concatenate %broadcast_in_dim3A, %broadcast_in_dim3A_15 in 0 : vector<1x128xf32>, vector<1x128xf32> -> vector<2x128xf32>
    %eq3A = arith.constant 0 : i32
    %eq3A_16 = arith.cmpi eq, %arg0, %eq3A : i32
    %convert_element_type3A = arith.extui %eq3A_16 : i1 to i32
    %cond3A = arith.constant 0 : i32
    %cond3A_17 = arith.cmpi ne, %convert_element_type3A, %cond3A : i32
    scf.if %cond3A_17 {
      %swap3A_22 = arith.constant 0 : index
      %swap3A_23 = arith.constant 0 : index
      %swap3A_24 = vector.load %arg7[%swap3A_22, %swap3A_23] : memref<2x128xf32, #tpu.memory_space<vmem>>, vector<2x128xf32>
      tpu.vector_store %arg7[%swap3A_22, %swap3A_23], %concatenate3A {strides = array<i32>} : memref<2x128xf32, #tpu.memory_space<vmem>>, vector<2x128xf32>,
    } else {
    }
    %ne3A = arith.constant 0 : i32
    %ne3A_18 = arith.cmpi ne, %arg0, %ne3A : i32
    %convert_element_type3A_19 = arith.extui %ne3A_18 : i1 to i32
    %cond3A_20 = arith.constant 0 : i32
    %cond3A_21 = arith.cmpi ne, %convert_element_type3A_19, %cond3A_20 : i32
    scf.if %cond3A_21 {
      %get3A_22 = arith.constant 0 : index
      %get3A_23 = arith.constant 0 : index
      %get3A_24 = vector.load %arg7[%get3A_22, %get3A_23] : memref<2x128xf32, #tpu.memory_space<vmem>>, vector<2x128xf32>
      %add3A_25 = arith.addf %get3A_24, %concatenate3A : vector<2x128xf32>
      %swap3A_26 = arith.constant 0 : index
      %swap3A_27 = arith.constant 0 : index
      %swap3A_28 = vector.load %arg7[%swap3A_26, %swap3A_27] : memref<2x128xf32, #tpu.memory_space<vmem>>, vector<2x128xf32>
      tpu.vector_store %arg7[%swap3A_26, %swap3A_27], %add3A_25 {strides = array<i32>} : memref<2x128xf32, #tpu.memory_space<vmem>>, vector<2x128xf32>,
    } else {
    }
    return
  }
  func.func @transform_0(%arg0: i32) -> (i32, i32) {
    %c0_i32 = arith.constant 0 : i32
    %c0_i32_0 = arith.constant 0 : i32
    return %arg0, %c0_i32 : i32, i32
  }
  func.func @transform_1(%arg0: i32) -> (i32, i32) {
    %c0_i32 = arith.constant 0 : i32
    %c0_i32_0 = arith.constant 0 : i32
    %c0_i32_1 = arith.constant 0 : i32
    return %c0_i32, %c0_i32_0 : i32, i32
  }
  func.func @transform_2(%arg0: i32) -> (i32, i32) {
    %c0_i32 = arith.constant 0 : i32
    %c0_i32_0 = arith.constant 0 : i32
    %c0_i32_1 = arith.constant 0 : i32
    return %c0_i32, %c0_i32_0 : i32, i32
  }
  func.func @transform_3(%arg0: i32) -> (i32, i32) {
    %c0_i32 = arith.constant 0 : i32
    %c0_i32_0 = arith.constant 0 : i32
    %c0_i32_1 = arith.constant 0 : i32
    return %c0_i32, %c0_i32_0 : i32, i32
  }
  func.func @transform_4(%arg0: i32) -> (i32, i32) {
    %c0_i32 = arith.constant 0 : i32
    %c0_i32_0 = arith.constant 0 : i32
    %c0_i32_1 = arith.constant 0 : i32
    return %c0_i32, %c0_i32_0 : i32, i32
  }
  func.func @transform_5(%arg0: i32) -> (i32, i32) {
    %c0_i32 = arith.constant 0 : i32
    %c0_i32_0 = arith.constant 0 : i32
    return %arg0, %c0_i32 : i32, i32
  }
  func.func @transform_6(%arg0: i32) -> (i32, i32) {
    %c0_i32 = arith.constant 0 : i32
    %c0_i32_0 = arith.constant 0 : i32
    %c0_i32_1 = arith.constant 0 : i32
    return %c0_i32, %c0_i32_0 : i32, i32
  }
}

module attributes {stable_mosaic.version = 14 : i64} {
  func.func @_stage_body(%arg0: i32, %arg1: memref<4096x128xf32, #tpu.memory_space<vmem>>, %arg2: memref<128x128xf32, #tpu.memory_space<vmem>>, %arg3: memref<1x128xf32, #tpu.memory_space<vmem>>, %arg4: memref<1x128xf32, #tpu.memory_space<vmem>>, %arg5: memref<1x128xf32, #tpu.memory_space<vmem>>, %arg6: memref<4096x128xf32, #tpu.memory_space<vmem>>, %arg7: memref<2x128xf32, #tpu.memory_space<vmem>>) attributes {dimension_semantics = [#tpu.dimension_semantics<arbitrary>], iteration_bounds = array<i64: 8>, scalar_prefetch = 0 : i64, scratch_operands = 0 : i64, tpu.core_type = #tpu.core_type<tc>, window_params = [{transform_indices = @transform_0, window_bounds = array<i64: 4096, 128>}, {pipeline_mode = #tpu.pipeline_mode<synchronous>, transform_indices = @transform_1, window_bounds = array<i64: 128, 128>}, {pipeline_mode = #tpu.pipeline_mode<synchronous>, transform_indices = @transform_2, window_bounds = array<i64: 1, 128>}, {pipeline_mode = #tpu.pipeline_mode<synchronous>, transform_indices = @transform_3, window_bounds = array<i64: 1, 128>}, {pipeline_mode = #tpu.pipeline_mode<synchronous>, transform_indices = @transform_4, window_bounds = array<i64: 1, 128>}, {transform_indices = @transform_5, window_bounds = array<i64: 4096, 128>}, {pipeline_mode = #tpu.pipeline_mode<synchronous>, transform_indices = @transform_6, window_bounds = array<i64: 2, 128>}]} {
    %get3A = arith.constant 0 : index
    %get3A_0 = arith.constant 0 : index
    %get3A_1 = vector.load %arg1[%get3A, %get3A_0] : memref<4096x128xf32, #tpu.memory_space<vmem>>, vector<4096x128xf32>
    %get3A_2 = arith.constant 0 : index
    %get3A_3 = arith.constant 0 : index
    %get3A_4 = vector.load %arg4[%get3A_2, %get3A_3] : memref<1x128xf32, #tpu.memory_space<vmem>>, vector<1x128xf32>
    %mul3A = vector.broadcast %get3A_4 : vector<1x128xf32> to vector<4096x128xf32>
    %mul3A_5 = arith.mulf %get3A_1, %mul3A : vector<4096x128xf32>
    %get3A_6 = arith.constant 0 : index
    %get3A_7 = arith.constant 0 : index
    %get3A_8 = vector.load %arg5[%get3A_6, %get3A_7] : memref<1x128xf32, #tpu.memory_space<vmem>>, vector<1x128xf32>
    %add3A = vector.broadcast %get3A_8 : vector<1x128xf32> to vector<4096x128xf32>
    %add3A_9 = arith.addf %mul3A_5, %add3A : vector<4096x128xf32>
    %max3A = arith.constant 0.000000e+00 : f32
    %max3A_10 = vector.broadcast %max3A : f32 to vector<4096x128xf32>
    %max3A_11 = arith.maximumf %add3A_9, %max3A_10 : vector<4096x128xf32>
    %get3A_12 = arith.constant 0 : index
    %get3A_13 = arith.constant 0 : index
    %get3A_14 = vector.load %arg2[%get3A_12, %get3A_13] : memref<128x128xf32, #tpu.memory_space<vmem>>, vector<128x128xf32>
    %dot_general3A = arith.constant dense<0.000000e+00> : vector<4096x128xf32>
    %dot_general3A_15 = tpu.matmul %max3A_11, %get3A_14, %dot_general3A {dimension_numbers = #tpu.dot_dimension_numbers<[1], [0], [0], [1], [0, 0, 1, 1], [], []>, transpose_lhs_hint = false} : vector<4096x128xf32>, vector<128x128xf32>, vector<4096x128xf32> -> vector<4096x128xf32>
    %get3A_16 = arith.constant 0 : index
    %get3A_17 = arith.constant 0 : index
    %get3A_18 = vector.load %arg3[%get3A_16, %get3A_17] : memref<1x128xf32, #tpu.memory_space<vmem>>, vector<1x128xf32>
    %add3A_19 = vector.broadcast %get3A_18 : vector<1x128xf32> to vector<4096x128xf32>
    %add3A_20 = arith.addf %dot_general3A_15, %add3A_19 : vector<4096x128xf32>
    %swap3A = arith.constant 0 : index
    %swap3A_21 = arith.constant 0 : index
    %swap3A_22 = vector.load %arg6[%swap3A, %swap3A_21] : memref<4096x128xf32, #tpu.memory_space<vmem>>, vector<4096x128xf32>
    tpu.vector_store %arg6[%swap3A, %swap3A_21], %add3A_20 {strides = array<i32>} : memref<4096x128xf32, #tpu.memory_space<vmem>>, vector<4096x128xf32>,
    %reduce_sum3A = arith.constant dense<0.000000e+00> : vector<128xf32>
    %reduce_sum3A_23 = vector.multi_reduction <add>, %add3A_20, %reduce_sum3A [0] : vector<4096x128xf32> to vector<128xf32>
    %broadcast_in_dim3A = vector.shape_cast %reduce_sum3A_23 : vector<128xf32> to vector<1x128xf32>
    %mul3A_24 = arith.mulf %add3A_20, %add3A_20 : vector<4096x128xf32>
    %reduce_sum3A_25 = arith.constant dense<0.000000e+00> : vector<128xf32>
    %reduce_sum3A_26 = vector.multi_reduction <add>, %mul3A_24, %reduce_sum3A_25 [0] : vector<4096x128xf32> to vector<128xf32>
    %broadcast_in_dim3A_27 = vector.shape_cast %reduce_sum3A_26 : vector<128xf32> to vector<1x128xf32>
    %concatenate3A = tpu.concatenate %broadcast_in_dim3A, %broadcast_in_dim3A_27 in 0 : vector<1x128xf32>, vector<1x128xf32> -> vector<2x128xf32>
    %eq3A = arith.constant 0 : i32
    %eq3A_28 = arith.cmpi eq, %arg0, %eq3A : i32
    %convert_element_type3A = arith.extui %eq3A_28 : i1 to i32
    %cond3A = arith.constant 0 : i32
    %cond3A_29 = arith.cmpi ne, %convert_element_type3A, %cond3A : i32
    scf.if %cond3A_29 {
      %swap3A_34 = arith.constant 0 : index
      %swap3A_35 = arith.constant 0 : index
      %swap3A_36 = vector.load %arg7[%swap3A_34, %swap3A_35] : memref<2x128xf32, #tpu.memory_space<vmem>>, vector<2x128xf32>
      tpu.vector_store %arg7[%swap3A_34, %swap3A_35], %concatenate3A {strides = array<i32>} : memref<2x128xf32, #tpu.memory_space<vmem>>, vector<2x128xf32>,
    } else {
    }
    %ne3A = arith.constant 0 : i32
    %ne3A_30 = arith.cmpi ne, %arg0, %ne3A : i32
    %convert_element_type3A_31 = arith.extui %ne3A_30 : i1 to i32
    %cond3A_32 = arith.constant 0 : i32
    %cond3A_33 = arith.cmpi ne, %convert_element_type3A_31, %cond3A_32 : i32
    scf.if %cond3A_33 {
      %get3A_34 = arith.constant 0 : index
      %get3A_35 = arith.constant 0 : index
      %get3A_36 = vector.load %arg7[%get3A_34, %get3A_35] : memref<2x128xf32, #tpu.memory_space<vmem>>, vector<2x128xf32>
      %add3A_37 = arith.addf %get3A_36, %concatenate3A : vector<2x128xf32>
      %swap3A_38 = arith.constant 0 : index
      %swap3A_39 = arith.constant 0 : index
      %swap3A_40 = vector.load %arg7[%swap3A_38, %swap3A_39] : memref<2x128xf32, #tpu.memory_space<vmem>>, vector<2x128xf32>
      tpu.vector_store %arg7[%swap3A_38, %swap3A_39], %add3A_37 {strides = array<i32>} : memref<2x128xf32, #tpu.memory_space<vmem>>, vector<2x128xf32>,
    } else {
    }
    return
  }
  func.func @transform_0(%arg0: i32) -> (i32, i32) {
    %c0_i32 = arith.constant 0 : i32
    %c0_i32_0 = arith.constant 0 : i32
    return %arg0, %c0_i32 : i32, i32
  }
  func.func @transform_1(%arg0: i32) -> (i32, i32) {
    %c0_i32 = arith.constant 0 : i32
    %c0_i32_0 = arith.constant 0 : i32
    %c0_i32_1 = arith.constant 0 : i32
    return %c0_i32, %c0_i32_0 : i32, i32
  }
  func.func @transform_2(%arg0: i32) -> (i32, i32) {
    %c0_i32 = arith.constant 0 : i32
    %c0_i32_0 = arith.constant 0 : i32
    %c0_i32_1 = arith.constant 0 : i32
    return %c0_i32, %c0_i32_0 : i32, i32
  }
  func.func @transform_3(%arg0: i32) -> (i32, i32) {
    %c0_i32 = arith.constant 0 : i32
    %c0_i32_0 = arith.constant 0 : i32
    %c0_i32_1 = arith.constant 0 : i32
    return %c0_i32, %c0_i32_0 : i32, i32
  }
  func.func @transform_4(%arg0: i32) -> (i32, i32) {
    %c0_i32 = arith.constant 0 : i32
    %c0_i32_0 = arith.constant 0 : i32
    %c0_i32_1 = arith.constant 0 : i32
    return %c0_i32, %c0_i32_0 : i32, i32
  }
  func.func @transform_5(%arg0: i32) -> (i32, i32) {
    %c0_i32 = arith.constant 0 : i32
    %c0_i32_0 = arith.constant 0 : i32
    return %arg0, %c0_i32 : i32, i32
  }
  func.func @transform_6(%arg0: i32) -> (i32, i32) {
    %c0_i32 = arith.constant 0 : i32
    %c0_i32_0 = arith.constant 0 : i32
    %c0_i32_1 = arith.constant 0 : i32
    return %c0_i32, %c0_i32_0 : i32, i32
  }
}

module attributes {stable_mosaic.version = 14 : i64} {
  func.func @_final_body(%arg0: i32, %arg1: memref<4096x128xf32, #tpu.memory_space<vmem>>, %arg2: memref<1x128xf32, #tpu.memory_space<vmem>>, %arg3: memref<1x128xf32, #tpu.memory_space<vmem>>, %arg4: memref<128x15xf32, #tpu.memory_space<vmem>>, %arg5: memref<1x15xf32, #tpu.memory_space<vmem>>, %arg6: memref<4096x15xf32, #tpu.memory_space<vmem>>) attributes {dimension_semantics = [#tpu.dimension_semantics<arbitrary>], iteration_bounds = array<i64: 8>, scalar_prefetch = 0 : i64, scratch_operands = 0 : i64, tpu.core_type = #tpu.core_type<tc>, window_params = [{transform_indices = @transform_0, window_bounds = array<i64: 4096, 128>}, {pipeline_mode = #tpu.pipeline_mode<synchronous>, transform_indices = @transform_1, window_bounds = array<i64: 1, 128>}, {pipeline_mode = #tpu.pipeline_mode<synchronous>, transform_indices = @transform_2, window_bounds = array<i64: 1, 128>}, {pipeline_mode = #tpu.pipeline_mode<synchronous>, transform_indices = @transform_3, window_bounds = array<i64: 128, 15>}, {pipeline_mode = #tpu.pipeline_mode<synchronous>, transform_indices = @transform_4, window_bounds = array<i64: 1, 15>}, {transform_indices = @transform_5, window_bounds = array<i64: 4096, 15>}]} {
    %get3A = arith.constant 0 : index
    %get3A_0 = arith.constant 0 : index
    %get3A_1 = vector.load %arg1[%get3A, %get3A_0] : memref<4096x128xf32, #tpu.memory_space<vmem>>, vector<4096x128xf32>
    %get3A_2 = arith.constant 0 : index
    %get3A_3 = arith.constant 0 : index
    %get3A_4 = vector.load %arg2[%get3A_2, %get3A_3] : memref<1x128xf32, #tpu.memory_space<vmem>>, vector<1x128xf32>
    %mul3A = vector.broadcast %get3A_4 : vector<1x128xf32> to vector<4096x128xf32>
    %mul3A_5 = arith.mulf %get3A_1, %mul3A : vector<4096x128xf32>
    %get3A_6 = arith.constant 0 : index
    %get3A_7 = arith.constant 0 : index
    %get3A_8 = vector.load %arg3[%get3A_6, %get3A_7] : memref<1x128xf32, #tpu.memory_space<vmem>>, vector<1x128xf32>
    %add3A = vector.broadcast %get3A_8 : vector<1x128xf32> to vector<4096x128xf32>
    %add3A_9 = arith.addf %mul3A_5, %add3A : vector<4096x128xf32>
    %max3A = arith.constant 0.000000e+00 : f32
    %max3A_10 = vector.broadcast %max3A : f32 to vector<4096x128xf32>
    %max3A_11 = arith.maximumf %add3A_9, %max3A_10 : vector<4096x128xf32>
    %get3A_12 = arith.constant 0 : index
    %get3A_13 = arith.constant 0 : index
    %get3A_14 = vector.load %arg4[%get3A_12, %get3A_13] : memref<128x15xf32, #tpu.memory_space<vmem>>, vector<128x15xf32>
    %dot_general3A = arith.constant dense<0.000000e+00> : vector<4096x15xf32>
    %dot_general3A_15 = tpu.matmul %max3A_11, %get3A_14, %dot_general3A {dimension_numbers = #tpu.dot_dimension_numbers<[1], [0], [0], [1], [0, 0, 1, 1], [], []>, transpose_lhs_hint = false} : vector<4096x128xf32>, vector<128x15xf32>, vector<4096x15xf32> -> vector<4096x15xf32>
    %get3A_16 = arith.constant 0 : index
    %get3A_17 = arith.constant 0 : index
    %get3A_18 = vector.load %arg5[%get3A_16, %get3A_17] : memref<1x15xf32, #tpu.memory_space<vmem>>, vector<1x15xf32>
    %add3A_19 = vector.broadcast %get3A_18 : vector<1x15xf32> to vector<4096x15xf32>
    %add3A_20 = arith.addf %dot_general3A_15, %add3A_19 : vector<4096x15xf32>
    %reduce_max3A = arith.constant dense<0xFF800000> : vector<4096xf32>
    %reduce_max3A_21 = vector.multi_reduction <maximumf>, %add3A_20, %reduce_max3A [1] : vector<4096x15xf32> to vector<4096xf32>
    %broadcast_in_dim3A = vector.shape_cast %reduce_max3A_21 : vector<4096xf32> to vector<4096x1xf32>
    %sub3A = vector.broadcast %broadcast_in_dim3A : vector<4096x1xf32> to vector<4096x15xf32>
    %sub3A_22 = arith.subf %add3A_20, %sub3A : vector<4096x15xf32>
    %exp3A = math.exp %sub3A_22 : vector<4096x15xf32>
    %reduce_sum3A = arith.constant dense<0.000000e+00> : vector<4096xf32>
    %reduce_sum3A_23 = vector.multi_reduction <add>, %exp3A, %reduce_sum3A [1] : vector<4096x15xf32> to vector<4096xf32>
    %broadcast_in_dim3A_24 = vector.shape_cast %reduce_sum3A_23 : vector<4096xf32> to vector<4096x1xf32>
    %log3A = math.log %broadcast_in_dim3A_24 : vector<4096x1xf32>
    %sub3A_25 = vector.broadcast %log3A : vector<4096x1xf32> to vector<4096x15xf32>
    %sub3A_26 = arith.subf %sub3A_22, %sub3A_25 : vector<4096x15xf32>
    %swap3A = arith.constant 0 : index
    %swap3A_27 = arith.constant 0 : index
    %swap3A_28 = vector.load %arg6[%swap3A, %swap3A_27] : memref<4096x15xf32, #tpu.memory_space<vmem>>, vector<4096x15xf32>
    tpu.vector_store %arg6[%swap3A, %swap3A_27], %sub3A_26 {strides = array<i32>} : memref<4096x15xf32, #tpu.memory_space<vmem>>, vector<4096x15xf32>,
    return
  }
  func.func @transform_0(%arg0: i32) -> (i32, i32) {
    %c0_i32 = arith.constant 0 : i32
    %c0_i32_0 = arith.constant 0 : i32
    return %arg0, %c0_i32 : i32, i32
  }
  func.func @transform_1(%arg0: i32) -> (i32, i32) {
    %c0_i32 = arith.constant 0 : i32
    %c0_i32_0 = arith.constant 0 : i32
    %c0_i32_1 = arith.constant 0 : i32
    return %c0_i32, %c0_i32_0 : i32, i32
  }
  func.func @transform_2(%arg0: i32) -> (i32, i32) {
    %c0_i32 = arith.constant 0 : i32
    %c0_i32_0 = arith.constant 0 : i32
    %c0_i32_1 = arith.constant 0 : i32
    return %c0_i32, %c0_i32_0 : i32, i32
  }
  func.func @transform_3(%arg0: i32) -> (i32, i32) {
    %c0_i32 = arith.constant 0 : i32
    %c0_i32_0 = arith.constant 0 : i32
    %c0_i32_1 = arith.constant 0 : i32
    return %c0_i32, %c0_i32_0 : i32, i32
  }
  func.func @transform_4(%arg0: i32) -> (i32, i32) {
    %c0_i32 = arith.constant 0 : i32
    %c0_i32_0 = arith.constant 0 : i32
    %c0_i32_1 = arith.constant 0 : i32
    return %c0_i32, %c0_i32_0 : i32, i32
  }
  func.func @transform_5(%arg0: i32) -> (i32, i32) {
    %c0_i32 = arith.constant 0 : i32
    %c0_i32_0 = arith.constant 0 : i32
    return %arg0, %c0_i32 : i32, i32
  }
}

</mosaic_0001>

<sc_bundles>
// kernel: sparse-core-data-format-call.cloned.1.call-start
scs
called_computation_lowered:
.L_overlay_start_0:
0x0: {  	s1 =	sld [smem:$0x3FD9]  }
0x1: {  	s2 =	sld [smem:$0x3FFE];
	_ =	sdelay $0x1  }
0x2: {  	s3 =	srdreg.scid  }
0x3: {  	s0 =	sand.u32 $0x1, s3  }
0x4: {  	s17 =	sshll.u32 s0, $0xA;
	s1 =	sadd.s32 s2, s1  }
0x5: {  	s1 =	sadd.s32 s1, s17  }
0x6: {  	[smem:$0x3F81] =	sst s1  }
0x7: {  	_ = 	snop  }
0x8: {  	(tm) =	ssettm $0x1  }
0x9: {  	s18 =	sld [smem:$0x3FFB];
	_ =	sdelay $0x3  }
0xa: {  	_ =	strace s18  }
0xb: {  	s1 =	sld [smem:$0x3FFC];
	_ =	sdelay $0x3  }
0xc: {  	_ =	strace s1  }
0xd: {  	s1 =	sld [smem:$0x3FFD];
	_ =	sdelay $0x3  }
0xe: {  	_ =	strace s1  }
0xf: {  	_ =	strace $0x8FFFFFFF  }
0x10: {  	s19 =	sld [smem:$0x3FDB];
	_ =	sdelay $0x1  }
0x11: {  	s20 =	simm.s32 $_scs_section_size  }
0x12: {  	s4 =	simm.s32 $_size__tile_overlayer_lowered;
	s5 =	simm.s32 $_tile_overlayer_lowered  }
0x13: {  	s23 =	simm.s32 $0x1BFF;
	s22 =	sshll.u32 s5, $0x1;
	s1 =	sadd.s32 s20, s19  }
0x14: {  	s6 =	simm.s32 $0x0;
	s21 =	sshll.u32 s4, $0x1;
	s4 =	sadd.s32 s22, s1  }
0x15: {  	[timem:s6], [sflag:s23] =	dma.local [hbm:s4], s21  }
0x16: {  	_ =	swait.ge [sflag:s23], s21  }
0x17: {  	s2 =	ssub.s32 $0x0, s21;
	[sflag:s23] =	ssyncset.done $0x0  }
0x18: {  	[sflag:s23] =	ssyncadd.s32 s2;
	_ =	sdelay $0x1  }
0x19: {  	s24 =	simm.s32 $0x1B8B  }
0x1a: {  	_ =	swait.ge [sflag:s24], $0x1  }
0x1b: {  	[sflag:s24] =	ssyncset.done $0x0  }
0x1c: {  	s26 =	simm.s32 $0x1B8E;
	s25 =	sld [smem:$0x3FFE];
	[sflag:s24] =	ssyncadd.s32 $0xFFFFFFFF  }
0x1d: {  	s27 =	simm.s32 $execute0_lowered;
	[smem:$0x3FD2] =	sst s26  }
0x1e: {  	s4 =	sshll.u32 s27, $0x1;
	_ =	strace $0x80000046;
	[dreg:$0x1] =	wrdreg $0xFFFFFFFF  }
0x1f: {  	s28 =	simm.s32 $_size_execute0_lowered;
	s1 =	sadd.s32 s1, s4;
	[dreg:$0x0] =	wrdreg $0x0  }
0x20: {  	s4 =	sshll.u32 s28, $0x1;
	[dreg:$0x2] =	wrdreg s1  }
0x21: {  	[dreg:$0x3] =	wrdreg s4  }
0x22: {  	[dreg:$0x4] =	wrdreg $0xC0  }
0x23: {  	_ =	task [dreg:s6], $0x5FFFF  }
0x24: {  	[dreg:$0x1] =	wrdreg $0xFFFFFFFF  }
0x25: {  	[dreg:$0x0] =	wrdreg $0x60  }
0x26: {  	[dreg:$0x2] =	wrdreg s25  }
0x27: {  	[dreg:$0x3] =	wrdreg $0x9  }
0x28: {  	_ =	task.clear_ibuf [dreg:s6], $0x4FFFF;
	_ =	strace $0x90000046  }
0x29: {  	s29 =	simm.s32 $0x9;
	_ =	strace $0x80000048  }
0x2a: {  	_ =	swait.ge [sflag:s29], $0x1  }
0x2b: {  	[sflag:s29] =	ssyncadd.s32 $0xFFFFFFFF  }
0x2c: {  	_ =	strace $0x90000048  }
0x2d: {  	_ =	sfence  }
0x2e: {  	s30 =	sld [smem:$0x0];
	_ =	sdelay $0x2  }
0x2f: {  	s31 =	sshll.u32 s3, $0xD;
	s3 =	sshrl.u32 s3, $0x2  }
0x30: {  	s2 =	sand.u32 $0x4000, s31;
	s1 =	sadd.s32 s3, s30  }
0x31: {  	s0 =	sor.u32 s2, s0;
	s1 =	sshll.u32 s1, $0x11  }
0x32: {  	s0 =	sor.u32 s1, s0  }
0x33: {  	s0 =	sadd.s32 $0x8F2B, s0  }
0x34: {  	[sflag:s0] =	ssyncadd.remote.s32 $0x1  }
0x35: {  	_ =	sfence.sel $0xFFFF  }
0x36: {  	[dreg:$0x0] =	wrdreg $0xFFFFFFFF;
	(pc) =	sbr.abs _section_cstart, $3  }
0x37: {  	[dreg:$0x1] =	wrdreg $0xFFFFFFFF  }
0x38: {  	_ =	task.clear_ibuf [dreg:s6], $0x2FFFF;
	_ =	strace $0x9FFFFFFF  }
0x39: {  	(tm) =	ssettm $0x7FFFFFFF  }
tec
execute0_lowered:
.L_overlay_start_1:
0x0: {  	(tag) =	ssettag $0x1  }
0x1: {  	s1 =	rddreg [dreg:$0x0]  }
0x2: {  	s0 =	rddreg [dreg:$0x1];
	_ =	strace $0x80000047  }
0x3: {  	s4 =	srdreg.scid;
	s6 =	simm.s32 $0x2;
	s11 =	simm.s32 $0x0  }
0x4: {  	p0 =	por $0x0, $0x0;
	s13 =	simm.s32 $0x0;
	s12 =	simm.s32 $0x0  }
.Ltmp0:
0x5: {  	s8 =	simm.s32 $0x0;
	s10 =	simm.s32 $0x0;
	(pc) =	sbr.rel .LBB1_1-.Ltmp0, $4  }
0x6: {  	s2 =	sadd.s32 $0xD4200, s1;
	s3 =	sadd.s32 $0x2F4200, s1;
	s4 =	sshll.u32 s4, $0x4  }
0x7: {  	s1 =	stileid.u32;
	s5 =	sand.u32 $0x10, s4;
	s4 =	simm.s32 $0x1  }
0x8: {  	s7 =	simm.s32 $0x0;
	s5 =	sor.u32 s1, s5;
	[sflag:s4] =	ssyncpa.u1 $0x0  }
0x9: {  	[sflag:s6] =	ssyncpa.u1 $0x0;
	s6 =	simm.s32 $0x4000;
	s9 =	smov.u32 s5  }
.LBB1_7:
0xa: {  	s14 =	sadd.s32 $0x8, s8  }
0xb: {  	s11 =	sadd.s32 $0x20, s9;
	s15 =	smov.u32 s9;
	p2 =	sgt.s32 s14, $0x82  }
0xc: {  	s15 =	smov.u32 @p2 s11  }
0xd: {  	s17 =	smov.u32 s10;
	s11 =	sadd.s32 $0x10, s10;
	p3 =	sgt.s32 s15, $0x3F  }
0xe: {  	p1 =	slt.u32 s7, $0x2;
	s17 =	smov.u32 @p3 s11  }
0xf: {  	s7 =	sadd.s32 $0x1, s7;
	s14 =	simm.s32 @p2 $0x0;
	p2 =	sgt.s32 s17, $0xF  }
0x10: {  	s17 =	simm.s32 @p2 $0x0;
	p2 =	sne.s32 s7, $0x24  }
.Ltmp1:
0x11: {  	s16 =	simm.s32 @!p1 $0x2;
	(pc) =	sbr.rel @!p2 .LBB1_8-.Ltmp1, $4  }
0x12: {  	s13 =	smov.u32 s9;
	_ =	swait.ge @!p1 [sflag:s16], $0x4000  }
0x13: {  	s12 =	smov.u32 s10;
	p0 =	por !p0, !p0;
	[sflag:s16] =	ssyncset.done @!p1 $0x0  }
0x14: {  	s15 =	smov.u32 @p3 s5;
	s11 =	smov.u32 s8;
	[sflag:s16] =	ssyncadd.s32 @!p1 $0xFFFFC000  }
0x15: {  	s8 =	smov.u32 s14;
	s9 =	smov.u32 s15;
	s10 =	smov.u32 s17  }
.LBB1_1:
0x16: {  	p1 =	sgt.u32 s7, $0x21  }
0x17: {  	s14 =	sand.u32 @!p1 $0x1FFFFFF, s8;
	s16 =	smul.u32 @!p1 $0x22000, s10  }
0x18: {  	s15 =	smulhi.u32 @!p1 $0x1E1E1E2, s14  }
0x19: {  	s18 =	smul.u32 @!p1 $0x880, s9  }
0x1a: {  	s15 =	smul.u32 @!p1 $0x88, s15  }
0x1b: {  	s16 =	sadd.s32 @!p1 s2, s16  }
0x1c: {  	s17 =	sxor.u32 @!p1 $0xFFFFFFFF, s7;
	s16 =	sadd.s32 @!p1 s18, s16;
	s14 =	ssub.s32 @!p1 s14, s15  }
0x1d: {  	s15 =	sshll.u32 @!p1 s17, $0xE;
	s17 =	simm.s32 @!p1 $0x110000;
	s14 =	sshll.u32 @!p1 s14, $0x4  }
0x1e: {  	s15 =	sand.u32 @!p1 $0x4000, s15;
	s14 =	sadd.s32 @!p1 s14, s16;
	s16 =	simm.s32 @!p1 $0x400  }
0x1f: {  	[tilespmem:s15], [sflag:$0x1] =	stream.strided.gather @!p1 [hbm4b:s14+s16], $0x4000, s17, s16, $0x38;
	[tilespmem:$0x11000] =	vst v63  }
0x20: {  	p1 =	seq.s32 s7, $0x0  }
0x21: {  	p2 =	seq.s32 @!p1 s7, $0x23  }
0x22: {  	p1 =	por p1, p2  }
.Ltmp2:
0x23: {  	_ = 	snop;
	(pc) =	sbr.rel @p1 .LBB1_7-.Ltmp2, $1  }
0x24: {  	_ =	sdelay $0x3  }
0x25: {  	s14 =	simm.s32 $0x1;
	s16 =	sand.u32 $0x1, s7  }
0x26: {  	_ =	swait.ge [sflag:s4], $0x4000;
	s14 =	simm.s32 @!p0 $0x0;
	s17 =	smul.u32 $0x12000, s16  }
0x27: {  	[sflag:s4] =	ssyncset.done $0x0;
	s15 =	smul.u32 $0x12000, s14  }
0x28: {  	s14 =	sshll.u32 s14, $0xE;
	[sflag:s4] =	ssyncadd.s32 $0xFFFFC000  }
0x29: {  	s16 =	sor.u32 $0x40, s14;
	s31 =	sshrl.u32 s17, $0x2;
	s15 =	sshrl.u32 s15, $0x2  }
0x2a: {  	s17 =	simm.s32 $0x0;
	s14 =	sor.u32 $0x8000, s31;
	s15 =	sor.u32 $0x8000, s15  }
.LBB1_3:
0x2b: {  	v0 =	vld [tilespmem:s16+$0x30]  }
0x2c: {  	v1 =	vld [tilespmem:s16+$0xFFFFFFD0]  }
0x2d: {  	v5 =	vld [tilespmem:s16+$0xFFFFFFE0]  }
0x2e: {  	v6 =	vld [tilespmem:s16+$0xFFFFFFF0]  }
0x2f: {  	s18 =	sadd.s32 $0x0, s15;
	v2 =	vld [tilespmem:s16+$0x0]  }
0x30: {  	v3 =	vld [tilespmem:s16+$0x10];
	[tilespmem:s18+$0x3F0 ss:$0x9] =	vst.msk $0xffff, v0  }
0x31: {  	v4 =	vld [tilespmem:s16+$0x20];
	[tilespmem:s18+$0x90 ss:$0x9] =	vst.msk $0xffff, v1  }
0x32: {  	s19 =	sadd.s32 $0x80, s16;
	v0 =	vld [tilespmem:s16+$0xFFFFFFC0];
	[tilespmem:s18+$0x120 ss:$0x9] =	vst.msk $0xffff, v5  }
0x33: {  	s20 =	simm.s32 $0x4;
	s21 =	simm.s32 $0x8;
	v1 =	vld [tilespmem:s19+$0x30];
	[tilespmem:s18+$0x1B0 ss:$0x9] =	vst.msk $0xffff, v6  }
.LBB1_4:
0x34: {  	p1 =	sne.s32 s21, $0x1C;
	v5 =	vld [tilespmem:s19+$0xFFFFFFD0];
	[tilespmem:s18+$0x240 ss:$0x9] =	vst.msk $0xffff, v2  }
0x35: {  	v6 =	vld [tilespmem:s19+$0xFFFFFFE0];
	[tilespmem:s18+$0x2D0 ss:$0x9] =	vst.msk $0xffff, v3  }
0x36: {  	s22 =	sshra.s32 s20, $0x2;
	s20 =	smov.u32 s21;
	v7 =	vld [tilespmem:s19+$0xFFFFFFF0];
	[tilespmem:s18+$0x360 ss:$0x9] =	vst.msk $0xffff, v4  }
.Ltmp3:
0x37: {  	v2 =	vld [tilespmem:s19+$0x0];
	[tilespmem:s18+$0x0 ss:$0x9] =	vst.msk $0xffff, v0;
	s18 =	sadd.s32 s22, s15;
	(pc) =	sbr.rel @p1 .LBB1_4-.Ltmp3, $4  }
0x38: {  	v3 =	vld [tilespmem:s19+$0x10];
	[tilespmem:s18+$0x3F0 ss:$0x9] =	vst.msk $0xffff, v1  }
0x39: {  	[tilespmem:s18+$0x90 ss:$0x9] =	vst.msk $0xffff, v5;
	v4 =	vld [tilespmem:s19+$0x20]  }
0x3a: {  	v0 =	vld [tilespmem:s19+$0xFFFFFFC0];
	[tilespmem:s18+$0x120 ss:$0x9] =	vst.msk $0xffff, v6;
	s19 =	sadd.s32 $0x80, s19  }
0x3b: {  	s21 =	sadd.s32 $0x4, s21;
	v1 =	vld [tilespmem:s19+$0x30];
	[tilespmem:s18+$0x1B0 ss:$0x9] =	vst.msk $0xffff, v7  }
0x3c: {  	v5 =	vld [tilespmem:s19+$0xFFFFFFD0];
	[tilespmem:s18+$0x240 ss:$0x9] =	vst.msk $0xffff, v2  }
0x3d: {  	v58 =	vld [tilespmem:s19+$0xFFFFFFE0];
	[tilespmem:s18+$0x2D0 ss:$0x9] =	vst.msk $0xffff, v3  }
0x3e: {  	s20 =	sshra.s32 s20, $0x2;
	v59 =	vld [tilespmem:s19+$0xFFFFFFF0];
	[tilespmem:s18+$0x360 ss:$0x9] =	vst.msk $0xffff, v4  }
0x3f: {  	v60 =	vld [tilespmem:s19+$0x0];
	s20 =	sadd.s32 s20, s15;
	[tilespmem:s18+$0x0 ss:$0x9] =	vst.msk $0xffff, v0  }
0x40: {  	v61 =	vld [tilespmem:s19+$0x10];
	[tilespmem:s20+$0x3F0 ss:$0x9] =	vst.msk $0xffff, v1  }
0x41: {  	v62 =	vld [tilespmem:s19+$0x20];
	s17 =	sadd.s32 $0x1, s17;
	[tilespmem:s20+$0x90 ss:$0x9] =	vst.msk $0xffff, v5  }
0x42: {  	v63 =	vld [tilespmem:s19+$0xFFFFFFC0];
	p1 =	sne.s32 s17, $0x10;
	[tilespmem:s20+$0x120 ss:$0x9] =	vst.msk $0xffff, v58  }
.Ltmp4:
0x43: {  	[tilespmem:s20+$0x1B0 ss:$0x9] =	vst.msk $0xffff, v59;
	(pc) =	sbr.rel @p1 .LBB1_3-.Ltmp4, $4  }
0x44: {  	[tilespmem:s20+$0x240 ss:$0x9] =	vst.msk $0xffff, v60  }
0x45: {  	[tilespmem:s20+$0x2D0 ss:$0x9] =	vst.msk $0xffff, v61  }
0x46: {  	[tilespmem:s20+$0x360 ss:$0x9] =	vst.msk $0xffff, v62  }
0x47: {  	s16 =	sadd.s32 $0x400, s16;
	s15 =	sadd.s32 $0x480, s15;
	[tilespmem:s20+$0x0 ss:$0x9] =	vst.msk $0xffff, v63  }
0x48: {  	s15 =	sshll.u32 s13, $0x8;
	s16 =	sshll.u32 s11, $0x3  }
0x49: {  	s29 =	sshll.u32 s13, $0x7;
	s17 =	sand.u32 $0x78, s11;
	s12 =	sshll.u32 s12, $0x12  }
0x4a: {  	s31 =	sand.u32 $0x7, s11;
	s15 =	sand.u32 $0x3800, s15;
	s16 =	sand.u32 $0x3C00, s16  }
0x4b: {  	s30 =	sand.u32 $0x300, s29;
	s13 =	sand.u32 $0x80, s29;
	s15 =	sadd.s32 s15, s16  }
.Ltmp5:
0x4c: {  	s13 =	sor.u32 s17, s13;
	s15 =	sor.u32 s30, s15;
	(pc) =	sbr.rel .LBB1_7-.Ltmp5, $4  }
0x4d: {  	s12 =	sadd.s32 s3, s12;
	s13 =	sshrl.u32 s13, $0x3;
	s15 =	sshrl.u32 s15, $0x3  }
0x4e: {  	s11 =	sshll.u32 s31, $0x12;
	s12 =	sadd.s32 s13, s12;
	s15 =	sand.u32 $0x7E0, s15  }
0x4f: {  	s11 =	sor.u32 $0x8, s11;
	s12 =	sadd.s32 s15, s12  }
0x50: {  	[hbm4b:s12+s11] =	stream.strided.scatter [tilespmem:s14], [sflag:$0x2], $0x4000, s6, s11, $0x0;
	[tilespmem:$0x11000] =	vst v63  }
.LBB1_8:
0x51: {  	_ =	sfence.sel $0x180000  }
0x52: {  	s2 =	simm.s32 $0x1;
	[bflag:$0x0] =	sbarrier.arrive $0xFFFF  }
0x53: {  	s31 =	simm.s32 $0x2;
	[sflag:s2] =	ssyncpa.u1 $0x1  }
0x54: {  	[sflag:s31] =	ssyncpa.u1 $0x1  }
0x55: {  	p0 =	sne.s32 s1, $0x0;
	_ =	strace $0x90000047  }
0x56: {  	s0 =	sadd.s32 @!p0 $0x100000, s0;
	[bflag:$0x2] =	sbarrier.arrive $0xFFFF  }
0x57: {  	[sflag:s0] =	ssyncadd.tile.s32 @!p0 $0x1;
	_ =	shalt  }
.Lfunc_end1:
_tile_overlayer_lowered:
.L_overlay_start_2:
0x58: {  	(tag) =	ssettag $0x2  }
0x59: {  	s0 =	rddreg [dreg:$0x0];
	s2 =	stileid.u32  }
0x5a: {  	s1 =	rddreg [dreg:$0x1];
	p0 =	sne.s32 s2, $0x0  }
0x5b: {  	s3 =	rddreg [dreg:$0x2];
	[bflag:$0x3] =	sbarrier.arrive $0xFFFF;
	s2 =	simm.s32 @!p0 $0x1C01  }
0x5c: {  	[timem:s3], [sflag:s2] =	dma.local @!p0 [hbm:s0], s1  }
0x5d: {  	s0 =	simm.s32 @!p0 $0x1  }
0x5e: {  	_ =	swait.ge @!p0 [sflag:s0], s1  }
0x5f: {  	s1 =	ssub.s32 @!p0 $0x0, s1;
	[sflag:s0] =	ssyncset.done @!p0 $0x0  }
0x60: {  	[sflag:s0] =	ssyncadd.s32 @!p0 s1  }
0x61: {  	[bflag:$0x3] =	sbarrier.arrive $0xFFFF  }
0x62: {  	_ =	shalt  }

</sc_bundles>
